<compile_context>
chip_gen: v7x
topology: tpu7x:2x2x1
jax: 0.10.2.dev20260603
libtpu: 0.0.44.dev20260713+nightly
codegen_flags: <defaults>
</compile_context>

<pallas_src>
import functools

import jax
import jax.numpy as jnp
from jax import lax
from jax.experimental import pallas as pl
from jax.experimental.pallas import tpu as pltpu
from jax.experimental.pallas import tpu_sc as plsc

B = 16384
A = 16
NC, NS = 2, 16
NW = NC * NS
BPW = B // NW
NBUF = 16
WAVES = BPW // NBUF
CHUNK = 128


def _sc_body(x_hbm, acT_hbm, qT_hbm, logitsT_hbm, value_hbm, qvT_hbm,
             idx_v, acb_v, qb_v, oac_v, oq_v, val_v, sem_ac, sem_q):
    wid = lax.axis_index("s") * NC + lax.axis_index("c")
    base = wid * BPW
    iota16 = lax.iota(jnp.int32, 16)

    pltpu.sync_copy(x_hbm.at[pl.ds(base, BPW)], idx_v)

    def start_fetch(r, buf):
        boff = pl.multiple_of((r // 128) * 128, 128)
        pltpu.make_async_copy(
            acT_hbm.at[:, pl.ds(boff, 128)], acb_v.at[buf], sem_ac).start()
        pltpu.make_async_copy(
            qT_hbm.at[:, pl.ds(boff, 128)], qb_v.at[buf], sem_q).start()

    def wait_fetch(buf):
        pltpu.make_async_copy(
            acT_hbm.at[:, pl.ds(0, 128)], acb_v.at[buf], sem_ac).wait()
        pltpu.make_async_copy(
            qT_hbm.at[:, pl.ds(0, 128)], qb_v.at[buf], sem_q).wait()

    rv0 = plsc.load_gather(idx_v, [iota16])
    for b in range(NBUF):
        start_fetch(rv0[b], b)

    def wave(w, carry):
        rv = plsc.load_gather(idx_v, [w * NBUF + iota16])
        wn = jnp.minimum(w + 1, WAVES - 1)
        rvn = plsc.load_gather(idx_v, [wn * NBUF + iota16])
        for b in range(NBUF):
            r = rv[b]
            lane = jnp.full((16,), r % 128, jnp.int32)
            bsel = jnp.full((16,), b, jnp.int32)
            col = jnp.full((16,), (w % 8) * 16 + b, jnp.int32)
            wait_fetch(b)
            g_ac = plsc.load_gather(acb_v, [bsel, iota16, lane])
            g_q = plsc.load_gather(qb_v, [bsel, iota16, lane])

            @pl.when(w < WAVES - 1)
            def _():
                start_fetch(rvn[b], b)

            plsc.store_scatter(oac_v, [iota16, col], g_ac)
            plsc.store_scatter(oq_v, [iota16, col], g_q)

        s0 = (w % 8) * 16
        m = oq_v[0, pl.ds(s0, 16)]
        for a in range(1, A):
            m = jnp.maximum(m, oq_v[a, pl.ds(s0, 16)])
        plsc.store_scatter(val_v, [w * NBUF + iota16], m)

        @pl.when(w % 8 == 7)
        def _():
            coff = pl.multiple_of(base + (w // 8) * CHUNK, 128)
            pltpu.sync_copy(oac_v, logitsT_hbm.at[:, pl.ds(coff, CHUNK)])
            pltpu.sync_copy(oq_v, qvT_hbm.at[:, pl.ds(coff, CHUNK)])

        return carry

    lax.fori_loop(0, WAVES, wave, 0)
    pltpu.sync_copy(val_v, value_hbm.at[pl.ds(base, BPW)])


@jax.jit
def _run(x, ac_table, q_table):
    mesh = plsc.VectorSubcoreMesh(core_axis_name="c", subcore_axis_name="s")
    out_type = (
        jax.ShapeDtypeStruct((A, B), jnp.float32),
        jax.ShapeDtypeStruct((B,), jnp.float32),
        jax.ShapeDtypeStruct((A, B), jnp.float32),
    )
    scratch = [
        pltpu.VMEM((BPW,), jnp.int32),
        pltpu.VMEM((NBUF, A, 128), jnp.float32),
        pltpu.VMEM((NBUF, A, 128), jnp.float32),
        pltpu.VMEM((A, CHUNK), jnp.float32),
        pltpu.VMEM((A, CHUNK), jnp.float32),
        pltpu.VMEM((BPW,), jnp.float32),
        pltpu.SemaphoreType.DMA,
        pltpu.SemaphoreType.DMA,
    ]
    k = pl.kernel(_sc_body, out_type=out_type, mesh=mesh,
                  scratch_types=scratch,
                  compiler_params=pltpu.CompilerParams(
                      needs_layout_passes=False,
                      use_tc_tiling_on_sc=True))
    lT, v, qT = k(x, ac_table.T, q_table.T)
    return lT.T, v, qT.T


def kernel(x, ac_table, q_table):
    return _run(x, ac_table, q_table)

# --- scband reference (transcript-rebuilt; emitter-appended) ---
"""Pipeline reference for scband-upgo-model-86285892977085 (READ-ONLY COPY).

The authoritative reference and input builder live on the scoring server;
editing this copy changes nothing except your own understanding.
"""

import jax, jax.numpy as jnp
import numpy as np

OBS_SHAPE = 1000000
ACTION_SHAPE = 16
BATCH = 16384


def setup_inputs(seed: int = 0) -> dict:
    key = jax.random.key(seed)
    k1, k2, k3 = jax.random.split(key, 3)
    # forward arg: batch of discrete state indices (mode fixed to 'compute_actor_critic')
    x = jax.random.randint(k1, (BATCH,), 0, OBS_SHAPE, dtype=jnp.int32)
    # learned parameters (torch inits these to zeros; use small random values so the
    # computation is non-degenerate while staying faithful to the gather structure)
    q_table = jax.random.normal(k2, (OBS_SHAPE + 1, ACTION_SHAPE), dtype=jnp.float32) * 0.02
    ac_table = jax.random.normal(k3, (OBS_SHAPE, ACTION_SHAPE), dtype=jnp.float32) * 0.02
    return {"x": x, "ac_table": ac_table, "q_table": q_table}


def reference(x, ac_table, q_table):
    # compute_actor_critic: torch's table.gather(0, x.unsqueeze(-1).expand(B, A).long())
    # is exactly a row gather: table[x]
    logits = jnp.take(ac_table, x, axis=0)          # [B, A]
    q_value = jnp.take(q_table, x, axis=0)          # [B, A]
    value = jnp.max(q_value, axis=-1)               # [B]
    return (logits, value, q_value)

if __name__ == "__main__":
    import jax
    _d = setup_inputs()
    print(jax.jit(kernel)(*tuple(_d.values())))

</pallas_src>

<mosaic_0001>
#map = affine_map<(d0, d1) -> (0)>
#map1 = affine_map<(d0, d1) -> (0, 0)>
module attributes {stable_mosaic.version = 14 : i64} {
  func.func @_sc_body(%arg0: i32, %arg1: i32, %arg2: memref<16384xi32, #tpu.memory_space<hbm>>, %arg3: memref<16x1000000xf32, #tpu.memory_space<hbm>>, %arg4: memref<16x1000001xf32, #tpu.memory_space<hbm>>, %arg5: memref<16x16384xf32, #tpu.memory_space<hbm>>, %arg6: memref<16384xf32, #tpu.memory_space<hbm>>, %arg7: memref<16x16384xf32, #tpu.memory_space<hbm>>, %arg8: memref<512xi32, #tpu.memory_space<vmem>>, %arg9: memref<16x16x128xf32, #tpu.memory_space<vmem>>, %arg10: memref<16x16x128xf32, #tpu.memory_space<vmem>>, %arg11: memref<16x128xf32, #tpu.memory_space<vmem>>, %arg12: memref<16x128xf32, #tpu.memory_space<vmem>>, %arg13: memref<512xf32, #tpu.memory_space<vmem>>, %arg14: memref<!tpu.dma_semaphore, #tpu.memory_space<semaphore_mem>>, %arg15: memref<!tpu.dma_semaphore, #tpu.memory_space<semaphore_mem>>) attributes {dimension_semantics = [#tpu.dimension_semantics<core_parallel>, #tpu.dimension_semantics<subcore_parallel>], iteration_bounds = array<i64: 2, 16>, scalar_prefetch = 0 : i64, scratch_operands = 8 : i64, tpu.core_type = #tpu.core_type<sc_vector_subcore>, window_params = [{transform_indices = #map}, {transform_indices = #map1}, {transform_indices = #map1}, {transform_indices = #map1}, {transform_indices = #map}, {transform_indices = #map1}]} {
    %mul3A = arith.constant 2 : i32
    %mul3A_0 = arith.muli %arg1, %mul3A : i32
    %add3A = arith.addi %mul3A_0, %arg0 : i32
    %mul3A_1 = arith.constant 512 : i32
    %mul3A_2 = arith.muli %add3A, %mul3A_1 : i32
    %iota3A = tpu.iota {dimensions = array<i32: 0>} : vector<16xi32>
    "tpu.region"() ({
      %run_scoped3A = tpu.sem_alloc : memref<!tpu.dma_semaphore, #tpu.memory_space<semaphore_mem>>
      %dma_start3A_876 = tpu.memref_slice %arg2[%mul3A_2] : memref<16384xi32, #tpu.memory_space<hbm>> -> memref<512xi32, #tpu.memory_space<hbm>>
      %dma_start3A_877 = tpu.memref_slice %arg2[%mul3A_2] : memref<16384xi32, #tpu.memory_space<hbm>> -> memref<512xi32, #tpu.memory_space<hbm>>
      tpu.enqueue_dma source(%dma_start3A_877 : memref<512xi32, #tpu.memory_space<hbm>>) target(%arg8 : memref<512xi32, #tpu.memory_space<vmem>>) target_semaphore(%run_scoped3A : memref<!tpu.dma_semaphore, #tpu.memory_space<semaphore_mem>>)
      %dma_wait3A = tpu.memref_slice %arg2[%mul3A_2] : memref<16384xi32, #tpu.memory_space<hbm>> -> memref<512xi32, #tpu.memory_space<hbm>>
      %dma_wait3A_878 = tpu.memref_slice %arg2[%mul3A_2] : memref<16384xi32, #tpu.memory_space<hbm>> -> memref<512xi32, #tpu.memory_space<hbm>>
      tpu.wait_dma2 semaphore(%run_scoped3A : memref<!tpu.dma_semaphore, #tpu.memory_space<semaphore_mem>>) src(%dma_wait3A_878 : memref<512xi32, #tpu.memory_space<hbm>>) dst(%arg8 : memref<512xi32, #tpu.memory_space<vmem>>)
      tpu.yield
    }) : () -> ()
    %gather3A = tpu.vector_load_idx %arg8[%iota3A] : memref<512xi32, #tpu.memory_space<vmem>>[vector<16xi32>], vector<16xi32>,
    %slice3A = vector.extract_strided_slice %gather3A {offsets = [0], sizes = [1], strides = [1]} : vector<16xi32> to vector<1xi32>
    %squeeze3A = vector.extract %slice3A[0] : i32 from vector<1xi32>
    %jit3A = arith.constant 128 : i32
    %div3A = arith.divsi %squeeze3A, %jit3A : i32
    %sign3A = arith.constant 0 : i32
    %sign3A_3 = arith.cmpi sgt, %squeeze3A, %sign3A : i32
    %sign3A_4 = arith.extui %sign3A_3 : i1 to i32
    %sign3A_5 = arith.constant 0 : i32
    %sign3A_6 = arith.cmpi slt, %squeeze3A, %sign3A_5 : i32
    %sign3A_7 = arith.extui %sign3A_6 : i1 to i32
    %sign3A_8 = arith.subi %sign3A_4, %sign3A_7 : i32
    %sign3A_9 = arith.constant 0 : i32
    %sign3A_10 = arith.cmpi sgt, %jit3A, %sign3A_9 : i32
    %sign3A_11 = arith.extui %sign3A_10 : i1 to i32
    %sign3A_12 = arith.constant 0 : i32
    %sign3A_13 = arith.cmpi slt, %jit3A, %sign3A_12 : i32
    %sign3A_14 = arith.extui %sign3A_13 : i1 to i32
    %sign3A_15 = arith.subi %sign3A_11, %sign3A_14 : i32
    %ne3A = arith.cmpi ne, %sign3A_8, %sign3A_15 : i32
    %rem3A = arith.remsi %squeeze3A, %jit3A : i32
    %ne3A_16 = arith.constant 0 : i32
    %ne3A_17 = arith.cmpi ne, %rem3A, %ne3A_16 : i32
    %and3A = arith.andi %ne3A, %ne3A_17 : i1
    %sub3A = arith.constant 1 : i32
    %sub3A_18 = arith.subi %div3A, %sub3A : i32
    %select_n3A = arith.select %and3A, %sub3A_18, %div3A : i32
    %mul3A_19 = arith.constant 128 : i32
    %mul3A_20 = arith.muli %select_n3A, %mul3A_19 : i32
    %multiple_of3A = tpu.assume_multiple %mul3A_20, 128 : i32
    %dma_start3A = arith.constant 0 : i32
    %dma_start3A_21 = arith.constant 0 : i32
    %dma_start3A_22 = arith.constant 0 : i32
    %dma_start3A_23 = tpu.memref_slice %arg9[%dma_start3A, %dma_start3A_21, %dma_start3A_22] : memref<16x16x128xf32, #tpu.memory_space<vmem>> -> memref<1x16x128xf32, #tpu.memory_space<vmem>>
    %dma_start3A_24 = tpu.memref_squeeze %dma_start3A_23 : memref<1x16x128xf32, #tpu.memory_space<vmem>> -> memref<16x128xf32, #tpu.memory_space<vmem>>
    %dma_start3A_25 = arith.constant 0 : i32
    %dma_start3A_26 = tpu.memref_slice %arg3[%dma_start3A_25, %multiple_of3A] : memref<16x1000000xf32, #tpu.memory_space<hbm>> -> memref<16x128xf32, #tpu.memory_space<hbm>>
    %dma_start3A_27 = arith.constant 0 : i32
    %dma_start3A_28 = arith.constant 0 : i32
    %dma_start3A_29 = tpu.memref_slice %arg9[%dma_start3A, %dma_start3A_27, %dma_start3A_28] : memref<16x16x128xf32, #tpu.memory_space<vmem>> -> memref<1x16x128xf32, #tpu.memory_space<vmem>>
    %dma_start3A_30 = tpu.memref_squeeze %dma_start3A_29 : memref<1x16x128xf32, #tpu.memory_space<vmem>> -> memref<16x128xf32, #tpu.memory_space<vmem>>
    %dma_start3A_31 = arith.constant 0 : i32
    %dma_start3A_32 = tpu.memref_slice %arg3[%dma_start3A_31, %multiple_of3A] : memref<16x1000000xf32, #tpu.memory_space<hbm>> -> memref<16x128xf32, #tpu.memory_space<hbm>>
    tpu.enqueue_dma source(%dma_start3A_32 : memref<16x128xf32, #tpu.memory_space<hbm>>) target(%dma_start3A_30 : memref<16x128xf32, #tpu.memory_space<vmem>>) target_semaphore(%arg14 : memref<!tpu.dma_semaphore, #tpu.memory_space<semaphore_mem>>)
    %dma_start3A_33 = arith.constant 0 : i32
    %dma_start3A_34 = arith.constant 0 : i32
    %dma_start3A_35 = arith.constant 0 : i32
    %dma_start3A_36 = tpu.memref_slice %arg10[%dma_start3A_33, %dma_start3A_34, %dma_start3A_35] : memref<16x16x128xf32, #tpu.memory_space<vmem>> -> memref<1x16x128xf32, #tpu.memory_space<vmem>>
    %dma_start3A_37 = tpu.memref_squeeze %dma_start3A_36 : memref<1x16x128xf32, #tpu.memory_space<vmem>> -> memref<16x128xf32, #tpu.memory_space<vmem>>
    %dma_start3A_38 = arith.constant 0 : i32
    %dma_start3A_39 = tpu.memref_slice %arg4[%dma_start3A_38, %multiple_of3A] : memref<16x1000001xf32, #tpu.memory_space<hbm>> -> memref<16x128xf32, #tpu.memory_space<hbm>>
    %dma_start3A_40 = arith.constant 0 : i32
    %dma_start3A_41 = arith.constant 0 : i32
    %dma_start3A_42 = tpu.memref_slice %arg10[%dma_start3A_33, %dma_start3A_40, %dma_start3A_41] : memref<16x16x128xf32, #tpu.memory_space<vmem>> -> memref<1x16x128xf32, #tpu.memory_space<vmem>>
    %dma_start3A_43 = tpu.memref_squeeze %dma_start3A_42 : memref<1x16x128xf32, #tpu.memory_space<vmem>> -> memref<16x128xf32, #tpu.memory_space<vmem>>
    %dma_start3A_44 = arith.constant 0 : i32
    %dma_start3A_45 = tpu.memref_slice %arg4[%dma_start3A_44, %multiple_of3A] : memref<16x1000001xf32, #tpu.memory_space<hbm>> -> memref<16x128xf32, #tpu.memory_space<hbm>>
    tpu.enqueue_dma source(%dma_start3A_45 : memref<16x128xf32, #tpu.memory_space<hbm>>) target(%dma_start3A_43 : memref<16x128xf32, #tpu.memory_space<vmem>>) target_semaphore(%arg15 : memref<!tpu.dma_semaphore, #tpu.memory_space<semaphore_mem>>)
    %slice3A_46 = vector.extract_strided_slice %gather3A {offsets = [1], sizes = [1], strides = [1]} : vector<16xi32> to vector<1xi32>
    %squeeze3A_47 = vector.extract %slice3A_46[0] : i32 from vector<1xi32>
    %jit3A_48 = arith.constant 128 : i32
    %div3A_49 = arith.divsi %squeeze3A_47, %jit3A_48 : i32
    %sign3A_50 = arith.constant 0 : i32
    %sign3A_51 = arith.cmpi sgt, %squeeze3A_47, %sign3A_50 : i32
    %sign3A_52 = arith.extui %sign3A_51 : i1 to i32
    %sign3A_53 = arith.constant 0 : i32
    %sign3A_54 = arith.cmpi slt, %squeeze3A_47, %sign3A_53 : i32
    %sign3A_55 = arith.extui %sign3A_54 : i1 to i32
    %sign3A_56 = arith.subi %sign3A_52, %sign3A_55 : i32
    %sign3A_57 = arith.constant 0 : i32
    %sign3A_58 = arith.cmpi sgt, %jit3A_48, %sign3A_57 : i32
    %sign3A_59 = arith.extui %sign3A_58 : i1 to i32
    %sign3A_60 = arith.constant 0 : i32
    %sign3A_61 = arith.cmpi slt, %jit3A_48, %sign3A_60 : i32
    %sign3A_62 = arith.extui %sign3A_61 : i1 to i32
    %sign3A_63 = arith.subi %sign3A_59, %sign3A_62 : i32
    %ne3A_64 = arith.cmpi ne, %sign3A_56, %sign3A_63 : i32
    %rem3A_65 = arith.remsi %squeeze3A_47, %jit3A_48 : i32
    %ne3A_66 = arith.constant 0 : i32
    %ne3A_67 = arith.cmpi ne, %rem3A_65, %ne3A_66 : i32
    %and3A_68 = arith.andi %ne3A_64, %ne3A_67 : i1
    %sub3A_69 = arith.constant 1 : i32
    %sub3A_70 = arith.subi %div3A_49, %sub3A_69 : i32
    %select_n3A_71 = arith.select %and3A_68, %sub3A_70, %div3A_49 : i32
    %mul3A_72 = arith.constant 128 : i32
    %mul3A_73 = arith.muli %select_n3A_71, %mul3A_72 : i32
    %multiple_of3A_74 = tpu.assume_multiple %mul3A_73, 128 : i32
    %dma_start3A_75 = arith.constant 1 : i32
    %dma_start3A_76 = arith.constant 0 : i32
    %dma_start3A_77 = arith.constant 0 : i32
    %dma_start3A_78 = tpu.memref_slice %arg9[%dma_start3A_75, %dma_start3A_76, %dma_start3A_77] : memref<16x16x128xf32, #tpu.memory_space<vmem>> -> memref<1x16x128xf32, #tpu.memory_space<vmem>>
    %dma_start3A_79 = tpu.memref_squeeze %dma_start3A_78 : memref<1x16x128xf32, #tpu.memory_space<vmem>> -> memref<16x128xf32, #tpu.memory_space<vmem>>
    %dma_start3A_80 = arith.constant 0 : i32
    %dma_start3A_81 = tpu.memref_slice %arg3[%dma_start3A_80, %multiple_of3A_74] : memref<16x1000000xf32, #tpu.memory_space<hbm>> -> memref<16x128xf32, #tpu.memory_space<hbm>>
    %dma_start3A_82 = arith.constant 0 : i32
    %dma_start3A_83 = arith.constant 0 : i32
    %dma_start3A_84 = tpu.memref_slice %arg9[%dma_start3A_75, %dma_start3A_82, %dma_start3A_83] : memref<16x16x128xf32, #tpu.memory_space<vmem>> -> memref<1x16x128xf32, #tpu.memory_space<vmem>>
    %dma_start3A_85 = tpu.memref_squeeze %dma_start3A_84 : memref<1x16x128xf32, #tpu.memory_space<vmem>> -> memref<16x128xf32, #tpu.memory_space<vmem>>
    %dma_start3A_86 = arith.constant 0 : i32
    %dma_start3A_87 = tpu.memref_slice %arg3[%dma_start3A_86, %multiple_of3A_74] : memref<16x1000000xf32, #tpu.memory_space<hbm>> -> memref<16x128xf32, #tpu.memory_space<hbm>>
    tpu.enqueue_dma source(%dma_start3A_87 : memref<16x128xf32, #tpu.memory_space<hbm>>) target(%dma_start3A_85 : memref<16x128xf32, #tpu.memory_space<vmem>>) target_semaphore(%arg14 : memref<!tpu.dma_semaphore, #tpu.memory_space<semaphore_mem>>)
    %dma_start3A_88 = arith.constant 1 : i32
    %dma_start3A_89 = arith.constant 0 : i32
    %dma_start3A_90 = arith.constant 0 : i32
    %dma_start3A_91 = tpu.memref_slice %arg10[%dma_start3A_88, %dma_start3A_89, %dma_start3A_90] : memref<16x16x128xf32, #tpu.memory_space<vmem>> -> memref<1x16x128xf32, #tpu.memory_space<vmem>>
    %dma_start3A_92 = tpu.memref_squeeze %dma_start3A_91 : memref<1x16x128xf32, #tpu.memory_space<vmem>> -> memref<16x128xf32, #tpu.memory_space<vmem>>
    %dma_start3A_93 = arith.constant 0 : i32
    %dma_start3A_94 = tpu.memref_slice %arg4[%dma_start3A_93, %multiple_of3A_74] : memref<16x1000001xf32, #tpu.memory_space<hbm>> -> memref<16x128xf32, #tpu.memory_space<hbm>>
    %dma_start3A_95 = arith.constant 0 : i32
    %dma_start3A_96 = arith.constant 0 : i32
    %dma_start3A_97 = tpu.memref_slice %arg10[%dma_start3A_88, %dma_start3A_95, %dma_start3A_96] : memref<16x16x128xf32, #tpu.memory_space<vmem>> -> memref<1x16x128xf32, #tpu.memory_space<vmem>>
    %dma_start3A_98 = tpu.memref_squeeze %dma_start3A_97 : memref<1x16x128xf32, #tpu.memory_space<vmem>> -> memref<16x128xf32, #tpu.memory_space<vmem>>
    %dma_start3A_99 = arith.constant 0 : i32
    %dma_start3A_100 = tpu.memref_slice %arg4[%dma_start3A_99, %multiple_of3A_74] : memref<16x1000001xf32, #tpu.memory_space<hbm>> -> memref<16x128xf32, #tpu.memory_space<hbm>>
    tpu.enqueue_dma source(%dma_start3A_100 : memref<16x128xf32, #tpu.memory_space<hbm>>) target(%dma_start3A_98 : memref<16x128xf32, #tpu.memory_space<vmem>>) target_semaphore(%arg15 : memref<!tpu.dma_semaphore, #tpu.memory_space<semaphore_mem>>)
    %slice3A_101 = vector.extract_strided_slice %gather3A {offsets = [2], sizes = [1], strides = [1]} : vector<16xi32> to vector<1xi32>
    %squeeze3A_102 = vector.extract %slice3A_101[0] : i32 from vector<1xi32>
    %jit3A_103 = arith.constant 128 : i32
    %div3A_104 = arith.divsi %squeeze3A_102, %jit3A_103 : i32
    %sign3A_105 = arith.constant 0 : i32
    %sign3A_106 = arith.cmpi sgt, %squeeze3A_102, %sign3A_105 : i32
    %sign3A_107 = arith.extui %sign3A_106 : i1 to i32
    %sign3A_108 = arith.constant 0 : i32
    %sign3A_109 = arith.cmpi slt, %squeeze3A_102, %sign3A_108 : i32
    %sign3A_110 = arith.extui %sign3A_109 : i1 to i32
    %sign3A_111 = arith.subi %sign3A_107, %sign3A_110 : i32
    %sign3A_112 = arith.constant 0 : i32
    %sign3A_113 = arith.cmpi sgt, %jit3A_103, %sign3A_112 : i32
    %sign3A_114 = arith.extui %sign3A_113 : i1 to i32
    %sign3A_115 = arith.constant 0 : i32
    %sign3A_116 = arith.cmpi slt, %jit3A_103, %sign3A_115 : i32
    %sign3A_117 = arith.extui %sign3A_116 : i1 to i32
    %sign3A_118 = arith.subi %sign3A_114, %sign3A_117 : i32
    %ne3A_119 = arith.cmpi ne, %sign3A_111, %sign3A_118 : i32
    %rem3A_120 = arith.remsi %squeeze3A_102, %jit3A_103 : i32
    %ne3A_121 = arith.constant 0 : i32
    %ne3A_122 = arith.cmpi ne, %rem3A_120, %ne3A_121 : i32
    %and3A_123 = arith.andi %ne3A_119, %ne3A_122 : i1
    %sub3A_124 = arith.constant 1 : i32
    %sub3A_125 = arith.subi %div3A_104, %sub3A_124 : i32
    %select_n3A_126 = arith.select %and3A_123, %sub3A_125, %div3A_104 : i32
    %mul3A_127 = arith.constant 128 : i32
    %mul3A_128 = arith.muli %select_n3A_126, %mul3A_127 : i32
    %multiple_of3A_129 = tpu.assume_multiple %mul3A_128, 128 : i32
    %dma_start3A_130 = arith.constant 2 : i32
    %dma_start3A_131 = arith.constant 0 : i32
    %dma_start3A_132 = arith.constant 0 : i32
    %dma_start3A_133 = tpu.memref_slice %arg9[%dma_start3A_130, %dma_start3A_131, %dma_start3A_132] : memref<16x16x128xf32, #tpu.memory_space<vmem>> -> memref<1x16x128xf32, #tpu.memory_space<vmem>>
    %dma_start3A_134 = tpu.memref_squeeze %dma_start3A_133 : memref<1x16x128xf32, #tpu.memory_space<vmem>> -> memref<16x128xf32, #tpu.memory_space<vmem>>
    %dma_start3A_135 = arith.constant 0 : i32
    %dma_start3A_136 = tpu.memref_slice %arg3[%dma_start3A_135, %multiple_of3A_129] : memref<16x1000000xf32, #tpu.memory_space<hbm>> -> memref<16x128xf32, #tpu.memory_space<hbm>>
    %dma_start3A_137 = arith.constant 0 : i32
    %dma_start3A_138 = arith.constant 0 : i32
    %dma_start3A_139 = tpu.memref_slice %arg9[%dma_start3A_130, %dma_start3A_137, %dma_start3A_138] : memref<16x16x128xf32, #tpu.memory_space<vmem>> -> memref<1x16x128xf32, #tpu.memory_space<vmem>>
    %dma_start3A_140 = tpu.memref_squeeze %dma_start3A_139 : memref<1x16x128xf32, #tpu.memory_space<vmem>> -> memref<16x128xf32, #tpu.memory_space<vmem>>
    %dma_start3A_141 = arith.constant 0 : i32
    %dma_start3A_142 = tpu.memref_slice %arg3[%dma_start3A_141, %multiple_of3A_129] : memref<16x1000000xf32, #tpu.memory_space<hbm>> -> memref<16x128xf32, #tpu.memory_space<hbm>>
    tpu.enqueue_dma source(%dma_start3A_142 : memref<16x128xf32, #tpu.memory_space<hbm>>) target(%dma_start3A_140 : memref<16x128xf32, #tpu.memory_space<vmem>>) target_semaphore(%arg14 : memref<!tpu.dma_semaphore, #tpu.memory_space<semaphore_mem>>)
    %dma_start3A_143 = arith.constant 2 : i32
    %dma_start3A_144 = arith.constant 0 : i32
    %dma_start3A_145 = arith.constant 0 : i32
    %dma_start3A_146 = tpu.memref_slice %arg10[%dma_start3A_143, %dma_start3A_144, %dma_start3A_145] : memref<16x16x128xf32, #tpu.memory_space<vmem>> -> memref<1x16x128xf32, #tpu.memory_space<vmem>>
    %dma_start3A_147 = tpu.memref_squeeze %dma_start3A_146 : memref<1x16x128xf32, #tpu.memory_space<vmem>> -> memref<16x128xf32, #tpu.memory_space<vmem>>
    %dma_start3A_148 = arith.constant 0 : i32
    %dma_start3A_149 = tpu.memref_slice %arg4[%dma_start3A_148, %multiple_of3A_129] : memref<16x1000001xf32, #tpu.memory_space<hbm>> -> memref<16x128xf32, #tpu.memory_space<hbm>>
    %dma_start3A_150 = arith.constant 0 : i32
    %dma_start3A_151 = arith.constant 0 : i32
    %dma_start3A_152 = tpu.memref_slice %arg10[%dma_start3A_143, %dma_start3A_150, %dma_start3A_151] : memref<16x16x128xf32, #tpu.memory_space<vmem>> -> memref<1x16x128xf32, #tpu.memory_space<vmem>>
    %dma_start3A_153 = tpu.memref_squeeze %dma_start3A_152 : memref<1x16x128xf32, #tpu.memory_space<vmem>> -> memref<16x128xf32, #tpu.memory_space<vmem>>
    %dma_start3A_154 = arith.constant 0 : i32
    %dma_start3A_155 = tpu.memref_slice %arg4[%dma_start3A_154, %multiple_of3A_129] : memref<16x1000001xf32, #tpu.memory_space<hbm>> -> memref<16x128xf32, #tpu.memory_space<hbm>>
    tpu.enqueue_dma source(%dma_start3A_155 : memref<16x128xf32, #tpu.memory_space<hbm>>) target(%dma_start3A_153 : memref<16x128xf32, #tpu.memory_space<vmem>>) target_semaphore(%arg15 : memref<!tpu.dma_semaphore, #tpu.memory_space<semaphore_mem>>)
    %slice3A_156 = vector.extract_strided_slice %gather3A {offsets = [3], sizes = [1], strides = [1]} : vector<16xi32> to vector<1xi32>
    %squeeze3A_157 = vector.extract %slice3A_156[0] : i32 from vector<1xi32>
    %jit3A_158 = arith.constant 128 : i32
    %div3A_159 = arith.divsi %squeeze3A_157, %jit3A_158 : i32
    %sign3A_160 = arith.constant 0 : i32
    %sign3A_161 = arith.cmpi sgt, %squeeze3A_157, %sign3A_160 : i32
    %sign3A_162 = arith.extui %sign3A_161 : i1 to i32
    %sign3A_163 = arith.constant 0 : i32
    %sign3A_164 = arith.cmpi slt, %squeeze3A_157, %sign3A_163 : i32
    %sign3A_165 = arith.extui %sign3A_164 : i1 to i32
    %sign3A_166 = arith.subi %sign3A_162, %sign3A_165 : i32
    %sign3A_167 = arith.constant 0 : i32
    %sign3A_168 = arith.cmpi sgt, %jit3A_158, %sign3A_167 : i32
    %sign3A_169 = arith.extui %sign3A_168 : i1 to i32
    %sign3A_170 = arith.constant 0 : i32
    %sign3A_171 = arith.cmpi slt, %jit3A_158, %sign3A_170 : i32
    %sign3A_172 = arith.extui %sign3A_171 : i1 to i32
    %sign3A_173 = arith.subi %sign3A_169, %sign3A_172 : i32
    %ne3A_174 = arith.cmpi ne, %sign3A_166, %sign3A_173 : i32
    %rem3A_175 = arith.remsi %squeeze3A_157, %jit3A_158 : i32
    %ne3A_176 = arith.constant 0 : i32
    %ne3A_177 = arith.cmpi ne, %rem3A_175, %ne3A_176 : i32
    %and3A_178 = arith.andi %ne3A_174, %ne3A_177 : i1
    %sub3A_179 = arith.constant 1 : i32
    %sub3A_180 = arith.subi %div3A_159, %sub3A_179 : i32
    %select_n3A_181 = arith.select %and3A_178, %sub3A_180, %div3A_159 : i32
    %mul3A_182 = arith.constant 128 : i32
    %mul3A_183 = arith.muli %select_n3A_181, %mul3A_182 : i32
    %multiple_of3A_184 = tpu.assume_multiple %mul3A_183, 128 : i32
    %dma_start3A_185 = arith.constant 3 : i32
    %dma_start3A_186 = arith.constant 0 : i32
    %dma_start3A_187 = arith.constant 0 : i32
    %dma_start3A_188 = tpu.memref_slice %arg9[%dma_start3A_185, %dma_start3A_186, %dma_start3A_187] : memref<16x16x128xf32, #tpu.memory_space<vmem>> -> memref<1x16x128xf32, #tpu.memory_space<vmem>>
    %dma_start3A_189 = tpu.memref_squeeze %dma_start3A_188 : memref<1x16x128xf32, #tpu.memory_space<vmem>> -> memref<16x128xf32, #tpu.memory_space<vmem>>
    %dma_start3A_190 = arith.constant 0 : i32
    %dma_start3A_191 = tpu.memref_slice %arg3[%dma_start3A_190, %multiple_of3A_184] : memref<16x1000000xf32, #tpu.memory_space<hbm>> -> memref<16x128xf32, #tpu.memory_space<hbm>>
    %dma_start3A_192 = arith.constant 0 : i32
    %dma_start3A_193 = arith.constant 0 : i32
    %dma_start3A_194 = tpu.memref_slice %arg9[%dma_start3A_185, %dma_start3A_192, %dma_start3A_193] : memref<16x16x128xf32, #tpu.memory_space<vmem>> -> memref<1x16x128xf32, #tpu.memory_space<vmem>>
    %dma_start3A_195 = tpu.memref_squeeze %dma_start3A_194 : memref<1x16x128xf32, #tpu.memory_space<vmem>> -> memref<16x128xf32, #tpu.memory_space<vmem>>
    %dma_start3A_196 = arith.constant 0 : i32
    %dma_start3A_197 = tpu.memref_slice %arg3[%dma_start3A_196, %multiple_of3A_184] : memref<16x1000000xf32, #tpu.memory_space<hbm>> -> memref<16x128xf32, #tpu.memory_space<hbm>>
    tpu.enqueue_dma source(%dma_start3A_197 : memref<16x128xf32, #tpu.memory_space<hbm>>) target(%dma_start3A_195 : memref<16x128xf32, #tpu.memory_space<vmem>>) target_semaphore(%arg14 : memref<!tpu.dma_semaphore, #tpu.memory_space<semaphore_mem>>)
    %dma_start3A_198 = arith.constant 3 : i32
    %dma_start3A_199 = arith.constant 0 : i32
    %dma_start3A_200 = arith.constant 0 : i32
    %dma_start3A_201 = tpu.memref_slice %arg10[%dma_start3A_198, %dma_start3A_199, %dma_start3A_200] : memref<16x16x128xf32, #tpu.memory_space<vmem>> -> memref<1x16x128xf32, #tpu.memory_space<vmem>>
    %dma_start3A_202 = tpu.memref_squeeze %dma_start3A_201 : memref<1x16x128xf32, #tpu.memory_space<vmem>> -> memref<16x128xf32, #tpu.memory_space<vmem>>
    %dma_start3A_203 = arith.constant 0 : i32
    %dma_start3A_204 = tpu.memref_slice %arg4[%dma_start3A_203, %multiple_of3A_184] : memref<16x1000001xf32, #tpu.memory_space<hbm>> -> memref<16x128xf32, #tpu.memory_space<hbm>>
    %dma_start3A_205 = arith.constant 0 : i32
    %dma_start3A_206 = arith.constant 0 : i32
    %dma_start3A_207 = tpu.memref_slice %arg10[%dma_start3A_198, %dma_start3A_205, %dma_start3A_206] : memref<16x16x128xf32, #tpu.memory_space<vmem>> -> memref<1x16x128xf32, #tpu.memory_space<vmem>>
    %dma_start3A_208 = tpu.memref_squeeze %dma_start3A_207 : memref<1x16x128xf32, #tpu.memory_space<vmem>> -> memref<16x128xf32, #tpu.memory_space<vmem>>
    %dma_start3A_209 = arith.constant 0 : i32
    %dma_start3A_210 = tpu.memref_slice %arg4[%dma_start3A_209, %multiple_of3A_184] : memref<16x1000001xf32, #tpu.memory_space<hbm>> -> memref<16x128xf32, #tpu.memory_space<hbm>>
    tpu.enqueue_dma source(%dma_start3A_210 : memref<16x128xf32, #tpu.memory_space<hbm>>) target(%dma_start3A_208 : memref<16x128xf32, #tpu.memory_space<vmem>>) target_semaphore(%arg15 : memref<!tpu.dma_semaphore, #tpu.memory_space<semaphore_mem>>)
    %slice3A_211 = vector.extract_strided_slice %gather3A {offsets = [4], sizes = [1], strides = [1]} : vector<16xi32> to vector<1xi32>
    %squeeze3A_212 = vector.extract %slice3A_211[0] : i32 from vector<1xi32>
    %jit3A_213 = arith.constant 128 : i32
    %div3A_214 = arith.divsi %squeeze3A_212, %jit3A_213 : i32
    %sign3A_215 = arith.constant 0 : i32
    %sign3A_216 = arith.cmpi sgt, %squeeze3A_212, %sign3A_215 : i32
    %sign3A_217 = arith.extui %sign3A_216 : i1 to i32
    %sign3A_218 = arith.constant 0 : i32
    %sign3A_219 = arith.cmpi slt, %squeeze3A_212, %sign3A_218 : i32
    %sign3A_220 = arith.extui %sign3A_219 : i1 to i32
    %sign3A_221 = arith.subi %sign3A_217, %sign3A_220 : i32
    %sign3A_222 = arith.constant 0 : i32
    %sign3A_223 = arith.cmpi sgt, %jit3A_213, %sign3A_222 : i32
    %sign3A_224 = arith.extui %sign3A_223 : i1 to i32
    %sign3A_225 = arith.constant 0 : i32
    %sign3A_226 = arith.cmpi slt, %jit3A_213, %sign3A_225 : i32
    %sign3A_227 = arith.extui %sign3A_226 : i1 to i32
    %sign3A_228 = arith.subi %sign3A_224, %sign3A_227 : i32
    %ne3A_229 = arith.cmpi ne, %sign3A_221, %sign3A_228 : i32
    %rem3A_230 = arith.remsi %squeeze3A_212, %jit3A_213 : i32
    %ne3A_231 = arith.constant 0 : i32
    %ne3A_232 = arith.cmpi ne, %rem3A_230, %ne3A_231 : i32
    %and3A_233 = arith.andi %ne3A_229, %ne3A_232 : i1
    %sub3A_234 = arith.constant 1 : i32
    %sub3A_235 = arith.subi %div3A_214, %sub3A_234 : i32
    %select_n3A_236 = arith.select %and3A_233, %sub3A_235, %div3A_214 : i32
    %mul3A_237 = arith.constant 128 : i32
    %mul3A_238 = arith.muli %select_n3A_236, %mul3A_237 : i32
    %multiple_of3A_239 = tpu.assume_multiple %mul3A_238, 128 : i32
    %dma_start3A_240 = arith.constant 4 : i32
    %dma_start3A_241 = arith.constant 0 : i32
    %dma_start3A_242 = arith.constant 0 : i32
    %dma_start3A_243 = tpu.memref_slice %arg9[%dma_start3A_240, %dma_start3A_241, %dma_start3A_242] : memref<16x16x128xf32, #tpu.memory_space<vmem>> -> memref<1x16x128xf32, #tpu.memory_space<vmem>>
    %dma_start3A_244 = tpu.memref_squeeze %dma_start3A_243 : memref<1x16x128xf32, #tpu.memory_space<vmem>> -> memref<16x128xf32, #tpu.memory_space<vmem>>
    %dma_start3A_245 = arith.constant 0 : i32
    %dma_start3A_246 = tpu.memref_slice %arg3[%dma_start3A_245, %multiple_of3A_239] : memref<16x1000000xf32, #tpu.memory_space<hbm>> -> memref<16x128xf32, #tpu.memory_space<hbm>>
    %dma_start3A_247 = arith.constant 0 : i32
    %dma_start3A_248 = arith.constant 0 : i32
    %dma_start3A_249 = tpu.memref_slice %arg9[%dma_start3A_240, %dma_start3A_247, %dma_start3A_248] : memref<16x16x128xf32, #tpu.memory_space<vmem>> -> memref<1x16x128xf32, #tpu.memory_space<vmem>>
    %dma_start3A_250 = tpu.memref_squeeze %dma_start3A_249 : memref<1x16x128xf32, #tpu.memory_space<vmem>> -> memref<16x128xf32, #tpu.memory_space<vmem>>
    %dma_start3A_251 = arith.constant 0 : i32
    %dma_start3A_252 = tpu.memref_slice %arg3[%dma_start3A_251, %multiple_of3A_239] : memref<16x1000000xf32, #tpu.memory_space<hbm>> -> memref<16x128xf32, #tpu.memory_space<hbm>>
    tpu.enqueue_dma source(%dma_start3A_252 : memref<16x128xf32, #tpu.memory_space<hbm>>) target(%dma_start3A_250 : memref<16x128xf32, #tpu.memory_space<vmem>>) target_semaphore(%arg14 : memref<!tpu.dma_semaphore, #tpu.memory_space<semaphore_mem>>)
    %dma_start3A_253 = arith.constant 4 : i32
    %dma_start3A_254 = arith.constant 0 : i32
    %dma_start3A_255 = arith.constant 0 : i32
    %dma_start3A_256 = tpu.memref_slice %arg10[%dma_start3A_253, %dma_start3A_254, %dma_start3A_255] : memref<16x16x128xf32, #tpu.memory_space<vmem>> -> memref<1x16x128xf32, #tpu.memory_space<vmem>>
    %dma_start3A_257 = tpu.memref_squeeze %dma_start3A_256 : memref<1x16x128xf32, #tpu.memory_space<vmem>> -> memref<16x128xf32, #tpu.memory_space<vmem>>
    %dma_start3A_258 = arith.constant 0 : i32
    %dma_start3A_259 = tpu.memref_slice %arg4[%dma_start3A_258, %multiple_of3A_239] : memref<16x1000001xf32, #tpu.memory_space<hbm>> -> memref<16x128xf32, #tpu.memory_space<hbm>>
    %dma_start3A_260 = arith.constant 0 : i32
    %dma_start3A_261 = arith.constant 0 : i32
    %dma_start3A_262 = tpu.memref_slice %arg10[%dma_start3A_253, %dma_start3A_260, %dma_start3A_261] : memref<16x16x128xf32, #tpu.memory_space<vmem>> -> memref<1x16x128xf32, #tpu.memory_space<vmem>>
    %dma_start3A_263 = tpu.memref_squeeze %dma_start3A_262 : memref<1x16x128xf32, #tpu.memory_space<vmem>> -> memref<16x128xf32, #tpu.memory_space<vmem>>
    %dma_start3A_264 = arith.constant 0 : i32
    %dma_start3A_265 = tpu.memref_slice %arg4[%dma_start3A_264, %multiple_of3A_239] : memref<16x1000001xf32, #tpu.memory_space<hbm>> -> memref<16x128xf32, #tpu.memory_space<hbm>>
    tpu.enqueue_dma source(%dma_start3A_265 : memref<16x128xf32, #tpu.memory_space<hbm>>) target(%dma_start3A_263 : memref<16x128xf32, #tpu.memory_space<vmem>>) target_semaphore(%arg15 : memref<!tpu.dma_semaphore, #tpu.memory_space<semaphore_mem>>)
    %slice3A_266 = vector.extract_strided_slice %gather3A {offsets = [5], sizes = [1], strides = [1]} : vector<16xi32> to vector<1xi32>
    %squeeze3A_267 = vector.extract %slice3A_266[0] : i32 from vector<1xi32>
    %jit3A_268 = arith.constant 128 : i32
    %div3A_269 = arith.divsi %squeeze3A_267, %jit3A_268 : i32
    %sign3A_270 = arith.constant 0 : i32
    %sign3A_271 = arith.cmpi sgt, %squeeze3A_267, %sign3A_270 : i32
    %sign3A_272 = arith.extui %sign3A_271 : i1 to i32
    %sign3A_273 = arith.constant 0 : i32
    %sign3A_274 = arith.cmpi slt, %squeeze3A_267, %sign3A_273 : i32
    %sign3A_275 = arith.extui %sign3A_274 : i1 to i32
    %sign3A_276 = arith.subi %sign3A_272, %sign3A_275 : i32
    %sign3A_277 = arith.constant 0 : i32
    %sign3A_278 = arith.cmpi sgt, %jit3A_268, %sign3A_277 : i32
    %sign3A_279 = arith.extui %sign3A_278 : i1 to i32
    %sign3A_280 = arith.constant 0 : i32
    %sign3A_281 = arith.cmpi slt, %jit3A_268, %sign3A_280 : i32
    %sign3A_282 = arith.extui %sign3A_281 : i1 to i32
    %sign3A_283 = arith.subi %sign3A_279, %sign3A_282 : i32
    %ne3A_284 = arith.cmpi ne, %sign3A_276, %sign3A_283 : i32
    %rem3A_285 = arith.remsi %squeeze3A_267, %jit3A_268 : i32
    %ne3A_286 = arith.constant 0 : i32
    %ne3A_287 = arith.cmpi ne, %rem3A_285, %ne3A_286 : i32
    %and3A_288 = arith.andi %ne3A_284, %ne3A_287 : i1
    %sub3A_289 = arith.constant 1 : i32
    %sub3A_290 = arith.subi %div3A_269, %sub3A_289 : i32
    %select_n3A_291 = arith.select %and3A_288, %sub3A_290, %div3A_269 : i32
    %mul3A_292 = arith.constant 128 : i32
    %mul3A_293 = arith.muli %select_n3A_291, %mul3A_292 : i32
    %multiple_of3A_294 = tpu.assume_multiple %mul3A_293, 128 : i32
    %dma_start3A_295 = arith.constant 5 : i32
    %dma_start3A_296 = arith.constant 0 : i32
    %dma_start3A_297 = arith.constant 0 : i32
    %dma_start3A_298 = tpu.memref_slice %arg9[%dma_start3A_295, %dma_start3A_296, %dma_start3A_297] : memref<16x16x128xf32, #tpu.memory_space<vmem>> -> memref<1x16x128xf32, #tpu.memory_space<vmem>>
    %dma_start3A_299 = tpu.memref_squeeze %dma_start3A_298 : memref<1x16x128xf32, #tpu.memory_space<vmem>> -> memref<16x128xf32, #tpu.memory_space<vmem>>
    %dma_start3A_300 = arith.constant 0 : i32
    %dma_start3A_301 = tpu.memref_slice %arg3[%dma_start3A_300, %multiple_of3A_294] : memref<16x1000000xf32, #tpu.memory_space<hbm>> -> memref<16x128xf32, #tpu.memory_space<hbm>>
    %dma_start3A_302 = arith.constant 0 : i32
    %dma_start3A_303 = arith.constant 0 : i32
    %dma_start3A_304 = tpu.memref_slice %arg9[%dma_start3A_295, %dma_start3A_302, %dma_start3A_303] : memref<16x16x128xf32, #tpu.memory_space<vmem>> -> memref<1x16x128xf32, #tpu.memory_space<vmem>>
    %dma_start3A_305 = tpu.memref_squeeze %dma_start3A_304 : memref<1x16x128xf32, #tpu.memory_space<vmem>> -> memref<16x128xf32, #tpu.memory_space<vmem>>
    %dma_start3A_306 = arith.constant 0 : i32
    %dma_start3A_307 = tpu.memref_slice %arg3[%dma_start3A_306, %multiple_of3A_294] : memref<16x1000000xf32, #tpu.memory_space<hbm>> -> memref<16x128xf32, #tpu.memory_space<hbm>>
    tpu.enqueue_dma source(%dma_start3A_307 : memref<16x128xf32, #tpu.memory_space<hbm>>) target(%dma_start3A_305 : memref<16x128xf32, #tpu.memory_space<vmem>>) target_semaphore(%arg14 : memref<!tpu.dma_semaphore, #tpu.memory_space<semaphore_mem>>)
    %dma_start3A_308 = arith.constant 5 : i32
    %dma_start3A_309 = arith.constant 0 : i32
    %dma_start3A_310 = arith.constant 0 : i32
    %dma_start3A_311 = tpu.memref_slice %arg10[%dma_start3A_308, %dma_start3A_309, %dma_start3A_310] : memref<16x16x128xf32, #tpu.memory_space<vmem>> -> memref<1x16x128xf32, #tpu.memory_space<vmem>>
    %dma_start3A_312 = tpu.memref_squeeze %dma_start3A_311 : memref<1x16x128xf32, #tpu.memory_space<vmem>> -> memref<16x128xf32, #tpu.memory_space<vmem>>
    %dma_start3A_313 = arith.constant 0 : i32
    %dma_start3A_314 = tpu.memref_slice %arg4[%dma_start3A_313, %multiple_of3A_294] : memref<16x1000001xf32, #tpu.memory_space<hbm>> -> memref<16x128xf32, #tpu.memory_space<hbm>>
    %dma_start3A_315 = arith.constant 0 : i32
    %dma_start3A_316 = arith.constant 0 : i32
    %dma_start3A_317 = tpu.memref_slice %arg10[%dma_start3A_308, %dma_start3A_315, %dma_start3A_316] : memref<16x16x128xf32, #tpu.memory_space<vmem>> -> memref<1x16x128xf32, #tpu.memory_space<vmem>>
    %dma_start3A_318 = tpu.memref_squeeze %dma_start3A_317 : memref<1x16x128xf32, #tpu.memory_space<vmem>> -> memref<16x128xf32, #tpu.memory_space<vmem>>
    %dma_start3A_319 = arith.constant 0 : i32
    %dma_start3A_320 = tpu.memref_slice %arg4[%dma_start3A_319, %multiple_of3A_294] : memref<16x1000001xf32, #tpu.memory_space<hbm>> -> memref<16x128xf32, #tpu.memory_space<hbm>>
    tpu.enqueue_dma source(%dma_start3A_320 : memref<16x128xf32, #tpu.memory_space<hbm>>) target(%dma_start3A_318 : memref<16x128xf32, #tpu.memory_space<vmem>>) target_semaphore(%arg15 : memref<!tpu.dma_semaphore, #tpu.memory_space<semaphore_mem>>)
    %slice3A_321 = vector.extract_strided_slice %gather3A {offsets = [6], sizes = [1], strides = [1]} : vector<16xi32> to vector<1xi32>
    %squeeze3A_322 = vector.extract %slice3A_321[0] : i32 from vector<1xi32>
    %jit3A_323 = arith.constant 128 : i32
    %div3A_324 = arith.divsi %squeeze3A_322, %jit3A_323 : i32
    %sign3A_325 = arith.constant 0 : i32
    %sign3A_326 = arith.cmpi sgt, %squeeze3A_322, %sign3A_325 : i32
    %sign3A_327 = arith.extui %sign3A_326 : i1 to i32
    %sign3A_328 = arith.constant 0 : i32
    %sign3A_329 = arith.cmpi slt, %squeeze3A_322, %sign3A_328 : i32
    %sign3A_330 = arith.extui %sign3A_329 : i1 to i32
    %sign3A_331 = arith.subi %sign3A_327, %sign3A_330 : i32
    %sign3A_332 = arith.constant 0 : i32
    %sign3A_333 = arith.cmpi sgt, %jit3A_323, %sign3A_332 : i32
    %sign3A_334 = arith.extui %sign3A_333 : i1 to i32
    %sign3A_335 = arith.constant 0 : i32
    %sign3A_336 = arith.cmpi slt, %jit3A_323, %sign3A_335 : i32
    %sign3A_337 = arith.extui %sign3A_336 : i1 to i32
    %sign3A_338 = arith.subi %sign3A_334, %sign3A_337 : i32
    %ne3A_339 = arith.cmpi ne, %sign3A_331, %sign3A_338 : i32
    %rem3A_340 = arith.remsi %squeeze3A_322, %jit3A_323 : i32
    %ne3A_341 = arith.constant 0 : i32
    %ne3A_342 = arith.cmpi ne, %rem3A_340, %ne3A_341 : i32
    %and3A_343 = arith.andi %ne3A_339, %ne3A_342 : i1
    %sub3A_344 = arith.constant 1 : i32
    %sub3A_345 = arith.subi %div3A_324, %sub3A_344 : i32
    %select_n3A_346 = arith.select %and3A_343, %sub3A_345, %div3A_324 : i32
    %mul3A_347 = arith.constant 128 : i32
    %mul3A_348 = arith.muli %select_n3A_346, %mul3A_347 : i32
    %multiple_of3A_349 = tpu.assume_multiple %mul3A_348, 128 : i32
    %dma_start3A_350 = arith.constant 6 : i32
    %dma_start3A_351 = arith.constant 0 : i32
    %dma_start3A_352 = arith.constant 0 : i32
    %dma_start3A_353 = tpu.memref_slice %arg9[%dma_start3A_350, %dma_start3A_351, %dma_start3A_352] : memref<16x16x128xf32, #tpu.memory_space<vmem>> -> memref<1x16x128xf32, #tpu.memory_space<vmem>>
    %dma_start3A_354 = tpu.memref_squeeze %dma_start3A_353 : memref<1x16x128xf32, #tpu.memory_space<vmem>> -> memref<16x128xf32, #tpu.memory_space<vmem>>
    %dma_start3A_355 = arith.constant 0 : i32
    %dma_start3A_356 = tpu.memref_slice %arg3[%dma_start3A_355, %multiple_of3A_349] : memref<16x1000000xf32, #tpu.memory_space<hbm>> -> memref<16x128xf32, #tpu.memory_space<hbm>>
    %dma_start3A_357 = arith.constant 0 : i32
    %dma_start3A_358 = arith.constant 0 : i32
    %dma_start3A_359 = tpu.memref_slice %arg9[%dma_start3A_350, %dma_start3A_357, %dma_start3A_358] : memref<16x16x128xf32, #tpu.memory_space<vmem>> -> memref<1x16x128xf32, #tpu.memory_space<vmem>>
    %dma_start3A_360 = tpu.memref_squeeze %dma_start3A_359 : memref<1x16x128xf32, #tpu.memory_space<vmem>> -> memref<16x128xf32, #tpu.memory_space<vmem>>
    %dma_start3A_361 = arith.constant 0 : i32
    %dma_start3A_362 = tpu.memref_slice %arg3[%dma_start3A_361, %multiple_of3A_349] : memref<16x1000000xf32, #tpu.memory_space<hbm>> -> memref<16x128xf32, #tpu.memory_space<hbm>>
    tpu.enqueue_dma source(%dma_start3A_362 : memref<16x128xf32, #tpu.memory_space<hbm>>) target(%dma_start3A_360 : memref<16x128xf32, #tpu.memory_space<vmem>>) target_semaphore(%arg14 : memref<!tpu.dma_semaphore, #tpu.memory_space<semaphore_mem>>)
    %dma_start3A_363 = arith.constant 6 : i32
    %dma_start3A_364 = arith.constant 0 : i32
    %dma_start3A_365 = arith.constant 0 : i32
    %dma_start3A_366 = tpu.memref_slice %arg10[%dma_start3A_363, %dma_start3A_364, %dma_start3A_365] : memref<16x16x128xf32, #tpu.memory_space<vmem>> -> memref<1x16x128xf32, #tpu.memory_space<vmem>>
    %dma_start3A_367 = tpu.memref_squeeze %dma_start3A_366 : memref<1x16x128xf32, #tpu.memory_space<vmem>> -> memref<16x128xf32, #tpu.memory_space<vmem>>
    %dma_start3A_368 = arith.constant 0 : i32
    %dma_start3A_369 = tpu.memref_slice %arg4[%dma_start3A_368, %multiple_of3A_349] : memref<16x1000001xf32, #tpu.memory_space<hbm>> -> memref<16x128xf32, #tpu.memory_space<hbm>>
    %dma_start3A_370 = arith.constant 0 : i32
    %dma_start3A_371 = arith.constant 0 : i32
    %dma_start3A_372 = tpu.memref_slice %arg10[%dma_start3A_363, %dma_start3A_370, %dma_start3A_371] : memref<16x16x128xf32, #tpu.memory_space<vmem>> -> memref<1x16x128xf32, #tpu.memory_space<vmem>>
    %dma_start3A_373 = tpu.memref_squeeze %dma_start3A_372 : memref<1x16x128xf32, #tpu.memory_space<vmem>> -> memref<16x128xf32, #tpu.memory_space<vmem>>
    %dma_start3A_374 = arith.constant 0 : i32
    %dma_start3A_375 = tpu.memref_slice %arg4[%dma_start3A_374, %multiple_of3A_349] : memref<16x1000001xf32, #tpu.memory_space<hbm>> -> memref<16x128xf32, #tpu.memory_space<hbm>>
    tpu.enqueue_dma source(%dma_start3A_375 : memref<16x128xf32, #tpu.memory_space<hbm>>) target(%dma_start3A_373 : memref<16x128xf32, #tpu.memory_space<vmem>>) target_semaphore(%arg15 : memref<!tpu.dma_semaphore, #tpu.memory_space<semaphore_mem>>)
    %slice3A_376 = vector.extract_strided_slice %gather3A {offsets = [7], sizes = [1], strides = [1]} : vector<16xi32> to vector<1xi32>
    %squeeze3A_377 = vector.extract %slice3A_376[0] : i32 from vector<1xi32>
    %jit3A_378 = arith.constant 128 : i32
    %div3A_379 = arith.divsi %squeeze3A_377, %jit3A_378 : i32
    %sign3A_380 = arith.constant 0 : i32
    %sign3A_381 = arith.cmpi sgt, %squeeze3A_377, %sign3A_380 : i32
    %sign3A_382 = arith.extui %sign3A_381 : i1 to i32
    %sign3A_383 = arith.constant 0 : i32
    %sign3A_384 = arith.cmpi slt, %squeeze3A_377, %sign3A_383 : i32
    %sign3A_385 = arith.extui %sign3A_384 : i1 to i32
    %sign3A_386 = arith.subi %sign3A_382, %sign3A_385 : i32
    %sign3A_387 = arith.constant 0 : i32
    %sign3A_388 = arith.cmpi sgt, %jit3A_378, %sign3A_387 : i32
    %sign3A_389 = arith.extui %sign3A_388 : i1 to i32
    %sign3A_390 = arith.constant 0 : i32
    %sign3A_391 = arith.cmpi slt, %jit3A_378, %sign3A_390 : i32
    %sign3A_392 = arith.extui %sign3A_391 : i1 to i32
    %sign3A_393 = arith.subi %sign3A_389, %sign3A_392 : i32
    %ne3A_394 = arith.cmpi ne, %sign3A_386, %sign3A_393 : i32
    %rem3A_395 = arith.remsi %squeeze3A_377, %jit3A_378 : i32
    %ne3A_396 = arith.constant 0 : i32
    %ne3A_397 = arith.cmpi ne, %rem3A_395, %ne3A_396 : i32
    %and3A_398 = arith.andi %ne3A_394, %ne3A_397 : i1
    %sub3A_399 = arith.constant 1 : i32
    %sub3A_400 = arith.subi %div3A_379, %sub3A_399 : i32
    %select_n3A_401 = arith.select %and3A_398, %sub3A_400, %div3A_379 : i32
    %mul3A_402 = arith.constant 128 : i32
    %mul3A_403 = arith.muli %select_n3A_401, %mul3A_402 : i32
    %multiple_of3A_404 = tpu.assume_multiple %mul3A_403, 128 : i32
    %dma_start3A_405 = arith.constant 7 : i32
    %dma_start3A_406 = arith.constant 0 : i32
    %dma_start3A_407 = arith.constant 0 : i32
    %dma_start3A_408 = tpu.memref_slice %arg9[%dma_start3A_405, %dma_start3A_406, %dma_start3A_407] : memref<16x16x128xf32, #tpu.memory_space<vmem>> -> memref<1x16x128xf32, #tpu.memory_space<vmem>>
    %dma_start3A_409 = tpu.memref_squeeze %dma_start3A_408 : memref<1x16x128xf32, #tpu.memory_space<vmem>> -> memref<16x128xf32, #tpu.memory_space<vmem>>
    %dma_start3A_410 = arith.constant 0 : i32
    %dma_start3A_411 = tpu.memref_slice %arg3[%dma_start3A_410, %multiple_of3A_404] : memref<16x1000000xf32, #tpu.memory_space<hbm>> -> memref<16x128xf32, #tpu.memory_space<hbm>>
    %dma_start3A_412 = arith.constant 0 : i32
    %dma_start3A_413 = arith.constant 0 : i32
    %dma_start3A_414 = tpu.memref_slice %arg9[%dma_start3A_405, %dma_start3A_412, %dma_start3A_413] : memref<16x16x128xf32, #tpu.memory_space<vmem>> -> memref<1x16x128xf32, #tpu.memory_space<vmem>>
    %dma_start3A_415 = tpu.memref_squeeze %dma_start3A_414 : memref<1x16x128xf32, #tpu.memory_space<vmem>> -> memref<16x128xf32, #tpu.memory_space<vmem>>
    %dma_start3A_416 = arith.constant 0 : i32
    %dma_start3A_417 = tpu.memref_slice %arg3[%dma_start3A_416, %multiple_of3A_404] : memref<16x1000000xf32, #tpu.memory_space<hbm>> -> memref<16x128xf32, #tpu.memory_space<hbm>>
    tpu.enqueue_dma source(%dma_start3A_417 : memref<16x128xf32, #tpu.memory_space<hbm>>) target(%dma_start3A_415 : memref<16x128xf32, #tpu.memory_space<vmem>>) target_semaphore(%arg14 : memref<!tpu.dma_semaphore, #tpu.memory_space<semaphore_mem>>)
    %dma_start3A_418 = arith.constant 7 : i32
    %dma_start3A_419 = arith.constant 0 : i32
    %dma_start3A_420 = arith.constant 0 : i32
    %dma_start3A_421 = tpu.memref_slice %arg10[%dma_start3A_418, %dma_start3A_419, %dma_start3A_420] : memref<16x16x128xf32, #tpu.memory_space<vmem>> -> memref<1x16x128xf32, #tpu.memory_space<vmem>>
    %dma_start3A_422 = tpu.memref_squeeze %dma_start3A_421 : memref<1x16x128xf32, #tpu.memory_space<vmem>> -> memref<16x128xf32, #tpu.memory_space<vmem>>
    %dma_start3A_423 = arith.constant 0 : i32
    %dma_start3A_424 = tpu.memref_slice %arg4[%dma_start3A_423, %multiple_of3A_404] : memref<16x1000001xf32, #tpu.memory_space<hbm>> -> memref<16x128xf32, #tpu.memory_space<hbm>>
    %dma_start3A_425 = arith.constant 0 : i32
    %dma_start3A_426 = arith.constant 0 : i32
    %dma_start3A_427 = tpu.memref_slice %arg10[%dma_start3A_418, %dma_start3A_425, %dma_start3A_426] : memref<16x16x128xf32, #tpu.memory_space<vmem>> -> memref<1x16x128xf32, #tpu.memory_space<vmem>>
    %dma_start3A_428 = tpu.memref_squeeze %dma_start3A_427 : memref<1x16x128xf32, #tpu.memory_space<vmem>> -> memref<16x128xf32, #tpu.memory_space<vmem>>
    %dma_start3A_429 = arith.constant 0 : i32
    %dma_start3A_430 = tpu.memref_slice %arg4[%dma_start3A_429, %multiple_of3A_404] : memref<16x1000001xf32, #tpu.memory_space<hbm>> -> memref<16x128xf32, #tpu.memory_space<hbm>>
    tpu.enqueue_dma source(%dma_start3A_430 : memref<16x128xf32, #tpu.memory_space<hbm>>) target(%dma_start3A_428 : memref<16x128xf32, #tpu.memory_space<vmem>>) target_semaphore(%arg15 : memref<!tpu.dma_semaphore, #tpu.memory_space<semaphore_mem>>)
    %slice3A_431 = vector.extract_strided_slice %gather3A {offsets = [8], sizes = [1], strides = [1]} : vector<16xi32> to vector<1xi32>
    %squeeze3A_432 = vector.extract %slice3A_431[0] : i32 from vector<1xi32>
    %jit3A_433 = arith.constant 128 : i32
    %div3A_434 = arith.divsi %squeeze3A_432, %jit3A_433 : i32
    %sign3A_435 = arith.constant 0 : i32
    %sign3A_436 = arith.cmpi sgt, %squeeze3A_432, %sign3A_435 : i32
    %sign3A_437 = arith.extui %sign3A_436 : i1 to i32
    %sign3A_438 = arith.constant 0 : i32
    %sign3A_439 = arith.cmpi slt, %squeeze3A_432, %sign3A_438 : i32
    %sign3A_440 = arith.extui %sign3A_439 : i1 to i32
    %sign3A_441 = arith.subi %sign3A_437, %sign3A_440 : i32
    %sign3A_442 = arith.constant 0 : i32
    %sign3A_443 = arith.cmpi sgt, %jit3A_433, %sign3A_442 : i32
    %sign3A_444 = arith.extui %sign3A_443 : i1 to i32
    %sign3A_445 = arith.constant 0 : i32
    %sign3A_446 = arith.cmpi slt, %jit3A_433, %sign3A_445 : i32
    %sign3A_447 = arith.extui %sign3A_446 : i1 to i32
    %sign3A_448 = arith.subi %sign3A_444, %sign3A_447 : i32
    %ne3A_449 = arith.cmpi ne, %sign3A_441, %sign3A_448 : i32
    %rem3A_450 = arith.remsi %squeeze3A_432, %jit3A_433 : i32
    %ne3A_451 = arith.constant 0 : i32
    %ne3A_452 = arith.cmpi ne, %rem3A_450, %ne3A_451 : i32
    %and3A_453 = arith.andi %ne3A_449, %ne3A_452 : i1
    %sub3A_454 = arith.constant 1 : i32
    %sub3A_455 = arith.subi %div3A_434, %sub3A_454 : i32
    %select_n3A_456 = arith.select %and3A_453, %sub3A_455, %div3A_434 : i32
    %mul3A_457 = arith.constant 128 : i32
    %mul3A_458 = arith.muli %select_n3A_456, %mul3A_457 : i32
    %multiple_of3A_459 = tpu.assume_multiple %mul3A_458, 128 : i32
    %dma_start3A_460 = arith.constant 8 : i32
    %dma_start3A_461 = arith.constant 0 : i32
    %dma_start3A_462 = arith.constant 0 : i32
    %dma_start3A_463 = tpu.memref_slice %arg9[%dma_start3A_460, %dma_start3A_461, %dma_start3A_462] : memref<16x16x128xf32, #tpu.memory_space<vmem>> -> memref<1x16x128xf32, #tpu.memory_space<vmem>>
    %dma_start3A_464 = tpu.memref_squeeze %dma_start3A_463 : memref<1x16x128xf32, #tpu.memory_space<vmem>> -> memref<16x128xf32, #tpu.memory_space<vmem>>
    %dma_start3A_465 = arith.constant 0 : i32
    %dma_start3A_466 = tpu.memref_slice %arg3[%dma_start3A_465, %multiple_of3A_459] : memref<16x1000000xf32, #tpu.memory_space<hbm>> -> memref<16x128xf32, #tpu.memory_space<hbm>>
    %dma_start3A_467 = arith.constant 0 : i32
    %dma_start3A_468 = arith.constant 0 : i32
    %dma_start3A_469 = tpu.memref_slice %arg9[%dma_start3A_460, %dma_start3A_467, %dma_start3A_468] : memref<16x16x128xf32, #tpu.memory_space<vmem>> -> memref<1x16x128xf32, #tpu.memory_space<vmem>>
    %dma_start3A_470 = tpu.memref_squeeze %dma_start3A_469 : memref<1x16x128xf32, #tpu.memory_space<vmem>> -> memref<16x128xf32, #tpu.memory_space<vmem>>
    %dma_start3A_471 = arith.constant 0 : i32
    %dma_start3A_472 = tpu.memref_slice %arg3[%dma_start3A_471, %multiple_of3A_459] : memref<16x1000000xf32, #tpu.memory_space<hbm>> -> memref<16x128xf32, #tpu.memory_space<hbm>>
    tpu.enqueue_dma source(%dma_start3A_472 : memref<16x128xf32, #tpu.memory_space<hbm>>) target(%dma_start3A_470 : memref<16x128xf32, #tpu.memory_space<vmem>>) target_semaphore(%arg14 : memref<!tpu.dma_semaphore, #tpu.memory_space<semaphore_mem>>)
    %dma_start3A_473 = arith.constant 8 : i32
    %dma_start3A_474 = arith.constant 0 : i32
    %dma_start3A_475 = arith.constant 0 : i32
    %dma_start3A_476 = tpu.memref_slice %arg10[%dma_start3A_473, %dma_start3A_474, %dma_start3A_475] : memref<16x16x128xf32, #tpu.memory_space<vmem>> -> memref<1x16x128xf32, #tpu.memory_space<vmem>>
    %dma_start3A_477 = tpu.memref_squeeze %dma_start3A_476 : memref<1x16x128xf32, #tpu.memory_space<vmem>> -> memref<16x128xf32, #tpu.memory_space<vmem>>
    %dma_start3A_478 = arith.constant 0 : i32
    %dma_start3A_479 = tpu.memref_slice %arg4[%dma_start3A_478, %multiple_of3A_459] : memref<16x1000001xf32, #tpu.memory_space<hbm>> -> memref<16x128xf32, #tpu.memory_space<hbm>>
    %dma_start3A_480 = arith.constant 0 : i32
    %dma_start3A_481 = arith.constant 0 : i32
    %dma_start3A_482 = tpu.memref_slice %arg10[%dma_start3A_473, %dma_start3A_480, %dma_start3A_481] : memref<16x16x128xf32, #tpu.memory_space<vmem>> -> memref<1x16x128xf32, #tpu.memory_space<vmem>>
    %dma_start3A_483 = tpu.memref_squeeze %dma_start3A_482 : memref<1x16x128xf32, #tpu.memory_space<vmem>> -> memref<16x128xf32, #tpu.memory_space<vmem>>
    %dma_start3A_484 = arith.constant 0 : i32
    %dma_start3A_485 = tpu.memref_slice %arg4[%dma_start3A_484, %multiple_of3A_459] : memref<16x1000001xf32, #tpu.memory_space<hbm>> -> memref<16x128xf32, #tpu.memory_space<hbm>>
    tpu.enqueue_dma source(%dma_start3A_485 : memref<16x128xf32, #tpu.memory_space<hbm>>) target(%dma_start3A_483 : memref<16x128xf32, #tpu.memory_space<vmem>>) target_semaphore(%arg15 : memref<!tpu.dma_semaphore, #tpu.memory_space<semaphore_mem>>)
    %slice3A_486 = vector.extract_strided_slice %gather3A {offsets = [9], sizes = [1], strides = [1]} : vector<16xi32> to vector<1xi32>
    %squeeze3A_487 = vector.extract %slice3A_486[0] : i32 from vector<1xi32>
    %jit3A_488 = arith.constant 128 : i32
    %div3A_489 = arith.divsi %squeeze3A_487, %jit3A_488 : i32
    %sign3A_490 = arith.constant 0 : i32
    %sign3A_491 = arith.cmpi sgt, %squeeze3A_487, %sign3A_490 : i32
    %sign3A_492 = arith.extui %sign3A_491 : i1 to i32
    %sign3A_493 = arith.constant 0 : i32
    %sign3A_494 = arith.cmpi slt, %squeeze3A_487, %sign3A_493 : i32
    %sign3A_495 = arith.extui %sign3A_494 : i1 to i32
    %sign3A_496 = arith.subi %sign3A_492, %sign3A_495 : i32
    %sign3A_497 = arith.constant 0 : i32
    %sign3A_498 = arith.cmpi sgt, %jit3A_488, %sign3A_497 : i32
    %sign3A_499 = arith.extui %sign3A_498 : i1 to i32
    %sign3A_500 = arith.constant 0 : i32
    %sign3A_501 = arith.cmpi slt, %jit3A_488, %sign3A_500 : i32
    %sign3A_502 = arith.extui %sign3A_501 : i1 to i32
    %sign3A_503 = arith.subi %sign3A_499, %sign3A_502 : i32
    %ne3A_504 = arith.cmpi ne, %sign3A_496, %sign3A_503 : i32
    %rem3A_505 = arith.remsi %squeeze3A_487, %jit3A_488 : i32
    %ne3A_506 = arith.constant 0 : i32
    %ne3A_507 = arith.cmpi ne, %rem3A_505, %ne3A_506 : i32
    %and3A_508 = arith.andi %ne3A_504, %ne3A_507 : i1
    %sub3A_509 = arith.constant 1 : i32
    %sub3A_510 = arith.subi %div3A_489, %sub3A_509 : i32
    %select_n3A_511 = arith.select %and3A_508, %sub3A_510, %div3A_489 : i32
    %mul3A_512 = arith.constant 128 : i32
    %mul3A_513 = arith.muli %select_n3A_511, %mul3A_512 : i32
    %multiple_of3A_514 = tpu.assume_multiple %mul3A_513, 128 : i32
    %dma_start3A_515 = arith.constant 9 : i32
    %dma_start3A_516 = arith.constant 0 : i32
    %dma_start3A_517 = arith.constant 0 : i32
    %dma_start3A_518 = tpu.memref_slice %arg9[%dma_start3A_515, %dma_start3A_516, %dma_start3A_517] : memref<16x16x128xf32, #tpu.memory_space<vmem>> -> memref<1x16x128xf32, #tpu.memory_space<vmem>>
    %dma_start3A_519 = tpu.memref_squeeze %dma_start3A_518 : memref<1x16x128xf32, #tpu.memory_space<vmem>> -> memref<16x128xf32, #tpu.memory_space<vmem>>
    %dma_start3A_520 = arith.constant 0 : i32
    %dma_start3A_521 = tpu.memref_slice %arg3[%dma_start3A_520, %multiple_of3A_514] : memref<16x1000000xf32, #tpu.memory_space<hbm>> -> memref<16x128xf32, #tpu.memory_space<hbm>>
    %dma_start3A_522 = arith.constant 0 : i32
    %dma_start3A_523 = arith.constant 0 : i32
    %dma_start3A_524 = tpu.memref_slice %arg9[%dma_start3A_515, %dma_start3A_522, %dma_start3A_523] : memref<16x16x128xf32, #tpu.memory_space<vmem>> -> memref<1x16x128xf32, #tpu.memory_space<vmem>>
    %dma_start3A_525 = tpu.memref_squeeze %dma_start3A_524 : memref<1x16x128xf32, #tpu.memory_space<vmem>> -> memref<16x128xf32, #tpu.memory_space<vmem>>
    %dma_start3A_526 = arith.constant 0 : i32
    %dma_start3A_527 = tpu.memref_slice %arg3[%dma_start3A_526, %multiple_of3A_514] : memref<16x1000000xf32, #tpu.memory_space<hbm>> -> memref<16x128xf32, #tpu.memory_space<hbm>>
    tpu.enqueue_dma source(%dma_start3A_527 : memref<16x128xf32, #tpu.memory_space<hbm>>) target(%dma_start3A_525 : memref<16x128xf32, #tpu.memory_space<vmem>>) target_semaphore(%arg14 : memref<!tpu.dma_semaphore, #tpu.memory_space<semaphore_mem>>)
    %dma_start3A_528 = arith.constant 9 : i32
    %dma_start3A_529 = arith.constant 0 : i32
    %dma_start3A_530 = arith.constant 0 : i32
    %dma_start3A_531 = tpu.memref_slice %arg10[%dma_start3A_528, %dma_start3A_529, %dma_start3A_530] : memref<16x16x128xf32, #tpu.memory_space<vmem>> -> memref<1x16x128xf32, #tpu.memory_space<vmem>>
    %dma_start3A_532 = tpu.memref_squeeze %dma_start3A_531 : memref<1x16x128xf32, #tpu.memory_space<vmem>> -> memref<16x128xf32, #tpu.memory_space<vmem>>
    %dma_start3A_533 = arith.constant 0 : i32
    %dma_start3A_534 = tpu.memref_slice %arg4[%dma_start3A_533, %multiple_of3A_514] : memref<16x1000001xf32, #tpu.memory_space<hbm>> -> memref<16x128xf32, #tpu.memory_space<hbm>>
    %dma_start3A_535 = arith.constant 0 : i32
    %dma_start3A_536 = arith.constant 0 : i32
    %dma_start3A_537 = tpu.memref_slice %arg10[%dma_start3A_528, %dma_start3A_535, %dma_start3A_536] : memref<16x16x128xf32, #tpu.memory_space<vmem>> -> memref<1x16x128xf32, #tpu.memory_space<vmem>>
    %dma_start3A_538 = tpu.memref_squeeze %dma_start3A_537 : memref<1x16x128xf32, #tpu.memory_space<vmem>> -> memref<16x128xf32, #tpu.memory_space<vmem>>
    %dma_start3A_539 = arith.constant 0 : i32
    %dma_start3A_540 = tpu.memref_slice %arg4[%dma_start3A_539, %multiple_of3A_514] : memref<16x1000001xf32, #tpu.memory_space<hbm>> -> memref<16x128xf32, #tpu.memory_space<hbm>>
    tpu.enqueue_dma source(%dma_start3A_540 : memref<16x128xf32, #tpu.memory_space<hbm>>) target(%dma_start3A_538 : memref<16x128xf32, #tpu.memory_space<vmem>>) target_semaphore(%arg15 : memref<!tpu.dma_semaphore, #tpu.memory_space<semaphore_mem>>)
    %slice3A_541 = vector.extract_strided_slice %gather3A {offsets = [10], sizes = [1], strides = [1]} : vector<16xi32> to vector<1xi32>
    %squeeze3A_542 = vector.extract %slice3A_541[0] : i32 from vector<1xi32>
    %jit3A_543 = arith.constant 128 : i32
    %div3A_544 = arith.divsi %squeeze3A_542, %jit3A_543 : i32
    %sign3A_545 = arith.constant 0 : i32
    %sign3A_546 = arith.cmpi sgt, %squeeze3A_542, %sign3A_545 : i32
    %sign3A_547 = arith.extui %sign3A_546 : i1 to i32
    %sign3A_548 = arith.constant 0 : i32
    %sign3A_549 = arith.cmpi slt, %squeeze3A_542, %sign3A_548 : i32
    %sign3A_550 = arith.extui %sign3A_549 : i1 to i32
    %sign3A_551 = arith.subi %sign3A_547, %sign3A_550 : i32
    %sign3A_552 = arith.constant 0 : i32
    %sign3A_553 = arith.cmpi sgt, %jit3A_543, %sign3A_552 : i32
    %sign3A_554 = arith.extui %sign3A_553 : i1 to i32
    %sign3A_555 = arith.constant 0 : i32
    %sign3A_556 = arith.cmpi slt, %jit3A_543, %sign3A_555 : i32
    %sign3A_557 = arith.extui %sign3A_556 : i1 to i32
    %sign3A_558 = arith.subi %sign3A_554, %sign3A_557 : i32
    %ne3A_559 = arith.cmpi ne, %sign3A_551, %sign3A_558 : i32
    %rem3A_560 = arith.remsi %squeeze3A_542, %jit3A_543 : i32
    %ne3A_561 = arith.constant 0 : i32
    %ne3A_562 = arith.cmpi ne, %rem3A_560, %ne3A_561 : i32
    %and3A_563 = arith.andi %ne3A_559, %ne3A_562 : i1
    %sub3A_564 = arith.constant 1 : i32
    %sub3A_565 = arith.subi %div3A_544, %sub3A_564 : i32
    %select_n3A_566 = arith.select %and3A_563, %sub3A_565, %div3A_544 : i32
    %mul3A_567 = arith.constant 128 : i32
    %mul3A_568 = arith.muli %select_n3A_566, %mul3A_567 : i32
    %multiple_of3A_569 = tpu.assume_multiple %mul3A_568, 128 : i32
    %dma_start3A_570 = arith.constant 10 : i32
    %dma_start3A_571 = arith.constant 0 : i32
    %dma_start3A_572 = arith.constant 0 : i32
    %dma_start3A_573 = tpu.memref_slice %arg9[%dma_start3A_570, %dma_start3A_571, %dma_start3A_572] : memref<16x16x128xf32, #tpu.memory_space<vmem>> -> memref<1x16x128xf32, #tpu.memory_space<vmem>>
    %dma_start3A_574 = tpu.memref_squeeze %dma_start3A_573 : memref<1x16x128xf32, #tpu.memory_space<vmem>> -> memref<16x128xf32, #tpu.memory_space<vmem>>
    %dma_start3A_575 = arith.constant 0 : i32
    %dma_start3A_576 = tpu.memref_slice %arg3[%dma_start3A_575, %multiple_of3A_569] : memref<16x1000000xf32, #tpu.memory_space<hbm>> -> memref<16x128xf32, #tpu.memory_space<hbm>>
    %dma_start3A_577 = arith.constant 0 : i32
    %dma_start3A_578 = arith.constant 0 : i32
    %dma_start3A_579 = tpu.memref_slice %arg9[%dma_start3A_570, %dma_start3A_577, %dma_start3A_578] : memref<16x16x128xf32, #tpu.memory_space<vmem>> -> memref<1x16x128xf32, #tpu.memory_space<vmem>>
    %dma_start3A_580 = tpu.memref_squeeze %dma_start3A_579 : memref<1x16x128xf32, #tpu.memory_space<vmem>> -> memref<16x128xf32, #tpu.memory_space<vmem>>
    %dma_start3A_581 = arith.constant 0 : i32
    %dma_start3A_582 = tpu.memref_slice %arg3[%dma_start3A_581, %multiple_of3A_569] : memref<16x1000000xf32, #tpu.memory_space<hbm>> -> memref<16x128xf32, #tpu.memory_space<hbm>>
    tpu.enqueue_dma source(%dma_start3A_582 : memref<16x128xf32, #tpu.memory_space<hbm>>) target(%dma_start3A_580 : memref<16x128xf32, #tpu.memory_space<vmem>>) target_semaphore(%arg14 : memref<!tpu.dma_semaphore, #tpu.memory_space<semaphore_mem>>)
    %dma_start3A_583 = arith.constant 10 : i32
    %dma_start3A_584 = arith.constant 0 : i32
    %dma_start3A_585 = arith.constant 0 : i32
    %dma_start3A_586 = tpu.memref_slice %arg10[%dma_start3A_583, %dma_start3A_584, %dma_start3A_585] : memref<16x16x128xf32, #tpu.memory_space<vmem>> -> memref<1x16x128xf32, #tpu.memory_space<vmem>>
    %dma_start3A_587 = tpu.memref_squeeze %dma_start3A_586 : memref<1x16x128xf32, #tpu.memory_space<vmem>> -> memref<16x128xf32, #tpu.memory_space<vmem>>
    %dma_start3A_588 = arith.constant 0 : i32
    %dma_start3A_589 = tpu.memref_slice %arg4[%dma_start3A_588, %multiple_of3A_569] : memref<16x1000001xf32, #tpu.memory_space<hbm>> -> memref<16x128xf32, #tpu.memory_space<hbm>>
    %dma_start3A_590 = arith.constant 0 : i32
    %dma_start3A_591 = arith.constant 0 : i32
    %dma_start3A_592 = tpu.memref_slice %arg10[%dma_start3A_583, %dma_start3A_590, %dma_start3A_591] : memref<16x16x128xf32, #tpu.memory_space<vmem>> -> memref<1x16x128xf32, #tpu.memory_space<vmem>>
    %dma_start3A_593 = tpu.memref_squeeze %dma_start3A_592 : memref<1x16x128xf32, #tpu.memory_space<vmem>> -> memref<16x128xf32, #tpu.memory_space<vmem>>
    %dma_start3A_594 = arith.constant 0 : i32
    %dma_start3A_595 = tpu.memref_slice %arg4[%dma_start3A_594, %multiple_of3A_569] : memref<16x1000001xf32, #tpu.memory_space<hbm>> -> memref<16x128xf32, #tpu.memory_space<hbm>>
    tpu.enqueue_dma source(%dma_start3A_595 : memref<16x128xf32, #tpu.memory_space<hbm>>) target(%dma_start3A_593 : memref<16x128xf32, #tpu.memory_space<vmem>>) target_semaphore(%arg15 : memref<!tpu.dma_semaphore, #tpu.memory_space<semaphore_mem>>)
    %slice3A_596 = vector.extract_strided_slice %gather3A {offsets = [11], sizes = [1], strides = [1]} : vector<16xi32> to vector<1xi32>
    %squeeze3A_597 = vector.extract %slice3A_596[0] : i32 from vector<1xi32>
    %jit3A_598 = arith.constant 128 : i32
    %div3A_599 = arith.divsi %squeeze3A_597, %jit3A_598 : i32
    %sign3A_600 = arith.constant 0 : i32
    %sign3A_601 = arith.cmpi sgt, %squeeze3A_597, %sign3A_600 : i32
    %sign3A_602 = arith.extui %sign3A_601 : i1 to i32
    %sign3A_603 = arith.constant 0 : i32
    %sign3A_604 = arith.cmpi slt, %squeeze3A_597, %sign3A_603 : i32
    %sign3A_605 = arith.extui %sign3A_604 : i1 to i32
    %sign3A_606 = arith.subi %sign3A_602, %sign3A_605 : i32
    %sign3A_607 = arith.constant 0 : i32
    %sign3A_608 = arith.cmpi sgt, %jit3A_598, %sign3A_607 : i32
    %sign3A_609 = arith.extui %sign3A_608 : i1 to i32
    %sign3A_610 = arith.constant 0 : i32
    %sign3A_611 = arith.cmpi slt, %jit3A_598, %sign3A_610 : i32
    %sign3A_612 = arith.extui %sign3A_611 : i1 to i32
    %sign3A_613 = arith.subi %sign3A_609, %sign3A_612 : i32
    %ne3A_614 = arith.cmpi ne, %sign3A_606, %sign3A_613 : i32
    %rem3A_615 = arith.remsi %squeeze3A_597, %jit3A_598 : i32
    %ne3A_616 = arith.constant 0 : i32
    %ne3A_617 = arith.cmpi ne, %rem3A_615, %ne3A_616 : i32
    %and3A_618 = arith.andi %ne3A_614, %ne3A_617 : i1
    %sub3A_619 = arith.constant 1 : i32
    %sub3A_620 = arith.subi %div3A_599, %sub3A_619 : i32
    %select_n3A_621 = arith.select %and3A_618, %sub3A_620, %div3A_599 : i32
    %mul3A_622 = arith.constant 128 : i32
    %mul3A_623 = arith.muli %select_n3A_621, %mul3A_622 : i32
    %multiple_of3A_624 = tpu.assume_multiple %mul3A_623, 128 : i32
    %dma_start3A_625 = arith.constant 11 : i32
    %dma_start3A_626 = arith.constant 0 : i32
    %dma_start3A_627 = arith.constant 0 : i32
    %dma_start3A_628 = tpu.memref_slice %arg9[%dma_start3A_625, %dma_start3A_626, %dma_start3A_627] : memref<16x16x128xf32, #tpu.memory_space<vmem>> -> memref<1x16x128xf32, #tpu.memory_space<vmem>>
    %dma_start3A_629 = tpu.memref_squeeze %dma_start3A_628 : memref<1x16x128xf32, #tpu.memory_space<vmem>> -> memref<16x128xf32, #tpu.memory_space<vmem>>
    %dma_start3A_630 = arith.constant 0 : i32
    %dma_start3A_631 = tpu.memref_slice %arg3[%dma_start3A_630, %multiple_of3A_624] : memref<16x1000000xf32, #tpu.memory_space<hbm>> -> memref<16x128xf32, #tpu.memory_space<hbm>>
    %dma_start3A_632 = arith.constant 0 : i32
    %dma_start3A_633 = arith.constant 0 : i32
    %dma_start3A_634 = tpu.memref_slice %arg9[%dma_start3A_625, %dma_start3A_632, %dma_start3A_633] : memref<16x16x128xf32, #tpu.memory_space<vmem>> -> memref<1x16x128xf32, #tpu.memory_space<vmem>>
    %dma_start3A_635 = tpu.memref_squeeze %dma_start3A_634 : memref<1x16x128xf32, #tpu.memory_space<vmem>> -> memref<16x128xf32, #tpu.memory_space<vmem>>
    %dma_start3A_636 = arith.constant 0 : i32
    %dma_start3A_637 = tpu.memref_slice %arg3[%dma_start3A_636, %multiple_of3A_624] : memref<16x1000000xf32, #tpu.memory_space<hbm>> -> memref<16x128xf32, #tpu.memory_space<hbm>>
    tpu.enqueue_dma source(%dma_start3A_637 : memref<16x128xf32, #tpu.memory_space<hbm>>) target(%dma_start3A_635 : memref<16x128xf32, #tpu.memory_space<vmem>>) target_semaphore(%arg14 : memref<!tpu.dma_semaphore, #tpu.memory_space<semaphore_mem>>)
    %dma_start3A_638 = arith.constant 11 : i32
    %dma_start3A_639 = arith.constant 0 : i32
    %dma_start3A_640 = arith.constant 0 : i32
    %dma_start3A_641 = tpu.memref_slice %arg10[%dma_start3A_638, %dma_start3A_639, %dma_start3A_640] : memref<16x16x128xf32, #tpu.memory_space<vmem>> -> memref<1x16x128xf32, #tpu.memory_space<vmem>>
    %dma_start3A_642 = tpu.memref_squeeze %dma_start3A_641 : memref<1x16x128xf32, #tpu.memory_space<vmem>> -> memref<16x128xf32, #tpu.memory_space<vmem>>
    %dma_start3A_643 = arith.constant 0 : i32
    %dma_start3A_644 = tpu.memref_slice %arg4[%dma_start3A_643, %multiple_of3A_624] : memref<16x1000001xf32, #tpu.memory_space<hbm>> -> memref<16x128xf32, #tpu.memory_space<hbm>>
    %dma_start3A_645 = arith.constant 0 : i32
    %dma_start3A_646 = arith.constant 0 : i32
    %dma_start3A_647 = tpu.memref_slice %arg10[%dma_start3A_638, %dma_start3A_645, %dma_start3A_646] : memref<16x16x128xf32, #tpu.memory_space<vmem>> -> memref<1x16x128xf32, #tpu.memory_space<vmem>>
    %dma_start3A_648 = tpu.memref_squeeze %dma_start3A_647 : memref<1x16x128xf32, #tpu.memory_space<vmem>> -> memref<16x128xf32, #tpu.memory_space<vmem>>
    %dma_start3A_649 = arith.constant 0 : i32
    %dma_start3A_650 = tpu.memref_slice %arg4[%dma_start3A_649, %multiple_of3A_624] : memref<16x1000001xf32, #tpu.memory_space<hbm>> -> memref<16x128xf32, #tpu.memory_space<hbm>>
    tpu.enqueue_dma source(%dma_start3A_650 : memref<16x128xf32, #tpu.memory_space<hbm>>) target(%dma_start3A_648 : memref<16x128xf32, #tpu.memory_space<vmem>>) target_semaphore(%arg15 : memref<!tpu.dma_semaphore, #tpu.memory_space<semaphore_mem>>)
    %slice3A_651 = vector.extract_strided_slice %gather3A {offsets = [12], sizes = [1], strides = [1]} : vector<16xi32> to vector<1xi32>
    %squeeze3A_652 = vector.extract %slice3A_651[0] : i32 from vector<1xi32>
    %jit3A_653 = arith.constant 128 : i32
    %div3A_654 = arith.divsi %squeeze3A_652, %jit3A_653 : i32
    %sign3A_655 = arith.constant 0 : i32
    %sign3A_656 = arith.cmpi sgt, %squeeze3A_652, %sign3A_655 : i32
    %sign3A_657 = arith.extui %sign3A_656 : i1 to i32
    %sign3A_658 = arith.constant 0 : i32
    %sign3A_659 = arith.cmpi slt, %squeeze3A_652, %sign3A_658 : i32
    %sign3A_660 = arith.extui %sign3A_659 : i1 to i32
    %sign3A_661 = arith.subi %sign3A_657, %sign3A_660 : i32
    %sign3A_662 = arith.constant 0 : i32
    %sign3A_663 = arith.cmpi sgt, %jit3A_653, %sign3A_662 : i32
    %sign3A_664 = arith.extui %sign3A_663 : i1 to i32
    %sign3A_665 = arith.constant 0 : i32
    %sign3A_666 = arith.cmpi slt, %jit3A_653, %sign3A_665 : i32
    %sign3A_667 = arith.extui %sign3A_666 : i1 to i32
    %sign3A_668 = arith.subi %sign3A_664, %sign3A_667 : i32
    %ne3A_669 = arith.cmpi ne, %sign3A_661, %sign3A_668 : i32
    %rem3A_670 = arith.remsi %squeeze3A_652, %jit3A_653 : i32
    %ne3A_671 = arith.constant 0 : i32
    %ne3A_672 = arith.cmpi ne, %rem3A_670, %ne3A_671 : i32
    %and3A_673 = arith.andi %ne3A_669, %ne3A_672 : i1
    %sub3A_674 = arith.constant 1 : i32
    %sub3A_675 = arith.subi %div3A_654, %sub3A_674 : i32
    %select_n3A_676 = arith.select %and3A_673, %sub3A_675, %div3A_654 : i32
    %mul3A_677 = arith.constant 128 : i32
    %mul3A_678 = arith.muli %select_n3A_676, %mul3A_677 : i32
    %multiple_of3A_679 = tpu.assume_multiple %mul3A_678, 128 : i32
    %dma_start3A_680 = arith.constant 12 : i32
    %dma_start3A_681 = arith.constant 0 : i32
    %dma_start3A_682 = arith.constant 0 : i32
    %dma_start3A_683 = tpu.memref_slice %arg9[%dma_start3A_680, %dma_start3A_681, %dma_start3A_682] : memref<16x16x128xf32, #tpu.memory_space<vmem>> -> memref<1x16x128xf32, #tpu.memory_space<vmem>>
    %dma_start3A_684 = tpu.memref_squeeze %dma_start3A_683 : memref<1x16x128xf32, #tpu.memory_space<vmem>> -> memref<16x128xf32, #tpu.memory_space<vmem>>
    %dma_start3A_685 = arith.constant 0 : i32
    %dma_start3A_686 = tpu.memref_slice %arg3[%dma_start3A_685, %multiple_of3A_679] : memref<16x1000000xf32, #tpu.memory_space<hbm>> -> memref<16x128xf32, #tpu.memory_space<hbm>>
    %dma_start3A_687 = arith.constant 0 : i32
    %dma_start3A_688 = arith.constant 0 : i32
    %dma_start3A_689 = tpu.memref_slice %arg9[%dma_start3A_680, %dma_start3A_687, %dma_start3A_688] : memref<16x16x128xf32, #tpu.memory_space<vmem>> -> memref<1x16x128xf32, #tpu.memory_space<vmem>>
    %dma_start3A_690 = tpu.memref_squeeze %dma_start3A_689 : memref<1x16x128xf32, #tpu.memory_space<vmem>> -> memref<16x128xf32, #tpu.memory_space<vmem>>
    %dma_start3A_691 = arith.constant 0 : i32
    %dma_start3A_692 = tpu.memref_slice %arg3[%dma_start3A_691, %multiple_of3A_679] : memref<16x1000000xf32, #tpu.memory_space<hbm>> -> memref<16x128xf32, #tpu.memory_space<hbm>>
    tpu.enqueue_dma source(%dma_start3A_692 : memref<16x128xf32, #tpu.memory_space<hbm>>) target(%dma_start3A_690 : memref<16x128xf32, #tpu.memory_space<vmem>>) target_semaphore(%arg14 : memref<!tpu.dma_semaphore, #tpu.memory_space<semaphore_mem>>)
    %dma_start3A_693 = arith.constant 12 : i32
    %dma_start3A_694 = arith.constant 0 : i32
    %dma_start3A_695 = arith.constant 0 : i32
    %dma_start3A_696 = tpu.memref_slice %arg10[%dma_start3A_693, %dma_start3A_694, %dma_start3A_695] : memref<16x16x128xf32, #tpu.memory_space<vmem>> -> memref<1x16x128xf32, #tpu.memory_space<vmem>>
    %dma_start3A_697 = tpu.memref_squeeze %dma_start3A_696 : memref<1x16x128xf32, #tpu.memory_space<vmem>> -> memref<16x128xf32, #tpu.memory_space<vmem>>
    %dma_start3A_698 = arith.constant 0 : i32
    %dma_start3A_699 = tpu.memref_slice %arg4[%dma_start3A_698, %multiple_of3A_679] : memref<16x1000001xf32, #tpu.memory_space<hbm>> -> memref<16x128xf32, #tpu.memory_space<hbm>>
    %dma_start3A_700 = arith.constant 0 : i32
    %dma_start3A_701 = arith.constant 0 : i32
    %dma_start3A_702 = tpu.memref_slice %arg10[%dma_start3A_693, %dma_start3A_700, %dma_start3A_701] : memref<16x16x128xf32, #tpu.memory_space<vmem>> -> memref<1x16x128xf32, #tpu.memory_space<vmem>>
    %dma_start3A_703 = tpu.memref_squeeze %dma_start3A_702 : memref<1x16x128xf32, #tpu.memory_space<vmem>> -> memref<16x128xf32, #tpu.memory_space<vmem>>
    %dma_start3A_704 = arith.constant 0 : i32
    %dma_start3A_705 = tpu.memref_slice %arg4[%dma_start3A_704, %multiple_of3A_679] : memref<16x1000001xf32, #tpu.memory_space<hbm>> -> memref<16x128xf32, #tpu.memory_space<hbm>>
    tpu.enqueue_dma source(%dma_start3A_705 : memref<16x128xf32, #tpu.memory_space<hbm>>) target(%dma_start3A_703 : memref<16x128xf32, #tpu.memory_space<vmem>>) target_semaphore(%arg15 : memref<!tpu.dma_semaphore, #tpu.memory_space<semaphore_mem>>)
    %slice3A_706 = vector.extract_strided_slice %gather3A {offsets = [13], sizes = [1], strides = [1]} : vector<16xi32> to vector<1xi32>
    %squeeze3A_707 = vector.extract %slice3A_706[0] : i32 from vector<1xi32>
    %jit3A_708 = arith.constant 128 : i32
    %div3A_709 = arith.divsi %squeeze3A_707, %jit3A_708 : i32
    %sign3A_710 = arith.constant 0 : i32
    %sign3A_711 = arith.cmpi sgt, %squeeze3A_707, %sign3A_710 : i32
    %sign3A_712 = arith.extui %sign3A_711 : i1 to i32
    %sign3A_713 = arith.constant 0 : i32
    %sign3A_714 = arith.cmpi slt, %squeeze3A_707, %sign3A_713 : i32
    %sign3A_715 = arith.extui %sign3A_714 : i1 to i32
    %sign3A_716 = arith.subi %sign3A_712, %sign3A_715 : i32
    %sign3A_717 = arith.constant 0 : i32
    %sign3A_718 = arith.cmpi sgt, %jit3A_708, %sign3A_717 : i32
    %sign3A_719 = arith.extui %sign3A_718 : i1 to i32
    %sign3A_720 = arith.constant 0 : i32
    %sign3A_721 = arith.cmpi slt, %jit3A_708, %sign3A_720 : i32
    %sign3A_722 = arith.extui %sign3A_721 : i1 to i32
    %sign3A_723 = arith.subi %sign3A_719, %sign3A_722 : i32
    %ne3A_724 = arith.cmpi ne, %sign3A_716, %sign3A_723 : i32
    %rem3A_725 = arith.remsi %squeeze3A_707, %jit3A_708 : i32
    %ne3A_726 = arith.constant 0 : i32
    %ne3A_727 = arith.cmpi ne, %rem3A_725, %ne3A_726 : i32
    %and3A_728 = arith.andi %ne3A_724, %ne3A_727 : i1
    %sub3A_729 = arith.constant 1 : i32
    %sub3A_730 = arith.subi %div3A_709, %sub3A_729 : i32
    %select_n3A_731 = arith.select %and3A_728, %sub3A_730, %div3A_709 : i32
    %mul3A_732 = arith.constant 128 : i32
    %mul3A_733 = arith.muli %select_n3A_731, %mul3A_732 : i32
    %multiple_of3A_734 = tpu.assume_multiple %mul3A_733, 128 : i32
    %dma_start3A_735 = arith.constant 13 : i32
    %dma_start3A_736 = arith.constant 0 : i32
    %dma_start3A_737 = arith.constant 0 : i32
    %dma_start3A_738 = tpu.memref_slice %arg9[%dma_start3A_735, %dma_start3A_736, %dma_start3A_737] : memref<16x16x128xf32, #tpu.memory_space<vmem>> -> memref<1x16x128xf32, #tpu.memory_space<vmem>>
    %dma_start3A_739 = tpu.memref_squeeze %dma_start3A_738 : memref<1x16x128xf32, #tpu.memory_space<vmem>> -> memref<16x128xf32, #tpu.memory_space<vmem>>
    %dma_start3A_740 = arith.constant 0 : i32
    %dma_start3A_741 = tpu.memref_slice %arg3[%dma_start3A_740, %multiple_of3A_734] : memref<16x1000000xf32, #tpu.memory_space<hbm>> -> memref<16x128xf32, #tpu.memory_space<hbm>>
    %dma_start3A_742 = arith.constant 0 : i32
    %dma_start3A_743 = arith.constant 0 : i32
    %dma_start3A_744 = tpu.memref_slice %arg9[%dma_start3A_735, %dma_start3A_742, %dma_start3A_743] : memref<16x16x128xf32, #tpu.memory_space<vmem>> -> memref<1x16x128xf32, #tpu.memory_space<vmem>>
    %dma_start3A_745 = tpu.memref_squeeze %dma_start3A_744 : memref<1x16x128xf32, #tpu.memory_space<vmem>> -> memref<16x128xf32, #tpu.memory_space<vmem>>
    %dma_start3A_746 = arith.constant 0 : i32
    %dma_start3A_747 = tpu.memref_slice %arg3[%dma_start3A_746, %multiple_of3A_734] : memref<16x1000000xf32, #tpu.memory_space<hbm>> -> memref<16x128xf32, #tpu.memory_space<hbm>>
    tpu.enqueue_dma source(%dma_start3A_747 : memref<16x128xf32, #tpu.memory_space<hbm>>) target(%dma_start3A_745 : memref<16x128xf32, #tpu.memory_space<vmem>>) target_semaphore(%arg14 : memref<!tpu.dma_semaphore, #tpu.memory_space<semaphore_mem>>)
    %dma_start3A_748 = arith.constant 13 : i32
    %dma_start3A_749 = arith.constant 0 : i32
    %dma_start3A_750 = arith.constant 0 : i32
    %dma_start3A_751 = tpu.memref_slice %arg10[%dma_start3A_748, %dma_start3A_749, %dma_start3A_750] : memref<16x16x128xf32, #tpu.memory_space<vmem>> -> memref<1x16x128xf32, #tpu.memory_space<vmem>>
    %dma_start3A_752 = tpu.memref_squeeze %dma_start3A_751 : memref<1x16x128xf32, #tpu.memory_space<vmem>> -> memref<16x128xf32, #tpu.memory_space<vmem>>
    %dma_start3A_753 = arith.constant 0 : i32
    %dma_start3A_754 = tpu.memref_slice %arg4[%dma_start3A_753, %multiple_of3A_734] : memref<16x1000001xf32, #tpu.memory_space<hbm>> -> memref<16x128xf32, #tpu.memory_space<hbm>>
    %dma_start3A_755 = arith.constant 0 : i32
    %dma_start3A_756 = arith.constant 0 : i32
    %dma_start3A_757 = tpu.memref_slice %arg10[%dma_start3A_748, %dma_start3A_755, %dma_start3A_756] : memref<16x16x128xf32, #tpu.memory_space<vmem>> -> memref<1x16x128xf32, #tpu.memory_space<vmem>>
    %dma_start3A_758 = tpu.memref_squeeze %dma_start3A_757 : memref<1x16x128xf32, #tpu.memory_space<vmem>> -> memref<16x128xf32, #tpu.memory_space<vmem>>
    %dma_start3A_759 = arith.constant 0 : i32
    %dma_start3A_760 = tpu.memref_slice %arg4[%dma_start3A_759, %multiple_of3A_734] : memref<16x1000001xf32, #tpu.memory_space<hbm>> -> memref<16x128xf32, #tpu.memory_space<hbm>>
    tpu.enqueue_dma source(%dma_start3A_760 : memref<16x128xf32, #tpu.memory_space<hbm>>) target(%dma_start3A_758 : memref<16x128xf32, #tpu.memory_space<vmem>>) target_semaphore(%arg15 : memref<!tpu.dma_semaphore, #tpu.memory_space<semaphore_mem>>)
    %slice3A_761 = vector.extract_strided_slice %gather3A {offsets = [14], sizes = [1], strides = [1]} : vector<16xi32> to vector<1xi32>
    %squeeze3A_762 = vector.extract %slice3A_761[0] : i32 from vector<1xi32>
    %jit3A_763 = arith.constant 128 : i32
    %div3A_764 = arith.divsi %squeeze3A_762, %jit3A_763 : i32
    %sign3A_765 = arith.constant 0 : i32
    %sign3A_766 = arith.cmpi sgt, %squeeze3A_762, %sign3A_765 : i32
    %sign3A_767 = arith.extui %sign3A_766 : i1 to i32
    %sign3A_768 = arith.constant 0 : i32
    %sign3A_769 = arith.cmpi slt, %squeeze3A_762, %sign3A_768 : i32
    %sign3A_770 = arith.extui %sign3A_769 : i1 to i32
    %sign3A_771 = arith.subi %sign3A_767, %sign3A_770 : i32
    %sign3A_772 = arith.constant 0 : i32
    %sign3A_773 = arith.cmpi sgt, %jit3A_763, %sign3A_772 : i32
    %sign3A_774 = arith.extui %sign3A_773 : i1 to i32
    %sign3A_775 = arith.constant 0 : i32
    %sign3A_776 = arith.cmpi slt, %jit3A_763, %sign3A_775 : i32
    %sign3A_777 = arith.extui %sign3A_776 : i1 to i32
    %sign3A_778 = arith.subi %sign3A_774, %sign3A_777 : i32
    %ne3A_779 = arith.cmpi ne, %sign3A_771, %sign3A_778 : i32
    %rem3A_780 = arith.remsi %squeeze3A_762, %jit3A_763 : i32
    %ne3A_781 = arith.constant 0 : i32
    %ne3A_782 = arith.cmpi ne, %rem3A_780, %ne3A_781 : i32
    %and3A_783 = arith.andi %ne3A_779, %ne3A_782 : i1
    %sub3A_784 = arith.constant 1 : i32
    %sub3A_785 = arith.subi %div3A_764, %sub3A_784 : i32
    %select_n3A_786 = arith.select %and3A_783, %sub3A_785, %div3A_764 : i32
    %mul3A_787 = arith.constant 128 : i32
    %mul3A_788 = arith.muli %select_n3A_786, %mul3A_787 : i32
    %multiple_of3A_789 = tpu.assume_multiple %mul3A_788, 128 : i32
    %dma_start3A_790 = arith.constant 14 : i32
    %dma_start3A_791 = arith.constant 0 : i32
    %dma_start3A_792 = arith.constant 0 : i32
    %dma_start3A_793 = tpu.memref_slice %arg9[%dma_start3A_790, %dma_start3A_791, %dma_start3A_792] : memref<16x16x128xf32, #tpu.memory_space<vmem>> -> memref<1x16x128xf32, #tpu.memory_space<vmem>>
    %dma_start3A_794 = tpu.memref_squeeze %dma_start3A_793 : memref<1x16x128xf32, #tpu.memory_space<vmem>> -> memref<16x128xf32, #tpu.memory_space<vmem>>
    %dma_start3A_795 = arith.constant 0 : i32
    %dma_start3A_796 = tpu.memref_slice %arg3[%dma_start3A_795, %multiple_of3A_789] : memref<16x1000000xf32, #tpu.memory_space<hbm>> -> memref<16x128xf32, #tpu.memory_space<hbm>>
    %dma_start3A_797 = arith.constant 0 : i32
    %dma_start3A_798 = arith.constant 0 : i32
    %dma_start3A_799 = tpu.memref_slice %arg9[%dma_start3A_790, %dma_start3A_797, %dma_start3A_798] : memref<16x16x128xf32, #tpu.memory_space<vmem>> -> memref<1x16x128xf32, #tpu.memory_space<vmem>>
    %dma_start3A_800 = tpu.memref_squeeze %dma_start3A_799 : memref<1x16x128xf32, #tpu.memory_space<vmem>> -> memref<16x128xf32, #tpu.memory_space<vmem>>
    %dma_start3A_801 = arith.constant 0 : i32
    %dma_start3A_802 = tpu.memref_slice %arg3[%dma_start3A_801, %multiple_of3A_789] : memref<16x1000000xf32, #tpu.memory_space<hbm>> -> memref<16x128xf32, #tpu.memory_space<hbm>>
    tpu.enqueue_dma source(%dma_start3A_802 : memref<16x128xf32, #tpu.memory_space<hbm>>) target(%dma_start3A_800 : memref<16x128xf32, #tpu.memory_space<vmem>>) target_semaphore(%arg14 : memref<!tpu.dma_semaphore, #tpu.memory_space<semaphore_mem>>)
    %dma_start3A_803 = arith.constant 14 : i32
    %dma_start3A_804 = arith.constant 0 : i32
    %dma_start3A_805 = arith.constant 0 : i32
    %dma_start3A_806 = tpu.memref_slice %arg10[%dma_start3A_803, %dma_start3A_804, %dma_start3A_805] : memref<16x16x128xf32, #tpu.memory_space<vmem>> -> memref<1x16x128xf32, #tpu.memory_space<vmem>>
    %dma_start3A_807 = tpu.memref_squeeze %dma_start3A_806 : memref<1x16x128xf32, #tpu.memory_space<vmem>> -> memref<16x128xf32, #tpu.memory_space<vmem>>
    %dma_start3A_808 = arith.constant 0 : i32
    %dma_start3A_809 = tpu.memref_slice %arg4[%dma_start3A_808, %multiple_of3A_789] : memref<16x1000001xf32, #tpu.memory_space<hbm>> -> memref<16x128xf32, #tpu.memory_space<hbm>>
    %dma_start3A_810 = arith.constant 0 : i32
    %dma_start3A_811 = arith.constant 0 : i32
    %dma_start3A_812 = tpu.memref_slice %arg10[%dma_start3A_803, %dma_start3A_810, %dma_start3A_811] : memref<16x16x128xf32, #tpu.memory_space<vmem>> -> memref<1x16x128xf32, #tpu.memory_space<vmem>>
    %dma_start3A_813 = tpu.memref_squeeze %dma_start3A_812 : memref<1x16x128xf32, #tpu.memory_space<vmem>> -> memref<16x128xf32, #tpu.memory_space<vmem>>
    %dma_start3A_814 = arith.constant 0 : i32
    %dma_start3A_815 = tpu.memref_slice %arg4[%dma_start3A_814, %multiple_of3A_789] : memref<16x1000001xf32, #tpu.memory_space<hbm>> -> memref<16x128xf32, #tpu.memory_space<hbm>>
    tpu.enqueue_dma source(%dma_start3A_815 : memref<16x128xf32, #tpu.memory_space<hbm>>) target(%dma_start3A_813 : memref<16x128xf32, #tpu.memory_space<vmem>>) target_semaphore(%arg15 : memref<!tpu.dma_semaphore, #tpu.memory_space<semaphore_mem>>)
    %slice3A_816 = vector.extract_strided_slice %gather3A {offsets = [15], sizes = [1], strides = [1]} : vector<16xi32> to vector<1xi32>
    %squeeze3A_817 = vector.extract %slice3A_816[0] : i32 from vector<1xi32>
    %jit3A_818 = arith.constant 128 : i32
    %div3A_819 = arith.divsi %squeeze3A_817, %jit3A_818 : i32
    %sign3A_820 = arith.constant 0 : i32
    %sign3A_821 = arith.cmpi sgt, %squeeze3A_817, %sign3A_820 : i32
    %sign3A_822 = arith.extui %sign3A_821 : i1 to i32
    %sign3A_823 = arith.constant 0 : i32
    %sign3A_824 = arith.cmpi slt, %squeeze3A_817, %sign3A_823 : i32
    %sign3A_825 = arith.extui %sign3A_824 : i1 to i32
    %sign3A_826 = arith.subi %sign3A_822, %sign3A_825 : i32
    %sign3A_827 = arith.constant 0 : i32
    %sign3A_828 = arith.cmpi sgt, %jit3A_818, %sign3A_827 : i32
    %sign3A_829 = arith.extui %sign3A_828 : i1 to i32
    %sign3A_830 = arith.constant 0 : i32
    %sign3A_831 = arith.cmpi slt, %jit3A_818, %sign3A_830 : i32
    %sign3A_832 = arith.extui %sign3A_831 : i1 to i32
    %sign3A_833 = arith.subi %sign3A_829, %sign3A_832 : i32
    %ne3A_834 = arith.cmpi ne, %sign3A_826, %sign3A_833 : i32
    %rem3A_835 = arith.remsi %squeeze3A_817, %jit3A_818 : i32
    %ne3A_836 = arith.constant 0 : i32
    %ne3A_837 = arith.cmpi ne, %rem3A_835, %ne3A_836 : i32
    %and3A_838 = arith.andi %ne3A_834, %ne3A_837 : i1
    %sub3A_839 = arith.constant 1 : i32
    %sub3A_840 = arith.subi %div3A_819, %sub3A_839 : i32
    %select_n3A_841 = arith.select %and3A_838, %sub3A_840, %div3A_819 : i32
    %mul3A_842 = arith.constant 128 : i32
    %mul3A_843 = arith.muli %select_n3A_841, %mul3A_842 : i32
    %multiple_of3A_844 = tpu.assume_multiple %mul3A_843, 128 : i32
    %dma_start3A_845 = arith.constant 15 : i32
    %dma_start3A_846 = arith.constant 0 : i32
    %dma_start3A_847 = arith.constant 0 : i32
    %dma_start3A_848 = tpu.memref_slice %arg9[%dma_start3A_845, %dma_start3A_846, %dma_start3A_847] : memref<16x16x128xf32, #tpu.memory_space<vmem>> -> memref<1x16x128xf32, #tpu.memory_space<vmem>>
    %dma_start3A_849 = tpu.memref_squeeze %dma_start3A_848 : memref<1x16x128xf32, #tpu.memory_space<vmem>> -> memref<16x128xf32, #tpu.memory_space<vmem>>
    %dma_start3A_850 = arith.constant 0 : i32
    %dma_start3A_851 = tpu.memref_slice %arg3[%dma_start3A_850, %multiple_of3A_844] : memref<16x1000000xf32, #tpu.memory_space<hbm>> -> memref<16x128xf32, #tpu.memory_space<hbm>>
    %dma_start3A_852 = arith.constant 0 : i32
    %dma_start3A_853 = arith.constant 0 : i32
    %dma_start3A_854 = tpu.memref_slice %arg9[%dma_start3A_845, %dma_start3A_852, %dma_start3A_853] : memref<16x16x128xf32, #tpu.memory_space<vmem>> -> memref<1x16x128xf32, #tpu.memory_space<vmem>>
    %dma_start3A_855 = tpu.memref_squeeze %dma_start3A_854 : memref<1x16x128xf32, #tpu.memory_space<vmem>> -> memref<16x128xf32, #tpu.memory_space<vmem>>
    %dma_start3A_856 = arith.constant 0 : i32
    %dma_start3A_857 = tpu.memref_slice %arg3[%dma_start3A_856, %multiple_of3A_844] : memref<16x1000000xf32, #tpu.memory_space<hbm>> -> memref<16x128xf32, #tpu.memory_space<hbm>>
    tpu.enqueue_dma source(%dma_start3A_857 : memref<16x128xf32, #tpu.memory_space<hbm>>) target(%dma_start3A_855 : memref<16x128xf32, #tpu.memory_space<vmem>>) target_semaphore(%arg14 : memref<!tpu.dma_semaphore, #tpu.memory_space<semaphore_mem>>)
    %dma_start3A_858 = arith.constant 15 : i32
    %dma_start3A_859 = arith.constant 0 : i32
    %dma_start3A_860 = arith.constant 0 : i32
    %dma_start3A_861 = tpu.memref_slice %arg10[%dma_start3A_858, %dma_start3A_859, %dma_start3A_860] : memref<16x16x128xf32, #tpu.memory_space<vmem>> -> memref<1x16x128xf32, #tpu.memory_space<vmem>>
    %dma_start3A_862 = tpu.memref_squeeze %dma_start3A_861 : memref<1x16x128xf32, #tpu.memory_space<vmem>> -> memref<16x128xf32, #tpu.memory_space<vmem>>
    %dma_start3A_863 = arith.constant 0 : i32
    %dma_start3A_864 = tpu.memref_slice %arg4[%dma_start3A_863, %multiple_of3A_844] : memref<16x1000001xf32, #tpu.memory_space<hbm>> -> memref<16x128xf32, #tpu.memory_space<hbm>>
    %dma_start3A_865 = arith.constant 0 : i32
    %dma_start3A_866 = arith.constant 0 : i32
    %dma_start3A_867 = tpu.memref_slice %arg10[%dma_start3A_858, %dma_start3A_865, %dma_start3A_866] : memref<16x16x128xf32, #tpu.memory_space<vmem>> -> memref<1x16x128xf32, #tpu.memory_space<vmem>>
    %dma_start3A_868 = tpu.memref_squeeze %dma_start3A_867 : memref<1x16x128xf32, #tpu.memory_space<vmem>> -> memref<16x128xf32, #tpu.memory_space<vmem>>
    %dma_start3A_869 = arith.constant 0 : i32
    %dma_start3A_870 = tpu.memref_slice %arg4[%dma_start3A_869, %multiple_of3A_844] : memref<16x1000001xf32, #tpu.memory_space<hbm>> -> memref<16x128xf32, #tpu.memory_space<hbm>>
    tpu.enqueue_dma source(%dma_start3A_870 : memref<16x128xf32, #tpu.memory_space<hbm>>) target(%dma_start3A_868 : memref<16x128xf32, #tpu.memory_space<vmem>>) target_semaphore(%arg15 : memref<!tpu.dma_semaphore, #tpu.memory_space<semaphore_mem>>)
    %scan3A = arith.constant 0 : i32
    %scan3A_871 = arith.constant 0 : i32
    %scan3A_872 = arith.constant 32 : i32
    %scan3A_873 = arith.addi %scan3A_871, %scan3A_872 : i32
    %scan3A_874 = arith.constant 1 : i32
    scf.for %scan3A_876 = %scan3A_871 to %scan3A_873 step %scan3A_874  : i32 {
      %mul3A_877 = arith.constant 16 : i32
      %mul3A_878 = arith.muli %scan3A_876, %mul3A_877 : i32
      %add3A_879 = vector.broadcast %mul3A_878 : i32 to vector<16xi32>
      %add3A_880 = arith.addi %add3A_879, %iota3A : vector<16xi32>
      %gather3A_881 = tpu.vector_load_idx %arg8[%add3A_880] : memref<512xi32, #tpu.memory_space<vmem>>[vector<16xi32>], vector<16xi32>,
      %add3A_882 = arith.constant 1 : i32
      %add3A_883 = arith.addi %scan3A_876, %add3A_882 : i32
      %min3A = arith.constant 31 : i32
      %min3A_884 = arith.minsi %add3A_883, %min3A : i32
      %mul3A_885 = arith.constant 16 : i32
      %mul3A_886 = arith.muli %min3A_884, %mul3A_885 : i32
      %add3A_887 = vector.broadcast %mul3A_886 : i32 to vector<16xi32>
      %add3A_888 = arith.addi %add3A_887, %iota3A : vector<16xi32>
      %gather3A_889 = tpu.vector_load_idx %arg8[%add3A_888] : memref<512xi32, #tpu.memory_space<vmem>>[vector<16xi32>], vector<16xi32>,
      %slice3A_890 = vector.extract_strided_slice %gather3A_881 {offsets = [0], sizes = [1], strides = [1]} : vector<16xi32> to vector<1xi32>
      %squeeze3A_891 = vector.extract %slice3A_890[0] : i32 from vector<1xi32>
      %jit3A_892 = arith.constant 128 : i32
      %eq3A = arith.constant 0 : i32
      %eq3A_893 = arith.cmpi eq, %jit3A_892, %eq3A : i32
      %jit3A_894 = arith.constant 1 : i32
      %select_n3A_895 = arith.select %eq3A_893, %jit3A_894, %jit3A_892 : i32
      %rem3A_896 = arith.remsi %squeeze3A_891, %select_n3A_895 : i32
      %ne3A_897 = arith.constant 0 : i32
      %ne3A_898 = arith.cmpi ne, %rem3A_896, %ne3A_897 : i32
      %lt3A = arith.constant 0 : i32
      %lt3A_899 = arith.cmpi slt, %rem3A_896, %lt3A : i32
      %lt3A_900 = arith.constant 0 : i32
      %lt3A_901 = arith.cmpi slt, %select_n3A_895, %lt3A_900 : i32
      %ne3A_902 = arith.xori %lt3A_899, %lt3A_901 : i1
      %and3A_903 = arith.andi %ne3A_902, %ne3A_898 : i1
      %add3A_904 = arith.addi %rem3A_896, %select_n3A_895 : i32
      %select_n3A_905 = arith.select %and3A_903, %add3A_904, %rem3A_896 : i32
      %broadcast_in_dim3A = vector.broadcast %select_n3A_905 : i32 to vector<16xi32>
      %broadcast_in_dim3A_906 = arith.constant 0 : i32
      %broadcast_in_dim3A_907 = vector.broadcast %broadcast_in_dim3A_906 : i32 to vector<16xi32>
      %jit3A_908 = arith.constant 8 : i32
      %eq3A_909 = arith.constant 0 : i32
      %eq3A_910 = arith.cmpi eq, %jit3A_908, %eq3A_909 : i32
      %jit3A_911 = arith.constant 1 : i32
      %select_n3A_912 = arith.select %eq3A_910, %jit3A_911, %jit3A_908 : i32
      %rem3A_913 = arith.remsi %scan3A_876, %select_n3A_912 : i32
      %ne3A_914 = arith.constant 0 : i32
      %ne3A_915 = arith.cmpi ne, %rem3A_913, %ne3A_914 : i32
      %lt3A_916 = arith.constant 0 : i32
      %lt3A_917 = arith.cmpi slt, %rem3A_913, %lt3A_916 : i32
      %lt3A_918 = arith.constant 0 : i32
      %lt3A_919 = arith.cmpi slt, %select_n3A_912, %lt3A_918 : i32
      %ne3A_920 = arith.xori %lt3A_917, %lt3A_919 : i1
      %and3A_921 = arith.andi %ne3A_920, %ne3A_915 : i1
      %add3A_922 = arith.addi %rem3A_913, %select_n3A_912 : i32
      %select_n3A_923 = arith.select %and3A_921, %add3A_922, %rem3A_913 : i32
      %mul3A_924 = arith.constant 16 : i32
      %mul3A_925 = arith.muli %select_n3A_923, %mul3A_924 : i32
      %add3A_926 = arith.constant 0 : i32
      %add3A_927 = arith.addi %mul3A_925, %add3A_926 : i32
      %broadcast_in_dim3A_928 = vector.broadcast %add3A_927 : i32 to vector<16xi32>
      %dma_wait3A = arith.constant 0 : i32
      %dma_wait3A_929 = arith.constant 0 : i32
      %dma_wait3A_930 = arith.constant 0 : i32
      %dma_wait3A_931 = tpu.memref_slice %arg9[%dma_wait3A, %dma_wait3A_929, %dma_wait3A_930] : memref<16x16x128xf32, #tpu.memory_space<vmem>> -> memref<1x16x128xf32, #tpu.memory_space<vmem>>
      %dma_wait3A_932 = tpu.memref_squeeze %dma_wait3A_931 : memref<1x16x128xf32, #tpu.memory_space<vmem>> -> memref<16x128xf32, #tpu.memory_space<vmem>>
      %dma_wait3A_933 = arith.constant 0 : i32
      %dma_wait3A_934 = arith.constant 0 : i32
      %dma_wait3A_935 = tpu.memref_slice %arg3[%dma_wait3A_933, %dma_wait3A_934] : memref<16x1000000xf32, #tpu.memory_space<hbm>> -> memref<16x128xf32, #tpu.memory_space<hbm>>
      %dma_wait3A_936 = arith.constant 0 : i32
      %dma_wait3A_937 = arith.constant 0 : i32
      %dma_wait3A_938 = tpu.memref_slice %arg9[%dma_wait3A, %dma_wait3A_936, %dma_wait3A_937] : memref<16x16x128xf32, #tpu.memory_space<vmem>> -> memref<1x16x128xf32, #tpu.memory_space<vmem>>
      %dma_wait3A_939 = tpu.memref_squeeze %dma_wait3A_938 : memref<1x16x128xf32, #tpu.memory_space<vmem>> -> memref<16x128xf32, #tpu.memory_space<vmem>>
      %dma_wait3A_940 = arith.constant 0 : i32
      %dma_wait3A_941 = arith.constant 0 : i32
      %dma_wait3A_942 = tpu.memref_slice %arg3[%dma_wait3A_940, %dma_wait3A_941] : memref<16x1000000xf32, #tpu.memory_space<hbm>> -> memref<16x128xf32, #tpu.memory_space<hbm>>
      tpu.wait_dma2 semaphore(%arg14 : memref<!tpu.dma_semaphore, #tpu.memory_space<semaphore_mem>>) src(%dma_wait3A_942 : memref<16x128xf32, #tpu.memory_space<hbm>>) dst(%dma_wait3A_939 : memref<16x128xf32, #tpu.memory_space<vmem>>)
      %dma_wait3A_943 = arith.constant 0 : i32
      %dma_wait3A_944 = arith.constant 0 : i32
      %dma_wait3A_945 = arith.constant 0 : i32
      %dma_wait3A_946 = tpu.memref_slice %arg10[%dma_wait3A_943, %dma_wait3A_944, %dma_wait3A_945] : memref<16x16x128xf32, #tpu.memory_space<vmem>> -> memref<1x16x128xf32, #tpu.memory_space<vmem>>
      %dma_wait3A_947 = tpu.memref_squeeze %dma_wait3A_946 : memref<1x16x128xf32, #tpu.memory_space<vmem>> -> memref<16x128xf32, #tpu.memory_space<vmem>>
      %dma_wait3A_948 = arith.constant 0 : i32
      %dma_wait3A_949 = arith.constant 0 : i32
      %dma_wait3A_950 = tpu.memref_slice %arg4[%dma_wait3A_948, %dma_wait3A_949] : memref<16x1000001xf32, #tpu.memory_space<hbm>> -> memref<16x128xf32, #tpu.memory_space<hbm>>
      %dma_wait3A_951 = arith.constant 0 : i32
      %dma_wait3A_952 = arith.constant 0 : i32
      %dma_wait3A_953 = tpu.memref_slice %arg10[%dma_wait3A_943, %dma_wait3A_951, %dma_wait3A_952] : memref<16x16x128xf32, #tpu.memory_space<vmem>> -> memref<1x16x128xf32, #tpu.memory_space<vmem>>
      %dma_wait3A_954 = tpu.memref_squeeze %dma_wait3A_953 : memref<1x16x128xf32, #tpu.memory_space<vmem>> -> memref<16x128xf32, #tpu.memory_space<vmem>>
      %dma_wait3A_955 = arith.constant 0 : i32
      %dma_wait3A_956 = arith.constant 0 : i32
      %dma_wait3A_957 = tpu.memref_slice %arg4[%dma_wait3A_955, %dma_wait3A_956] : memref<16x1000001xf32, #tpu.memory_space<hbm>> -> memref<16x128xf32, #tpu.memory_space<hbm>>
      tpu.wait_dma2 semaphore(%arg15 : memref<!tpu.dma_semaphore, #tpu.memory_space<semaphore_mem>>) src(%dma_wait3A_957 : memref<16x128xf32, #tpu.memory_space<hbm>>) dst(%dma_wait3A_954 : memref<16x128xf32, #tpu.memory_space<vmem>>)
      %gather3A_958 = tpu.vector_load_idx %arg9[%broadcast_in_dim3A_907, %iota3A, %broadcast_in_dim3A] : memref<16x16x128xf32, #tpu.memory_space<vmem>>[vector<16xi32>, vector<16xi32>, vector<16xi32>], vector<16xf32>,
      %gather3A_959 = tpu.vector_load_idx %arg10[%broadcast_in_dim3A_907, %iota3A, %broadcast_in_dim3A] : memref<16x16x128xf32, #tpu.memory_space<vmem>>[vector<16xi32>, vector<16xi32>, vector<16xi32>], vector<16xf32>,
      %lt3A_960 = arith.constant 31 : i32
      %lt3A_961 = arith.cmpi slt, %scan3A_876, %lt3A_960 : i32
      %convert_element_type3A = arith.extui %lt3A_961 : i1 to i32
      %cond3A = arith.constant 0 : i32
      %cond3A_962 = arith.cmpi ne, %convert_element_type3A, %cond3A : i32
      scf.if %cond3A_962 {
        %slice3A_2268 = vector.extract_strided_slice %gather3A_889 {offsets = [0], sizes = [1], strides = [1]} : vector<16xi32> to vector<1xi32>
        %squeeze3A_2269 = vector.extract %slice3A_2268[0] : i32 from vector<1xi32>
        %jit3A_2270 = arith.constant 128 : i32
        %div3A_2271 = arith.divsi %squeeze3A_2269, %jit3A_2270 : i32
        %sign3A_2272 = arith.constant 0 : i32
        %sign3A_2273 = arith.cmpi sgt, %squeeze3A_2269, %sign3A_2272 : i32
        %sign3A_2274 = arith.extui %sign3A_2273 : i1 to i32
        %sign3A_2275 = arith.constant 0 : i32
        %sign3A_2276 = arith.cmpi slt, %squeeze3A_2269, %sign3A_2275 : i32
        %sign3A_2277 = arith.extui %sign3A_2276 : i1 to i32
        %sign3A_2278 = arith.subi %sign3A_2274, %sign3A_2277 : i32
        %sign3A_2279 = arith.constant 0 : i32
        %sign3A_2280 = arith.cmpi sgt, %jit3A_2270, %sign3A_2279 : i32
        %sign3A_2281 = arith.extui %sign3A_2280 : i1 to i32
        %sign3A_2282 = arith.constant 0 : i32
        %sign3A_2283 = arith.cmpi slt, %jit3A_2270, %sign3A_2282 : i32
        %sign3A_2284 = arith.extui %sign3A_2283 : i1 to i32
        %sign3A_2285 = arith.subi %sign3A_2281, %sign3A_2284 : i32
        %ne3A_2286 = arith.cmpi ne, %sign3A_2278, %sign3A_2285 : i32
        %rem3A_2287 = arith.remsi %squeeze3A_2269, %jit3A_2270 : i32
        %ne3A_2288 = arith.constant 0 : i32
        %ne3A_2289 = arith.cmpi ne, %rem3A_2287, %ne3A_2288 : i32
        %and3A_2290 = arith.andi %ne3A_2286, %ne3A_2289 : i1
        %sub3A_2291 = arith.constant 1 : i32
        %sub3A_2292 = arith.subi %div3A_2271, %sub3A_2291 : i32
        %select_n3A_2293 = arith.select %and3A_2290, %sub3A_2292, %div3A_2271 : i32
        %mul3A_2294 = arith.constant 128 : i32
        %mul3A_2295 = arith.muli %select_n3A_2293, %mul3A_2294 : i32
        %multiple_of3A_2296 = tpu.assume_multiple %mul3A_2295, 128 : i32
        %dma_start3A_2297 = arith.constant 0 : i32
        %dma_start3A_2298 = arith.constant 0 : i32
        %dma_start3A_2299 = arith.constant 0 : i32
        %dma_start3A_2300 = tpu.memref_slice %arg9[%dma_start3A_2297, %dma_start3A_2298, %dma_start3A_2299] : memref<16x16x128xf32, #tpu.memory_space<vmem>> -> memref<1x16x128xf32, #tpu.memory_space<vmem>>
        %dma_start3A_2301 = tpu.memref_squeeze %dma_start3A_2300 : memref<1x16x128xf32, #tpu.memory_space<vmem>> -> memref<16x128xf32, #tpu.memory_space<vmem>>
        %dma_start3A_2302 = arith.constant 0 : i32
        %dma_start3A_2303 = tpu.memref_slice %arg3[%dma_start3A_2302, %multiple_of3A_2296] : memref<16x1000000xf32, #tpu.memory_space<hbm>> -> memref<16x128xf32, #tpu.memory_space<hbm>>
        %dma_start3A_2304 = arith.constant 0 : i32
        %dma_start3A_2305 = arith.constant 0 : i32
        %dma_start3A_2306 = tpu.memref_slice %arg9[%dma_start3A_2297, %dma_start3A_2304, %dma_start3A_2305] : memref<16x16x128xf32, #tpu.memory_space<vmem>> -> memref<1x16x128xf32, #tpu.memory_space<vmem>>
        %dma_start3A_2307 = tpu.memref_squeeze %dma_start3A_2306 : memref<1x16x128xf32, #tpu.memory_space<vmem>> -> memref<16x128xf32, #tpu.memory_space<vmem>>
        %dma_start3A_2308 = arith.constant 0 : i32
        %dma_start3A_2309 = tpu.memref_slice %arg3[%dma_start3A_2308, %multiple_of3A_2296] : memref<16x1000000xf32, #tpu.memory_space<hbm>> -> memref<16x128xf32, #tpu.memory_space<hbm>>
        tpu.enqueue_dma source(%dma_start3A_2309 : memref<16x128xf32, #tpu.memory_space<hbm>>) target(%dma_start3A_2307 : memref<16x128xf32, #tpu.memory_space<vmem>>) target_semaphore(%arg14 : memref<!tpu.dma_semaphore, #tpu.memory_space<semaphore_mem>>)
        %dma_start3A_2310 = arith.constant 0 : i32
        %dma_start3A_2311 = arith.constant 0 : i32
        %dma_start3A_2312 = arith.constant 0 : i32
        %dma_start3A_2313 = tpu.memref_slice %arg10[%dma_start3A_2310, %dma_start3A_2311, %dma_start3A_2312] : memref<16x16x128xf32, #tpu.memory_space<vmem>> -> memref<1x16x128xf32, #tpu.memory_space<vmem>>
        %dma_start3A_2314 = tpu.memref_squeeze %dma_start3A_2313 : memref<1x16x128xf32, #tpu.memory_space<vmem>> -> memref<16x128xf32, #tpu.memory_space<vmem>>
        %dma_start3A_2315 = arith.constant 0 : i32
        %dma_start3A_2316 = tpu.memref_slice %arg4[%dma_start3A_2315, %multiple_of3A_2296] : memref<16x1000001xf32, #tpu.memory_space<hbm>> -> memref<16x128xf32, #tpu.memory_space<hbm>>
        %dma_start3A_2317 = arith.constant 0 : i32
        %dma_start3A_2318 = arith.constant 0 : i32
        %dma_start3A_2319 = tpu.memref_slice %arg10[%dma_start3A_2310, %dma_start3A_2317, %dma_start3A_2318] : memref<16x16x128xf32, #tpu.memory_space<vmem>> -> memref<1x16x128xf32, #tpu.memory_space<vmem>>
        %dma_start3A_2320 = tpu.memref_squeeze %dma_start3A_2319 : memref<1x16x128xf32, #tpu.memory_space<vmem>> -> memref<16x128xf32, #tpu.memory_space<vmem>>
        %dma_start3A_2321 = arith.constant 0 : i32
        %dma_start3A_2322 = tpu.memref_slice %arg4[%dma_start3A_2321, %multiple_of3A_2296] : memref<16x1000001xf32, #tpu.memory_space<hbm>> -> memref<16x128xf32, #tpu.memory_space<hbm>>
        tpu.enqueue_dma source(%dma_start3A_2322 : memref<16x128xf32, #tpu.memory_space<hbm>>) target(%dma_start3A_2320 : memref<16x128xf32, #tpu.memory_space<vmem>>) target_semaphore(%arg15 : memref<!tpu.dma_semaphore, #tpu.memory_space<semaphore_mem>>)
      } else {
      }
      tpu.vector_store_idx %arg11[%iota3A, %broadcast_in_dim3A_928], %gather3A_958 : memref<16x128xf32, #tpu.memory_space<vmem>>[vector<16xi32>, vector<16xi32>], vector<16xf32>,
      tpu.vector_store_idx %arg12[%iota3A, %broadcast_in_dim3A_928], %gather3A_959 : memref<16x128xf32, #tpu.memory_space<vmem>>[vector<16xi32>, vector<16xi32>], vector<16xf32>,
      %slice3A_963 = vector.extract_strided_slice %gather3A_881 {offsets = [1], sizes = [1], strides = [1]} : vector<16xi32> to vector<1xi32>
      %squeeze3A_964 = vector.extract %slice3A_963[0] : i32 from vector<1xi32>
      %jit3A_965 = arith.constant 128 : i32
      %eq3A_966 = arith.constant 0 : i32
      %eq3A_967 = arith.cmpi eq, %jit3A_965, %eq3A_966 : i32
      %jit3A_968 = arith.constant 1 : i32
      %select_n3A_969 = arith.select %eq3A_967, %jit3A_968, %jit3A_965 : i32
      %rem3A_970 = arith.remsi %squeeze3A_964, %select_n3A_969 : i32
      %ne3A_971 = arith.constant 0 : i32
      %ne3A_972 = arith.cmpi ne, %rem3A_970, %ne3A_971 : i32
      %lt3A_973 = arith.constant 0 : i32
      %lt3A_974 = arith.cmpi slt, %rem3A_970, %lt3A_973 : i32
      %lt3A_975 = arith.constant 0 : i32
      %lt3A_976 = arith.cmpi slt, %select_n3A_969, %lt3A_975 : i32
      %ne3A_977 = arith.xori %lt3A_974, %lt3A_976 : i1
      %and3A_978 = arith.andi %ne3A_977, %ne3A_972 : i1
      %add3A_979 = arith.addi %rem3A_970, %select_n3A_969 : i32
      %select_n3A_980 = arith.select %and3A_978, %add3A_979, %rem3A_970 : i32
      %broadcast_in_dim3A_981 = vector.broadcast %select_n3A_980 : i32 to vector<16xi32>
      %broadcast_in_dim3A_982 = arith.constant 1 : i32
      %broadcast_in_dim3A_983 = vector.broadcast %broadcast_in_dim3A_982 : i32 to vector<16xi32>
      %jit3A_984 = arith.constant 8 : i32
      %eq3A_985 = arith.constant 0 : i32
      %eq3A_986 = arith.cmpi eq, %jit3A_984, %eq3A_985 : i32
      %jit3A_987 = arith.constant 1 : i32
      %select_n3A_988 = arith.select %eq3A_986, %jit3A_987, %jit3A_984 : i32
      %rem3A_989 = arith.remsi %scan3A_876, %select_n3A_988 : i32
      %ne3A_990 = arith.constant 0 : i32
      %ne3A_991 = arith.cmpi ne, %rem3A_989, %ne3A_990 : i32
      %lt3A_992 = arith.constant 0 : i32
      %lt3A_993 = arith.cmpi slt, %rem3A_989, %lt3A_992 : i32
      %lt3A_994 = arith.constant 0 : i32
      %lt3A_995 = arith.cmpi slt, %select_n3A_988, %lt3A_994 : i32
      %ne3A_996 = arith.xori %lt3A_993, %lt3A_995 : i1
      %and3A_997 = arith.andi %ne3A_996, %ne3A_991 : i1
      %add3A_998 = arith.addi %rem3A_989, %select_n3A_988 : i32
      %select_n3A_999 = arith.select %and3A_997, %add3A_998, %rem3A_989 : i32
      %mul3A_1000 = arith.constant 16 : i32
      %mul3A_1001 = arith.muli %select_n3A_999, %mul3A_1000 : i32
      %add3A_1002 = arith.constant 1 : i32
      %add3A_1003 = arith.addi %mul3A_1001, %add3A_1002 : i32
      %broadcast_in_dim3A_1004 = vector.broadcast %add3A_1003 : i32 to vector<16xi32>
      %dma_wait3A_1005 = arith.constant 1 : i32
      %dma_wait3A_1006 = arith.constant 0 : i32
      %dma_wait3A_1007 = arith.constant 0 : i32
      %dma_wait3A_1008 = tpu.memref_slice %arg9[%dma_wait3A_1005, %dma_wait3A_1006, %dma_wait3A_1007] : memref<16x16x128xf32, #tpu.memory_space<vmem>> -> memref<1x16x128xf32, #tpu.memory_space<vmem>>
      %dma_wait3A_1009 = tpu.memref_squeeze %dma_wait3A_1008 : memref<1x16x128xf32, #tpu.memory_space<vmem>> -> memref<16x128xf32, #tpu.memory_space<vmem>>
      %dma_wait3A_1010 = arith.constant 0 : i32
      %dma_wait3A_1011 = arith.constant 0 : i32
      %dma_wait3A_1012 = tpu.memref_slice %arg3[%dma_wait3A_1010, %dma_wait3A_1011] : memref<16x1000000xf32, #tpu.memory_space<hbm>> -> memref<16x128xf32, #tpu.memory_space<hbm>>
      %dma_wait3A_1013 = arith.constant 0 : i32
      %dma_wait3A_1014 = arith.constant 0 : i32
      %dma_wait3A_1015 = tpu.memref_slice %arg9[%dma_wait3A_1005, %dma_wait3A_1013, %dma_wait3A_1014] : memref<16x16x128xf32, #tpu.memory_space<vmem>> -> memref<1x16x128xf32, #tpu.memory_space<vmem>>
      %dma_wait3A_1016 = tpu.memref_squeeze %dma_wait3A_1015 : memref<1x16x128xf32, #tpu.memory_space<vmem>> -> memref<16x128xf32, #tpu.memory_space<vmem>>
      %dma_wait3A_1017 = arith.constant 0 : i32
      %dma_wait3A_1018 = arith.constant 0 : i32
      %dma_wait3A_1019 = tpu.memref_slice %arg3[%dma_wait3A_1017, %dma_wait3A_1018] : memref<16x1000000xf32, #tpu.memory_space<hbm>> -> memref<16x128xf32, #tpu.memory_space<hbm>>
      tpu.wait_dma2 semaphore(%arg14 : memref<!tpu.dma_semaphore, #tpu.memory_space<semaphore_mem>>) src(%dma_wait3A_1019 : memref<16x128xf32, #tpu.memory_space<hbm>>) dst(%dma_wait3A_1016 : memref<16x128xf32, #tpu.memory_space<vmem>>)
      %dma_wait3A_1020 = arith.constant 1 : i32
      %dma_wait3A_1021 = arith.constant 0 : i32
      %dma_wait3A_1022 = arith.constant 0 : i32
      %dma_wait3A_1023 = tpu.memref_slice %arg10[%dma_wait3A_1020, %dma_wait3A_1021, %dma_wait3A_1022] : memref<16x16x128xf32, #tpu.memory_space<vmem>> -> memref<1x16x128xf32, #tpu.memory_space<vmem>>
      %dma_wait3A_1024 = tpu.memref_squeeze %dma_wait3A_1023 : memref<1x16x128xf32, #tpu.memory_space<vmem>> -> memref<16x128xf32, #tpu.memory_space<vmem>>
      %dma_wait3A_1025 = arith.constant 0 : i32
      %dma_wait3A_1026 = arith.constant 0 : i32
      %dma_wait3A_1027 = tpu.memref_slice %arg4[%dma_wait3A_1025, %dma_wait3A_1026] : memref<16x1000001xf32, #tpu.memory_space<hbm>> -> memref<16x128xf32, #tpu.memory_space<hbm>>
      %dma_wait3A_1028 = arith.constant 0 : i32
      %dma_wait3A_1029 = arith.constant 0 : i32
      %dma_wait3A_1030 = tpu.memref_slice %arg10[%dma_wait3A_1020, %dma_wait3A_1028, %dma_wait3A_1029] : memref<16x16x128xf32, #tpu.memory_space<vmem>> -> memref<1x16x128xf32, #tpu.memory_space<vmem>>
      %dma_wait3A_1031 = tpu.memref_squeeze %dma_wait3A_1030 : memref<1x16x128xf32, #tpu.memory_space<vmem>> -> memref<16x128xf32, #tpu.memory_space<vmem>>
      %dma_wait3A_1032 = arith.constant 0 : i32
      %dma_wait3A_1033 = arith.constant 0 : i32
      %dma_wait3A_1034 = tpu.memref_slice %arg4[%dma_wait3A_1032, %dma_wait3A_1033] : memref<16x1000001xf32, #tpu.memory_space<hbm>> -> memref<16x128xf32, #tpu.memory_space<hbm>>
      tpu.wait_dma2 semaphore(%arg15 : memref<!tpu.dma_semaphore, #tpu.memory_space<semaphore_mem>>) src(%dma_wait3A_1034 : memref<16x128xf32, #tpu.memory_space<hbm>>) dst(%dma_wait3A_1031 : memref<16x128xf32, #tpu.memory_space<vmem>>)
      %gather3A_1035 = tpu.vector_load_idx %arg9[%broadcast_in_dim3A_983, %iota3A, %broadcast_in_dim3A_981] : memref<16x16x128xf32, #tpu.memory_space<vmem>>[vector<16xi32>, vector<16xi32>, vector<16xi32>], vector<16xf32>,
      %gather3A_1036 = tpu.vector_load_idx %arg10[%broadcast_in_dim3A_983, %iota3A, %broadcast_in_dim3A_981] : memref<16x16x128xf32, #tpu.memory_space<vmem>>[vector<16xi32>, vector<16xi32>, vector<16xi32>], vector<16xf32>,
      %lt3A_1037 = arith.constant 31 : i32
      %lt3A_1038 = arith.cmpi slt, %scan3A_876, %lt3A_1037 : i32
      %convert_element_type3A_1039 = arith.extui %lt3A_1038 : i1 to i32
      %cond3A_1040 = arith.constant 0 : i32
      %cond3A_1041 = arith.cmpi ne, %convert_element_type3A_1039, %cond3A_1040 : i32
      scf.if %cond3A_1041 {
        %slice3A_2268 = vector.extract_strided_slice %gather3A_889 {offsets = [1], sizes = [1], strides = [1]} : vector<16xi32> to vector<1xi32>
        %squeeze3A_2269 = vector.extract %slice3A_2268[0] : i32 from vector<1xi32>
        %jit3A_2270 = arith.constant 128 : i32
        %div3A_2271 = arith.divsi %squeeze3A_2269, %jit3A_2270 : i32
        %sign3A_2272 = arith.constant 0 : i32
        %sign3A_2273 = arith.cmpi sgt, %squeeze3A_2269, %sign3A_2272 : i32
        %sign3A_2274 = arith.extui %sign3A_2273 : i1 to i32
        %sign3A_2275 = arith.constant 0 : i32
        %sign3A_2276 = arith.cmpi slt, %squeeze3A_2269, %sign3A_2275 : i32
        %sign3A_2277 = arith.extui %sign3A_2276 : i1 to i32
        %sign3A_2278 = arith.subi %sign3A_2274, %sign3A_2277 : i32
        %sign3A_2279 = arith.constant 0 : i32
        %sign3A_2280 = arith.cmpi sgt, %jit3A_2270, %sign3A_2279 : i32
        %sign3A_2281 = arith.extui %sign3A_2280 : i1 to i32
        %sign3A_2282 = arith.constant 0 : i32
        %sign3A_2283 = arith.cmpi slt, %jit3A_2270, %sign3A_2282 : i32
        %sign3A_2284 = arith.extui %sign3A_2283 : i1 to i32
        %sign3A_2285 = arith.subi %sign3A_2281, %sign3A_2284 : i32
        %ne3A_2286 = arith.cmpi ne, %sign3A_2278, %sign3A_2285 : i32
        %rem3A_2287 = arith.remsi %squeeze3A_2269, %jit3A_2270 : i32
        %ne3A_2288 = arith.constant 0 : i32
        %ne3A_2289 = arith.cmpi ne, %rem3A_2287, %ne3A_2288 : i32
        %and3A_2290 = arith.andi %ne3A_2286, %ne3A_2289 : i1
        %sub3A_2291 = arith.constant 1 : i32
        %sub3A_2292 = arith.subi %div3A_2271, %sub3A_2291 : i32
        %select_n3A_2293 = arith.select %and3A_2290, %sub3A_2292, %div3A_2271 : i32
        %mul3A_2294 = arith.constant 128 : i32
        %mul3A_2295 = arith.muli %select_n3A_2293, %mul3A_2294 : i32
        %multiple_of3A_2296 = tpu.assume_multiple %mul3A_2295, 128 : i32
        %dma_start3A_2297 = arith.constant 1 : i32
        %dma_start3A_2298 = arith.constant 0 : i32
        %dma_start3A_2299 = arith.constant 0 : i32
        %dma_start3A_2300 = tpu.memref_slice %arg9[%dma_start3A_2297, %dma_start3A_2298, %dma_start3A_2299] : memref<16x16x128xf32, #tpu.memory_space<vmem>> -> memref<1x16x128xf32, #tpu.memory_space<vmem>>
        %dma_start3A_2301 = tpu.memref_squeeze %dma_start3A_2300 : memref<1x16x128xf32, #tpu.memory_space<vmem>> -> memref<16x128xf32, #tpu.memory_space<vmem>>
        %dma_start3A_2302 = arith.constant 0 : i32
        %dma_start3A_2303 = tpu.memref_slice %arg3[%dma_start3A_2302, %multiple_of3A_2296] : memref<16x1000000xf32, #tpu.memory_space<hbm>> -> memref<16x128xf32, #tpu.memory_space<hbm>>
        %dma_start3A_2304 = arith.constant 0 : i32
        %dma_start3A_2305 = arith.constant 0 : i32
        %dma_start3A_2306 = tpu.memref_slice %arg9[%dma_start3A_2297, %dma_start3A_2304, %dma_start3A_2305] : memref<16x16x128xf32, #tpu.memory_space<vmem>> -> memref<1x16x128xf32, #tpu.memory_space<vmem>>
        %dma_start3A_2307 = tpu.memref_squeeze %dma_start3A_2306 : memref<1x16x128xf32, #tpu.memory_space<vmem>> -> memref<16x128xf32, #tpu.memory_space<vmem>>
        %dma_start3A_2308 = arith.constant 0 : i32
        %dma_start3A_2309 = tpu.memref_slice %arg3[%dma_start3A_2308, %multiple_of3A_2296] : memref<16x1000000xf32, #tpu.memory_space<hbm>> -> memref<16x128xf32, #tpu.memory_space<hbm>>
        tpu.enqueue_dma source(%dma_start3A_2309 : memref<16x128xf32, #tpu.memory_space<hbm>>) target(%dma_start3A_2307 : memref<16x128xf32, #tpu.memory_space<vmem>>) target_semaphore(%arg14 : memref<!tpu.dma_semaphore, #tpu.memory_space<semaphore_mem>>)
        %dma_start3A_2310 = arith.constant 1 : i32
        %dma_start3A_2311 = arith.constant 0 : i32
        %dma_start3A_2312 = arith.constant 0 : i32
        %dma_start3A_2313 = tpu.memref_slice %arg10[%dma_start3A_2310, %dma_start3A_2311, %dma_start3A_2312] : memref<16x16x128xf32, #tpu.memory_space<vmem>> -> memref<1x16x128xf32, #tpu.memory_space<vmem>>
        %dma_start3A_2314 = tpu.memref_squeeze %dma_start3A_2313 : memref<1x16x128xf32, #tpu.memory_space<vmem>> -> memref<16x128xf32, #tpu.memory_space<vmem>>
        %dma_start3A_2315 = arith.constant 0 : i32
        %dma_start3A_2316 = tpu.memref_slice %arg4[%dma_start3A_2315, %multiple_of3A_2296] : memref<16x1000001xf32, #tpu.memory_space<hbm>> -> memref<16x128xf32, #tpu.memory_space<hbm>>
        %dma_start3A_2317 = arith.constant 0 : i32
        %dma_start3A_2318 = arith.constant 0 : i32
        %dma_start3A_2319 = tpu.memref_slice %arg10[%dma_start3A_2310, %dma_start3A_2317, %dma_start3A_2318] : memref<16x16x128xf32, #tpu.memory_space<vmem>> -> memref<1x16x128xf32, #tpu.memory_space<vmem>>
        %dma_start3A_2320 = tpu.memref_squeeze %dma_start3A_2319 : memref<1x16x128xf32, #tpu.memory_space<vmem>> -> memref<16x128xf32, #tpu.memory_space<vmem>>
        %dma_start3A_2321 = arith.constant 0 : i32
        %dma_start3A_2322 = tpu.memref_slice %arg4[%dma_start3A_2321, %multiple_of3A_2296] : memref<16x1000001xf32, #tpu.memory_space<hbm>> -> memref<16x128xf32, #tpu.memory_space<hbm>>
        tpu.enqueue_dma source(%dma_start3A_2322 : memref<16x128xf32, #tpu.memory_space<hbm>>) target(%dma_start3A_2320 : memref<16x128xf32, #tpu.memory_space<vmem>>) target_semaphore(%arg15 : memref<!tpu.dma_semaphore, #tpu.memory_space<semaphore_mem>>)
      } else {
      }
      tpu.vector_store_idx %arg11[%iota3A, %broadcast_in_dim3A_1004], %gather3A_1035 : memref<16x128xf32, #tpu.memory_space<vmem>>[vector<16xi32>, vector<16xi32>], vector<16xf32>,
      tpu.vector_store_idx %arg12[%iota3A, %broadcast_in_dim3A_1004], %gather3A_1036 : memref<16x128xf32, #tpu.memory_space<vmem>>[vector<16xi32>, vector<16xi32>], vector<16xf32>,
      %slice3A_1042 = vector.extract_strided_slice %gather3A_881 {offsets = [2], sizes = [1], strides = [1]} : vector<16xi32> to vector<1xi32>
      %squeeze3A_1043 = vector.extract %slice3A_1042[0] : i32 from vector<1xi32>
      %jit3A_1044 = arith.constant 128 : i32
      %eq3A_1045 = arith.constant 0 : i32
      %eq3A_1046 = arith.cmpi eq, %jit3A_1044, %eq3A_1045 : i32
      %jit3A_1047 = arith.constant 1 : i32
      %select_n3A_1048 = arith.select %eq3A_1046, %jit3A_1047, %jit3A_1044 : i32
      %rem3A_1049 = arith.remsi %squeeze3A_1043, %select_n3A_1048 : i32
      %ne3A_1050 = arith.constant 0 : i32
      %ne3A_1051 = arith.cmpi ne, %rem3A_1049, %ne3A_1050 : i32
      %lt3A_1052 = arith.constant 0 : i32
      %lt3A_1053 = arith.cmpi slt, %rem3A_1049, %lt3A_1052 : i32
      %lt3A_1054 = arith.constant 0 : i32
      %lt3A_1055 = arith.cmpi slt, %select_n3A_1048, %lt3A_1054 : i32
      %ne3A_1056 = arith.xori %lt3A_1053, %lt3A_1055 : i1
      %and3A_1057 = arith.andi %ne3A_1056, %ne3A_1051 : i1
      %add3A_1058 = arith.addi %rem3A_1049, %select_n3A_1048 : i32
      %select_n3A_1059 = arith.select %and3A_1057, %add3A_1058, %rem3A_1049 : i32
      %broadcast_in_dim3A_1060 = vector.broadcast %select_n3A_1059 : i32 to vector<16xi32>
      %broadcast_in_dim3A_1061 = arith.constant 2 : i32
      %broadcast_in_dim3A_1062 = vector.broadcast %broadcast_in_dim3A_1061 : i32 to vector<16xi32>
      %jit3A_1063 = arith.constant 8 : i32
      %eq3A_1064 = arith.constant 0 : i32
      %eq3A_1065 = arith.cmpi eq, %jit3A_1063, %eq3A_1064 : i32
      %jit3A_1066 = arith.constant 1 : i32
      %select_n3A_1067 = arith.select %eq3A_1065, %jit3A_1066, %jit3A_1063 : i32
      %rem3A_1068 = arith.remsi %scan3A_876, %select_n3A_1067 : i32
      %ne3A_1069 = arith.constant 0 : i32
      %ne3A_1070 = arith.cmpi ne, %rem3A_1068, %ne3A_1069 : i32
      %lt3A_1071 = arith.constant 0 : i32
      %lt3A_1072 = arith.cmpi slt, %rem3A_1068, %lt3A_1071 : i32
      %lt3A_1073 = arith.constant 0 : i32
      %lt3A_1074 = arith.cmpi slt, %select_n3A_1067, %lt3A_1073 : i32
      %ne3A_1075 = arith.xori %lt3A_1072, %lt3A_1074 : i1
      %and3A_1076 = arith.andi %ne3A_1075, %ne3A_1070 : i1
      %add3A_1077 = arith.addi %rem3A_1068, %select_n3A_1067 : i32
      %select_n3A_1078 = arith.select %and3A_1076, %add3A_1077, %rem3A_1068 : i32
      %mul3A_1079 = arith.constant 16 : i32
      %mul3A_1080 = arith.muli %select_n3A_1078, %mul3A_1079 : i32
      %add3A_1081 = arith.constant 2 : i32
      %add3A_1082 = arith.addi %mul3A_1080, %add3A_1081 : i32
      %broadcast_in_dim3A_1083 = vector.broadcast %add3A_1082 : i32 to vector<16xi32>
      %dma_wait3A_1084 = arith.constant 2 : i32
      %dma_wait3A_1085 = arith.constant 0 : i32
      %dma_wait3A_1086 = arith.constant 0 : i32
      %dma_wait3A_1087 = tpu.memref_slice %arg9[%dma_wait3A_1084, %dma_wait3A_1085, %dma_wait3A_1086] : memref<16x16x128xf32, #tpu.memory_space<vmem>> -> memref<1x16x128xf32, #tpu.memory_space<vmem>>
      %dma_wait3A_1088 = tpu.memref_squeeze %dma_wait3A_1087 : memref<1x16x128xf32, #tpu.memory_space<vmem>> -> memref<16x128xf32, #tpu.memory_space<vmem>>
      %dma_wait3A_1089 = arith.constant 0 : i32
      %dma_wait3A_1090 = arith.constant 0 : i32
      %dma_wait3A_1091 = tpu.memref_slice %arg3[%dma_wait3A_1089, %dma_wait3A_1090] : memref<16x1000000xf32, #tpu.memory_space<hbm>> -> memref<16x128xf32, #tpu.memory_space<hbm>>
      %dma_wait3A_1092 = arith.constant 0 : i32
      %dma_wait3A_1093 = arith.constant 0 : i32
      %dma_wait3A_1094 = tpu.memref_slice %arg9[%dma_wait3A_1084, %dma_wait3A_1092, %dma_wait3A_1093] : memref<16x16x128xf32, #tpu.memory_space<vmem>> -> memref<1x16x128xf32, #tpu.memory_space<vmem>>
      %dma_wait3A_1095 = tpu.memref_squeeze %dma_wait3A_1094 : memref<1x16x128xf32, #tpu.memory_space<vmem>> -> memref<16x128xf32, #tpu.memory_space<vmem>>
      %dma_wait3A_1096 = arith.constant 0 : i32
      %dma_wait3A_1097 = arith.constant 0 : i32
      %dma_wait3A_1098 = tpu.memref_slice %arg3[%dma_wait3A_1096, %dma_wait3A_1097] : memref<16x1000000xf32, #tpu.memory_space<hbm>> -> memref<16x128xf32, #tpu.memory_space<hbm>>
      tpu.wait_dma2 semaphore(%arg14 : memref<!tpu.dma_semaphore, #tpu.memory_space<semaphore_mem>>) src(%dma_wait3A_1098 : memref<16x128xf32, #tpu.memory_space<hbm>>) dst(%dma_wait3A_1095 : memref<16x128xf32, #tpu.memory_space<vmem>>)
      %dma_wait3A_1099 = arith.constant 2 : i32
      %dma_wait3A_1100 = arith.constant 0 : i32
      %dma_wait3A_1101 = arith.constant 0 : i32
      %dma_wait3A_1102 = tpu.memref_slice %arg10[%dma_wait3A_1099, %dma_wait3A_1100, %dma_wait3A_1101] : memref<16x16x128xf32, #tpu.memory_space<vmem>> -> memref<1x16x128xf32, #tpu.memory_space<vmem>>
      %dma_wait3A_1103 = tpu.memref_squeeze %dma_wait3A_1102 : memref<1x16x128xf32, #tpu.memory_space<vmem>> -> memref<16x128xf32, #tpu.memory_space<vmem>>
      %dma_wait3A_1104 = arith.constant 0 : i32
      %dma_wait3A_1105 = arith.constant 0 : i32
      %dma_wait3A_1106 = tpu.memref_slice %arg4[%dma_wait3A_1104, %dma_wait3A_1105] : memref<16x1000001xf32, #tpu.memory_space<hbm>> -> memref<16x128xf32, #tpu.memory_space<hbm>>
      %dma_wait3A_1107 = arith.constant 0 : i32
      %dma_wait3A_1108 = arith.constant 0 : i32
      %dma_wait3A_1109 = tpu.memref_slice %arg10[%dma_wait3A_1099, %dma_wait3A_1107, %dma_wait3A_1108] : memref<16x16x128xf32, #tpu.memory_space<vmem>> -> memref<1x16x128xf32, #tpu.memory_space<vmem>>
      %dma_wait3A_1110 = tpu.memref_squeeze %dma_wait3A_1109 : memref<1x16x128xf32, #tpu.memory_space<vmem>> -> memref<16x128xf32, #tpu.memory_space<vmem>>
      %dma_wait3A_1111 = arith.constant 0 : i32
      %dma_wait3A_1112 = arith.constant 0 : i32
      %dma_wait3A_1113 = tpu.memref_slice %arg4[%dma_wait3A_1111, %dma_wait3A_1112] : memref<16x1000001xf32, #tpu.memory_space<hbm>> -> memref<16x128xf32, #tpu.memory_space<hbm>>
      tpu.wait_dma2 semaphore(%arg15 : memref<!tpu.dma_semaphore, #tpu.memory_space<semaphore_mem>>) src(%dma_wait3A_1113 : memref<16x128xf32, #tpu.memory_space<hbm>>) dst(%dma_wait3A_1110 : memref<16x128xf32, #tpu.memory_space<vmem>>)
      %gather3A_1114 = tpu.vector_load_idx %arg9[%broadcast_in_dim3A_1062, %iota3A, %broadcast_in_dim3A_1060] : memref<16x16x128xf32, #tpu.memory_space<vmem>>[vector<16xi32>, vector<16xi32>, vector<16xi32>], vector<16xf32>,
      %gather3A_1115 = tpu.vector_load_idx %arg10[%broadcast_in_dim3A_1062, %iota3A, %broadcast_in_dim3A_1060] : memref<16x16x128xf32, #tpu.memory_space<vmem>>[vector<16xi32>, vector<16xi32>, vector<16xi32>], vector<16xf32>,
      %lt3A_1116 = arith.constant 31 : i32
      %lt3A_1117 = arith.cmpi slt, %scan3A_876, %lt3A_1116 : i32
      %convert_element_type3A_1118 = arith.extui %lt3A_1117 : i1 to i32
      %cond3A_1119 = arith.constant 0 : i32
      %cond3A_1120 = arith.cmpi ne, %convert_element_type3A_1118, %cond3A_1119 : i32
      scf.if %cond3A_1120 {
        %slice3A_2268 = vector.extract_strided_slice %gather3A_889 {offsets = [2], sizes = [1], strides = [1]} : vector<16xi32> to vector<1xi32>
        %squeeze3A_2269 = vector.extract %slice3A_2268[0] : i32 from vector<1xi32>
        %jit3A_2270 = arith.constant 128 : i32
        %div3A_2271 = arith.divsi %squeeze3A_2269, %jit3A_2270 : i32
        %sign3A_2272 = arith.constant 0 : i32
        %sign3A_2273 = arith.cmpi sgt, %squeeze3A_2269, %sign3A_2272 : i32
        %sign3A_2274 = arith.extui %sign3A_2273 : i1 to i32
        %sign3A_2275 = arith.constant 0 : i32
        %sign3A_2276 = arith.cmpi slt, %squeeze3A_2269, %sign3A_2275 : i32
        %sign3A_2277 = arith.extui %sign3A_2276 : i1 to i32
        %sign3A_2278 = arith.subi %sign3A_2274, %sign3A_2277 : i32
        %sign3A_2279 = arith.constant 0 : i32
        %sign3A_2280 = arith.cmpi sgt, %jit3A_2270, %sign3A_2279 : i32
        %sign3A_2281 = arith.extui %sign3A_2280 : i1 to i32
        %sign3A_2282 = arith.constant 0 : i32
        %sign3A_2283 = arith.cmpi slt, %jit3A_2270, %sign3A_2282 : i32
        %sign3A_2284 = arith.extui %sign3A_2283 : i1 to i32
        %sign3A_2285 = arith.subi %sign3A_2281, %sign3A_2284 : i32
        %ne3A_2286 = arith.cmpi ne, %sign3A_2278, %sign3A_2285 : i32
        %rem3A_2287 = arith.remsi %squeeze3A_2269, %jit3A_2270 : i32
        %ne3A_2288 = arith.constant 0 : i32
        %ne3A_2289 = arith.cmpi ne, %rem3A_2287, %ne3A_2288 : i32
        %and3A_2290 = arith.andi %ne3A_2286, %ne3A_2289 : i1
        %sub3A_2291 = arith.constant 1 : i32
        %sub3A_2292 = arith.subi %div3A_2271, %sub3A_2291 : i32
        %select_n3A_2293 = arith.select %and3A_2290, %sub3A_2292, %div3A_2271 : i32
        %mul3A_2294 = arith.constant 128 : i32
        %mul3A_2295 = arith.muli %select_n3A_2293, %mul3A_2294 : i32
        %multiple_of3A_2296 = tpu.assume_multiple %mul3A_2295, 128 : i32
        %dma_start3A_2297 = arith.constant 2 : i32
        %dma_start3A_2298 = arith.constant 0 : i32
        %dma_start3A_2299 = arith.constant 0 : i32
        %dma_start3A_2300 = tpu.memref_slice %arg9[%dma_start3A_2297, %dma_start3A_2298, %dma_start3A_2299] : memref<16x16x128xf32, #tpu.memory_space<vmem>> -> memref<1x16x128xf32, #tpu.memory_space<vmem>>
        %dma_start3A_2301 = tpu.memref_squeeze %dma_start3A_2300 : memref<1x16x128xf32, #tpu.memory_space<vmem>> -> memref<16x128xf32, #tpu.memory_space<vmem>>
        %dma_start3A_2302 = arith.constant 0 : i32
        %dma_start3A_2303 = tpu.memref_slice %arg3[%dma_start3A_2302, %multiple_of3A_2296] : memref<16x1000000xf32, #tpu.memory_space<hbm>> -> memref<16x128xf32, #tpu.memory_space<hbm>>
        %dma_start3A_2304 = arith.constant 0 : i32
        %dma_start3A_2305 = arith.constant 0 : i32
        %dma_start3A_2306 = tpu.memref_slice %arg9[%dma_start3A_2297, %dma_start3A_2304, %dma_start3A_2305] : memref<16x16x128xf32, #tpu.memory_space<vmem>> -> memref<1x16x128xf32, #tpu.memory_space<vmem>>
        %dma_start3A_2307 = tpu.memref_squeeze %dma_start3A_2306 : memref<1x16x128xf32, #tpu.memory_space<vmem>> -> memref<16x128xf32, #tpu.memory_space<vmem>>
        %dma_start3A_2308 = arith.constant 0 : i32
        %dma_start3A_2309 = tpu.memref_slice %arg3[%dma_start3A_2308, %multiple_of3A_2296] : memref<16x1000000xf32, #tpu.memory_space<hbm>> -> memref<16x128xf32, #tpu.memory_space<hbm>>
        tpu.enqueue_dma source(%dma_start3A_2309 : memref<16x128xf32, #tpu.memory_space<hbm>>) target(%dma_start3A_2307 : memref<16x128xf32, #tpu.memory_space<vmem>>) target_semaphore(%arg14 : memref<!tpu.dma_semaphore, #tpu.memory_space<semaphore_mem>>)
        %dma_start3A_2310 = arith.constant 2 : i32
        %dma_start3A_2311 = arith.constant 0 : i32
        %dma_start3A_2312 = arith.constant 0 : i32
        %dma_start3A_2313 = tpu.memref_slice %arg10[%dma_start3A_2310, %dma_start3A_2311, %dma_start3A_2312] : memref<16x16x128xf32, #tpu.memory_space<vmem>> -> memref<1x16x128xf32, #tpu.memory_space<vmem>>
        %dma_start3A_2314 = tpu.memref_squeeze %dma_start3A_2313 : memref<1x16x128xf32, #tpu.memory_space<vmem>> -> memref<16x128xf32, #tpu.memory_space<vmem>>
        %dma_start3A_2315 = arith.constant 0 : i32
        %dma_start3A_2316 = tpu.memref_slice %arg4[%dma_start3A_2315, %multiple_of3A_2296] : memref<16x1000001xf32, #tpu.memory_space<hbm>> -> memref<16x128xf32, #tpu.memory_space<hbm>>
        %dma_start3A_2317 = arith.constant 0 : i32
        %dma_start3A_2318 = arith.constant 0 : i32
        %dma_start3A_2319 = tpu.memref_slice %arg10[%dma_start3A_2310, %dma_start3A_2317, %dma_start3A_2318] : memref<16x16x128xf32, #tpu.memory_space<vmem>> -> memref<1x16x128xf32, #tpu.memory_space<vmem>>
        %dma_start3A_2320 = tpu.memref_squeeze %dma_start3A_2319 : memref<1x16x128xf32, #tpu.memory_space<vmem>> -> memref<16x128xf32, #tpu.memory_space<vmem>>
        %dma_start3A_2321 = arith.constant 0 : i32
        %dma_start3A_2322 = tpu.memref_slice %arg4[%dma_start3A_2321, %multiple_of3A_2296] : memref<16x1000001xf32, #tpu.memory_space<hbm>> -> memref<16x128xf32, #tpu.memory_space<hbm>>
        tpu.enqueue_dma source(%dma_start3A_2322 : memref<16x128xf32, #tpu.memory_space<hbm>>) target(%dma_start3A_2320 : memref<16x128xf32, #tpu.memory_space<vmem>>) target_semaphore(%arg15 : memref<!tpu.dma_semaphore, #tpu.memory_space<semaphore_mem>>)
      } else {
      }
      tpu.vector_store_idx %arg11[%iota3A, %broadcast_in_dim3A_1083], %gather3A_1114 : memref<16x128xf32, #tpu.memory_space<vmem>>[vector<16xi32>, vector<16xi32>], vector<16xf32>,
      tpu.vector_store_idx %arg12[%iota3A, %broadcast_in_dim3A_1083], %gather3A_1115 : memref<16x128xf32, #tpu.memory_space<vmem>>[vector<16xi32>, vector<16xi32>], vector<16xf32>,
      %slice3A_1121 = vector.extract_strided_slice %gather3A_881 {offsets = [3], sizes = [1], strides = [1]} : vector<16xi32> to vector<1xi32>
      %squeeze3A_1122 = vector.extract %slice3A_1121[0] : i32 from vector<1xi32>
      %jit3A_1123 = arith.constant 128 : i32
      %eq3A_1124 = arith.constant 0 : i32
      %eq3A_1125 = arith.cmpi eq, %jit3A_1123, %eq3A_1124 : i32
      %jit3A_1126 = arith.constant 1 : i32
      %select_n3A_1127 = arith.select %eq3A_1125, %jit3A_1126, %jit3A_1123 : i32
      %rem3A_1128 = arith.remsi %squeeze3A_1122, %select_n3A_1127 : i32
      %ne3A_1129 = arith.constant 0 : i32
      %ne3A_1130 = arith.cmpi ne, %rem3A_1128, %ne3A_1129 : i32
      %lt3A_1131 = arith.constant 0 : i32
      %lt3A_1132 = arith.cmpi slt, %rem3A_1128, %lt3A_1131 : i32
      %lt3A_1133 = arith.constant 0 : i32
      %lt3A_1134 = arith.cmpi slt, %select_n3A_1127, %lt3A_1133 : i32
      %ne3A_1135 = arith.xori %lt3A_1132, %lt3A_1134 : i1
      %and3A_1136 = arith.andi %ne3A_1135, %ne3A_1130 : i1
      %add3A_1137 = arith.addi %rem3A_1128, %select_n3A_1127 : i32
      %select_n3A_1138 = arith.select %and3A_1136, %add3A_1137, %rem3A_1128 : i32
      %broadcast_in_dim3A_1139 = vector.broadcast %select_n3A_1138 : i32 to vector<16xi32>
      %broadcast_in_dim3A_1140 = arith.constant 3 : i32
      %broadcast_in_dim3A_1141 = vector.broadcast %broadcast_in_dim3A_1140 : i32 to vector<16xi32>
      %jit3A_1142 = arith.constant 8 : i32
      %eq3A_1143 = arith.constant 0 : i32
      %eq3A_1144 = arith.cmpi eq, %jit3A_1142, %eq3A_1143 : i32
      %jit3A_1145 = arith.constant 1 : i32
      %select_n3A_1146 = arith.select %eq3A_1144, %jit3A_1145, %jit3A_1142 : i32
      %rem3A_1147 = arith.remsi %scan3A_876, %select_n3A_1146 : i32
      %ne3A_1148 = arith.constant 0 : i32
      %ne3A_1149 = arith.cmpi ne, %rem3A_1147, %ne3A_1148 : i32
      %lt3A_1150 = arith.constant 0 : i32
      %lt3A_1151 = arith.cmpi slt, %rem3A_1147, %lt3A_1150 : i32
      %lt3A_1152 = arith.constant 0 : i32
      %lt3A_1153 = arith.cmpi slt, %select_n3A_1146, %lt3A_1152 : i32
      %ne3A_1154 = arith.xori %lt3A_1151, %lt3A_1153 : i1
      %and3A_1155 = arith.andi %ne3A_1154, %ne3A_1149 : i1
      %add3A_1156 = arith.addi %rem3A_1147, %select_n3A_1146 : i32
      %select_n3A_1157 = arith.select %and3A_1155, %add3A_1156, %rem3A_1147 : i32
      %mul3A_1158 = arith.constant 16 : i32
      %mul3A_1159 = arith.muli %select_n3A_1157, %mul3A_1158 : i32
      %add3A_1160 = arith.constant 3 : i32
      %add3A_1161 = arith.addi %mul3A_1159, %add3A_1160 : i32
      %broadcast_in_dim3A_1162 = vector.broadcast %add3A_1161 : i32 to vector<16xi32>
      %dma_wait3A_1163 = arith.constant 3 : i32
      %dma_wait3A_1164 = arith.constant 0 : i32
      %dma_wait3A_1165 = arith.constant 0 : i32
      %dma_wait3A_1166 = tpu.memref_slice %arg9[%dma_wait3A_1163, %dma_wait3A_1164, %dma_wait3A_1165] : memref<16x16x128xf32, #tpu.memory_space<vmem>> -> memref<1x16x128xf32, #tpu.memory_space<vmem>>
      %dma_wait3A_1167 = tpu.memref_squeeze %dma_wait3A_1166 : memref<1x16x128xf32, #tpu.memory_space<vmem>> -> memref<16x128xf32, #tpu.memory_space<vmem>>
      %dma_wait3A_1168 = arith.constant 0 : i32
      %dma_wait3A_1169 = arith.constant 0 : i32
      %dma_wait3A_1170 = tpu.memref_slice %arg3[%dma_wait3A_1168, %dma_wait3A_1169] : memref<16x1000000xf32, #tpu.memory_space<hbm>> -> memref<16x128xf32, #tpu.memory_space<hbm>>
      %dma_wait3A_1171 = arith.constant 0 : i32
      %dma_wait3A_1172 = arith.constant 0 : i32
      %dma_wait3A_1173 = tpu.memref_slice %arg9[%dma_wait3A_1163, %dma_wait3A_1171, %dma_wait3A_1172] : memref<16x16x128xf32, #tpu.memory_space<vmem>> -> memref<1x16x128xf32, #tpu.memory_space<vmem>>
      %dma_wait3A_1174 = tpu.memref_squeeze %dma_wait3A_1173 : memref<1x16x128xf32, #tpu.memory_space<vmem>> -> memref<16x128xf32, #tpu.memory_space<vmem>>
      %dma_wait3A_1175 = arith.constant 0 : i32
      %dma_wait3A_1176 = arith.constant 0 : i32
      %dma_wait3A_1177 = tpu.memref_slice %arg3[%dma_wait3A_1175, %dma_wait3A_1176] : memref<16x1000000xf32, #tpu.memory_space<hbm>> -> memref<16x128xf32, #tpu.memory_space<hbm>>
      tpu.wait_dma2 semaphore(%arg14 : memref<!tpu.dma_semaphore, #tpu.memory_space<semaphore_mem>>) src(%dma_wait3A_1177 : memref<16x128xf32, #tpu.memory_space<hbm>>) dst(%dma_wait3A_1174 : memref<16x128xf32, #tpu.memory_space<vmem>>)
      %dma_wait3A_1178 = arith.constant 3 : i32
      %dma_wait3A_1179 = arith.constant 0 : i32
      %dma_wait3A_1180 = arith.constant 0 : i32
      %dma_wait3A_1181 = tpu.memref_slice %arg10[%dma_wait3A_1178, %dma_wait3A_1179, %dma_wait3A_1180] : memref<16x16x128xf32, #tpu.memory_space<vmem>> -> memref<1x16x128xf32, #tpu.memory_space<vmem>>
      %dma_wait3A_1182 = tpu.memref_squeeze %dma_wait3A_1181 : memref<1x16x128xf32, #tpu.memory_space<vmem>> -> memref<16x128xf32, #tpu.memory_space<vmem>>
      %dma_wait3A_1183 = arith.constant 0 : i32
      %dma_wait3A_1184 = arith.constant 0 : i32
      %dma_wait3A_1185 = tpu.memref_slice %arg4[%dma_wait3A_1183, %dma_wait3A_1184] : memref<16x1000001xf32, #tpu.memory_space<hbm>> -> memref<16x128xf32, #tpu.memory_space<hbm>>
      %dma_wait3A_1186 = arith.constant 0 : i32
      %dma_wait3A_1187 = arith.constant 0 : i32
      %dma_wait3A_1188 = tpu.memref_slice %arg10[%dma_wait3A_1178, %dma_wait3A_1186, %dma_wait3A_1187] : memref<16x16x128xf32, #tpu.memory_space<vmem>> -> memref<1x16x128xf32, #tpu.memory_space<vmem>>
      %dma_wait3A_1189 = tpu.memref_squeeze %dma_wait3A_1188 : memref<1x16x128xf32, #tpu.memory_space<vmem>> -> memref<16x128xf32, #tpu.memory_space<vmem>>
      %dma_wait3A_1190 = arith.constant 0 : i32
      %dma_wait3A_1191 = arith.constant 0 : i32
      %dma_wait3A_1192 = tpu.memref_slice %arg4[%dma_wait3A_1190, %dma_wait3A_1191] : memref<16x1000001xf32, #tpu.memory_space<hbm>> -> memref<16x128xf32, #tpu.memory_space<hbm>>
      tpu.wait_dma2 semaphore(%arg15 : memref<!tpu.dma_semaphore, #tpu.memory_space<semaphore_mem>>) src(%dma_wait3A_1192 : memref<16x128xf32, #tpu.memory_space<hbm>>) dst(%dma_wait3A_1189 : memref<16x128xf32, #tpu.memory_space<vmem>>)
      %gather3A_1193 = tpu.vector_load_idx %arg9[%broadcast_in_dim3A_1141, %iota3A, %broadcast_in_dim3A_1139] : memref<16x16x128xf32, #tpu.memory_space<vmem>>[vector<16xi32>, vector<16xi32>, vector<16xi32>], vector<16xf32>,
      %gather3A_1194 = tpu.vector_load_idx %arg10[%broadcast_in_dim3A_1141, %iota3A, %broadcast_in_dim3A_1139] : memref<16x16x128xf32, #tpu.memory_space<vmem>>[vector<16xi32>, vector<16xi32>, vector<16xi32>], vector<16xf32>,
      %lt3A_1195 = arith.constant 31 : i32
      %lt3A_1196 = arith.cmpi slt, %scan3A_876, %lt3A_1195 : i32
      %convert_element_type3A_1197 = arith.extui %lt3A_1196 : i1 to i32
      %cond3A_1198 = arith.constant 0 : i32
      %cond3A_1199 = arith.cmpi ne, %convert_element_type3A_1197, %cond3A_1198 : i32
      scf.if %cond3A_1199 {
        %slice3A_2268 = vector.extract_strided_slice %gather3A_889 {offsets = [3], sizes = [1], strides = [1]} : vector<16xi32> to vector<1xi32>
        %squeeze3A_2269 = vector.extract %slice3A_2268[0] : i32 from vector<1xi32>
        %jit3A_2270 = arith.constant 128 : i32
        %div3A_2271 = arith.divsi %squeeze3A_2269, %jit3A_2270 : i32
        %sign3A_2272 = arith.constant 0 : i32
        %sign3A_2273 = arith.cmpi sgt, %squeeze3A_2269, %sign3A_2272 : i32
        %sign3A_2274 = arith.extui %sign3A_2273 : i1 to i32
        %sign3A_2275 = arith.constant 0 : i32
        %sign3A_2276 = arith.cmpi slt, %squeeze3A_2269, %sign3A_2275 : i32
        %sign3A_2277 = arith.extui %sign3A_2276 : i1 to i32
        %sign3A_2278 = arith.subi %sign3A_2274, %sign3A_2277 : i32
        %sign3A_2279 = arith.constant 0 : i32
        %sign3A_2280 = arith.cmpi sgt, %jit3A_2270, %sign3A_2279 : i32
        %sign3A_2281 = arith.extui %sign3A_2280 : i1 to i32
        %sign3A_2282 = arith.constant 0 : i32
        %sign3A_2283 = arith.cmpi slt, %jit3A_2270, %sign3A_2282 : i32
        %sign3A_2284 = arith.extui %sign3A_2283 : i1 to i32
        %sign3A_2285 = arith.subi %sign3A_2281, %sign3A_2284 : i32
        %ne3A_2286 = arith.cmpi ne, %sign3A_2278, %sign3A_2285 : i32
        %rem3A_2287 = arith.remsi %squeeze3A_2269, %jit3A_2270 : i32
        %ne3A_2288 = arith.constant 0 : i32
        %ne3A_2289 = arith.cmpi ne, %rem3A_2287, %ne3A_2288 : i32
        %and3A_2290 = arith.andi %ne3A_2286, %ne3A_2289 : i1
        %sub3A_2291 = arith.constant 1 : i32
        %sub3A_2292 = arith.subi %div3A_2271, %sub3A_2291 : i32
        %select_n3A_2293 = arith.select %and3A_2290, %sub3A_2292, %div3A_2271 : i32
        %mul3A_2294 = arith.constant 128 : i32
        %mul3A_2295 = arith.muli %select_n3A_2293, %mul3A_2294 : i32
        %multiple_of3A_2296 = tpu.assume_multiple %mul3A_2295, 128 : i32
        %dma_start3A_2297 = arith.constant 3 : i32
        %dma_start3A_2298 = arith.constant 0 : i32
        %dma_start3A_2299 = arith.constant 0 : i32
        %dma_start3A_2300 = tpu.memref_slice %arg9[%dma_start3A_2297, %dma_start3A_2298, %dma_start3A_2299] : memref<16x16x128xf32, #tpu.memory_space<vmem>> -> memref<1x16x128xf32, #tpu.memory_space<vmem>>
        %dma_start3A_2301 = tpu.memref_squeeze %dma_start3A_2300 : memref<1x16x128xf32, #tpu.memory_space<vmem>> -> memref<16x128xf32, #tpu.memory_space<vmem>>
        %dma_start3A_2302 = arith.constant 0 : i32
        %dma_start3A_2303 = tpu.memref_slice %arg3[%dma_start3A_2302, %multiple_of3A_2296] : memref<16x1000000xf32, #tpu.memory_space<hbm>> -> memref<16x128xf32, #tpu.memory_space<hbm>>
        %dma_start3A_2304 = arith.constant 0 : i32
        %dma_start3A_2305 = arith.constant 0 : i32
        %dma_start3A_2306 = tpu.memref_slice %arg9[%dma_start3A_2297, %dma_start3A_2304, %dma_start3A_2305] : memref<16x16x128xf32, #tpu.memory_space<vmem>> -> memref<1x16x128xf32, #tpu.memory_space<vmem>>
        %dma_start3A_2307 = tpu.memref_squeeze %dma_start3A_2306 : memref<1x16x128xf32, #tpu.memory_space<vmem>> -> memref<16x128xf32, #tpu.memory_space<vmem>>
        %dma_start3A_2308 = arith.constant 0 : i32
        %dma_start3A_2309 = tpu.memref_slice %arg3[%dma_start3A_2308, %multiple_of3A_2296] : memref<16x1000000xf32, #tpu.memory_space<hbm>> -> memref<16x128xf32, #tpu.memory_space<hbm>>
        tpu.enqueue_dma source(%dma_start3A_2309 : memref<16x128xf32, #tpu.memory_space<hbm>>) target(%dma_start3A_2307 : memref<16x128xf32, #tpu.memory_space<vmem>>) target_semaphore(%arg14 : memref<!tpu.dma_semaphore, #tpu.memory_space<semaphore_mem>>)
        %dma_start3A_2310 = arith.constant 3 : i32
        %dma_start3A_2311 = arith.constant 0 : i32
        %dma_start3A_2312 = arith.constant 0 : i32
        %dma_start3A_2313 = tpu.memref_slice %arg10[%dma_start3A_2310, %dma_start3A_2311, %dma_start3A_2312] : memref<16x16x128xf32, #tpu.memory_space<vmem>> -> memref<1x16x128xf32, #tpu.memory_space<vmem>>
        %dma_start3A_2314 = tpu.memref_squeeze %dma_start3A_2313 : memref<1x16x128xf32, #tpu.memory_space<vmem>> -> memref<16x128xf32, #tpu.memory_space<vmem>>
        %dma_start3A_2315 = arith.constant 0 : i32
        %dma_start3A_2316 = tpu.memref_slice %arg4[%dma_start3A_2315, %multiple_of3A_2296] : memref<16x1000001xf32, #tpu.memory_space<hbm>> -> memref<16x128xf32, #tpu.memory_space<hbm>>
        %dma_start3A_2317 = arith.constant 0 : i32
        %dma_start3A_2318 = arith.constant 0 : i32
        %dma_start3A_2319 = tpu.memref_slice %arg10[%dma_start3A_2310, %dma_start3A_2317, %dma_start3A_2318] : memref<16x16x128xf32, #tpu.memory_space<vmem>> -> memref<1x16x128xf32, #tpu.memory_space<vmem>>
        %dma_start3A_2320 = tpu.memref_squeeze %dma_start3A_2319 : memref<1x16x128xf32, #tpu.memory_space<vmem>> -> memref<16x128xf32, #tpu.memory_space<vmem>>
        %dma_start3A_2321 = arith.constant 0 : i32
        %dma_start3A_2322 = tpu.memref_slice %arg4[%dma_start3A_2321, %multiple_of3A_2296] : memref<16x1000001xf32, #tpu.memory_space<hbm>> -> memref<16x128xf32, #tpu.memory_space<hbm>>
        tpu.enqueue_dma source(%dma_start3A_2322 : memref<16x128xf32, #tpu.memory_space<hbm>>) target(%dma_start3A_2320 : memref<16x128xf32, #tpu.memory_space<vmem>>) target_semaphore(%arg15 : memref<!tpu.dma_semaphore, #tpu.memory_space<semaphore_mem>>)
      } else {
      }
      tpu.vector_store_idx %arg11[%iota3A, %broadcast_in_dim3A_1162], %gather3A_1193 : memref<16x128xf32, #tpu.memory_space<vmem>>[vector<16xi32>, vector<16xi32>], vector<16xf32>,
      tpu.vector_store_idx %arg12[%iota3A, %broadcast_in_dim3A_1162], %gather3A_1194 : memref<16x128xf32, #tpu.memory_space<vmem>>[vector<16xi32>, vector<16xi32>], vector<16xf32>,
      %slice3A_1200 = vector.extract_strided_slice %gather3A_881 {offsets = [4], sizes = [1], strides = [1]} : vector<16xi32> to vector<1xi32>
      %squeeze3A_1201 = vector.extract %slice3A_1200[0] : i32 from vector<1xi32>
      %jit3A_1202 = arith.constant 128 : i32
      %eq3A_1203 = arith.constant 0 : i32
      %eq3A_1204 = arith.cmpi eq, %jit3A_1202, %eq3A_1203 : i32
      %jit3A_1205 = arith.constant 1 : i32
      %select_n3A_1206 = arith.select %eq3A_1204, %jit3A_1205, %jit3A_1202 : i32
      %rem3A_1207 = arith.remsi %squeeze3A_1201, %select_n3A_1206 : i32
      %ne3A_1208 = arith.constant 0 : i32
      %ne3A_1209 = arith.cmpi ne, %rem3A_1207, %ne3A_1208 : i32
      %lt3A_1210 = arith.constant 0 : i32
      %lt3A_1211 = arith.cmpi slt, %rem3A_1207, %lt3A_1210 : i32
      %lt3A_1212 = arith.constant 0 : i32
      %lt3A_1213 = arith.cmpi slt, %select_n3A_1206, %lt3A_1212 : i32
      %ne3A_1214 = arith.xori %lt3A_1211, %lt3A_1213 : i1
      %and3A_1215 = arith.andi %ne3A_1214, %ne3A_1209 : i1
      %add3A_1216 = arith.addi %rem3A_1207, %select_n3A_1206 : i32
      %select_n3A_1217 = arith.select %and3A_1215, %add3A_1216, %rem3A_1207 : i32
      %broadcast_in_dim3A_1218 = vector.broadcast %select_n3A_1217 : i32 to vector<16xi32>
      %broadcast_in_dim3A_1219 = arith.constant 4 : i32
      %broadcast_in_dim3A_1220 = vector.broadcast %broadcast_in_dim3A_1219 : i32 to vector<16xi32>
      %jit3A_1221 = arith.constant 8 : i32
      %eq3A_1222 = arith.constant 0 : i32
      %eq3A_1223 = arith.cmpi eq, %jit3A_1221, %eq3A_1222 : i32
      %jit3A_1224 = arith.constant 1 : i32
      %select_n3A_1225 = arith.select %eq3A_1223, %jit3A_1224, %jit3A_1221 : i32
      %rem3A_1226 = arith.remsi %scan3A_876, %select_n3A_1225 : i32
      %ne3A_1227 = arith.constant 0 : i32
      %ne3A_1228 = arith.cmpi ne, %rem3A_1226, %ne3A_1227 : i32
      %lt3A_1229 = arith.constant 0 : i32
      %lt3A_1230 = arith.cmpi slt, %rem3A_1226, %lt3A_1229 : i32
      %lt3A_1231 = arith.constant 0 : i32
      %lt3A_1232 = arith.cmpi slt, %select_n3A_1225, %lt3A_1231 : i32
      %ne3A_1233 = arith.xori %lt3A_1230, %lt3A_1232 : i1
      %and3A_1234 = arith.andi %ne3A_1233, %ne3A_1228 : i1
      %add3A_1235 = arith.addi %rem3A_1226, %select_n3A_1225 : i32
      %select_n3A_1236 = arith.select %and3A_1234, %add3A_1235, %rem3A_1226 : i32
      %mul3A_1237 = arith.constant 16 : i32
      %mul3A_1238 = arith.muli %select_n3A_1236, %mul3A_1237 : i32
      %add3A_1239 = arith.constant 4 : i32
      %add3A_1240 = arith.addi %mul3A_1238, %add3A_1239 : i32
      %broadcast_in_dim3A_1241 = vector.broadcast %add3A_1240 : i32 to vector<16xi32>
      %dma_wait3A_1242 = arith.constant 4 : i32
      %dma_wait3A_1243 = arith.constant 0 : i32
      %dma_wait3A_1244 = arith.constant 0 : i32
      %dma_wait3A_1245 = tpu.memref_slice %arg9[%dma_wait3A_1242, %dma_wait3A_1243, %dma_wait3A_1244] : memref<16x16x128xf32, #tpu.memory_space<vmem>> -> memref<1x16x128xf32, #tpu.memory_space<vmem>>
      %dma_wait3A_1246 = tpu.memref_squeeze %dma_wait3A_1245 : memref<1x16x128xf32, #tpu.memory_space<vmem>> -> memref<16x128xf32, #tpu.memory_space<vmem>>
      %dma_wait3A_1247 = arith.constant 0 : i32
      %dma_wait3A_1248 = arith.constant 0 : i32
      %dma_wait3A_1249 = tpu.memref_slice %arg3[%dma_wait3A_1247, %dma_wait3A_1248] : memref<16x1000000xf32, #tpu.memory_space<hbm>> -> memref<16x128xf32, #tpu.memory_space<hbm>>
      %dma_wait3A_1250 = arith.constant 0 : i32
      %dma_wait3A_1251 = arith.constant 0 : i32
      %dma_wait3A_1252 = tpu.memref_slice %arg9[%dma_wait3A_1242, %dma_wait3A_1250, %dma_wait3A_1251] : memref<16x16x128xf32, #tpu.memory_space<vmem>> -> memref<1x16x128xf32, #tpu.memory_space<vmem>>
      %dma_wait3A_1253 = tpu.memref_squeeze %dma_wait3A_1252 : memref<1x16x128xf32, #tpu.memory_space<vmem>> -> memref<16x128xf32, #tpu.memory_space<vmem>>
      %dma_wait3A_1254 = arith.constant 0 : i32
      %dma_wait3A_1255 = arith.constant 0 : i32
      %dma_wait3A_1256 = tpu.memref_slice %arg3[%dma_wait3A_1254, %dma_wait3A_1255] : memref<16x1000000xf32, #tpu.memory_space<hbm>> -> memref<16x128xf32, #tpu.memory_space<hbm>>
      tpu.wait_dma2 semaphore(%arg14 : memref<!tpu.dma_semaphore, #tpu.memory_space<semaphore_mem>>) src(%dma_wait3A_1256 : memref<16x128xf32, #tpu.memory_space<hbm>>) dst(%dma_wait3A_1253 : memref<16x128xf32, #tpu.memory_space<vmem>>)
      %dma_wait3A_1257 = arith.constant 4 : i32
      %dma_wait3A_1258 = arith.constant 0 : i32
      %dma_wait3A_1259 = arith.constant 0 : i32
      %dma_wait3A_1260 = tpu.memref_slice %arg10[%dma_wait3A_1257, %dma_wait3A_1258, %dma_wait3A_1259] : memref<16x16x128xf32, #tpu.memory_space<vmem>> -> memref<1x16x128xf32, #tpu.memory_space<vmem>>
      %dma_wait3A_1261 = tpu.memref_squeeze %dma_wait3A_1260 : memref<1x16x128xf32, #tpu.memory_space<vmem>> -> memref<16x128xf32, #tpu.memory_space<vmem>>
      %dma_wait3A_1262 = arith.constant 0 : i32
      %dma_wait3A_1263 = arith.constant 0 : i32
      %dma_wait3A_1264 = tpu.memref_slice %arg4[%dma_wait3A_1262, %dma_wait3A_1263] : memref<16x1000001xf32, #tpu.memory_space<hbm>> -> memref<16x128xf32, #tpu.memory_space<hbm>>
      %dma_wait3A_1265 = arith.constant 0 : i32
      %dma_wait3A_1266 = arith.constant 0 : i32
      %dma_wait3A_1267 = tpu.memref_slice %arg10[%dma_wait3A_1257, %dma_wait3A_1265, %dma_wait3A_1266] : memref<16x16x128xf32, #tpu.memory_space<vmem>> -> memref<1x16x128xf32, #tpu.memory_space<vmem>>
      %dma_wait3A_1268 = tpu.memref_squeeze %dma_wait3A_1267 : memref<1x16x128xf32, #tpu.memory_space<vmem>> -> memref<16x128xf32, #tpu.memory_space<vmem>>
      %dma_wait3A_1269 = arith.constant 0 : i32
      %dma_wait3A_1270 = arith.constant 0 : i32
      %dma_wait3A_1271 = tpu.memref_slice %arg4[%dma_wait3A_1269, %dma_wait3A_1270] : memref<16x1000001xf32, #tpu.memory_space<hbm>> -> memref<16x128xf32, #tpu.memory_space<hbm>>
      tpu.wait_dma2 semaphore(%arg15 : memref<!tpu.dma_semaphore, #tpu.memory_space<semaphore_mem>>) src(%dma_wait3A_1271 : memref<16x128xf32, #tpu.memory_space<hbm>>) dst(%dma_wait3A_1268 : memref<16x128xf32, #tpu.memory_space<vmem>>)
      %gather3A_1272 = tpu.vector_load_idx %arg9[%broadcast_in_dim3A_1220, %iota3A, %broadcast_in_dim3A_1218] : memref<16x16x128xf32, #tpu.memory_space<vmem>>[vector<16xi32>, vector<16xi32>, vector<16xi32>], vector<16xf32>,
      %gather3A_1273 = tpu.vector_load_idx %arg10[%broadcast_in_dim3A_1220, %iota3A, %broadcast_in_dim3A_1218] : memref<16x16x128xf32, #tpu.memory_space<vmem>>[vector<16xi32>, vector<16xi32>, vector<16xi32>], vector<16xf32>,
      %lt3A_1274 = arith.constant 31 : i32
      %lt3A_1275 = arith.cmpi slt, %scan3A_876, %lt3A_1274 : i32
      %convert_element_type3A_1276 = arith.extui %lt3A_1275 : i1 to i32
      %cond3A_1277 = arith.constant 0 : i32
      %cond3A_1278 = arith.cmpi ne, %convert_element_type3A_1276, %cond3A_1277 : i32
      scf.if %cond3A_1278 {
        %slice3A_2268 = vector.extract_strided_slice %gather3A_889 {offsets = [4], sizes = [1], strides = [1]} : vector<16xi32> to vector<1xi32>
        %squeeze3A_2269 = vector.extract %slice3A_2268[0] : i32 from vector<1xi32>
        %jit3A_2270 = arith.constant 128 : i32
        %div3A_2271 = arith.divsi %squeeze3A_2269, %jit3A_2270 : i32
        %sign3A_2272 = arith.constant 0 : i32
        %sign3A_2273 = arith.cmpi sgt, %squeeze3A_2269, %sign3A_2272 : i32
        %sign3A_2274 = arith.extui %sign3A_2273 : i1 to i32
        %sign3A_2275 = arith.constant 0 : i32
        %sign3A_2276 = arith.cmpi slt, %squeeze3A_2269, %sign3A_2275 : i32
        %sign3A_2277 = arith.extui %sign3A_2276 : i1 to i32
        %sign3A_2278 = arith.subi %sign3A_2274, %sign3A_2277 : i32
        %sign3A_2279 = arith.constant 0 : i32
        %sign3A_2280 = arith.cmpi sgt, %jit3A_2270, %sign3A_2279 : i32
        %sign3A_2281 = arith.extui %sign3A_2280 : i1 to i32
        %sign3A_2282 = arith.constant 0 : i32
        %sign3A_2283 = arith.cmpi slt, %jit3A_2270, %sign3A_2282 : i32
        %sign3A_2284 = arith.extui %sign3A_2283 : i1 to i32
        %sign3A_2285 = arith.subi %sign3A_2281, %sign3A_2284 : i32
        %ne3A_2286 = arith.cmpi ne, %sign3A_2278, %sign3A_2285 : i32
        %rem3A_2287 = arith.remsi %squeeze3A_2269, %jit3A_2270 : i32
        %ne3A_2288 = arith.constant 0 : i32
        %ne3A_2289 = arith.cmpi ne, %rem3A_2287, %ne3A_2288 : i32
        %and3A_2290 = arith.andi %ne3A_2286, %ne3A_2289 : i1
        %sub3A_2291 = arith.constant 1 : i32
        %sub3A_2292 = arith.subi %div3A_2271, %sub3A_2291 : i32
        %select_n3A_2293 = arith.select %and3A_2290, %sub3A_2292, %div3A_2271 : i32
        %mul3A_2294 = arith.constant 128 : i32
        %mul3A_2295 = arith.muli %select_n3A_2293, %mul3A_2294 : i32
        %multiple_of3A_2296 = tpu.assume_multiple %mul3A_2295, 128 : i32
        %dma_start3A_2297 = arith.constant 4 : i32
        %dma_start3A_2298 = arith.constant 0 : i32
        %dma_start3A_2299 = arith.constant 0 : i32
        %dma_start3A_2300 = tpu.memref_slice %arg9[%dma_start3A_2297, %dma_start3A_2298, %dma_start3A_2299] : memref<16x16x128xf32, #tpu.memory_space<vmem>> -> memref<1x16x128xf32, #tpu.memory_space<vmem>>
        %dma_start3A_2301 = tpu.memref_squeeze %dma_start3A_2300 : memref<1x16x128xf32, #tpu.memory_space<vmem>> -> memref<16x128xf32, #tpu.memory_space<vmem>>
        %dma_start3A_2302 = arith.constant 0 : i32
        %dma_start3A_2303 = tpu.memref_slice %arg3[%dma_start3A_2302, %multiple_of3A_2296] : memref<16x1000000xf32, #tpu.memory_space<hbm>> -> memref<16x128xf32, #tpu.memory_space<hbm>>
        %dma_start3A_2304 = arith.constant 0 : i32
        %dma_start3A_2305 = arith.constant 0 : i32
        %dma_start3A_2306 = tpu.memref_slice %arg9[%dma_start3A_2297, %dma_start3A_2304, %dma_start3A_2305] : memref<16x16x128xf32, #tpu.memory_space<vmem>> -> memref<1x16x128xf32, #tpu.memory_space<vmem>>
        %dma_start3A_2307 = tpu.memref_squeeze %dma_start3A_2306 : memref<1x16x128xf32, #tpu.memory_space<vmem>> -> memref<16x128xf32, #tpu.memory_space<vmem>>
        %dma_start3A_2308 = arith.constant 0 : i32
        %dma_start3A_2309 = tpu.memref_slice %arg3[%dma_start3A_2308, %multiple_of3A_2296] : memref<16x1000000xf32, #tpu.memory_space<hbm>> -> memref<16x128xf32, #tpu.memory_space<hbm>>
        tpu.enqueue_dma source(%dma_start3A_2309 : memref<16x128xf32, #tpu.memory_space<hbm>>) target(%dma_start3A_2307 : memref<16x128xf32, #tpu.memory_space<vmem>>) target_semaphore(%arg14 : memref<!tpu.dma_semaphore, #tpu.memory_space<semaphore_mem>>)
        %dma_start3A_2310 = arith.constant 4 : i32
        %dma_start3A_2311 = arith.constant 0 : i32
        %dma_start3A_2312 = arith.constant 0 : i32
        %dma_start3A_2313 = tpu.memref_slice %arg10[%dma_start3A_2310, %dma_start3A_2311, %dma_start3A_2312] : memref<16x16x128xf32, #tpu.memory_space<vmem>> -> memref<1x16x128xf32, #tpu.memory_space<vmem>>
        %dma_start3A_2314 = tpu.memref_squeeze %dma_start3A_2313 : memref<1x16x128xf32, #tpu.memory_space<vmem>> -> memref<16x128xf32, #tpu.memory_space<vmem>>
        %dma_start3A_2315 = arith.constant 0 : i32
        %dma_start3A_2316 = tpu.memref_slice %arg4[%dma_start3A_2315, %multiple_of3A_2296] : memref<16x1000001xf32, #tpu.memory_space<hbm>> -> memref<16x128xf32, #tpu.memory_space<hbm>>
        %dma_start3A_2317 = arith.constant 0 : i32
        %dma_start3A_2318 = arith.constant 0 : i32
        %dma_start3A_2319 = tpu.memref_slice %arg10[%dma_start3A_2310, %dma_start3A_2317, %dma_start3A_2318] : memref<16x16x128xf32, #tpu.memory_space<vmem>> -> memref<1x16x128xf32, #tpu.memory_space<vmem>>
        %dma_start3A_2320 = tpu.memref_squeeze %dma_start3A_2319 : memref<1x16x128xf32, #tpu.memory_space<vmem>> -> memref<16x128xf32, #tpu.memory_space<vmem>>
        %dma_start3A_2321 = arith.constant 0 : i32
        %dma_start3A_2322 = tpu.memref_slice %arg4[%dma_start3A_2321, %multiple_of3A_2296] : memref<16x1000001xf32, #tpu.memory_space<hbm>> -> memref<16x128xf32, #tpu.memory_space<hbm>>
        tpu.enqueue_dma source(%dma_start3A_2322 : memref<16x128xf32, #tpu.memory_space<hbm>>) target(%dma_start3A_2320 : memref<16x128xf32, #tpu.memory_space<vmem>>) target_semaphore(%arg15 : memref<!tpu.dma_semaphore, #tpu.memory_space<semaphore_mem>>)
      } else {
      }
      tpu.vector_store_idx %arg11[%iota3A, %broadcast_in_dim3A_1241], %gather3A_1272 : memref<16x128xf32, #tpu.memory_space<vmem>>[vector<16xi32>, vector<16xi32>], vector<16xf32>,
      tpu.vector_store_idx %arg12[%iota3A, %broadcast_in_dim3A_1241], %gather3A_1273 : memref<16x128xf32, #tpu.memory_space<vmem>>[vector<16xi32>, vector<16xi32>], vector<16xf32>,
      %slice3A_1279 = vector.extract_strided_slice %gather3A_881 {offsets = [5], sizes = [1], strides = [1]} : vector<16xi32> to vector<1xi32>
      %squeeze3A_1280 = vector.extract %slice3A_1279[0] : i32 from vector<1xi32>
      %jit3A_1281 = arith.constant 128 : i32
      %eq3A_1282 = arith.constant 0 : i32
      %eq3A_1283 = arith.cmpi eq, %jit3A_1281, %eq3A_1282 : i32
      %jit3A_1284 = arith.constant 1 : i32
      %select_n3A_1285 = arith.select %eq3A_1283, %jit3A_1284, %jit3A_1281 : i32
      %rem3A_1286 = arith.remsi %squeeze3A_1280, %select_n3A_1285 : i32
      %ne3A_1287 = arith.constant 0 : i32
      %ne3A_1288 = arith.cmpi ne, %rem3A_1286, %ne3A_1287 : i32
      %lt3A_1289 = arith.constant 0 : i32
      %lt3A_1290 = arith.cmpi slt, %rem3A_1286, %lt3A_1289 : i32
      %lt3A_1291 = arith.constant 0 : i32
      %lt3A_1292 = arith.cmpi slt, %select_n3A_1285, %lt3A_1291 : i32
      %ne3A_1293 = arith.xori %lt3A_1290, %lt3A_1292 : i1
      %and3A_1294 = arith.andi %ne3A_1293, %ne3A_1288 : i1
      %add3A_1295 = arith.addi %rem3A_1286, %select_n3A_1285 : i32
      %select_n3A_1296 = arith.select %and3A_1294, %add3A_1295, %rem3A_1286 : i32
      %broadcast_in_dim3A_1297 = vector.broadcast %select_n3A_1296 : i32 to vector<16xi32>
      %broadcast_in_dim3A_1298 = arith.constant 5 : i32
      %broadcast_in_dim3A_1299 = vector.broadcast %broadcast_in_dim3A_1298 : i32 to vector<16xi32>
      %jit3A_1300 = arith.constant 8 : i32
      %eq3A_1301 = arith.constant 0 : i32
      %eq3A_1302 = arith.cmpi eq, %jit3A_1300, %eq3A_1301 : i32
      %jit3A_1303 = arith.constant 1 : i32
      %select_n3A_1304 = arith.select %eq3A_1302, %jit3A_1303, %jit3A_1300 : i32
      %rem3A_1305 = arith.remsi %scan3A_876, %select_n3A_1304 : i32
      %ne3A_1306 = arith.constant 0 : i32
      %ne3A_1307 = arith.cmpi ne, %rem3A_1305, %ne3A_1306 : i32
      %lt3A_1308 = arith.constant 0 : i32
      %lt3A_1309 = arith.cmpi slt, %rem3A_1305, %lt3A_1308 : i32
      %lt3A_1310 = arith.constant 0 : i32
      %lt3A_1311 = arith.cmpi slt, %select_n3A_1304, %lt3A_1310 : i32
      %ne3A_1312 = arith.xori %lt3A_1309, %lt3A_1311 : i1
      %and3A_1313 = arith.andi %ne3A_1312, %ne3A_1307 : i1
      %add3A_1314 = arith.addi %rem3A_1305, %select_n3A_1304 : i32
      %select_n3A_1315 = arith.select %and3A_1313, %add3A_1314, %rem3A_1305 : i32
      %mul3A_1316 = arith.constant 16 : i32
      %mul3A_1317 = arith.muli %select_n3A_1315, %mul3A_1316 : i32
      %add3A_1318 = arith.constant 5 : i32
      %add3A_1319 = arith.addi %mul3A_1317, %add3A_1318 : i32
      %broadcast_in_dim3A_1320 = vector.broadcast %add3A_1319 : i32 to vector<16xi32>
      %dma_wait3A_1321 = arith.constant 5 : i32
      %dma_wait3A_1322 = arith.constant 0 : i32
      %dma_wait3A_1323 = arith.constant 0 : i32
      %dma_wait3A_1324 = tpu.memref_slice %arg9[%dma_wait3A_1321, %dma_wait3A_1322, %dma_wait3A_1323] : memref<16x16x128xf32, #tpu.memory_space<vmem>> -> memref<1x16x128xf32, #tpu.memory_space<vmem>>
      %dma_wait3A_1325 = tpu.memref_squeeze %dma_wait3A_1324 : memref<1x16x128xf32, #tpu.memory_space<vmem>> -> memref<16x128xf32, #tpu.memory_space<vmem>>
      %dma_wait3A_1326 = arith.constant 0 : i32
      %dma_wait3A_1327 = arith.constant 0 : i32
      %dma_wait3A_1328 = tpu.memref_slice %arg3[%dma_wait3A_1326, %dma_wait3A_1327] : memref<16x1000000xf32, #tpu.memory_space<hbm>> -> memref<16x128xf32, #tpu.memory_space<hbm>>
      %dma_wait3A_1329 = arith.constant 0 : i32
      %dma_wait3A_1330 = arith.constant 0 : i32
      %dma_wait3A_1331 = tpu.memref_slice %arg9[%dma_wait3A_1321, %dma_wait3A_1329, %dma_wait3A_1330] : memref<16x16x128xf32, #tpu.memory_space<vmem>> -> memref<1x16x128xf32, #tpu.memory_space<vmem>>
      %dma_wait3A_1332 = tpu.memref_squeeze %dma_wait3A_1331 : memref<1x16x128xf32, #tpu.memory_space<vmem>> -> memref<16x128xf32, #tpu.memory_space<vmem>>
      %dma_wait3A_1333 = arith.constant 0 : i32
      %dma_wait3A_1334 = arith.constant 0 : i32
      %dma_wait3A_1335 = tpu.memref_slice %arg3[%dma_wait3A_1333, %dma_wait3A_1334] : memref<16x1000000xf32, #tpu.memory_space<hbm>> -> memref<16x128xf32, #tpu.memory_space<hbm>>
      tpu.wait_dma2 semaphore(%arg14 : memref<!tpu.dma_semaphore, #tpu.memory_space<semaphore_mem>>) src(%dma_wait3A_1335 : memref<16x128xf32, #tpu.memory_space<hbm>>) dst(%dma_wait3A_1332 : memref<16x128xf32, #tpu.memory_space<vmem>>)
      %dma_wait3A_1336 = arith.constant 5 : i32
      %dma_wait3A_1337 = arith.constant 0 : i32
      %dma_wait3A_1338 = arith.constant 0 : i32
      %dma_wait3A_1339 = tpu.memref_slice %arg10[%dma_wait3A_1336, %dma_wait3A_1337, %dma_wait3A_1338] : memref<16x16x128xf32, #tpu.memory_space<vmem>> -> memref<1x16x128xf32, #tpu.memory_space<vmem>>
      %dma_wait3A_1340 = tpu.memref_squeeze %dma_wait3A_1339 : memref<1x16x128xf32, #tpu.memory_space<vmem>> -> memref<16x128xf32, #tpu.memory_space<vmem>>
      %dma_wait3A_1341 = arith.constant 0 : i32
      %dma_wait3A_1342 = arith.constant 0 : i32
      %dma_wait3A_1343 = tpu.memref_slice %arg4[%dma_wait3A_1341, %dma_wait3A_1342] : memref<16x1000001xf32, #tpu.memory_space<hbm>> -> memref<16x128xf32, #tpu.memory_space<hbm>>
      %dma_wait3A_1344 = arith.constant 0 : i32
      %dma_wait3A_1345 = arith.constant 0 : i32
      %dma_wait3A_1346 = tpu.memref_slice %arg10[%dma_wait3A_1336, %dma_wait3A_1344, %dma_wait3A_1345] : memref<16x16x128xf32, #tpu.memory_space<vmem>> -> memref<1x16x128xf32, #tpu.memory_space<vmem>>
      %dma_wait3A_1347 = tpu.memref_squeeze %dma_wait3A_1346 : memref<1x16x128xf32, #tpu.memory_space<vmem>> -> memref<16x128xf32, #tpu.memory_space<vmem>>
      %dma_wait3A_1348 = arith.constant 0 : i32
      %dma_wait3A_1349 = arith.constant 0 : i32
      %dma_wait3A_1350 = tpu.memref_slice %arg4[%dma_wait3A_1348, %dma_wait3A_1349] : memref<16x1000001xf32, #tpu.memory_space<hbm>> -> memref<16x128xf32, #tpu.memory_space<hbm>>
      tpu.wait_dma2 semaphore(%arg15 : memref<!tpu.dma_semaphore, #tpu.memory_space<semaphore_mem>>) src(%dma_wait3A_1350 : memref<16x128xf32, #tpu.memory_space<hbm>>) dst(%dma_wait3A_1347 : memref<16x128xf32, #tpu.memory_space<vmem>>)
      %gather3A_1351 = tpu.vector_load_idx %arg9[%broadcast_in_dim3A_1299, %iota3A, %broadcast_in_dim3A_1297] : memref<16x16x128xf32, #tpu.memory_space<vmem>>[vector<16xi32>, vector<16xi32>, vector<16xi32>], vector<16xf32>,
      %gather3A_1352 = tpu.vector_load_idx %arg10[%broadcast_in_dim3A_1299, %iota3A, %broadcast_in_dim3A_1297] : memref<16x16x128xf32, #tpu.memory_space<vmem>>[vector<16xi32>, vector<16xi32>, vector<16xi32>], vector<16xf32>,
      %lt3A_1353 = arith.constant 31 : i32
      %lt3A_1354 = arith.cmpi slt, %scan3A_876, %lt3A_1353 : i32
      %convert_element_type3A_1355 = arith.extui %lt3A_1354 : i1 to i32
      %cond3A_1356 = arith.constant 0 : i32
      %cond3A_1357 = arith.cmpi ne, %convert_element_type3A_1355, %cond3A_1356 : i32
      scf.if %cond3A_1357 {
        %slice3A_2268 = vector.extract_strided_slice %gather3A_889 {offsets = [5], sizes = [1], strides = [1]} : vector<16xi32> to vector<1xi32>
        %squeeze3A_2269 = vector.extract %slice3A_2268[0] : i32 from vector<1xi32>
        %jit3A_2270 = arith.constant 128 : i32
        %div3A_2271 = arith.divsi %squeeze3A_2269, %jit3A_2270 : i32
        %sign3A_2272 = arith.constant 0 : i32
        %sign3A_2273 = arith.cmpi sgt, %squeeze3A_2269, %sign3A_2272 : i32
        %sign3A_2274 = arith.extui %sign3A_2273 : i1 to i32
        %sign3A_2275 = arith.constant 0 : i32
        %sign3A_2276 = arith.cmpi slt, %squeeze3A_2269, %sign3A_2275 : i32
        %sign3A_2277 = arith.extui %sign3A_2276 : i1 to i32
        %sign3A_2278 = arith.subi %sign3A_2274, %sign3A_2277 : i32
        %sign3A_2279 = arith.constant 0 : i32
        %sign3A_2280 = arith.cmpi sgt, %jit3A_2270, %sign3A_2279 : i32
        %sign3A_2281 = arith.extui %sign3A_2280 : i1 to i32
        %sign3A_2282 = arith.constant 0 : i32
        %sign3A_2283 = arith.cmpi slt, %jit3A_2270, %sign3A_2282 : i32
        %sign3A_2284 = arith.extui %sign3A_2283 : i1 to i32
        %sign3A_2285 = arith.subi %sign3A_2281, %sign3A_2284 : i32
        %ne3A_2286 = arith.cmpi ne, %sign3A_2278, %sign3A_2285 : i32
        %rem3A_2287 = arith.remsi %squeeze3A_2269, %jit3A_2270 : i32
        %ne3A_2288 = arith.constant 0 : i32
        %ne3A_2289 = arith.cmpi ne, %rem3A_2287, %ne3A_2288 : i32
        %and3A_2290 = arith.andi %ne3A_2286, %ne3A_2289 : i1
        %sub3A_2291 = arith.constant 1 : i32
        %sub3A_2292 = arith.subi %div3A_2271, %sub3A_2291 : i32
        %select_n3A_2293 = arith.select %and3A_2290, %sub3A_2292, %div3A_2271 : i32
        %mul3A_2294 = arith.constant 128 : i32
        %mul3A_2295 = arith.muli %select_n3A_2293, %mul3A_2294 : i32
        %multiple_of3A_2296 = tpu.assume_multiple %mul3A_2295, 128 : i32
        %dma_start3A_2297 = arith.constant 5 : i32
        %dma_start3A_2298 = arith.constant 0 : i32
        %dma_start3A_2299 = arith.constant 0 : i32
        %dma_start3A_2300 = tpu.memref_slice %arg9[%dma_start3A_2297, %dma_start3A_2298, %dma_start3A_2299] : memref<16x16x128xf32, #tpu.memory_space<vmem>> -> memref<1x16x128xf32, #tpu.memory_space<vmem>>
        %dma_start3A_2301 = tpu.memref_squeeze %dma_start3A_2300 : memref<1x16x128xf32, #tpu.memory_space<vmem>> -> memref<16x128xf32, #tpu.memory_space<vmem>>
        %dma_start3A_2302 = arith.constant 0 : i32
        %dma_start3A_2303 = tpu.memref_slice %arg3[%dma_start3A_2302, %multiple_of3A_2296] : memref<16x1000000xf32, #tpu.memory_space<hbm>> -> memref<16x128xf32, #tpu.memory_space<hbm>>
        %dma_start3A_2304 = arith.constant 0 : i32
        %dma_start3A_2305 = arith.constant 0 : i32
        %dma_start3A_2306 = tpu.memref_slice %arg9[%dma_start3A_2297, %dma_start3A_2304, %dma_start3A_2305] : memref<16x16x128xf32, #tpu.memory_space<vmem>> -> memref<1x16x128xf32, #tpu.memory_space<vmem>>
        %dma_start3A_2307 = tpu.memref_squeeze %dma_start3A_2306 : memref<1x16x128xf32, #tpu.memory_space<vmem>> -> memref<16x128xf32, #tpu.memory_space<vmem>>
        %dma_start3A_2308 = arith.constant 0 : i32
        %dma_start3A_2309 = tpu.memref_slice %arg3[%dma_start3A_2308, %multiple_of3A_2296] : memref<16x1000000xf32, #tpu.memory_space<hbm>> -> memref<16x128xf32, #tpu.memory_space<hbm>>
        tpu.enqueue_dma source(%dma_start3A_2309 : memref<16x128xf32, #tpu.memory_space<hbm>>) target(%dma_start3A_2307 : memref<16x128xf32, #tpu.memory_space<vmem>>) target_semaphore(%arg14 : memref<!tpu.dma_semaphore, #tpu.memory_space<semaphore_mem>>)
        %dma_start3A_2310 = arith.constant 5 : i32
        %dma_start3A_2311 = arith.constant 0 : i32
        %dma_start3A_2312 = arith.constant 0 : i32
        %dma_start3A_2313 = tpu.memref_slice %arg10[%dma_start3A_2310, %dma_start3A_2311, %dma_start3A_2312] : memref<16x16x128xf32, #tpu.memory_space<vmem>> -> memref<1x16x128xf32, #tpu.memory_space<vmem>>
        %dma_start3A_2314 = tpu.memref_squeeze %dma_start3A_2313 : memref<1x16x128xf32, #tpu.memory_space<vmem>> -> memref<16x128xf32, #tpu.memory_space<vmem>>
        %dma_start3A_2315 = arith.constant 0 : i32
        %dma_start3A_2316 = tpu.memref_slice %arg4[%dma_start3A_2315, %multiple_of3A_2296] : memref<16x1000001xf32, #tpu.memory_space<hbm>> -> memref<16x128xf32, #tpu.memory_space<hbm>>
        %dma_start3A_2317 = arith.constant 0 : i32
        %dma_start3A_2318 = arith.constant 0 : i32
        %dma_start3A_2319 = tpu.memref_slice %arg10[%dma_start3A_2310, %dma_start3A_2317, %dma_start3A_2318] : memref<16x16x128xf32, #tpu.memory_space<vmem>> -> memref<1x16x128xf32, #tpu.memory_space<vmem>>
        %dma_start3A_2320 = tpu.memref_squeeze %dma_start3A_2319 : memref<1x16x128xf32, #tpu.memory_space<vmem>> -> memref<16x128xf32, #tpu.memory_space<vmem>>
        %dma_start3A_2321 = arith.constant 0 : i32
        %dma_start3A_2322 = tpu.memref_slice %arg4[%dma_start3A_2321, %multiple_of3A_2296] : memref<16x1000001xf32, #tpu.memory_space<hbm>> -> memref<16x128xf32, #tpu.memory_space<hbm>>
        tpu.enqueue_dma source(%dma_start3A_2322 : memref<16x128xf32, #tpu.memory_space<hbm>>) target(%dma_start3A_2320 : memref<16x128xf32, #tpu.memory_space<vmem>>) target_semaphore(%arg15 : memref<!tpu.dma_semaphore, #tpu.memory_space<semaphore_mem>>)
      } else {
      }
      tpu.vector_store_idx %arg11[%iota3A, %broadcast_in_dim3A_1320], %gather3A_1351 : memref<16x128xf32, #tpu.memory_space<vmem>>[vector<16xi32>, vector<16xi32>], vector<16xf32>,
      tpu.vector_store_idx %arg12[%iota3A, %broadcast_in_dim3A_1320], %gather3A_1352 : memref<16x128xf32, #tpu.memory_space<vmem>>[vector<16xi32>, vector<16xi32>], vector<16xf32>,
      %slice3A_1358 = vector.extract_strided_slice %gather3A_881 {offsets = [6], sizes = [1], strides = [1]} : vector<16xi32> to vector<1xi32>
      %squeeze3A_1359 = vector.extract %slice3A_1358[0] : i32 from vector<1xi32>
      %jit3A_1360 = arith.constant 128 : i32
      %eq3A_1361 = arith.constant 0 : i32
      %eq3A_1362 = arith.cmpi eq, %jit3A_1360, %eq3A_1361 : i32
      %jit3A_1363 = arith.constant 1 : i32
      %select_n3A_1364 = arith.select %eq3A_1362, %jit3A_1363, %jit3A_1360 : i32
      %rem3A_1365 = arith.remsi %squeeze3A_1359, %select_n3A_1364 : i32
      %ne3A_1366 = arith.constant 0 : i32
      %ne3A_1367 = arith.cmpi ne, %rem3A_1365, %ne3A_1366 : i32
      %lt3A_1368 = arith.constant 0 : i32
      %lt3A_1369 = arith.cmpi slt, %rem3A_1365, %lt3A_1368 : i32
      %lt3A_1370 = arith.constant 0 : i32
      %lt3A_1371 = arith.cmpi slt, %select_n3A_1364, %lt3A_1370 : i32
      %ne3A_1372 = arith.xori %lt3A_1369, %lt3A_1371 : i1
      %and3A_1373 = arith.andi %ne3A_1372, %ne3A_1367 : i1
      %add3A_1374 = arith.addi %rem3A_1365, %select_n3A_1364 : i32
      %select_n3A_1375 = arith.select %and3A_1373, %add3A_1374, %rem3A_1365 : i32
      %broadcast_in_dim3A_1376 = vector.broadcast %select_n3A_1375 : i32 to vector<16xi32>
      %broadcast_in_dim3A_1377 = arith.constant 6 : i32
      %broadcast_in_dim3A_1378 = vector.broadcast %broadcast_in_dim3A_1377 : i32 to vector<16xi32>
      %jit3A_1379 = arith.constant 8 : i32
      %eq3A_1380 = arith.constant 0 : i32
      %eq3A_1381 = arith.cmpi eq, %jit3A_1379, %eq3A_1380 : i32
      %jit3A_1382 = arith.constant 1 : i32
      %select_n3A_1383 = arith.select %eq3A_1381, %jit3A_1382, %jit3A_1379 : i32
      %rem3A_1384 = arith.remsi %scan3A_876, %select_n3A_1383 : i32
      %ne3A_1385 = arith.constant 0 : i32
      %ne3A_1386 = arith.cmpi ne, %rem3A_1384, %ne3A_1385 : i32
      %lt3A_1387 = arith.constant 0 : i32
      %lt3A_1388 = arith.cmpi slt, %rem3A_1384, %lt3A_1387 : i32
      %lt3A_1389 = arith.constant 0 : i32
      %lt3A_1390 = arith.cmpi slt, %select_n3A_1383, %lt3A_1389 : i32
      %ne3A_1391 = arith.xori %lt3A_1388, %lt3A_1390 : i1
      %and3A_1392 = arith.andi %ne3A_1391, %ne3A_1386 : i1
      %add3A_1393 = arith.addi %rem3A_1384, %select_n3A_1383 : i32
      %select_n3A_1394 = arith.select %and3A_1392, %add3A_1393, %rem3A_1384 : i32
      %mul3A_1395 = arith.constant 16 : i32
      %mul3A_1396 = arith.muli %select_n3A_1394, %mul3A_1395 : i32
      %add3A_1397 = arith.constant 6 : i32
      %add3A_1398 = arith.addi %mul3A_1396, %add3A_1397 : i32
      %broadcast_in_dim3A_1399 = vector.broadcast %add3A_1398 : i32 to vector<16xi32>
      %dma_wait3A_1400 = arith.constant 6 : i32
      %dma_wait3A_1401 = arith.constant 0 : i32
      %dma_wait3A_1402 = arith.constant 0 : i32
      %dma_wait3A_1403 = tpu.memref_slice %arg9[%dma_wait3A_1400, %dma_wait3A_1401, %dma_wait3A_1402] : memref<16x16x128xf32, #tpu.memory_space<vmem>> -> memref<1x16x128xf32, #tpu.memory_space<vmem>>
      %dma_wait3A_1404 = tpu.memref_squeeze %dma_wait3A_1403 : memref<1x16x128xf32, #tpu.memory_space<vmem>> -> memref<16x128xf32, #tpu.memory_space<vmem>>
      %dma_wait3A_1405 = arith.constant 0 : i32
      %dma_wait3A_1406 = arith.constant 0 : i32
      %dma_wait3A_1407 = tpu.memref_slice %arg3[%dma_wait3A_1405, %dma_wait3A_1406] : memref<16x1000000xf32, #tpu.memory_space<hbm>> -> memref<16x128xf32, #tpu.memory_space<hbm>>
      %dma_wait3A_1408 = arith.constant 0 : i32
      %dma_wait3A_1409 = arith.constant 0 : i32
      %dma_wait3A_1410 = tpu.memref_slice %arg9[%dma_wait3A_1400, %dma_wait3A_1408, %dma_wait3A_1409] : memref<16x16x128xf32, #tpu.memory_space<vmem>> -> memref<1x16x128xf32, #tpu.memory_space<vmem>>
      %dma_wait3A_1411 = tpu.memref_squeeze %dma_wait3A_1410 : memref<1x16x128xf32, #tpu.memory_space<vmem>> -> memref<16x128xf32, #tpu.memory_space<vmem>>
      %dma_wait3A_1412 = arith.constant 0 : i32
      %dma_wait3A_1413 = arith.constant 0 : i32
      %dma_wait3A_1414 = tpu.memref_slice %arg3[%dma_wait3A_1412, %dma_wait3A_1413] : memref<16x1000000xf32, #tpu.memory_space<hbm>> -> memref<16x128xf32, #tpu.memory_space<hbm>>
      tpu.wait_dma2 semaphore(%arg14 : memref<!tpu.dma_semaphore, #tpu.memory_space<semaphore_mem>>) src(%dma_wait3A_1414 : memref<16x128xf32, #tpu.memory_space<hbm>>) dst(%dma_wait3A_1411 : memref<16x128xf32, #tpu.memory_space<vmem>>)
      %dma_wait3A_1415 = arith.constant 6 : i32
      %dma_wait3A_1416 = arith.constant 0 : i32
      %dma_wait3A_1417 = arith.constant 0 : i32
      %dma_wait3A_1418 = tpu.memref_slice %arg10[%dma_wait3A_1415, %dma_wait3A_1416, %dma_wait3A_1417] : memref<16x16x128xf32, #tpu.memory_space<vmem>> -> memref<1x16x128xf32, #tpu.memory_space<vmem>>
      %dma_wait3A_1419 = tpu.memref_squeeze %dma_wait3A_1418 : memref<1x16x128xf32, #tpu.memory_space<vmem>> -> memref<16x128xf32, #tpu.memory_space<vmem>>
      %dma_wait3A_1420 = arith.constant 0 : i32
      %dma_wait3A_1421 = arith.constant 0 : i32
      %dma_wait3A_1422 = tpu.memref_slice %arg4[%dma_wait3A_1420, %dma_wait3A_1421] : memref<16x1000001xf32, #tpu.memory_space<hbm>> -> memref<16x128xf32, #tpu.memory_space<hbm>>
      %dma_wait3A_1423 = arith.constant 0 : i32
      %dma_wait3A_1424 = arith.constant 0 : i32
      %dma_wait3A_1425 = tpu.memref_slice %arg10[%dma_wait3A_1415, %dma_wait3A_1423, %dma_wait3A_1424] : memref<16x16x128xf32, #tpu.memory_space<vmem>> -> memref<1x16x128xf32, #tpu.memory_space<vmem>>
      %dma_wait3A_1426 = tpu.memref_squeeze %dma_wait3A_1425 : memref<1x16x128xf32, #tpu.memory_space<vmem>> -> memref<16x128xf32, #tpu.memory_space<vmem>>
      %dma_wait3A_1427 = arith.constant 0 : i32
      %dma_wait3A_1428 = arith.constant 0 : i32
      %dma_wait3A_1429 = tpu.memref_slice %arg4[%dma_wait3A_1427, %dma_wait3A_1428] : memref<16x1000001xf32, #tpu.memory_space<hbm>> -> memref<16x128xf32, #tpu.memory_space<hbm>>
      tpu.wait_dma2 semaphore(%arg15 : memref<!tpu.dma_semaphore, #tpu.memory_space<semaphore_mem>>) src(%dma_wait3A_1429 : memref<16x128xf32, #tpu.memory_space<hbm>>) dst(%dma_wait3A_1426 : memref<16x128xf32, #tpu.memory_space<vmem>>)
      %gather3A_1430 = tpu.vector_load_idx %arg9[%broadcast_in_dim3A_1378, %iota3A, %broadcast_in_dim3A_1376] : memref<16x16x128xf32, #tpu.memory_space<vmem>>[vector<16xi32>, vector<16xi32>, vector<16xi32>], vector<16xf32>,
      %gather3A_1431 = tpu.vector_load_idx %arg10[%broadcast_in_dim3A_1378, %iota3A, %broadcast_in_dim3A_1376] : memref<16x16x128xf32, #tpu.memory_space<vmem>>[vector<16xi32>, vector<16xi32>, vector<16xi32>], vector<16xf32>,
      %lt3A_1432 = arith.constant 31 : i32
      %lt3A_1433 = arith.cmpi slt, %scan3A_876, %lt3A_1432 : i32
      %convert_element_type3A_1434 = arith.extui %lt3A_1433 : i1 to i32
      %cond3A_1435 = arith.constant 0 : i32
      %cond3A_1436 = arith.cmpi ne, %convert_element_type3A_1434, %cond3A_1435 : i32
      scf.if %cond3A_1436 {
        %slice3A_2268 = vector.extract_strided_slice %gather3A_889 {offsets = [6], sizes = [1], strides = [1]} : vector<16xi32> to vector<1xi32>
        %squeeze3A_2269 = vector.extract %slice3A_2268[0] : i32 from vector<1xi32>
        %jit3A_2270 = arith.constant 128 : i32
        %div3A_2271 = arith.divsi %squeeze3A_2269, %jit3A_2270 : i32
        %sign3A_2272 = arith.constant 0 : i32
        %sign3A_2273 = arith.cmpi sgt, %squeeze3A_2269, %sign3A_2272 : i32
        %sign3A_2274 = arith.extui %sign3A_2273 : i1 to i32
        %sign3A_2275 = arith.constant 0 : i32
        %sign3A_2276 = arith.cmpi slt, %squeeze3A_2269, %sign3A_2275 : i32
        %sign3A_2277 = arith.extui %sign3A_2276 : i1 to i32
        %sign3A_2278 = arith.subi %sign3A_2274, %sign3A_2277 : i32
        %sign3A_2279 = arith.constant 0 : i32
        %sign3A_2280 = arith.cmpi sgt, %jit3A_2270, %sign3A_2279 : i32
        %sign3A_2281 = arith.extui %sign3A_2280 : i1 to i32
        %sign3A_2282 = arith.constant 0 : i32
        %sign3A_2283 = arith.cmpi slt, %jit3A_2270, %sign3A_2282 : i32
        %sign3A_2284 = arith.extui %sign3A_2283 : i1 to i32
        %sign3A_2285 = arith.subi %sign3A_2281, %sign3A_2284 : i32
        %ne3A_2286 = arith.cmpi ne, %sign3A_2278, %sign3A_2285 : i32
        %rem3A_2287 = arith.remsi %squeeze3A_2269, %jit3A_2270 : i32
        %ne3A_2288 = arith.constant 0 : i32
        %ne3A_2289 = arith.cmpi ne, %rem3A_2287, %ne3A_2288 : i32
        %and3A_2290 = arith.andi %ne3A_2286, %ne3A_2289 : i1
        %sub3A_2291 = arith.constant 1 : i32
        %sub3A_2292 = arith.subi %div3A_2271, %sub3A_2291 : i32
        %select_n3A_2293 = arith.select %and3A_2290, %sub3A_2292, %div3A_2271 : i32
        %mul3A_2294 = arith.constant 128 : i32
        %mul3A_2295 = arith.muli %select_n3A_2293, %mul3A_2294 : i32
        %multiple_of3A_2296 = tpu.assume_multiple %mul3A_2295, 128 : i32
        %dma_start3A_2297 = arith.constant 6 : i32
        %dma_start3A_2298 = arith.constant 0 : i32
        %dma_start3A_2299 = arith.constant 0 : i32
        %dma_start3A_2300 = tpu.memref_slice %arg9[%dma_start3A_2297, %dma_start3A_2298, %dma_start3A_2299] : memref<16x16x128xf32, #tpu.memory_space<vmem>> -> memref<1x16x128xf32, #tpu.memory_space<vmem>>
        %dma_start3A_2301 = tpu.memref_squeeze %dma_start3A_2300 : memref<1x16x128xf32, #tpu.memory_space<vmem>> -> memref<16x128xf32, #tpu.memory_space<vmem>>
        %dma_start3A_2302 = arith.constant 0 : i32
        %dma_start3A_2303 = tpu.memref_slice %arg3[%dma_start3A_2302, %multiple_of3A_2296] : memref<16x1000000xf32, #tpu.memory_space<hbm>> -> memref<16x128xf32, #tpu.memory_space<hbm>>
        %dma_start3A_2304 = arith.constant 0 : i32
        %dma_start3A_2305 = arith.constant 0 : i32
        %dma_start3A_2306 = tpu.memref_slice %arg9[%dma_start3A_2297, %dma_start3A_2304, %dma_start3A_2305] : memref<16x16x128xf32, #tpu.memory_space<vmem>> -> memref<1x16x128xf32, #tpu.memory_space<vmem>>
        %dma_start3A_2307 = tpu.memref_squeeze %dma_start3A_2306 : memref<1x16x128xf32, #tpu.memory_space<vmem>> -> memref<16x128xf32, #tpu.memory_space<vmem>>
        %dma_start3A_2308 = arith.constant 0 : i32
        %dma_start3A_2309 = tpu.memref_slice %arg3[%dma_start3A_2308, %multiple_of3A_2296] : memref<16x1000000xf32, #tpu.memory_space<hbm>> -> memref<16x128xf32, #tpu.memory_space<hbm>>
        tpu.enqueue_dma source(%dma_start3A_2309 : memref<16x128xf32, #tpu.memory_space<hbm>>) target(%dma_start3A_2307 : memref<16x128xf32, #tpu.memory_space<vmem>>) target_semaphore(%arg14 : memref<!tpu.dma_semaphore, #tpu.memory_space<semaphore_mem>>)
        %dma_start3A_2310 = arith.constant 6 : i32
        %dma_start3A_2311 = arith.constant 0 : i32
        %dma_start3A_2312 = arith.constant 0 : i32
        %dma_start3A_2313 = tpu.memref_slice %arg10[%dma_start3A_2310, %dma_start3A_2311, %dma_start3A_2312] : memref<16x16x128xf32, #tpu.memory_space<vmem>> -> memref<1x16x128xf32, #tpu.memory_space<vmem>>
        %dma_start3A_2314 = tpu.memref_squeeze %dma_start3A_2313 : memref<1x16x128xf32, #tpu.memory_space<vmem>> -> memref<16x128xf32, #tpu.memory_space<vmem>>
        %dma_start3A_2315 = arith.constant 0 : i32
        %dma_start3A_2316 = tpu.memref_slice %arg4[%dma_start3A_2315, %multiple_of3A_2296] : memref<16x1000001xf32, #tpu.memory_space<hbm>> -> memref<16x128xf32, #tpu.memory_space<hbm>>
        %dma_start3A_2317 = arith.constant 0 : i32
        %dma_start3A_2318 = arith.constant 0 : i32
        %dma_start3A_2319 = tpu.memref_slice %arg10[%dma_start3A_2310, %dma_start3A_2317, %dma_start3A_2318] : memref<16x16x128xf32, #tpu.memory_space<vmem>> -> memref<1x16x128xf32, #tpu.memory_space<vmem>>
        %dma_start3A_2320 = tpu.memref_squeeze %dma_start3A_2319 : memref<1x16x128xf32, #tpu.memory_space<vmem>> -> memref<16x128xf32, #tpu.memory_space<vmem>>
        %dma_start3A_2321 = arith.constant 0 : i32
        %dma_start3A_2322 = tpu.memref_slice %arg4[%dma_start3A_2321, %multiple_of3A_2296] : memref<16x1000001xf32, #tpu.memory_space<hbm>> -> memref<16x128xf32, #tpu.memory_space<hbm>>
        tpu.enqueue_dma source(%dma_start3A_2322 : memref<16x128xf32, #tpu.memory_space<hbm>>) target(%dma_start3A_2320 : memref<16x128xf32, #tpu.memory_space<vmem>>) target_semaphore(%arg15 : memref<!tpu.dma_semaphore, #tpu.memory_space<semaphore_mem>>)
      } else {
      }
      tpu.vector_store_idx %arg11[%iota3A, %broadcast_in_dim3A_1399], %gather3A_1430 : memref<16x128xf32, #tpu.memory_space<vmem>>[vector<16xi32>, vector<16xi32>], vector<16xf32>,
      tpu.vector_store_idx %arg12[%iota3A, %broadcast_in_dim3A_1399], %gather3A_1431 : memref<16x128xf32, #tpu.memory_space<vmem>>[vector<16xi32>, vector<16xi32>], vector<16xf32>,
      %slice3A_1437 = vector.extract_strided_slice %gather3A_881 {offsets = [7], sizes = [1], strides = [1]} : vector<16xi32> to vector<1xi32>
      %squeeze3A_1438 = vector.extract %slice3A_1437[0] : i32 from vector<1xi32>
      %jit3A_1439 = arith.constant 128 : i32
      %eq3A_1440 = arith.constant 0 : i32
      %eq3A_1441 = arith.cmpi eq, %jit3A_1439, %eq3A_1440 : i32
      %jit3A_1442 = arith.constant 1 : i32
      %select_n3A_1443 = arith.select %eq3A_1441, %jit3A_1442, %jit3A_1439 : i32
      %rem3A_1444 = arith.remsi %squeeze3A_1438, %select_n3A_1443 : i32
      %ne3A_1445 = arith.constant 0 : i32
      %ne3A_1446 = arith.cmpi ne, %rem3A_1444, %ne3A_1445 : i32
      %lt3A_1447 = arith.constant 0 : i32
      %lt3A_1448 = arith.cmpi slt, %rem3A_1444, %lt3A_1447 : i32
      %lt3A_1449 = arith.constant 0 : i32
      %lt3A_1450 = arith.cmpi slt, %select_n3A_1443, %lt3A_1449 : i32
      %ne3A_1451 = arith.xori %lt3A_1448, %lt3A_1450 : i1
      %and3A_1452 = arith.andi %ne3A_1451, %ne3A_1446 : i1
      %add3A_1453 = arith.addi %rem3A_1444, %select_n3A_1443 : i32
      %select_n3A_1454 = arith.select %and3A_1452, %add3A_1453, %rem3A_1444 : i32
      %broadcast_in_dim3A_1455 = vector.broadcast %select_n3A_1454 : i32 to vector<16xi32>
      %broadcast_in_dim3A_1456 = arith.constant 7 : i32
      %broadcast_in_dim3A_1457 = vector.broadcast %broadcast_in_dim3A_1456 : i32 to vector<16xi32>
      %jit3A_1458 = arith.constant 8 : i32
      %eq3A_1459 = arith.constant 0 : i32
      %eq3A_1460 = arith.cmpi eq, %jit3A_1458, %eq3A_1459 : i32
      %jit3A_1461 = arith.constant 1 : i32
      %select_n3A_1462 = arith.select %eq3A_1460, %jit3A_1461, %jit3A_1458 : i32
      %rem3A_1463 = arith.remsi %scan3A_876, %select_n3A_1462 : i32
      %ne3A_1464 = arith.constant 0 : i32
      %ne3A_1465 = arith.cmpi ne, %rem3A_1463, %ne3A_1464 : i32
      %lt3A_1466 = arith.constant 0 : i32
      %lt3A_1467 = arith.cmpi slt, %rem3A_1463, %lt3A_1466 : i32
      %lt3A_1468 = arith.constant 0 : i32
      %lt3A_1469 = arith.cmpi slt, %select_n3A_1462, %lt3A_1468 : i32
      %ne3A_1470 = arith.xori %lt3A_1467, %lt3A_1469 : i1
      %and3A_1471 = arith.andi %ne3A_1470, %ne3A_1465 : i1
      %add3A_1472 = arith.addi %rem3A_1463, %select_n3A_1462 : i32
      %select_n3A_1473 = arith.select %and3A_1471, %add3A_1472, %rem3A_1463 : i32
      %mul3A_1474 = arith.constant 16 : i32
      %mul3A_1475 = arith.muli %select_n3A_1473, %mul3A_1474 : i32
      %add3A_1476 = arith.constant 7 : i32
      %add3A_1477 = arith.addi %mul3A_1475, %add3A_1476 : i32
      %broadcast_in_dim3A_1478 = vector.broadcast %add3A_1477 : i32 to vector<16xi32>
      %dma_wait3A_1479 = arith.constant 7 : i32
      %dma_wait3A_1480 = arith.constant 0 : i32
      %dma_wait3A_1481 = arith.constant 0 : i32
      %dma_wait3A_1482 = tpu.memref_slice %arg9[%dma_wait3A_1479, %dma_wait3A_1480, %dma_wait3A_1481] : memref<16x16x128xf32, #tpu.memory_space<vmem>> -> memref<1x16x128xf32, #tpu.memory_space<vmem>>
      %dma_wait3A_1483 = tpu.memref_squeeze %dma_wait3A_1482 : memref<1x16x128xf32, #tpu.memory_space<vmem>> -> memref<16x128xf32, #tpu.memory_space<vmem>>
      %dma_wait3A_1484 = arith.constant 0 : i32
      %dma_wait3A_1485 = arith.constant 0 : i32
      %dma_wait3A_1486 = tpu.memref_slice %arg3[%dma_wait3A_1484, %dma_wait3A_1485] : memref<16x1000000xf32, #tpu.memory_space<hbm>> -> memref<16x128xf32, #tpu.memory_space<hbm>>
      %dma_wait3A_1487 = arith.constant 0 : i32
      %dma_wait3A_1488 = arith.constant 0 : i32
      %dma_wait3A_1489 = tpu.memref_slice %arg9[%dma_wait3A_1479, %dma_wait3A_1487, %dma_wait3A_1488] : memref<16x16x128xf32, #tpu.memory_space<vmem>> -> memref<1x16x128xf32, #tpu.memory_space<vmem>>
      %dma_wait3A_1490 = tpu.memref_squeeze %dma_wait3A_1489 : memref<1x16x128xf32, #tpu.memory_space<vmem>> -> memref<16x128xf32, #tpu.memory_space<vmem>>
      %dma_wait3A_1491 = arith.constant 0 : i32
      %dma_wait3A_1492 = arith.constant 0 : i32
      %dma_wait3A_1493 = tpu.memref_slice %arg3[%dma_wait3A_1491, %dma_wait3A_1492] : memref<16x1000000xf32, #tpu.memory_space<hbm>> -> memref<16x128xf32, #tpu.memory_space<hbm>>
      tpu.wait_dma2 semaphore(%arg14 : memref<!tpu.dma_semaphore, #tpu.memory_space<semaphore_mem>>) src(%dma_wait3A_1493 : memref<16x128xf32, #tpu.memory_space<hbm>>) dst(%dma_wait3A_1490 : memref<16x128xf32, #tpu.memory_space<vmem>>)
      %dma_wait3A_1494 = arith.constant 7 : i32
      %dma_wait3A_1495 = arith.constant 0 : i32
      %dma_wait3A_1496 = arith.constant 0 : i32
      %dma_wait3A_1497 = tpu.memref_slice %arg10[%dma_wait3A_1494, %dma_wait3A_1495, %dma_wait3A_1496] : memref<16x16x128xf32, #tpu.memory_space<vmem>> -> memref<1x16x128xf32, #tpu.memory_space<vmem>>
      %dma_wait3A_1498 = tpu.memref_squeeze %dma_wait3A_1497 : memref<1x16x128xf32, #tpu.memory_space<vmem>> -> memref<16x128xf32, #tpu.memory_space<vmem>>
      %dma_wait3A_1499 = arith.constant 0 : i32
      %dma_wait3A_1500 = arith.constant 0 : i32
      %dma_wait3A_1501 = tpu.memref_slice %arg4[%dma_wait3A_1499, %dma_wait3A_1500] : memref<16x1000001xf32, #tpu.memory_space<hbm>> -> memref<16x128xf32, #tpu.memory_space<hbm>>
      %dma_wait3A_1502 = arith.constant 0 : i32
      %dma_wait3A_1503 = arith.constant 0 : i32
      %dma_wait3A_1504 = tpu.memref_slice %arg10[%dma_wait3A_1494, %dma_wait3A_1502, %dma_wait3A_1503] : memref<16x16x128xf32, #tpu.memory_space<vmem>> -> memref<1x16x128xf32, #tpu.memory_space<vmem>>
      %dma_wait3A_1505 = tpu.memref_squeeze %dma_wait3A_1504 : memref<1x16x128xf32, #tpu.memory_space<vmem>> -> memref<16x128xf32, #tpu.memory_space<vmem>>
      %dma_wait3A_1506 = arith.constant 0 : i32
      %dma_wait3A_1507 = arith.constant 0 : i32
      %dma_wait3A_1508 = tpu.memref_slice %arg4[%dma_wait3A_1506, %dma_wait3A_1507] : memref<16x1000001xf32, #tpu.memory_space<hbm>> -> memref<16x128xf32, #tpu.memory_space<hbm>>
      tpu.wait_dma2 semaphore(%arg15 : memref<!tpu.dma_semaphore, #tpu.memory_space<semaphore_mem>>) src(%dma_wait3A_1508 : memref<16x128xf32, #tpu.memory_space<hbm>>) dst(%dma_wait3A_1505 : memref<16x128xf32, #tpu.memory_space<vmem>>)
      %gather3A_1509 = tpu.vector_load_idx %arg9[%broadcast_in_dim3A_1457, %iota3A, %broadcast_in_dim3A_1455] : memref<16x16x128xf32, #tpu.memory_space<vmem>>[vector<16xi32>, vector<16xi32>, vector<16xi32>], vector<16xf32>,
      %gather3A_1510 = tpu.vector_load_idx %arg10[%broadcast_in_dim3A_1457, %iota3A, %broadcast_in_dim3A_1455] : memref<16x16x128xf32, #tpu.memory_space<vmem>>[vector<16xi32>, vector<16xi32>, vector<16xi32>], vector<16xf32>,
      %lt3A_1511 = arith.constant 31 : i32
      %lt3A_1512 = arith.cmpi slt, %scan3A_876, %lt3A_1511 : i32
      %convert_element_type3A_1513 = arith.extui %lt3A_1512 : i1 to i32
      %cond3A_1514 = arith.constant 0 : i32
      %cond3A_1515 = arith.cmpi ne, %convert_element_type3A_1513, %cond3A_1514 : i32
      scf.if %cond3A_1515 {
        %slice3A_2268 = vector.extract_strided_slice %gather3A_889 {offsets = [7], sizes = [1], strides = [1]} : vector<16xi32> to vector<1xi32>
        %squeeze3A_2269 = vector.extract %slice3A_2268[0] : i32 from vector<1xi32>
        %jit3A_2270 = arith.constant 128 : i32
        %div3A_2271 = arith.divsi %squeeze3A_2269, %jit3A_2270 : i32
        %sign3A_2272 = arith.constant 0 : i32
        %sign3A_2273 = arith.cmpi sgt, %squeeze3A_2269, %sign3A_2272 : i32
        %sign3A_2274 = arith.extui %sign3A_2273 : i1 to i32
        %sign3A_2275 = arith.constant 0 : i32
        %sign3A_2276 = arith.cmpi slt, %squeeze3A_2269, %sign3A_2275 : i32
        %sign3A_2277 = arith.extui %sign3A_2276 : i1 to i32
        %sign3A_2278 = arith.subi %sign3A_2274, %sign3A_2277 : i32
        %sign3A_2279 = arith.constant 0 : i32
        %sign3A_2280 = arith.cmpi sgt, %jit3A_2270, %sign3A_2279 : i32
        %sign3A_2281 = arith.extui %sign3A_2280 : i1 to i32
        %sign3A_2282 = arith.constant 0 : i32
        %sign3A_2283 = arith.cmpi slt, %jit3A_2270, %sign3A_2282 : i32
        %sign3A_2284 = arith.extui %sign3A_2283 : i1 to i32
        %sign3A_2285 = arith.subi %sign3A_2281, %sign3A_2284 : i32
        %ne3A_2286 = arith.cmpi ne, %sign3A_2278, %sign3A_2285 : i32
        %rem3A_2287 = arith.remsi %squeeze3A_2269, %jit3A_2270 : i32
        %ne3A_2288 = arith.constant 0 : i32
        %ne3A_2289 = arith.cmpi ne, %rem3A_2287, %ne3A_2288 : i32
        %and3A_2290 = arith.andi %ne3A_2286, %ne3A_2289 : i1
        %sub3A_2291 = arith.constant 1 : i32
        %sub3A_2292 = arith.subi %div3A_2271, %sub3A_2291 : i32
        %select_n3A_2293 = arith.select %and3A_2290, %sub3A_2292, %div3A_2271 : i32
        %mul3A_2294 = arith.constant 128 : i32
        %mul3A_2295 = arith.muli %select_n3A_2293, %mul3A_2294 : i32
        %multiple_of3A_2296 = tpu.assume_multiple %mul3A_2295, 128 : i32
        %dma_start3A_2297 = arith.constant 7 : i32
        %dma_start3A_2298 = arith.constant 0 : i32
        %dma_start3A_2299 = arith.constant 0 : i32
        %dma_start3A_2300 = tpu.memref_slice %arg9[%dma_start3A_2297, %dma_start3A_2298, %dma_start3A_2299] : memref<16x16x128xf32, #tpu.memory_space<vmem>> -> memref<1x16x128xf32, #tpu.memory_space<vmem>>
        %dma_start3A_2301 = tpu.memref_squeeze %dma_start3A_2300 : memref<1x16x128xf32, #tpu.memory_space<vmem>> -> memref<16x128xf32, #tpu.memory_space<vmem>>
        %dma_start3A_2302 = arith.constant 0 : i32
        %dma_start3A_2303 = tpu.memref_slice %arg3[%dma_start3A_2302, %multiple_of3A_2296] : memref<16x1000000xf32, #tpu.memory_space<hbm>> -> memref<16x128xf32, #tpu.memory_space<hbm>>
        %dma_start3A_2304 = arith.constant 0 : i32
        %dma_start3A_2305 = arith.constant 0 : i32
        %dma_start3A_2306 = tpu.memref_slice %arg9[%dma_start3A_2297, %dma_start3A_2304, %dma_start3A_2305] : memref<16x16x128xf32, #tpu.memory_space<vmem>> -> memref<1x16x128xf32, #tpu.memory_space<vmem>>
        %dma_start3A_2307 = tpu.memref_squeeze %dma_start3A_2306 : memref<1x16x128xf32, #tpu.memory_space<vmem>> -> memref<16x128xf32, #tpu.memory_space<vmem>>
        %dma_start3A_2308 = arith.constant 0 : i32
        %dma_start3A_2309 = tpu.memref_slice %arg3[%dma_start3A_2308, %multiple_of3A_2296] : memref<16x1000000xf32, #tpu.memory_space<hbm>> -> memref<16x128xf32, #tpu.memory_space<hbm>>
        tpu.enqueue_dma source(%dma_start3A_2309 : memref<16x128xf32, #tpu.memory_space<hbm>>) target(%dma_start3A_2307 : memref<16x128xf32, #tpu.memory_space<vmem>>) target_semaphore(%arg14 : memref<!tpu.dma_semaphore, #tpu.memory_space<semaphore_mem>>)
        %dma_start3A_2310 = arith.constant 7 : i32
        %dma_start3A_2311 = arith.constant 0 : i32
        %dma_start3A_2312 = arith.constant 0 : i32
        %dma_start3A_2313 = tpu.memref_slice %arg10[%dma_start3A_2310, %dma_start3A_2311, %dma_start3A_2312] : memref<16x16x128xf32, #tpu.memory_space<vmem>> -> memref<1x16x128xf32, #tpu.memory_space<vmem>>
        %dma_start3A_2314 = tpu.memref_squeeze %dma_start3A_2313 : memref<1x16x128xf32, #tpu.memory_space<vmem>> -> memref<16x128xf32, #tpu.memory_space<vmem>>
        %dma_start3A_2315 = arith.constant 0 : i32
        %dma_start3A_2316 = tpu.memref_slice %arg4[%dma_start3A_2315, %multiple_of3A_2296] : memref<16x1000001xf32, #tpu.memory_space<hbm>> -> memref<16x128xf32, #tpu.memory_space<hbm>>
        %dma_start3A_2317 = arith.constant 0 : i32
        %dma_start3A_2318 = arith.constant 0 : i32
        %dma_start3A_2319 = tpu.memref_slice %arg10[%dma_start3A_2310, %dma_start3A_2317, %dma_start3A_2318] : memref<16x16x128xf32, #tpu.memory_space<vmem>> -> memref<1x16x128xf32, #tpu.memory_space<vmem>>
        %dma_start3A_2320 = tpu.memref_squeeze %dma_start3A_2319 : memref<1x16x128xf32, #tpu.memory_space<vmem>> -> memref<16x128xf32, #tpu.memory_space<vmem>>
        %dma_start3A_2321 = arith.constant 0 : i32
        %dma_start3A_2322 = tpu.memref_slice %arg4[%dma_start3A_2321, %multiple_of3A_2296] : memref<16x1000001xf32, #tpu.memory_space<hbm>> -> memref<16x128xf32, #tpu.memory_space<hbm>>
        tpu.enqueue_dma source(%dma_start3A_2322 : memref<16x128xf32, #tpu.memory_space<hbm>>) target(%dma_start3A_2320 : memref<16x128xf32, #tpu.memory_space<vmem>>) target_semaphore(%arg15 : memref<!tpu.dma_semaphore, #tpu.memory_space<semaphore_mem>>)
      } else {
      }
      tpu.vector_store_idx %arg11[%iota3A, %broadcast_in_dim3A_1478], %gather3A_1509 : memref<16x128xf32, #tpu.memory_space<vmem>>[vector<16xi32>, vector<16xi32>], vector<16xf32>,
      tpu.vector_store_idx %arg12[%iota3A, %broadcast_in_dim3A_1478], %gather3A_1510 : memref<16x128xf32, #tpu.memory_space<vmem>>[vector<16xi32>, vector<16xi32>], vector<16xf32>,
      %slice3A_1516 = vector.extract_strided_slice %gather3A_881 {offsets = [8], sizes = [1], strides = [1]} : vector<16xi32> to vector<1xi32>
      %squeeze3A_1517 = vector.extract %slice3A_1516[0] : i32 from vector<1xi32>
      %jit3A_1518 = arith.constant 128 : i32
      %eq3A_1519 = arith.constant 0 : i32
      %eq3A_1520 = arith.cmpi eq, %jit3A_1518, %eq3A_1519 : i32
      %jit3A_1521 = arith.constant 1 : i32
      %select_n3A_1522 = arith.select %eq3A_1520, %jit3A_1521, %jit3A_1518 : i32
      %rem3A_1523 = arith.remsi %squeeze3A_1517, %select_n3A_1522 : i32
      %ne3A_1524 = arith.constant 0 : i32
      %ne3A_1525 = arith.cmpi ne, %rem3A_1523, %ne3A_1524 : i32
      %lt3A_1526 = arith.constant 0 : i32
      %lt3A_1527 = arith.cmpi slt, %rem3A_1523, %lt3A_1526 : i32
      %lt3A_1528 = arith.constant 0 : i32
      %lt3A_1529 = arith.cmpi slt, %select_n3A_1522, %lt3A_1528 : i32
      %ne3A_1530 = arith.xori %lt3A_1527, %lt3A_1529 : i1
      %and3A_1531 = arith.andi %ne3A_1530, %ne3A_1525 : i1
      %add3A_1532 = arith.addi %rem3A_1523, %select_n3A_1522 : i32
      %select_n3A_1533 = arith.select %and3A_1531, %add3A_1532, %rem3A_1523 : i32
      %broadcast_in_dim3A_1534 = vector.broadcast %select_n3A_1533 : i32 to vector<16xi32>
      %broadcast_in_dim3A_1535 = arith.constant 8 : i32
      %broadcast_in_dim3A_1536 = vector.broadcast %broadcast_in_dim3A_1535 : i32 to vector<16xi32>
      %jit3A_1537 = arith.constant 8 : i32
      %eq3A_1538 = arith.constant 0 : i32
      %eq3A_1539 = arith.cmpi eq, %jit3A_1537, %eq3A_1538 : i32
      %jit3A_1540 = arith.constant 1 : i32
      %select_n3A_1541 = arith.select %eq3A_1539, %jit3A_1540, %jit3A_1537 : i32
      %rem3A_1542 = arith.remsi %scan3A_876, %select_n3A_1541 : i32
      %ne3A_1543 = arith.constant 0 : i32
      %ne3A_1544 = arith.cmpi ne, %rem3A_1542, %ne3A_1543 : i32
      %lt3A_1545 = arith.constant 0 : i32
      %lt3A_1546 = arith.cmpi slt, %rem3A_1542, %lt3A_1545 : i32
      %lt3A_1547 = arith.constant 0 : i32
      %lt3A_1548 = arith.cmpi slt, %select_n3A_1541, %lt3A_1547 : i32
      %ne3A_1549 = arith.xori %lt3A_1546, %lt3A_1548 : i1
      %and3A_1550 = arith.andi %ne3A_1549, %ne3A_1544 : i1
      %add3A_1551 = arith.addi %rem3A_1542, %select_n3A_1541 : i32
      %select_n3A_1552 = arith.select %and3A_1550, %add3A_1551, %rem3A_1542 : i32
      %mul3A_1553 = arith.constant 16 : i32
      %mul3A_1554 = arith.muli %select_n3A_1552, %mul3A_1553 : i32
      %add3A_1555 = arith.constant 8 : i32
      %add3A_1556 = arith.addi %mul3A_1554, %add3A_1555 : i32
      %broadcast_in_dim3A_1557 = vector.broadcast %add3A_1556 : i32 to vector<16xi32>
      %dma_wait3A_1558 = arith.constant 8 : i32
      %dma_wait3A_1559 = arith.constant 0 : i32
      %dma_wait3A_1560 = arith.constant 0 : i32
      %dma_wait3A_1561 = tpu.memref_slice %arg9[%dma_wait3A_1558, %dma_wait3A_1559, %dma_wait3A_1560] : memref<16x16x128xf32, #tpu.memory_space<vmem>> -> memref<1x16x128xf32, #tpu.memory_space<vmem>>
      %dma_wait3A_1562 = tpu.memref_squeeze %dma_wait3A_1561 : memref<1x16x128xf32, #tpu.memory_space<vmem>> -> memref<16x128xf32, #tpu.memory_space<vmem>>
      %dma_wait3A_1563 = arith.constant 0 : i32
      %dma_wait3A_1564 = arith.constant 0 : i32
      %dma_wait3A_1565 = tpu.memref_slice %arg3[%dma_wait3A_1563, %dma_wait3A_1564] : memref<16x1000000xf32, #tpu.memory_space<hbm>> -> memref<16x128xf32, #tpu.memory_space<hbm>>
      %dma_wait3A_1566 = arith.constant 0 : i32
      %dma_wait3A_1567 = arith.constant 0 : i32
      %dma_wait3A_1568 = tpu.memref_slice %arg9[%dma_wait3A_1558, %dma_wait3A_1566, %dma_wait3A_1567] : memref<16x16x128xf32, #tpu.memory_space<vmem>> -> memref<1x16x128xf32, #tpu.memory_space<vmem>>
      %dma_wait3A_1569 = tpu.memref_squeeze %dma_wait3A_1568 : memref<1x16x128xf32, #tpu.memory_space<vmem>> -> memref<16x128xf32, #tpu.memory_space<vmem>>
      %dma_wait3A_1570 = arith.constant 0 : i32
      %dma_wait3A_1571 = arith.constant 0 : i32
      %dma_wait3A_1572 = tpu.memref_slice %arg3[%dma_wait3A_1570, %dma_wait3A_1571] : memref<16x1000000xf32, #tpu.memory_space<hbm>> -> memref<16x128xf32, #tpu.memory_space<hbm>>
      tpu.wait_dma2 semaphore(%arg14 : memref<!tpu.dma_semaphore, #tpu.memory_space<semaphore_mem>>) src(%dma_wait3A_1572 : memref<16x128xf32, #tpu.memory_space<hbm>>) dst(%dma_wait3A_1569 : memref<16x128xf32, #tpu.memory_space<vmem>>)
      %dma_wait3A_1573 = arith.constant 8 : i32
      %dma_wait3A_1574 = arith.constant 0 : i32
      %dma_wait3A_1575 = arith.constant 0 : i32
      %dma_wait3A_1576 = tpu.memref_slice %arg10[%dma_wait3A_1573, %dma_wait3A_1574, %dma_wait3A_1575] : memref<16x16x128xf32, #tpu.memory_space<vmem>> -> memref<1x16x128xf32, #tpu.memory_space<vmem>>
      %dma_wait3A_1577 = tpu.memref_squeeze %dma_wait3A_1576 : memref<1x16x128xf32, #tpu.memory_space<vmem>> -> memref<16x128xf32, #tpu.memory_space<vmem>>
      %dma_wait3A_1578 = arith.constant 0 : i32
      %dma_wait3A_1579 = arith.constant 0 : i32
      %dma_wait3A_1580 = tpu.memref_slice %arg4[%dma_wait3A_1578, %dma_wait3A_1579] : memref<16x1000001xf32, #tpu.memory_space<hbm>> -> memref<16x128xf32, #tpu.memory_space<hbm>>
      %dma_wait3A_1581 = arith.constant 0 : i32
      %dma_wait3A_1582 = arith.constant 0 : i32
      %dma_wait3A_1583 = tpu.memref_slice %arg10[%dma_wait3A_1573, %dma_wait3A_1581, %dma_wait3A_1582] : memref<16x16x128xf32, #tpu.memory_space<vmem>> -> memref<1x16x128xf32, #tpu.memory_space<vmem>>
      %dma_wait3A_1584 = tpu.memref_squeeze %dma_wait3A_1583 : memref<1x16x128xf32, #tpu.memory_space<vmem>> -> memref<16x128xf32, #tpu.memory_space<vmem>>
      %dma_wait3A_1585 = arith.constant 0 : i32
      %dma_wait3A_1586 = arith.constant 0 : i32
      %dma_wait3A_1587 = tpu.memref_slice %arg4[%dma_wait3A_1585, %dma_wait3A_1586] : memref<16x1000001xf32, #tpu.memory_space<hbm>> -> memref<16x128xf32, #tpu.memory_space<hbm>>
      tpu.wait_dma2 semaphore(%arg15 : memref<!tpu.dma_semaphore, #tpu.memory_space<semaphore_mem>>) src(%dma_wait3A_1587 : memref<16x128xf32, #tpu.memory_space<hbm>>) dst(%dma_wait3A_1584 : memref<16x128xf32, #tpu.memory_space<vmem>>)
      %gather3A_1588 = tpu.vector_load_idx %arg9[%broadcast_in_dim3A_1536, %iota3A, %broadcast_in_dim3A_1534] : memref<16x16x128xf32, #tpu.memory_space<vmem>>[vector<16xi32>, vector<16xi32>, vector<16xi32>], vector<16xf32>,
      %gather3A_1589 = tpu.vector_load_idx %arg10[%broadcast_in_dim3A_1536, %iota3A, %broadcast_in_dim3A_1534] : memref<16x16x128xf32, #tpu.memory_space<vmem>>[vector<16xi32>, vector<16xi32>, vector<16xi32>], vector<16xf32>,
      %lt3A_1590 = arith.constant 31 : i32
      %lt3A_1591 = arith.cmpi slt, %scan3A_876, %lt3A_1590 : i32
      %convert_element_type3A_1592 = arith.extui %lt3A_1591 : i1 to i32
      %cond3A_1593 = arith.constant 0 : i32
      %cond3A_1594 = arith.cmpi ne, %convert_element_type3A_1592, %cond3A_1593 : i32
      scf.if %cond3A_1594 {
        %slice3A_2268 = vector.extract_strided_slice %gather3A_889 {offsets = [8], sizes = [1], strides = [1]} : vector<16xi32> to vector<1xi32>
        %squeeze3A_2269 = vector.extract %slice3A_2268[0] : i32 from vector<1xi32>
        %jit3A_2270 = arith.constant 128 : i32
        %div3A_2271 = arith.divsi %squeeze3A_2269, %jit3A_2270 : i32
        %sign3A_2272 = arith.constant 0 : i32
        %sign3A_2273 = arith.cmpi sgt, %squeeze3A_2269, %sign3A_2272 : i32
        %sign3A_2274 = arith.extui %sign3A_2273 : i1 to i32
        %sign3A_2275 = arith.constant 0 : i32
        %sign3A_2276 = arith.cmpi slt, %squeeze3A_2269, %sign3A_2275 : i32
        %sign3A_2277 = arith.extui %sign3A_2276 : i1 to i32
        %sign3A_2278 = arith.subi %sign3A_2274, %sign3A_2277 : i32
        %sign3A_2279 = arith.constant 0 : i32
        %sign3A_2280 = arith.cmpi sgt, %jit3A_2270, %sign3A_2279 : i32
        %sign3A_2281 = arith.extui %sign3A_2280 : i1 to i32
        %sign3A_2282 = arith.constant 0 : i32
        %sign3A_2283 = arith.cmpi slt, %jit3A_2270, %sign3A_2282 : i32
        %sign3A_2284 = arith.extui %sign3A_2283 : i1 to i32
        %sign3A_2285 = arith.subi %sign3A_2281, %sign3A_2284 : i32
        %ne3A_2286 = arith.cmpi ne, %sign3A_2278, %sign3A_2285 : i32
        %rem3A_2287 = arith.remsi %squeeze3A_2269, %jit3A_2270 : i32
        %ne3A_2288 = arith.constant 0 : i32
        %ne3A_2289 = arith.cmpi ne, %rem3A_2287, %ne3A_2288 : i32
        %and3A_2290 = arith.andi %ne3A_2286, %ne3A_2289 : i1
        %sub3A_2291 = arith.constant 1 : i32
        %sub3A_2292 = arith.subi %div3A_2271, %sub3A_2291 : i32
        %select_n3A_2293 = arith.select %and3A_2290, %sub3A_2292, %div3A_2271 : i32
        %mul3A_2294 = arith.constant 128 : i32
        %mul3A_2295 = arith.muli %select_n3A_2293, %mul3A_2294 : i32
        %multiple_of3A_2296 = tpu.assume_multiple %mul3A_2295, 128 : i32
        %dma_start3A_2297 = arith.constant 8 : i32
        %dma_start3A_2298 = arith.constant 0 : i32
        %dma_start3A_2299 = arith.constant 0 : i32
        %dma_start3A_2300 = tpu.memref_slice %arg9[%dma_start3A_2297, %dma_start3A_2298, %dma_start3A_2299] : memref<16x16x128xf32, #tpu.memory_space<vmem>> -> memref<1x16x128xf32, #tpu.memory_space<vmem>>
        %dma_start3A_2301 = tpu.memref_squeeze %dma_start3A_2300 : memref<1x16x128xf32, #tpu.memory_space<vmem>> -> memref<16x128xf32, #tpu.memory_space<vmem>>
        %dma_start3A_2302 = arith.constant 0 : i32
        %dma_start3A_2303 = tpu.memref_slice %arg3[%dma_start3A_2302, %multiple_of3A_2296] : memref<16x1000000xf32, #tpu.memory_space<hbm>> -> memref<16x128xf32, #tpu.memory_space<hbm>>
        %dma_start3A_2304 = arith.constant 0 : i32
        %dma_start3A_2305 = arith.constant 0 : i32
        %dma_start3A_2306 = tpu.memref_slice %arg9[%dma_start3A_2297, %dma_start3A_2304, %dma_start3A_2305] : memref<16x16x128xf32, #tpu.memory_space<vmem>> -> memref<1x16x128xf32, #tpu.memory_space<vmem>>
        %dma_start3A_2307 = tpu.memref_squeeze %dma_start3A_2306 : memref<1x16x128xf32, #tpu.memory_space<vmem>> -> memref<16x128xf32, #tpu.memory_space<vmem>>
        %dma_start3A_2308 = arith.constant 0 : i32
        %dma_start3A_2309 = tpu.memref_slice %arg3[%dma_start3A_2308, %multiple_of3A_2296] : memref<16x1000000xf32, #tpu.memory_space<hbm>> -> memref<16x128xf32, #tpu.memory_space<hbm>>
        tpu.enqueue_dma source(%dma_start3A_2309 : memref<16x128xf32, #tpu.memory_space<hbm>>) target(%dma_start3A_2307 : memref<16x128xf32, #tpu.memory_space<vmem>>) target_semaphore(%arg14 : memref<!tpu.dma_semaphore, #tpu.memory_space<semaphore_mem>>)
        %dma_start3A_2310 = arith.constant 8 : i32
        %dma_start3A_2311 = arith.constant 0 : i32
        %dma_start3A_2312 = arith.constant 0 : i32
        %dma_start3A_2313 = tpu.memref_slice %arg10[%dma_start3A_2310, %dma_start3A_2311, %dma_start3A_2312] : memref<16x16x128xf32, #tpu.memory_space<vmem>> -> memref<1x16x128xf32, #tpu.memory_space<vmem>>
        %dma_start3A_2314 = tpu.memref_squeeze %dma_start3A_2313 : memref<1x16x128xf32, #tpu.memory_space<vmem>> -> memref<16x128xf32, #tpu.memory_space<vmem>>
        %dma_start3A_2315 = arith.constant 0 : i32
        %dma_start3A_2316 = tpu.memref_slice %arg4[%dma_start3A_2315, %multiple_of3A_2296] : memref<16x1000001xf32, #tpu.memory_space<hbm>> -> memref<16x128xf32, #tpu.memory_space<hbm>>
        %dma_start3A_2317 = arith.constant 0 : i32
        %dma_start3A_2318 = arith.constant 0 : i32
        %dma_start3A_2319 = tpu.memref_slice %arg10[%dma_start3A_2310, %dma_start3A_2317, %dma_start3A_2318] : memref<16x16x128xf32, #tpu.memory_space<vmem>> -> memref<1x16x128xf32, #tpu.memory_space<vmem>>
        %dma_start3A_2320 = tpu.memref_squeeze %dma_start3A_2319 : memref<1x16x128xf32, #tpu.memory_space<vmem>> -> memref<16x128xf32, #tpu.memory_space<vmem>>
        %dma_start3A_2321 = arith.constant 0 : i32
        %dma_start3A_2322 = tpu.memref_slice %arg4[%dma_start3A_2321, %multiple_of3A_2296] : memref<16x1000001xf32, #tpu.memory_space<hbm>> -> memref<16x128xf32, #tpu.memory_space<hbm>>
        tpu.enqueue_dma source(%dma_start3A_2322 : memref<16x128xf32, #tpu.memory_space<hbm>>) target(%dma_start3A_2320 : memref<16x128xf32, #tpu.memory_space<vmem>>) target_semaphore(%arg15 : memref<!tpu.dma_semaphore, #tpu.memory_space<semaphore_mem>>)
      } else {
      }
      tpu.vector_store_idx %arg11[%iota3A, %broadcast_in_dim3A_1557], %gather3A_1588 : memref<16x128xf32, #tpu.memory_space<vmem>>[vector<16xi32>, vector<16xi32>], vector<16xf32>,
      tpu.vector_store_idx %arg12[%iota3A, %broadcast_in_dim3A_1557], %gather3A_1589 : memref<16x128xf32, #tpu.memory_space<vmem>>[vector<16xi32>, vector<16xi32>], vector<16xf32>,
      %slice3A_1595 = vector.extract_strided_slice %gather3A_881 {offsets = [9], sizes = [1], strides = [1]} : vector<16xi32> to vector<1xi32>
      %squeeze3A_1596 = vector.extract %slice3A_1595[0] : i32 from vector<1xi32>
      %jit3A_1597 = arith.constant 128 : i32
      %eq3A_1598 = arith.constant 0 : i32
      %eq3A_1599 = arith.cmpi eq, %jit3A_1597, %eq3A_1598 : i32
      %jit3A_1600 = arith.constant 1 : i32
      %select_n3A_1601 = arith.select %eq3A_1599, %jit3A_1600, %jit3A_1597 : i32
      %rem3A_1602 = arith.remsi %squeeze3A_1596, %select_n3A_1601 : i32
      %ne3A_1603 = arith.constant 0 : i32
      %ne3A_1604 = arith.cmpi ne, %rem3A_1602, %ne3A_1603 : i32
      %lt3A_1605 = arith.constant 0 : i32
      %lt3A_1606 = arith.cmpi slt, %rem3A_1602, %lt3A_1605 : i32
      %lt3A_1607 = arith.constant 0 : i32
      %lt3A_1608 = arith.cmpi slt, %select_n3A_1601, %lt3A_1607 : i32
      %ne3A_1609 = arith.xori %lt3A_1606, %lt3A_1608 : i1
      %and3A_1610 = arith.andi %ne3A_1609, %ne3A_1604 : i1
      %add3A_1611 = arith.addi %rem3A_1602, %select_n3A_1601 : i32
      %select_n3A_1612 = arith.select %and3A_1610, %add3A_1611, %rem3A_1602 : i32
      %broadcast_in_dim3A_1613 = vector.broadcast %select_n3A_1612 : i32 to vector<16xi32>
      %broadcast_in_dim3A_1614 = arith.constant 9 : i32
      %broadcast_in_dim3A_1615 = vector.broadcast %broadcast_in_dim3A_1614 : i32 to vector<16xi32>
      %jit3A_1616 = arith.constant 8 : i32
      %eq3A_1617 = arith.constant 0 : i32
      %eq3A_1618 = arith.cmpi eq, %jit3A_1616, %eq3A_1617 : i32
      %jit3A_1619 = arith.constant 1 : i32
      %select_n3A_1620 = arith.select %eq3A_1618, %jit3A_1619, %jit3A_1616 : i32
      %rem3A_1621 = arith.remsi %scan3A_876, %select_n3A_1620 : i32
      %ne3A_1622 = arith.constant 0 : i32
      %ne3A_1623 = arith.cmpi ne, %rem3A_1621, %ne3A_1622 : i32
      %lt3A_1624 = arith.constant 0 : i32
      %lt3A_1625 = arith.cmpi slt, %rem3A_1621, %lt3A_1624 : i32
      %lt3A_1626 = arith.constant 0 : i32
      %lt3A_1627 = arith.cmpi slt, %select_n3A_1620, %lt3A_1626 : i32
      %ne3A_1628 = arith.xori %lt3A_1625, %lt3A_1627 : i1
      %and3A_1629 = arith.andi %ne3A_1628, %ne3A_1623 : i1
      %add3A_1630 = arith.addi %rem3A_1621, %select_n3A_1620 : i32
      %select_n3A_1631 = arith.select %and3A_1629, %add3A_1630, %rem3A_1621 : i32
      %mul3A_1632 = arith.constant 16 : i32
      %mul3A_1633 = arith.muli %select_n3A_1631, %mul3A_1632 : i32
      %add3A_1634 = arith.constant 9 : i32
      %add3A_1635 = arith.addi %mul3A_1633, %add3A_1634 : i32
      %broadcast_in_dim3A_1636 = vector.broadcast %add3A_1635 : i32 to vector<16xi32>
      %dma_wait3A_1637 = arith.constant 9 : i32
      %dma_wait3A_1638 = arith.constant 0 : i32
      %dma_wait3A_1639 = arith.constant 0 : i32
      %dma_wait3A_1640 = tpu.memref_slice %arg9[%dma_wait3A_1637, %dma_wait3A_1638, %dma_wait3A_1639] : memref<16x16x128xf32, #tpu.memory_space<vmem>> -> memref<1x16x128xf32, #tpu.memory_space<vmem>>
      %dma_wait3A_1641 = tpu.memref_squeeze %dma_wait3A_1640 : memref<1x16x128xf32, #tpu.memory_space<vmem>> -> memref<16x128xf32, #tpu.memory_space<vmem>>
      %dma_wait3A_1642 = arith.constant 0 : i32
      %dma_wait3A_1643 = arith.constant 0 : i32
      %dma_wait3A_1644 = tpu.memref_slice %arg3[%dma_wait3A_1642, %dma_wait3A_1643] : memref<16x1000000xf32, #tpu.memory_space<hbm>> -> memref<16x128xf32, #tpu.memory_space<hbm>>
      %dma_wait3A_1645 = arith.constant 0 : i32
      %dma_wait3A_1646 = arith.constant 0 : i32
      %dma_wait3A_1647 = tpu.memref_slice %arg9[%dma_wait3A_1637, %dma_wait3A_1645, %dma_wait3A_1646] : memref<16x16x128xf32, #tpu.memory_space<vmem>> -> memref<1x16x128xf32, #tpu.memory_space<vmem>>
      %dma_wait3A_1648 = tpu.memref_squeeze %dma_wait3A_1647 : memref<1x16x128xf32, #tpu.memory_space<vmem>> -> memref<16x128xf32, #tpu.memory_space<vmem>>
      %dma_wait3A_1649 = arith.constant 0 : i32
      %dma_wait3A_1650 = arith.constant 0 : i32
      %dma_wait3A_1651 = tpu.memref_slice %arg3[%dma_wait3A_1649, %dma_wait3A_1650] : memref<16x1000000xf32, #tpu.memory_space<hbm>> -> memref<16x128xf32, #tpu.memory_space<hbm>>
      tpu.wait_dma2 semaphore(%arg14 : memref<!tpu.dma_semaphore, #tpu.memory_space<semaphore_mem>>) src(%dma_wait3A_1651 : memref<16x128xf32, #tpu.memory_space<hbm>>) dst(%dma_wait3A_1648 : memref<16x128xf32, #tpu.memory_space<vmem>>)
      %dma_wait3A_1652 = arith.constant 9 : i32
      %dma_wait3A_1653 = arith.constant 0 : i32
      %dma_wait3A_1654 = arith.constant 0 : i32
      %dma_wait3A_1655 = tpu.memref_slice %arg10[%dma_wait3A_1652, %dma_wait3A_1653, %dma_wait3A_1654] : memref<16x16x128xf32, #tpu.memory_space<vmem>> -> memref<1x16x128xf32, #tpu.memory_space<vmem>>
      %dma_wait3A_1656 = tpu.memref_squeeze %dma_wait3A_1655 : memref<1x16x128xf32, #tpu.memory_space<vmem>> -> memref<16x128xf32, #tpu.memory_space<vmem>>
      %dma_wait3A_1657 = arith.constant 0 : i32
      %dma_wait3A_1658 = arith.constant 0 : i32
      %dma_wait3A_1659 = tpu.memref_slice %arg4[%dma_wait3A_1657, %dma_wait3A_1658] : memref<16x1000001xf32, #tpu.memory_space<hbm>> -> memref<16x128xf32, #tpu.memory_space<hbm>>
      %dma_wait3A_1660 = arith.constant 0 : i32
      %dma_wait3A_1661 = arith.constant 0 : i32
      %dma_wait3A_1662 = tpu.memref_slice %arg10[%dma_wait3A_1652, %dma_wait3A_1660, %dma_wait3A_1661] : memref<16x16x128xf32, #tpu.memory_space<vmem>> -> memref<1x16x128xf32, #tpu.memory_space<vmem>>
      %dma_wait3A_1663 = tpu.memref_squeeze %dma_wait3A_1662 : memref<1x16x128xf32, #tpu.memory_space<vmem>> -> memref<16x128xf32, #tpu.memory_space<vmem>>
      %dma_wait3A_1664 = arith.constant 0 : i32
      %dma_wait3A_1665 = arith.constant 0 : i32
      %dma_wait3A_1666 = tpu.memref_slice %arg4[%dma_wait3A_1664, %dma_wait3A_1665] : memref<16x1000001xf32, #tpu.memory_space<hbm>> -> memref<16x128xf32, #tpu.memory_space<hbm>>
      tpu.wait_dma2 semaphore(%arg15 : memref<!tpu.dma_semaphore, #tpu.memory_space<semaphore_mem>>) src(%dma_wait3A_1666 : memref<16x128xf32, #tpu.memory_space<hbm>>) dst(%dma_wait3A_1663 : memref<16x128xf32, #tpu.memory_space<vmem>>)
      %gather3A_1667 = tpu.vector_load_idx %arg9[%broadcast_in_dim3A_1615, %iota3A, %broadcast_in_dim3A_1613] : memref<16x16x128xf32, #tpu.memory_space<vmem>>[vector<16xi32>, vector<16xi32>, vector<16xi32>], vector<16xf32>,
      %gather3A_1668 = tpu.vector_load_idx %arg10[%broadcast_in_dim3A_1615, %iota3A, %broadcast_in_dim3A_1613] : memref<16x16x128xf32, #tpu.memory_space<vmem>>[vector<16xi32>, vector<16xi32>, vector<16xi32>], vector<16xf32>,
      %lt3A_1669 = arith.constant 31 : i32
      %lt3A_1670 = arith.cmpi slt, %scan3A_876, %lt3A_1669 : i32
      %convert_element_type3A_1671 = arith.extui %lt3A_1670 : i1 to i32
      %cond3A_1672 = arith.constant 0 : i32
      %cond3A_1673 = arith.cmpi ne, %convert_element_type3A_1671, %cond3A_1672 : i32
      scf.if %cond3A_1673 {
        %slice3A_2268 = vector.extract_strided_slice %gather3A_889 {offsets = [9], sizes = [1], strides = [1]} : vector<16xi32> to vector<1xi32>
        %squeeze3A_2269 = vector.extract %slice3A_2268[0] : i32 from vector<1xi32>
        %jit3A_2270 = arith.constant 128 : i32
        %div3A_2271 = arith.divsi %squeeze3A_2269, %jit3A_2270 : i32
        %sign3A_2272 = arith.constant 0 : i32
        %sign3A_2273 = arith.cmpi sgt, %squeeze3A_2269, %sign3A_2272 : i32
        %sign3A_2274 = arith.extui %sign3A_2273 : i1 to i32
        %sign3A_2275 = arith.constant 0 : i32
        %sign3A_2276 = arith.cmpi slt, %squeeze3A_2269, %sign3A_2275 : i32
        %sign3A_2277 = arith.extui %sign3A_2276 : i1 to i32
        %sign3A_2278 = arith.subi %sign3A_2274, %sign3A_2277 : i32
        %sign3A_2279 = arith.constant 0 : i32
        %sign3A_2280 = arith.cmpi sgt, %jit3A_2270, %sign3A_2279 : i32
        %sign3A_2281 = arith.extui %sign3A_2280 : i1 to i32
        %sign3A_2282 = arith.constant 0 : i32
        %sign3A_2283 = arith.cmpi slt, %jit3A_2270, %sign3A_2282 : i32
        %sign3A_2284 = arith.extui %sign3A_2283 : i1 to i32
        %sign3A_2285 = arith.subi %sign3A_2281, %sign3A_2284 : i32
        %ne3A_2286 = arith.cmpi ne, %sign3A_2278, %sign3A_2285 : i32
        %rem3A_2287 = arith.remsi %squeeze3A_2269, %jit3A_2270 : i32
        %ne3A_2288 = arith.constant 0 : i32
        %ne3A_2289 = arith.cmpi ne, %rem3A_2287, %ne3A_2288 : i32
        %and3A_2290 = arith.andi %ne3A_2286, %ne3A_2289 : i1
        %sub3A_2291 = arith.constant 1 : i32
        %sub3A_2292 = arith.subi %div3A_2271, %sub3A_2291 : i32
        %select_n3A_2293 = arith.select %and3A_2290, %sub3A_2292, %div3A_2271 : i32
        %mul3A_2294 = arith.constant 128 : i32
        %mul3A_2295 = arith.muli %select_n3A_2293, %mul3A_2294 : i32
        %multiple_of3A_2296 = tpu.assume_multiple %mul3A_2295, 128 : i32
        %dma_start3A_2297 = arith.constant 9 : i32
        %dma_start3A_2298 = arith.constant 0 : i32
        %dma_start3A_2299 = arith.constant 0 : i32
        %dma_start3A_2300 = tpu.memref_slice %arg9[%dma_start3A_2297, %dma_start3A_2298, %dma_start3A_2299] : memref<16x16x128xf32, #tpu.memory_space<vmem>> -> memref<1x16x128xf32, #tpu.memory_space<vmem>>
        %dma_start3A_2301 = tpu.memref_squeeze %dma_start3A_2300 : memref<1x16x128xf32, #tpu.memory_space<vmem>> -> memref<16x128xf32, #tpu.memory_space<vmem>>
        %dma_start3A_2302 = arith.constant 0 : i32
        %dma_start3A_2303 = tpu.memref_slice %arg3[%dma_start3A_2302, %multiple_of3A_2296] : memref<16x1000000xf32, #tpu.memory_space<hbm>> -> memref<16x128xf32, #tpu.memory_space<hbm>>
        %dma_start3A_2304 = arith.constant 0 : i32
        %dma_start3A_2305 = arith.constant 0 : i32
        %dma_start3A_2306 = tpu.memref_slice %arg9[%dma_start3A_2297, %dma_start3A_2304, %dma_start3A_2305] : memref<16x16x128xf32, #tpu.memory_space<vmem>> -> memref<1x16x128xf32, #tpu.memory_space<vmem>>
        %dma_start3A_2307 = tpu.memref_squeeze %dma_start3A_2306 : memref<1x16x128xf32, #tpu.memory_space<vmem>> -> memref<16x128xf32, #tpu.memory_space<vmem>>
        %dma_start3A_2308 = arith.constant 0 : i32
        %dma_start3A_2309 = tpu.memref_slice %arg3[%dma_start3A_2308, %multiple_of3A_2296] : memref<16x1000000xf32, #tpu.memory_space<hbm>> -> memref<16x128xf32, #tpu.memory_space<hbm>>
        tpu.enqueue_dma source(%dma_start3A_2309 : memref<16x128xf32, #tpu.memory_space<hbm>>) target(%dma_start3A_2307 : memref<16x128xf32, #tpu.memory_space<vmem>>) target_semaphore(%arg14 : memref<!tpu.dma_semaphore, #tpu.memory_space<semaphore_mem>>)
        %dma_start3A_2310 = arith.constant 9 : i32
        %dma_start3A_2311 = arith.constant 0 : i32
        %dma_start3A_2312 = arith.constant 0 : i32
        %dma_start3A_2313 = tpu.memref_slice %arg10[%dma_start3A_2310, %dma_start3A_2311, %dma_start3A_2312] : memref<16x16x128xf32, #tpu.memory_space<vmem>> -> memref<1x16x128xf32, #tpu.memory_space<vmem>>
        %dma_start3A_2314 = tpu.memref_squeeze %dma_start3A_2313 : memref<1x16x128xf32, #tpu.memory_space<vmem>> -> memref<16x128xf32, #tpu.memory_space<vmem>>
        %dma_start3A_2315 = arith.constant 0 : i32
        %dma_start3A_2316 = tpu.memref_slice %arg4[%dma_start3A_2315, %multiple_of3A_2296] : memref<16x1000001xf32, #tpu.memory_space<hbm>> -> memref<16x128xf32, #tpu.memory_space<hbm>>
        %dma_start3A_2317 = arith.constant 0 : i32
        %dma_start3A_2318 = arith.constant 0 : i32
        %dma_start3A_2319 = tpu.memref_slice %arg10[%dma_start3A_2310, %dma_start3A_2317, %dma_start3A_2318] : memref<16x16x128xf32, #tpu.memory_space<vmem>> -> memref<1x16x128xf32, #tpu.memory_space<vmem>>
        %dma_start3A_2320 = tpu.memref_squeeze %dma_start3A_2319 : memref<1x16x128xf32, #tpu.memory_space<vmem>> -> memref<16x128xf32, #tpu.memory_space<vmem>>
        %dma_start3A_2321 = arith.constant 0 : i32
        %dma_start3A_2322 = tpu.memref_slice %arg4[%dma_start3A_2321, %multiple_of3A_2296] : memref<16x1000001xf32, #tpu.memory_space<hbm>> -> memref<16x128xf32, #tpu.memory_space<hbm>>
        tpu.enqueue_dma source(%dma_start3A_2322 : memref<16x128xf32, #tpu.memory_space<hbm>>) target(%dma_start3A_2320 : memref<16x128xf32, #tpu.memory_space<vmem>>) target_semaphore(%arg15 : memref<!tpu.dma_semaphore, #tpu.memory_space<semaphore_mem>>)
      } else {
      }
      tpu.vector_store_idx %arg11[%iota3A, %broadcast_in_dim3A_1636], %gather3A_1667 : memref<16x128xf32, #tpu.memory_space<vmem>>[vector<16xi32>, vector<16xi32>], vector<16xf32>,
      tpu.vector_store_idx %arg12[%iota3A, %broadcast_in_dim3A_1636], %gather3A_1668 : memref<16x128xf32, #tpu.memory_space<vmem>>[vector<16xi32>, vector<16xi32>], vector<16xf32>,
      %slice3A_1674 = vector.extract_strided_slice %gather3A_881 {offsets = [10], sizes = [1], strides = [1]} : vector<16xi32> to vector<1xi32>
      %squeeze3A_1675 = vector.extract %slice3A_1674[0] : i32 from vector<1xi32>
      %jit3A_1676 = arith.constant 128 : i32
      %eq3A_1677 = arith.constant 0 : i32
      %eq3A_1678 = arith.cmpi eq, %jit3A_1676, %eq3A_1677 : i32
      %jit3A_1679 = arith.constant 1 : i32
      %select_n3A_1680 = arith.select %eq3A_1678, %jit3A_1679, %jit3A_1676 : i32
      %rem3A_1681 = arith.remsi %squeeze3A_1675, %select_n3A_1680 : i32
      %ne3A_1682 = arith.constant 0 : i32
      %ne3A_1683 = arith.cmpi ne, %rem3A_1681, %ne3A_1682 : i32
      %lt3A_1684 = arith.constant 0 : i32
      %lt3A_1685 = arith.cmpi slt, %rem3A_1681, %lt3A_1684 : i32
      %lt3A_1686 = arith.constant 0 : i32
      %lt3A_1687 = arith.cmpi slt, %select_n3A_1680, %lt3A_1686 : i32
      %ne3A_1688 = arith.xori %lt3A_1685, %lt3A_1687 : i1
      %and3A_1689 = arith.andi %ne3A_1688, %ne3A_1683 : i1
      %add3A_1690 = arith.addi %rem3A_1681, %select_n3A_1680 : i32
      %select_n3A_1691 = arith.select %and3A_1689, %add3A_1690, %rem3A_1681 : i32
      %broadcast_in_dim3A_1692 = vector.broadcast %select_n3A_1691 : i32 to vector<16xi32>
      %broadcast_in_dim3A_1693 = arith.constant 10 : i32
      %broadcast_in_dim3A_1694 = vector.broadcast %broadcast_in_dim3A_1693 : i32 to vector<16xi32>
      %jit3A_1695 = arith.constant 8 : i32
      %eq3A_1696 = arith.constant 0 : i32
      %eq3A_1697 = arith.cmpi eq, %jit3A_1695, %eq3A_1696 : i32
      %jit3A_1698 = arith.constant 1 : i32
      %select_n3A_1699 = arith.select %eq3A_1697, %jit3A_1698, %jit3A_1695 : i32
      %rem3A_1700 = arith.remsi %scan3A_876, %select_n3A_1699 : i32
      %ne3A_1701 = arith.constant 0 : i32
      %ne3A_1702 = arith.cmpi ne, %rem3A_1700, %ne3A_1701 : i32
      %lt3A_1703 = arith.constant 0 : i32
      %lt3A_1704 = arith.cmpi slt, %rem3A_1700, %lt3A_1703 : i32
      %lt3A_1705 = arith.constant 0 : i32
      %lt3A_1706 = arith.cmpi slt, %select_n3A_1699, %lt3A_1705 : i32
      %ne3A_1707 = arith.xori %lt3A_1704, %lt3A_1706 : i1
      %and3A_1708 = arith.andi %ne3A_1707, %ne3A_1702 : i1
      %add3A_1709 = arith.addi %rem3A_1700, %select_n3A_1699 : i32
      %select_n3A_1710 = arith.select %and3A_1708, %add3A_1709, %rem3A_1700 : i32
      %mul3A_1711 = arith.constant 16 : i32
      %mul3A_1712 = arith.muli %select_n3A_1710, %mul3A_1711 : i32
      %add3A_1713 = arith.constant 10 : i32
      %add3A_1714 = arith.addi %mul3A_1712, %add3A_1713 : i32
      %broadcast_in_dim3A_1715 = vector.broadcast %add3A_1714 : i32 to vector<16xi32>
      %dma_wait3A_1716 = arith.constant 10 : i32
      %dma_wait3A_1717 = arith.constant 0 : i32
      %dma_wait3A_1718 = arith.constant 0 : i32
      %dma_wait3A_1719 = tpu.memref_slice %arg9[%dma_wait3A_1716, %dma_wait3A_1717, %dma_wait3A_1718] : memref<16x16x128xf32, #tpu.memory_space<vmem>> -> memref<1x16x128xf32, #tpu.memory_space<vmem>>
      %dma_wait3A_1720 = tpu.memref_squeeze %dma_wait3A_1719 : memref<1x16x128xf32, #tpu.memory_space<vmem>> -> memref<16x128xf32, #tpu.memory_space<vmem>>
      %dma_wait3A_1721 = arith.constant 0 : i32
      %dma_wait3A_1722 = arith.constant 0 : i32
      %dma_wait3A_1723 = tpu.memref_slice %arg3[%dma_wait3A_1721, %dma_wait3A_1722] : memref<16x1000000xf32, #tpu.memory_space<hbm>> -> memref<16x128xf32, #tpu.memory_space<hbm>>
      %dma_wait3A_1724 = arith.constant 0 : i32
      %dma_wait3A_1725 = arith.constant 0 : i32
      %dma_wait3A_1726 = tpu.memref_slice %arg9[%dma_wait3A_1716, %dma_wait3A_1724, %dma_wait3A_1725] : memref<16x16x128xf32, #tpu.memory_space<vmem>> -> memref<1x16x128xf32, #tpu.memory_space<vmem>>
      %dma_wait3A_1727 = tpu.memref_squeeze %dma_wait3A_1726 : memref<1x16x128xf32, #tpu.memory_space<vmem>> -> memref<16x128xf32, #tpu.memory_space<vmem>>
      %dma_wait3A_1728 = arith.constant 0 : i32
      %dma_wait3A_1729 = arith.constant 0 : i32
      %dma_wait3A_1730 = tpu.memref_slice %arg3[%dma_wait3A_1728, %dma_wait3A_1729] : memref<16x1000000xf32, #tpu.memory_space<hbm>> -> memref<16x128xf32, #tpu.memory_space<hbm>>
      tpu.wait_dma2 semaphore(%arg14 : memref<!tpu.dma_semaphore, #tpu.memory_space<semaphore_mem>>) src(%dma_wait3A_1730 : memref<16x128xf32, #tpu.memory_space<hbm>>) dst(%dma_wait3A_1727 : memref<16x128xf32, #tpu.memory_space<vmem>>)
      %dma_wait3A_1731 = arith.constant 10 : i32
      %dma_wait3A_1732 = arith.constant 0 : i32
      %dma_wait3A_1733 = arith.constant 0 : i32
      %dma_wait3A_1734 = tpu.memref_slice %arg10[%dma_wait3A_1731, %dma_wait3A_1732, %dma_wait3A_1733] : memref<16x16x128xf32, #tpu.memory_space<vmem>> -> memref<1x16x128xf32, #tpu.memory_space<vmem>>
      %dma_wait3A_1735 = tpu.memref_squeeze %dma_wait3A_1734 : memref<1x16x128xf32, #tpu.memory_space<vmem>> -> memref<16x128xf32, #tpu.memory_space<vmem>>
      %dma_wait3A_1736 = arith.constant 0 : i32
      %dma_wait3A_1737 = arith.constant 0 : i32
      %dma_wait3A_1738 = tpu.memref_slice %arg4[%dma_wait3A_1736, %dma_wait3A_1737] : memref<16x1000001xf32, #tpu.memory_space<hbm>> -> memref<16x128xf32, #tpu.memory_space<hbm>>
      %dma_wait3A_1739 = arith.constant 0 : i32
      %dma_wait3A_1740 = arith.constant 0 : i32
      %dma_wait3A_1741 = tpu.memref_slice %arg10[%dma_wait3A_1731, %dma_wait3A_1739, %dma_wait3A_1740] : memref<16x16x128xf32, #tpu.memory_space<vmem>> -> memref<1x16x128xf32, #tpu.memory_space<vmem>>
      %dma_wait3A_1742 = tpu.memref_squeeze %dma_wait3A_1741 : memref<1x16x128xf32, #tpu.memory_space<vmem>> -> memref<16x128xf32, #tpu.memory_space<vmem>>
      %dma_wait3A_1743 = arith.constant 0 : i32
      %dma_wait3A_1744 = arith.constant 0 : i32
      %dma_wait3A_1745 = tpu.memref_slice %arg4[%dma_wait3A_1743, %dma_wait3A_1744] : memref<16x1000001xf32, #tpu.memory_space<hbm>> -> memref<16x128xf32, #tpu.memory_space<hbm>>
      tpu.wait_dma2 semaphore(%arg15 : memref<!tpu.dma_semaphore, #tpu.memory_space<semaphore_mem>>) src(%dma_wait3A_1745 : memref<16x128xf32, #tpu.memory_space<hbm>>) dst(%dma_wait3A_1742 : memref<16x128xf32, #tpu.memory_space<vmem>>)
      %gather3A_1746 = tpu.vector_load_idx %arg9[%broadcast_in_dim3A_1694, %iota3A, %broadcast_in_dim3A_1692] : memref<16x16x128xf32, #tpu.memory_space<vmem>>[vector<16xi32>, vector<16xi32>, vector<16xi32>], vector<16xf32>,
      %gather3A_1747 = tpu.vector_load_idx %arg10[%broadcast_in_dim3A_1694, %iota3A, %broadcast_in_dim3A_1692] : memref<16x16x128xf32, #tpu.memory_space<vmem>>[vector<16xi32>, vector<16xi32>, vector<16xi32>], vector<16xf32>,
      %lt3A_1748 = arith.constant 31 : i32
      %lt3A_1749 = arith.cmpi slt, %scan3A_876, %lt3A_1748 : i32
      %convert_element_type3A_1750 = arith.extui %lt3A_1749 : i1 to i32
      %cond3A_1751 = arith.constant 0 : i32
      %cond3A_1752 = arith.cmpi ne, %convert_element_type3A_1750, %cond3A_1751 : i32
      scf.if %cond3A_1752 {
        %slice3A_2268 = vector.extract_strided_slice %gather3A_889 {offsets = [10], sizes = [1], strides = [1]} : vector<16xi32> to vector<1xi32>
        %squeeze3A_2269 = vector.extract %slice3A_2268[0] : i32 from vector<1xi32>
        %jit3A_2270 = arith.constant 128 : i32
        %div3A_2271 = arith.divsi %squeeze3A_2269, %jit3A_2270 : i32
        %sign3A_2272 = arith.constant 0 : i32
        %sign3A_2273 = arith.cmpi sgt, %squeeze3A_2269, %sign3A_2272 : i32
        %sign3A_2274 = arith.extui %sign3A_2273 : i1 to i32
        %sign3A_2275 = arith.constant 0 : i32
        %sign3A_2276 = arith.cmpi slt, %squeeze3A_2269, %sign3A_2275 : i32
        %sign3A_2277 = arith.extui %sign3A_2276 : i1 to i32
        %sign3A_2278 = arith.subi %sign3A_2274, %sign3A_2277 : i32
        %sign3A_2279 = arith.constant 0 : i32
        %sign3A_2280 = arith.cmpi sgt, %jit3A_2270, %sign3A_2279 : i32
        %sign3A_2281 = arith.extui %sign3A_2280 : i1 to i32
        %sign3A_2282 = arith.constant 0 : i32
        %sign3A_2283 = arith.cmpi slt, %jit3A_2270, %sign3A_2282 : i32
        %sign3A_2284 = arith.extui %sign3A_2283 : i1 to i32
        %sign3A_2285 = arith.subi %sign3A_2281, %sign3A_2284 : i32
        %ne3A_2286 = arith.cmpi ne, %sign3A_2278, %sign3A_2285 : i32
        %rem3A_2287 = arith.remsi %squeeze3A_2269, %jit3A_2270 : i32
        %ne3A_2288 = arith.constant 0 : i32
        %ne3A_2289 = arith.cmpi ne, %rem3A_2287, %ne3A_2288 : i32
        %and3A_2290 = arith.andi %ne3A_2286, %ne3A_2289 : i1
        %sub3A_2291 = arith.constant 1 : i32
        %sub3A_2292 = arith.subi %div3A_2271, %sub3A_2291 : i32
        %select_n3A_2293 = arith.select %and3A_2290, %sub3A_2292, %div3A_2271 : i32
        %mul3A_2294 = arith.constant 128 : i32
        %mul3A_2295 = arith.muli %select_n3A_2293, %mul3A_2294 : i32
        %multiple_of3A_2296 = tpu.assume_multiple %mul3A_2295, 128 : i32
        %dma_start3A_2297 = arith.constant 10 : i32
        %dma_start3A_2298 = arith.constant 0 : i32
        %dma_start3A_2299 = arith.constant 0 : i32
        %dma_start3A_2300 = tpu.memref_slice %arg9[%dma_start3A_2297, %dma_start3A_2298, %dma_start3A_2299] : memref<16x16x128xf32, #tpu.memory_space<vmem>> -> memref<1x16x128xf32, #tpu.memory_space<vmem>>
        %dma_start3A_2301 = tpu.memref_squeeze %dma_start3A_2300 : memref<1x16x128xf32, #tpu.memory_space<vmem>> -> memref<16x128xf32, #tpu.memory_space<vmem>>
        %dma_start3A_2302 = arith.constant 0 : i32
        %dma_start3A_2303 = tpu.memref_slice %arg3[%dma_start3A_2302, %multiple_of3A_2296] : memref<16x1000000xf32, #tpu.memory_space<hbm>> -> memref<16x128xf32, #tpu.memory_space<hbm>>
        %dma_start3A_2304 = arith.constant 0 : i32
        %dma_start3A_2305 = arith.constant 0 : i32
        %dma_start3A_2306 = tpu.memref_slice %arg9[%dma_start3A_2297, %dma_start3A_2304, %dma_start3A_2305] : memref<16x16x128xf32, #tpu.memory_space<vmem>> -> memref<1x16x128xf32, #tpu.memory_space<vmem>>
        %dma_start3A_2307 = tpu.memref_squeeze %dma_start3A_2306 : memref<1x16x128xf32, #tpu.memory_space<vmem>> -> memref<16x128xf32, #tpu.memory_space<vmem>>
        %dma_start3A_2308 = arith.constant 0 : i32
        %dma_start3A_2309 = tpu.memref_slice %arg3[%dma_start3A_2308, %multiple_of3A_2296] : memref<16x1000000xf32, #tpu.memory_space<hbm>> -> memref<16x128xf32, #tpu.memory_space<hbm>>
        tpu.enqueue_dma source(%dma_start3A_2309 : memref<16x128xf32, #tpu.memory_space<hbm>>) target(%dma_start3A_2307 : memref<16x128xf32, #tpu.memory_space<vmem>>) target_semaphore(%arg14 : memref<!tpu.dma_semaphore, #tpu.memory_space<semaphore_mem>>)
        %dma_start3A_2310 = arith.constant 10 : i32
        %dma_start3A_2311 = arith.constant 0 : i32
        %dma_start3A_2312 = arith.constant 0 : i32
        %dma_start3A_2313 = tpu.memref_slice %arg10[%dma_start3A_2310, %dma_start3A_2311, %dma_start3A_2312] : memref<16x16x128xf32, #tpu.memory_space<vmem>> -> memref<1x16x128xf32, #tpu.memory_space<vmem>>
        %dma_start3A_2314 = tpu.memref_squeeze %dma_start3A_2313 : memref<1x16x128xf32, #tpu.memory_space<vmem>> -> memref<16x128xf32, #tpu.memory_space<vmem>>
        %dma_start3A_2315 = arith.constant 0 : i32
        %dma_start3A_2316 = tpu.memref_slice %arg4[%dma_start3A_2315, %multiple_of3A_2296] : memref<16x1000001xf32, #tpu.memory_space<hbm>> -> memref<16x128xf32, #tpu.memory_space<hbm>>
        %dma_start3A_2317 = arith.constant 0 : i32
        %dma_start3A_2318 = arith.constant 0 : i32
        %dma_start3A_2319 = tpu.memref_slice %arg10[%dma_start3A_2310, %dma_start3A_2317, %dma_start3A_2318] : memref<16x16x128xf32, #tpu.memory_space<vmem>> -> memref<1x16x128xf32, #tpu.memory_space<vmem>>
        %dma_start3A_2320 = tpu.memref_squeeze %dma_start3A_2319 : memref<1x16x128xf32, #tpu.memory_space<vmem>> -> memref<16x128xf32, #tpu.memory_space<vmem>>
        %dma_start3A_2321 = arith.constant 0 : i32
        %dma_start3A_2322 = tpu.memref_slice %arg4[%dma_start3A_2321, %multiple_of3A_2296] : memref<16x1000001xf32, #tpu.memory_space<hbm>> -> memref<16x128xf32, #tpu.memory_space<hbm>>
        tpu.enqueue_dma source(%dma_start3A_2322 : memref<16x128xf32, #tpu.memory_space<hbm>>) target(%dma_start3A_2320 : memref<16x128xf32, #tpu.memory_space<vmem>>) target_semaphore(%arg15 : memref<!tpu.dma_semaphore, #tpu.memory_space<semaphore_mem>>)
      } else {
      }
      tpu.vector_store_idx %arg11[%iota3A, %broadcast_in_dim3A_1715], %gather3A_1746 : memref<16x128xf32, #tpu.memory_space<vmem>>[vector<16xi32>, vector<16xi32>], vector<16xf32>,
      tpu.vector_store_idx %arg12[%iota3A, %broadcast_in_dim3A_1715], %gather3A_1747 : memref<16x128xf32, #tpu.memory_space<vmem>>[vector<16xi32>, vector<16xi32>], vector<16xf32>,
      %slice3A_1753 = vector.extract_strided_slice %gather3A_881 {offsets = [11], sizes = [1], strides = [1]} : vector<16xi32> to vector<1xi32>
      %squeeze3A_1754 = vector.extract %slice3A_1753[0] : i32 from vector<1xi32>
      %jit3A_1755 = arith.constant 128 : i32
      %eq3A_1756 = arith.constant 0 : i32
      %eq3A_1757 = arith.cmpi eq, %jit3A_1755, %eq3A_1756 : i32
      %jit3A_1758 = arith.constant 1 : i32
      %select_n3A_1759 = arith.select %eq3A_1757, %jit3A_1758, %jit3A_1755 : i32
      %rem3A_1760 = arith.remsi %squeeze3A_1754, %select_n3A_1759 : i32
      %ne3A_1761 = arith.constant 0 : i32
      %ne3A_1762 = arith.cmpi ne, %rem3A_1760, %ne3A_1761 : i32
      %lt3A_1763 = arith.constant 0 : i32
      %lt3A_1764 = arith.cmpi slt, %rem3A_1760, %lt3A_1763 : i32
      %lt3A_1765 = arith.constant 0 : i32
      %lt3A_1766 = arith.cmpi slt, %select_n3A_1759, %lt3A_1765 : i32
      %ne3A_1767 = arith.xori %lt3A_1764, %lt3A_1766 : i1
      %and3A_1768 = arith.andi %ne3A_1767, %ne3A_1762 : i1
      %add3A_1769 = arith.addi %rem3A_1760, %select_n3A_1759 : i32
      %select_n3A_1770 = arith.select %and3A_1768, %add3A_1769, %rem3A_1760 : i32
      %broadcast_in_dim3A_1771 = vector.broadcast %select_n3A_1770 : i32 to vector<16xi32>
      %broadcast_in_dim3A_1772 = arith.constant 11 : i32
      %broadcast_in_dim3A_1773 = vector.broadcast %broadcast_in_dim3A_1772 : i32 to vector<16xi32>
      %jit3A_1774 = arith.constant 8 : i32
      %eq3A_1775 = arith.constant 0 : i32
      %eq3A_1776 = arith.cmpi eq, %jit3A_1774, %eq3A_1775 : i32
      %jit3A_1777 = arith.constant 1 : i32
      %select_n3A_1778 = arith.select %eq3A_1776, %jit3A_1777, %jit3A_1774 : i32
      %rem3A_1779 = arith.remsi %scan3A_876, %select_n3A_1778 : i32
      %ne3A_1780 = arith.constant 0 : i32
      %ne3A_1781 = arith.cmpi ne, %rem3A_1779, %ne3A_1780 : i32
      %lt3A_1782 = arith.constant 0 : i32
      %lt3A_1783 = arith.cmpi slt, %rem3A_1779, %lt3A_1782 : i32
      %lt3A_1784 = arith.constant 0 : i32
      %lt3A_1785 = arith.cmpi slt, %select_n3A_1778, %lt3A_1784 : i32
      %ne3A_1786 = arith.xori %lt3A_1783, %lt3A_1785 : i1
      %and3A_1787 = arith.andi %ne3A_1786, %ne3A_1781 : i1
      %add3A_1788 = arith.addi %rem3A_1779, %select_n3A_1778 : i32
      %select_n3A_1789 = arith.select %and3A_1787, %add3A_1788, %rem3A_1779 : i32
      %mul3A_1790 = arith.constant 16 : i32
      %mul3A_1791 = arith.muli %select_n3A_1789, %mul3A_1790 : i32
      %add3A_1792 = arith.constant 11 : i32
      %add3A_1793 = arith.addi %mul3A_1791, %add3A_1792 : i32
      %broadcast_in_dim3A_1794 = vector.broadcast %add3A_1793 : i32 to vector<16xi32>
      %dma_wait3A_1795 = arith.constant 11 : i32
      %dma_wait3A_1796 = arith.constant 0 : i32
      %dma_wait3A_1797 = arith.constant 0 : i32
      %dma_wait3A_1798 = tpu.memref_slice %arg9[%dma_wait3A_1795, %dma_wait3A_1796, %dma_wait3A_1797] : memref<16x16x128xf32, #tpu.memory_space<vmem>> -> memref<1x16x128xf32, #tpu.memory_space<vmem>>
      %dma_wait3A_1799 = tpu.memref_squeeze %dma_wait3A_1798 : memref<1x16x128xf32, #tpu.memory_space<vmem>> -> memref<16x128xf32, #tpu.memory_space<vmem>>
      %dma_wait3A_1800 = arith.constant 0 : i32
      %dma_wait3A_1801 = arith.constant 0 : i32
      %dma_wait3A_1802 = tpu.memref_slice %arg3[%dma_wait3A_1800, %dma_wait3A_1801] : memref<16x1000000xf32, #tpu.memory_space<hbm>> -> memref<16x128xf32, #tpu.memory_space<hbm>>
      %dma_wait3A_1803 = arith.constant 0 : i32
      %dma_wait3A_1804 = arith.constant 0 : i32
      %dma_wait3A_1805 = tpu.memref_slice %arg9[%dma_wait3A_1795, %dma_wait3A_1803, %dma_wait3A_1804] : memref<16x16x128xf32, #tpu.memory_space<vmem>> -> memref<1x16x128xf32, #tpu.memory_space<vmem>>
      %dma_wait3A_1806 = tpu.memref_squeeze %dma_wait3A_1805 : memref<1x16x128xf32, #tpu.memory_space<vmem>> -> memref<16x128xf32, #tpu.memory_space<vmem>>
      %dma_wait3A_1807 = arith.constant 0 : i32
      %dma_wait3A_1808 = arith.constant 0 : i32
      %dma_wait3A_1809 = tpu.memref_slice %arg3[%dma_wait3A_1807, %dma_wait3A_1808] : memref<16x1000000xf32, #tpu.memory_space<hbm>> -> memref<16x128xf32, #tpu.memory_space<hbm>>
      tpu.wait_dma2 semaphore(%arg14 : memref<!tpu.dma_semaphore, #tpu.memory_space<semaphore_mem>>) src(%dma_wait3A_1809 : memref<16x128xf32, #tpu.memory_space<hbm>>) dst(%dma_wait3A_1806 : memref<16x128xf32, #tpu.memory_space<vmem>>)
      %dma_wait3A_1810 = arith.constant 11 : i32
      %dma_wait3A_1811 = arith.constant 0 : i32
      %dma_wait3A_1812 = arith.constant 0 : i32
      %dma_wait3A_1813 = tpu.memref_slice %arg10[%dma_wait3A_1810, %dma_wait3A_1811, %dma_wait3A_1812] : memref<16x16x128xf32, #tpu.memory_space<vmem>> -> memref<1x16x128xf32, #tpu.memory_space<vmem>>
      %dma_wait3A_1814 = tpu.memref_squeeze %dma_wait3A_1813 : memref<1x16x128xf32, #tpu.memory_space<vmem>> -> memref<16x128xf32, #tpu.memory_space<vmem>>
      %dma_wait3A_1815 = arith.constant 0 : i32
      %dma_wait3A_1816 = arith.constant 0 : i32
      %dma_wait3A_1817 = tpu.memref_slice %arg4[%dma_wait3A_1815, %dma_wait3A_1816] : memref<16x1000001xf32, #tpu.memory_space<hbm>> -> memref<16x128xf32, #tpu.memory_space<hbm>>
      %dma_wait3A_1818 = arith.constant 0 : i32
      %dma_wait3A_1819 = arith.constant 0 : i32
      %dma_wait3A_1820 = tpu.memref_slice %arg10[%dma_wait3A_1810, %dma_wait3A_1818, %dma_wait3A_1819] : memref<16x16x128xf32, #tpu.memory_space<vmem>> -> memref<1x16x128xf32, #tpu.memory_space<vmem>>
      %dma_wait3A_1821 = tpu.memref_squeeze %dma_wait3A_1820 : memref<1x16x128xf32, #tpu.memory_space<vmem>> -> memref<16x128xf32, #tpu.memory_space<vmem>>
      %dma_wait3A_1822 = arith.constant 0 : i32
      %dma_wait3A_1823 = arith.constant 0 : i32
      %dma_wait3A_1824 = tpu.memref_slice %arg4[%dma_wait3A_1822, %dma_wait3A_1823] : memref<16x1000001xf32, #tpu.memory_space<hbm>> -> memref<16x128xf32, #tpu.memory_space<hbm>>
      tpu.wait_dma2 semaphore(%arg15 : memref<!tpu.dma_semaphore, #tpu.memory_space<semaphore_mem>>) src(%dma_wait3A_1824 : memref<16x128xf32, #tpu.memory_space<hbm>>) dst(%dma_wait3A_1821 : memref<16x128xf32, #tpu.memory_space<vmem>>)
      %gather3A_1825 = tpu.vector_load_idx %arg9[%broadcast_in_dim3A_1773, %iota3A, %broadcast_in_dim3A_1771] : memref<16x16x128xf32, #tpu.memory_space<vmem>>[vector<16xi32>, vector<16xi32>, vector<16xi32>], vector<16xf32>,
      %gather3A_1826 = tpu.vector_load_idx %arg10[%broadcast_in_dim3A_1773, %iota3A, %broadcast_in_dim3A_1771] : memref<16x16x128xf32, #tpu.memory_space<vmem>>[vector<16xi32>, vector<16xi32>, vector<16xi32>], vector<16xf32>,
      %lt3A_1827 = arith.constant 31 : i32
      %lt3A_1828 = arith.cmpi slt, %scan3A_876, %lt3A_1827 : i32
      %convert_element_type3A_1829 = arith.extui %lt3A_1828 : i1 to i32
      %cond3A_1830 = arith.constant 0 : i32
      %cond3A_1831 = arith.cmpi ne, %convert_element_type3A_1829, %cond3A_1830 : i32
      scf.if %cond3A_1831 {
        %slice3A_2268 = vector.extract_strided_slice %gather3A_889 {offsets = [11], sizes = [1], strides = [1]} : vector<16xi32> to vector<1xi32>
        %squeeze3A_2269 = vector.extract %slice3A_2268[0] : i32 from vector<1xi32>
        %jit3A_2270 = arith.constant 128 : i32
        %div3A_2271 = arith.divsi %squeeze3A_2269, %jit3A_2270 : i32
        %sign3A_2272 = arith.constant 0 : i32
        %sign3A_2273 = arith.cmpi sgt, %squeeze3A_2269, %sign3A_2272 : i32
        %sign3A_2274 = arith.extui %sign3A_2273 : i1 to i32
        %sign3A_2275 = arith.constant 0 : i32
        %sign3A_2276 = arith.cmpi slt, %squeeze3A_2269, %sign3A_2275 : i32
        %sign3A_2277 = arith.extui %sign3A_2276 : i1 to i32
        %sign3A_2278 = arith.subi %sign3A_2274, %sign3A_2277 : i32
        %sign3A_2279 = arith.constant 0 : i32
        %sign3A_2280 = arith.cmpi sgt, %jit3A_2270, %sign3A_2279 : i32
        %sign3A_2281 = arith.extui %sign3A_2280 : i1 to i32
        %sign3A_2282 = arith.constant 0 : i32
        %sign3A_2283 = arith.cmpi slt, %jit3A_2270, %sign3A_2282 : i32
        %sign3A_2284 = arith.extui %sign3A_2283 : i1 to i32
        %sign3A_2285 = arith.subi %sign3A_2281, %sign3A_2284 : i32
        %ne3A_2286 = arith.cmpi ne, %sign3A_2278, %sign3A_2285 : i32
        %rem3A_2287 = arith.remsi %squeeze3A_2269, %jit3A_2270 : i32
        %ne3A_2288 = arith.constant 0 : i32
        %ne3A_2289 = arith.cmpi ne, %rem3A_2287, %ne3A_2288 : i32
        %and3A_2290 = arith.andi %ne3A_2286, %ne3A_2289 : i1
        %sub3A_2291 = arith.constant 1 : i32
        %sub3A_2292 = arith.subi %div3A_2271, %sub3A_2291 : i32
        %select_n3A_2293 = arith.select %and3A_2290, %sub3A_2292, %div3A_2271 : i32
        %mul3A_2294 = arith.constant 128 : i32
        %mul3A_2295 = arith.muli %select_n3A_2293, %mul3A_2294 : i32
        %multiple_of3A_2296 = tpu.assume_multiple %mul3A_2295, 128 : i32
        %dma_start3A_2297 = arith.constant 11 : i32
        %dma_start3A_2298 = arith.constant 0 : i32
        %dma_start3A_2299 = arith.constant 0 : i32
        %dma_start3A_2300 = tpu.memref_slice %arg9[%dma_start3A_2297, %dma_start3A_2298, %dma_start3A_2299] : memref<16x16x128xf32, #tpu.memory_space<vmem>> -> memref<1x16x128xf32, #tpu.memory_space<vmem>>
        %dma_start3A_2301 = tpu.memref_squeeze %dma_start3A_2300 : memref<1x16x128xf32, #tpu.memory_space<vmem>> -> memref<16x128xf32, #tpu.memory_space<vmem>>
        %dma_start3A_2302 = arith.constant 0 : i32
        %dma_start3A_2303 = tpu.memref_slice %arg3[%dma_start3A_2302, %multiple_of3A_2296] : memref<16x1000000xf32, #tpu.memory_space<hbm>> -> memref<16x128xf32, #tpu.memory_space<hbm>>
        %dma_start3A_2304 = arith.constant 0 : i32
        %dma_start3A_2305 = arith.constant 0 : i32
        %dma_start3A_2306 = tpu.memref_slice %arg9[%dma_start3A_2297, %dma_start3A_2304, %dma_start3A_2305] : memref<16x16x128xf32, #tpu.memory_space<vmem>> -> memref<1x16x128xf32, #tpu.memory_space<vmem>>
        %dma_start3A_2307 = tpu.memref_squeeze %dma_start3A_2306 : memref<1x16x128xf32, #tpu.memory_space<vmem>> -> memref<16x128xf32, #tpu.memory_space<vmem>>
        %dma_start3A_2308 = arith.constant 0 : i32
        %dma_start3A_2309 = tpu.memref_slice %arg3[%dma_start3A_2308, %multiple_of3A_2296] : memref<16x1000000xf32, #tpu.memory_space<hbm>> -> memref<16x128xf32, #tpu.memory_space<hbm>>
        tpu.enqueue_dma source(%dma_start3A_2309 : memref<16x128xf32, #tpu.memory_space<hbm>>) target(%dma_start3A_2307 : memref<16x128xf32, #tpu.memory_space<vmem>>) target_semaphore(%arg14 : memref<!tpu.dma_semaphore, #tpu.memory_space<semaphore_mem>>)
        %dma_start3A_2310 = arith.constant 11 : i32
        %dma_start3A_2311 = arith.constant 0 : i32
        %dma_start3A_2312 = arith.constant 0 : i32
        %dma_start3A_2313 = tpu.memref_slice %arg10[%dma_start3A_2310, %dma_start3A_2311, %dma_start3A_2312] : memref<16x16x128xf32, #tpu.memory_space<vmem>> -> memref<1x16x128xf32, #tpu.memory_space<vmem>>
        %dma_start3A_2314 = tpu.memref_squeeze %dma_start3A_2313 : memref<1x16x128xf32, #tpu.memory_space<vmem>> -> memref<16x128xf32, #tpu.memory_space<vmem>>
        %dma_start3A_2315 = arith.constant 0 : i32
        %dma_start3A_2316 = tpu.memref_slice %arg4[%dma_start3A_2315, %multiple_of3A_2296] : memref<16x1000001xf32, #tpu.memory_space<hbm>> -> memref<16x128xf32, #tpu.memory_space<hbm>>
        %dma_start3A_2317 = arith.constant 0 : i32
        %dma_start3A_2318 = arith.constant 0 : i32
        %dma_start3A_2319 = tpu.memref_slice %arg10[%dma_start3A_2310, %dma_start3A_2317, %dma_start3A_2318] : memref<16x16x128xf32, #tpu.memory_space<vmem>> -> memref<1x16x128xf32, #tpu.memory_space<vmem>>
        %dma_start3A_2320 = tpu.memref_squeeze %dma_start3A_2319 : memref<1x16x128xf32, #tpu.memory_space<vmem>> -> memref<16x128xf32, #tpu.memory_space<vmem>>
        %dma_start3A_2321 = arith.constant 0 : i32
        %dma_start3A_2322 = tpu.memref_slice %arg4[%dma_start3A_2321, %multiple_of3A_2296] : memref<16x1000001xf32, #tpu.memory_space<hbm>> -> memref<16x128xf32, #tpu.memory_space<hbm>>
        tpu.enqueue_dma source(%dma_start3A_2322 : memref<16x128xf32, #tpu.memory_space<hbm>>) target(%dma_start3A_2320 : memref<16x128xf32, #tpu.memory_space<vmem>>) target_semaphore(%arg15 : memref<!tpu.dma_semaphore, #tpu.memory_space<semaphore_mem>>)
      } else {
      }
      tpu.vector_store_idx %arg11[%iota3A, %broadcast_in_dim3A_1794], %gather3A_1825 : memref<16x128xf32, #tpu.memory_space<vmem>>[vector<16xi32>, vector<16xi32>], vector<16xf32>,
      tpu.vector_store_idx %arg12[%iota3A, %broadcast_in_dim3A_1794], %gather3A_1826 : memref<16x128xf32, #tpu.memory_space<vmem>>[vector<16xi32>, vector<16xi32>], vector<16xf32>,
      %slice3A_1832 = vector.extract_strided_slice %gather3A_881 {offsets = [12], sizes = [1], strides = [1]} : vector<16xi32> to vector<1xi32>
      %squeeze3A_1833 = vector.extract %slice3A_1832[0] : i32 from vector<1xi32>
      %jit3A_1834 = arith.constant 128 : i32
      %eq3A_1835 = arith.constant 0 : i32
      %eq3A_1836 = arith.cmpi eq, %jit3A_1834, %eq3A_1835 : i32
      %jit3A_1837 = arith.constant 1 : i32
      %select_n3A_1838 = arith.select %eq3A_1836, %jit3A_1837, %jit3A_1834 : i32
      %rem3A_1839 = arith.remsi %squeeze3A_1833, %select_n3A_1838 : i32
      %ne3A_1840 = arith.constant 0 : i32
      %ne3A_1841 = arith.cmpi ne, %rem3A_1839, %ne3A_1840 : i32
      %lt3A_1842 = arith.constant 0 : i32
      %lt3A_1843 = arith.cmpi slt, %rem3A_1839, %lt3A_1842 : i32
      %lt3A_1844 = arith.constant 0 : i32
      %lt3A_1845 = arith.cmpi slt, %select_n3A_1838, %lt3A_1844 : i32
      %ne3A_1846 = arith.xori %lt3A_1843, %lt3A_1845 : i1
      %and3A_1847 = arith.andi %ne3A_1846, %ne3A_1841 : i1
      %add3A_1848 = arith.addi %rem3A_1839, %select_n3A_1838 : i32
      %select_n3A_1849 = arith.select %and3A_1847, %add3A_1848, %rem3A_1839 : i32
      %broadcast_in_dim3A_1850 = vector.broadcast %select_n3A_1849 : i32 to vector<16xi32>
      %broadcast_in_dim3A_1851 = arith.constant 12 : i32
      %broadcast_in_dim3A_1852 = vector.broadcast %broadcast_in_dim3A_1851 : i32 to vector<16xi32>
      %jit3A_1853 = arith.constant 8 : i32
      %eq3A_1854 = arith.constant 0 : i32
      %eq3A_1855 = arith.cmpi eq, %jit3A_1853, %eq3A_1854 : i32
      %jit3A_1856 = arith.constant 1 : i32
      %select_n3A_1857 = arith.select %eq3A_1855, %jit3A_1856, %jit3A_1853 : i32
      %rem3A_1858 = arith.remsi %scan3A_876, %select_n3A_1857 : i32
      %ne3A_1859 = arith.constant 0 : i32
      %ne3A_1860 = arith.cmpi ne, %rem3A_1858, %ne3A_1859 : i32
      %lt3A_1861 = arith.constant 0 : i32
      %lt3A_1862 = arith.cmpi slt, %rem3A_1858, %lt3A_1861 : i32
      %lt3A_1863 = arith.constant 0 : i32
      %lt3A_1864 = arith.cmpi slt, %select_n3A_1857, %lt3A_1863 : i32
      %ne3A_1865 = arith.xori %lt3A_1862, %lt3A_1864 : i1
      %and3A_1866 = arith.andi %ne3A_1865, %ne3A_1860 : i1
      %add3A_1867 = arith.addi %rem3A_1858, %select_n3A_1857 : i32
      %select_n3A_1868 = arith.select %and3A_1866, %add3A_1867, %rem3A_1858 : i32
      %mul3A_1869 = arith.constant 16 : i32
      %mul3A_1870 = arith.muli %select_n3A_1868, %mul3A_1869 : i32
      %add3A_1871 = arith.constant 12 : i32
      %add3A_1872 = arith.addi %mul3A_1870, %add3A_1871 : i32
      %broadcast_in_dim3A_1873 = vector.broadcast %add3A_1872 : i32 to vector<16xi32>
      %dma_wait3A_1874 = arith.constant 12 : i32
      %dma_wait3A_1875 = arith.constant 0 : i32
      %dma_wait3A_1876 = arith.constant 0 : i32
      %dma_wait3A_1877 = tpu.memref_slice %arg9[%dma_wait3A_1874, %dma_wait3A_1875, %dma_wait3A_1876] : memref<16x16x128xf32, #tpu.memory_space<vmem>> -> memref<1x16x128xf32, #tpu.memory_space<vmem>>
      %dma_wait3A_1878 = tpu.memref_squeeze %dma_wait3A_1877 : memref<1x16x128xf32, #tpu.memory_space<vmem>> -> memref<16x128xf32, #tpu.memory_space<vmem>>
      %dma_wait3A_1879 = arith.constant 0 : i32
      %dma_wait3A_1880 = arith.constant 0 : i32
      %dma_wait3A_1881 = tpu.memref_slice %arg3[%dma_wait3A_1879, %dma_wait3A_1880] : memref<16x1000000xf32, #tpu.memory_space<hbm>> -> memref<16x128xf32, #tpu.memory_space<hbm>>
      %dma_wait3A_1882 = arith.constant 0 : i32
      %dma_wait3A_1883 = arith.constant 0 : i32
      %dma_wait3A_1884 = tpu.memref_slice %arg9[%dma_wait3A_1874, %dma_wait3A_1882, %dma_wait3A_1883] : memref<16x16x128xf32, #tpu.memory_space<vmem>> -> memref<1x16x128xf32, #tpu.memory_space<vmem>>
      %dma_wait3A_1885 = tpu.memref_squeeze %dma_wait3A_1884 : memref<1x16x128xf32, #tpu.memory_space<vmem>> -> memref<16x128xf32, #tpu.memory_space<vmem>>
      %dma_wait3A_1886 = arith.constant 0 : i32
      %dma_wait3A_1887 = arith.constant 0 : i32
      %dma_wait3A_1888 = tpu.memref_slice %arg3[%dma_wait3A_1886, %dma_wait3A_1887] : memref<16x1000000xf32, #tpu.memory_space<hbm>> -> memref<16x128xf32, #tpu.memory_space<hbm>>
      tpu.wait_dma2 semaphore(%arg14 : memref<!tpu.dma_semaphore, #tpu.memory_space<semaphore_mem>>) src(%dma_wait3A_1888 : memref<16x128xf32, #tpu.memory_space<hbm>>) dst(%dma_wait3A_1885 : memref<16x128xf32, #tpu.memory_space<vmem>>)
      %dma_wait3A_1889 = arith.constant 12 : i32
      %dma_wait3A_1890 = arith.constant 0 : i32
      %dma_wait3A_1891 = arith.constant 0 : i32
      %dma_wait3A_1892 = tpu.memref_slice %arg10[%dma_wait3A_1889, %dma_wait3A_1890, %dma_wait3A_1891] : memref<16x16x128xf32, #tpu.memory_space<vmem>> -> memref<1x16x128xf32, #tpu.memory_space<vmem>>
      %dma_wait3A_1893 = tpu.memref_squeeze %dma_wait3A_1892 : memref<1x16x128xf32, #tpu.memory_space<vmem>> -> memref<16x128xf32, #tpu.memory_space<vmem>>
      %dma_wait3A_1894 = arith.constant 0 : i32
      %dma_wait3A_1895 = arith.constant 0 : i32
      %dma_wait3A_1896 = tpu.memref_slice %arg4[%dma_wait3A_1894, %dma_wait3A_1895] : memref<16x1000001xf32, #tpu.memory_space<hbm>> -> memref<16x128xf32, #tpu.memory_space<hbm>>
      %dma_wait3A_1897 = arith.constant 0 : i32
      %dma_wait3A_1898 = arith.constant 0 : i32
      %dma_wait3A_1899 = tpu.memref_slice %arg10[%dma_wait3A_1889, %dma_wait3A_1897, %dma_wait3A_1898] : memref<16x16x128xf32, #tpu.memory_space<vmem>> -> memref<1x16x128xf32, #tpu.memory_space<vmem>>
      %dma_wait3A_1900 = tpu.memref_squeeze %dma_wait3A_1899 : memref<1x16x128xf32, #tpu.memory_space<vmem>> -> memref<16x128xf32, #tpu.memory_space<vmem>>
      %dma_wait3A_1901 = arith.constant 0 : i32
      %dma_wait3A_1902 = arith.constant 0 : i32
      %dma_wait3A_1903 = tpu.memref_slice %arg4[%dma_wait3A_1901, %dma_wait3A_1902] : memref<16x1000001xf32, #tpu.memory_space<hbm>> -> memref<16x128xf32, #tpu.memory_space<hbm>>
      tpu.wait_dma2 semaphore(%arg15 : memref<!tpu.dma_semaphore, #tpu.memory_space<semaphore_mem>>) src(%dma_wait3A_1903 : memref<16x128xf32, #tpu.memory_space<hbm>>) dst(%dma_wait3A_1900 : memref<16x128xf32, #tpu.memory_space<vmem>>)
      %gather3A_1904 = tpu.vector_load_idx %arg9[%broadcast_in_dim3A_1852, %iota3A, %broadcast_in_dim3A_1850] : memref<16x16x128xf32, #tpu.memory_space<vmem>>[vector<16xi32>, vector<16xi32>, vector<16xi32>], vector<16xf32>,
      %gather3A_1905 = tpu.vector_load_idx %arg10[%broadcast_in_dim3A_1852, %iota3A, %broadcast_in_dim3A_1850] : memref<16x16x128xf32, #tpu.memory_space<vmem>>[vector<16xi32>, vector<16xi32>, vector<16xi32>], vector<16xf32>,
      %lt3A_1906 = arith.constant 31 : i32
      %lt3A_1907 = arith.cmpi slt, %scan3A_876, %lt3A_1906 : i32
      %convert_element_type3A_1908 = arith.extui %lt3A_1907 : i1 to i32
      %cond3A_1909 = arith.constant 0 : i32
      %cond3A_1910 = arith.cmpi ne, %convert_element_type3A_1908, %cond3A_1909 : i32
      scf.if %cond3A_1910 {
        %slice3A_2268 = vector.extract_strided_slice %gather3A_889 {offsets = [12], sizes = [1], strides = [1]} : vector<16xi32> to vector<1xi32>
        %squeeze3A_2269 = vector.extract %slice3A_2268[0] : i32 from vector<1xi32>
        %jit3A_2270 = arith.constant 128 : i32
        %div3A_2271 = arith.divsi %squeeze3A_2269, %jit3A_2270 : i32
        %sign3A_2272 = arith.constant 0 : i32
        %sign3A_2273 = arith.cmpi sgt, %squeeze3A_2269, %sign3A_2272 : i32
        %sign3A_2274 = arith.extui %sign3A_2273 : i1 to i32
        %sign3A_2275 = arith.constant 0 : i32
        %sign3A_2276 = arith.cmpi slt, %squeeze3A_2269, %sign3A_2275 : i32
        %sign3A_2277 = arith.extui %sign3A_2276 : i1 to i32
        %sign3A_2278 = arith.subi %sign3A_2274, %sign3A_2277 : i32
        %sign3A_2279 = arith.constant 0 : i32
        %sign3A_2280 = arith.cmpi sgt, %jit3A_2270, %sign3A_2279 : i32
        %sign3A_2281 = arith.extui %sign3A_2280 : i1 to i32
        %sign3A_2282 = arith.constant 0 : i32
        %sign3A_2283 = arith.cmpi slt, %jit3A_2270, %sign3A_2282 : i32
        %sign3A_2284 = arith.extui %sign3A_2283 : i1 to i32
        %sign3A_2285 = arith.subi %sign3A_2281, %sign3A_2284 : i32
        %ne3A_2286 = arith.cmpi ne, %sign3A_2278, %sign3A_2285 : i32
        %rem3A_2287 = arith.remsi %squeeze3A_2269, %jit3A_2270 : i32
        %ne3A_2288 = arith.constant 0 : i32
        %ne3A_2289 = arith.cmpi ne, %rem3A_2287, %ne3A_2288 : i32
        %and3A_2290 = arith.andi %ne3A_2286, %ne3A_2289 : i1
        %sub3A_2291 = arith.constant 1 : i32
        %sub3A_2292 = arith.subi %div3A_2271, %sub3A_2291 : i32
        %select_n3A_2293 = arith.select %and3A_2290, %sub3A_2292, %div3A_2271 : i32
        %mul3A_2294 = arith.constant 128 : i32
        %mul3A_2295 = arith.muli %select_n3A_2293, %mul3A_2294 : i32
        %multiple_of3A_2296 = tpu.assume_multiple %mul3A_2295, 128 : i32
        %dma_start3A_2297 = arith.constant 12 : i32
        %dma_start3A_2298 = arith.constant 0 : i32
        %dma_start3A_2299 = arith.constant 0 : i32
        %dma_start3A_2300 = tpu.memref_slice %arg9[%dma_start3A_2297, %dma_start3A_2298, %dma_start3A_2299] : memref<16x16x128xf32, #tpu.memory_space<vmem>> -> memref<1x16x128xf32, #tpu.memory_space<vmem>>
        %dma_start3A_2301 = tpu.memref_squeeze %dma_start3A_2300 : memref<1x16x128xf32, #tpu.memory_space<vmem>> -> memref<16x128xf32, #tpu.memory_space<vmem>>
        %dma_start3A_2302 = arith.constant 0 : i32
        %dma_start3A_2303 = tpu.memref_slice %arg3[%dma_start3A_2302, %multiple_of3A_2296] : memref<16x1000000xf32, #tpu.memory_space<hbm>> -> memref<16x128xf32, #tpu.memory_space<hbm>>
        %dma_start3A_2304 = arith.constant 0 : i32
        %dma_start3A_2305 = arith.constant 0 : i32
        %dma_start3A_2306 = tpu.memref_slice %arg9[%dma_start3A_2297, %dma_start3A_2304, %dma_start3A_2305] : memref<16x16x128xf32, #tpu.memory_space<vmem>> -> memref<1x16x128xf32, #tpu.memory_space<vmem>>
        %dma_start3A_2307 = tpu.memref_squeeze %dma_start3A_2306 : memref<1x16x128xf32, #tpu.memory_space<vmem>> -> memref<16x128xf32, #tpu.memory_space<vmem>>
        %dma_start3A_2308 = arith.constant 0 : i32
        %dma_start3A_2309 = tpu.memref_slice %arg3[%dma_start3A_2308, %multiple_of3A_2296] : memref<16x1000000xf32, #tpu.memory_space<hbm>> -> memref<16x128xf32, #tpu.memory_space<hbm>>
        tpu.enqueue_dma source(%dma_start3A_2309 : memref<16x128xf32, #tpu.memory_space<hbm>>) target(%dma_start3A_2307 : memref<16x128xf32, #tpu.memory_space<vmem>>) target_semaphore(%arg14 : memref<!tpu.dma_semaphore, #tpu.memory_space<semaphore_mem>>)
        %dma_start3A_2310 = arith.constant 12 : i32
        %dma_start3A_2311 = arith.constant 0 : i32
        %dma_start3A_2312 = arith.constant 0 : i32
        %dma_start3A_2313 = tpu.memref_slice %arg10[%dma_start3A_2310, %dma_start3A_2311, %dma_start3A_2312] : memref<16x16x128xf32, #tpu.memory_space<vmem>> -> memref<1x16x128xf32, #tpu.memory_space<vmem>>
        %dma_start3A_2314 = tpu.memref_squeeze %dma_start3A_2313 : memref<1x16x128xf32, #tpu.memory_space<vmem>> -> memref<16x128xf32, #tpu.memory_space<vmem>>
        %dma_start3A_2315 = arith.constant 0 : i32
        %dma_start3A_2316 = tpu.memref_slice %arg4[%dma_start3A_2315, %multiple_of3A_2296] : memref<16x1000001xf32, #tpu.memory_space<hbm>> -> memref<16x128xf32, #tpu.memory_space<hbm>>
        %dma_start3A_2317 = arith.constant 0 : i32
        %dma_start3A_2318 = arith.constant 0 : i32
        %dma_start3A_2319 = tpu.memref_slice %arg10[%dma_start3A_2310, %dma_start3A_2317, %dma_start3A_2318] : memref<16x16x128xf32, #tpu.memory_space<vmem>> -> memref<1x16x128xf32, #tpu.memory_space<vmem>>
        %dma_start3A_2320 = tpu.memref_squeeze %dma_start3A_2319 : memref<1x16x128xf32, #tpu.memory_space<vmem>> -> memref<16x128xf32, #tpu.memory_space<vmem>>
        %dma_start3A_2321 = arith.constant 0 : i32
        %dma_start3A_2322 = tpu.memref_slice %arg4[%dma_start3A_2321, %multiple_of3A_2296] : memref<16x1000001xf32, #tpu.memory_space<hbm>> -> memref<16x128xf32, #tpu.memory_space<hbm>>
        tpu.enqueue_dma source(%dma_start3A_2322 : memref<16x128xf32, #tpu.memory_space<hbm>>) target(%dma_start3A_2320 : memref<16x128xf32, #tpu.memory_space<vmem>>) target_semaphore(%arg15 : memref<!tpu.dma_semaphore, #tpu.memory_space<semaphore_mem>>)
      } else {
      }
      tpu.vector_store_idx %arg11[%iota3A, %broadcast_in_dim3A_1873], %gather3A_1904 : memref<16x128xf32, #tpu.memory_space<vmem>>[vector<16xi32>, vector<16xi32>], vector<16xf32>,
      tpu.vector_store_idx %arg12[%iota3A, %broadcast_in_dim3A_1873], %gather3A_1905 : memref<16x128xf32, #tpu.memory_space<vmem>>[vector<16xi32>, vector<16xi32>], vector<16xf32>,
      %slice3A_1911 = vector.extract_strided_slice %gather3A_881 {offsets = [13], sizes = [1], strides = [1]} : vector<16xi32> to vector<1xi32>
      %squeeze3A_1912 = vector.extract %slice3A_1911[0] : i32 from vector<1xi32>
      %jit3A_1913 = arith.constant 128 : i32
      %eq3A_1914 = arith.constant 0 : i32
      %eq3A_1915 = arith.cmpi eq, %jit3A_1913, %eq3A_1914 : i32
      %jit3A_1916 = arith.constant 1 : i32
      %select_n3A_1917 = arith.select %eq3A_1915, %jit3A_1916, %jit3A_1913 : i32
      %rem3A_1918 = arith.remsi %squeeze3A_1912, %select_n3A_1917 : i32
      %ne3A_1919 = arith.constant 0 : i32
      %ne3A_1920 = arith.cmpi ne, %rem3A_1918, %ne3A_1919 : i32
      %lt3A_1921 = arith.constant 0 : i32
      %lt3A_1922 = arith.cmpi slt, %rem3A_1918, %lt3A_1921 : i32
      %lt3A_1923 = arith.constant 0 : i32
      %lt3A_1924 = arith.cmpi slt, %select_n3A_1917, %lt3A_1923 : i32
      %ne3A_1925 = arith.xori %lt3A_1922, %lt3A_1924 : i1
      %and3A_1926 = arith.andi %ne3A_1925, %ne3A_1920 : i1
      %add3A_1927 = arith.addi %rem3A_1918, %select_n3A_1917 : i32
      %select_n3A_1928 = arith.select %and3A_1926, %add3A_1927, %rem3A_1918 : i32
      %broadcast_in_dim3A_1929 = vector.broadcast %select_n3A_1928 : i32 to vector<16xi32>
      %broadcast_in_dim3A_1930 = arith.constant 13 : i32
      %broadcast_in_dim3A_1931 = vector.broadcast %broadcast_in_dim3A_1930 : i32 to vector<16xi32>
      %jit3A_1932 = arith.constant 8 : i32
      %eq3A_1933 = arith.constant 0 : i32
      %eq3A_1934 = arith.cmpi eq, %jit3A_1932, %eq3A_1933 : i32
      %jit3A_1935 = arith.constant 1 : i32
      %select_n3A_1936 = arith.select %eq3A_1934, %jit3A_1935, %jit3A_1932 : i32
      %rem3A_1937 = arith.remsi %scan3A_876, %select_n3A_1936 : i32
      %ne3A_1938 = arith.constant 0 : i32
      %ne3A_1939 = arith.cmpi ne, %rem3A_1937, %ne3A_1938 : i32
      %lt3A_1940 = arith.constant 0 : i32
      %lt3A_1941 = arith.cmpi slt, %rem3A_1937, %lt3A_1940 : i32
      %lt3A_1942 = arith.constant 0 : i32
      %lt3A_1943 = arith.cmpi slt, %select_n3A_1936, %lt3A_1942 : i32
      %ne3A_1944 = arith.xori %lt3A_1941, %lt3A_1943 : i1
      %and3A_1945 = arith.andi %ne3A_1944, %ne3A_1939 : i1
      %add3A_1946 = arith.addi %rem3A_1937, %select_n3A_1936 : i32
      %select_n3A_1947 = arith.select %and3A_1945, %add3A_1946, %rem3A_1937 : i32
      %mul3A_1948 = arith.constant 16 : i32
      %mul3A_1949 = arith.muli %select_n3A_1947, %mul3A_1948 : i32
      %add3A_1950 = arith.constant 13 : i32
      %add3A_1951 = arith.addi %mul3A_1949, %add3A_1950 : i32
      %broadcast_in_dim3A_1952 = vector.broadcast %add3A_1951 : i32 to vector<16xi32>
      %dma_wait3A_1953 = arith.constant 13 : i32
      %dma_wait3A_1954 = arith.constant 0 : i32
      %dma_wait3A_1955 = arith.constant 0 : i32
      %dma_wait3A_1956 = tpu.memref_slice %arg9[%dma_wait3A_1953, %dma_wait3A_1954, %dma_wait3A_1955] : memref<16x16x128xf32, #tpu.memory_space<vmem>> -> memref<1x16x128xf32, #tpu.memory_space<vmem>>
      %dma_wait3A_1957 = tpu.memref_squeeze %dma_wait3A_1956 : memref<1x16x128xf32, #tpu.memory_space<vmem>> -> memref<16x128xf32, #tpu.memory_space<vmem>>
      %dma_wait3A_1958 = arith.constant 0 : i32
      %dma_wait3A_1959 = arith.constant 0 : i32
      %dma_wait3A_1960 = tpu.memref_slice %arg3[%dma_wait3A_1958, %dma_wait3A_1959] : memref<16x1000000xf32, #tpu.memory_space<hbm>> -> memref<16x128xf32, #tpu.memory_space<hbm>>
      %dma_wait3A_1961 = arith.constant 0 : i32
      %dma_wait3A_1962 = arith.constant 0 : i32
      %dma_wait3A_1963 = tpu.memref_slice %arg9[%dma_wait3A_1953, %dma_wait3A_1961, %dma_wait3A_1962] : memref<16x16x128xf32, #tpu.memory_space<vmem>> -> memref<1x16x128xf32, #tpu.memory_space<vmem>>
      %dma_wait3A_1964 = tpu.memref_squeeze %dma_wait3A_1963 : memref<1x16x128xf32, #tpu.memory_space<vmem>> -> memref<16x128xf32, #tpu.memory_space<vmem>>
      %dma_wait3A_1965 = arith.constant 0 : i32
      %dma_wait3A_1966 = arith.constant 0 : i32
      %dma_wait3A_1967 = tpu.memref_slice %arg3[%dma_wait3A_1965, %dma_wait3A_1966] : memref<16x1000000xf32, #tpu.memory_space<hbm>> -> memref<16x128xf32, #tpu.memory_space<hbm>>
      tpu.wait_dma2 semaphore(%arg14 : memref<!tpu.dma_semaphore, #tpu.memory_space<semaphore_mem>>) src(%dma_wait3A_1967 : memref<16x128xf32, #tpu.memory_space<hbm>>) dst(%dma_wait3A_1964 : memref<16x128xf32, #tpu.memory_space<vmem>>)
      %dma_wait3A_1968 = arith.constant 13 : i32
      %dma_wait3A_1969 = arith.constant 0 : i32
      %dma_wait3A_1970 = arith.constant 0 : i32
      %dma_wait3A_1971 = tpu.memref_slice %arg10[%dma_wait3A_1968, %dma_wait3A_1969, %dma_wait3A_1970] : memref<16x16x128xf32, #tpu.memory_space<vmem>> -> memref<1x16x128xf32, #tpu.memory_space<vmem>>
      %dma_wait3A_1972 = tpu.memref_squeeze %dma_wait3A_1971 : memref<1x16x128xf32, #tpu.memory_space<vmem>> -> memref<16x128xf32, #tpu.memory_space<vmem>>
      %dma_wait3A_1973 = arith.constant 0 : i32
      %dma_wait3A_1974 = arith.constant 0 : i32
      %dma_wait3A_1975 = tpu.memref_slice %arg4[%dma_wait3A_1973, %dma_wait3A_1974] : memref<16x1000001xf32, #tpu.memory_space<hbm>> -> memref<16x128xf32, #tpu.memory_space<hbm>>
      %dma_wait3A_1976 = arith.constant 0 : i32
      %dma_wait3A_1977 = arith.constant 0 : i32
      %dma_wait3A_1978 = tpu.memref_slice %arg10[%dma_wait3A_1968, %dma_wait3A_1976, %dma_wait3A_1977] : memref<16x16x128xf32, #tpu.memory_space<vmem>> -> memref<1x16x128xf32, #tpu.memory_space<vmem>>
      %dma_wait3A_1979 = tpu.memref_squeeze %dma_wait3A_1978 : memref<1x16x128xf32, #tpu.memory_space<vmem>> -> memref<16x128xf32, #tpu.memory_space<vmem>>
      %dma_wait3A_1980 = arith.constant 0 : i32
      %dma_wait3A_1981 = arith.constant 0 : i32
      %dma_wait3A_1982 = tpu.memref_slice %arg4[%dma_wait3A_1980, %dma_wait3A_1981] : memref<16x1000001xf32, #tpu.memory_space<hbm>> -> memref<16x128xf32, #tpu.memory_space<hbm>>
      tpu.wait_dma2 semaphore(%arg15 : memref<!tpu.dma_semaphore, #tpu.memory_space<semaphore_mem>>) src(%dma_wait3A_1982 : memref<16x128xf32, #tpu.memory_space<hbm>>) dst(%dma_wait3A_1979 : memref<16x128xf32, #tpu.memory_space<vmem>>)
      %gather3A_1983 = tpu.vector_load_idx %arg9[%broadcast_in_dim3A_1931, %iota3A, %broadcast_in_dim3A_1929] : memref<16x16x128xf32, #tpu.memory_space<vmem>>[vector<16xi32>, vector<16xi32>, vector<16xi32>], vector<16xf32>,
      %gather3A_1984 = tpu.vector_load_idx %arg10[%broadcast_in_dim3A_1931, %iota3A, %broadcast_in_dim3A_1929] : memref<16x16x128xf32, #tpu.memory_space<vmem>>[vector<16xi32>, vector<16xi32>, vector<16xi32>], vector<16xf32>,
      %lt3A_1985 = arith.constant 31 : i32
      %lt3A_1986 = arith.cmpi slt, %scan3A_876, %lt3A_1985 : i32
      %convert_element_type3A_1987 = arith.extui %lt3A_1986 : i1 to i32
      %cond3A_1988 = arith.constant 0 : i32
      %cond3A_1989 = arith.cmpi ne, %convert_element_type3A_1987, %cond3A_1988 : i32
      scf.if %cond3A_1989 {
        %slice3A_2268 = vector.extract_strided_slice %gather3A_889 {offsets = [13], sizes = [1], strides = [1]} : vector<16xi32> to vector<1xi32>
        %squeeze3A_2269 = vector.extract %slice3A_2268[0] : i32 from vector<1xi32>
        %jit3A_2270 = arith.constant 128 : i32
        %div3A_2271 = arith.divsi %squeeze3A_2269, %jit3A_2270 : i32
        %sign3A_2272 = arith.constant 0 : i32
        %sign3A_2273 = arith.cmpi sgt, %squeeze3A_2269, %sign3A_2272 : i32
        %sign3A_2274 = arith.extui %sign3A_2273 : i1 to i32
        %sign3A_2275 = arith.constant 0 : i32
        %sign3A_2276 = arith.cmpi slt, %squeeze3A_2269, %sign3A_2275 : i32
        %sign3A_2277 = arith.extui %sign3A_2276 : i1 to i32
        %sign3A_2278 = arith.subi %sign3A_2274, %sign3A_2277 : i32
        %sign3A_2279 = arith.constant 0 : i32
        %sign3A_2280 = arith.cmpi sgt, %jit3A_2270, %sign3A_2279 : i32
        %sign3A_2281 = arith.extui %sign3A_2280 : i1 to i32
        %sign3A_2282 = arith.constant 0 : i32
        %sign3A_2283 = arith.cmpi slt, %jit3A_2270, %sign3A_2282 : i32
        %sign3A_2284 = arith.extui %sign3A_2283 : i1 to i32
        %sign3A_2285 = arith.subi %sign3A_2281, %sign3A_2284 : i32
        %ne3A_2286 = arith.cmpi ne, %sign3A_2278, %sign3A_2285 : i32
        %rem3A_2287 = arith.remsi %squeeze3A_2269, %jit3A_2270 : i32
        %ne3A_2288 = arith.constant 0 : i32
        %ne3A_2289 = arith.cmpi ne, %rem3A_2287, %ne3A_2288 : i32
        %and3A_2290 = arith.andi %ne3A_2286, %ne3A_2289 : i1
        %sub3A_2291 = arith.constant 1 : i32
        %sub3A_2292 = arith.subi %div3A_2271, %sub3A_2291 : i32
        %select_n3A_2293 = arith.select %and3A_2290, %sub3A_2292, %div3A_2271 : i32
        %mul3A_2294 = arith.constant 128 : i32
        %mul3A_2295 = arith.muli %select_n3A_2293, %mul3A_2294 : i32
        %multiple_of3A_2296 = tpu.assume_multiple %mul3A_2295, 128 : i32
        %dma_start3A_2297 = arith.constant 13 : i32
        %dma_start3A_2298 = arith.constant 0 : i32
        %dma_start3A_2299 = arith.constant 0 : i32
        %dma_start3A_2300 = tpu.memref_slice %arg9[%dma_start3A_2297, %dma_start3A_2298, %dma_start3A_2299] : memref<16x16x128xf32, #tpu.memory_space<vmem>> -> memref<1x16x128xf32, #tpu.memory_space<vmem>>
        %dma_start3A_2301 = tpu.memref_squeeze %dma_start3A_2300 : memref<1x16x128xf32, #tpu.memory_space<vmem>> -> memref<16x128xf32, #tpu.memory_space<vmem>>
        %dma_start3A_2302 = arith.constant 0 : i32
        %dma_start3A_2303 = tpu.memref_slice %arg3[%dma_start3A_2302, %multiple_of3A_2296] : memref<16x1000000xf32, #tpu.memory_space<hbm>> -> memref<16x128xf32, #tpu.memory_space<hbm>>
        %dma_start3A_2304 = arith.constant 0 : i32
        %dma_start3A_2305 = arith.constant 0 : i32
        %dma_start3A_2306 = tpu.memref_slice %arg9[%dma_start3A_2297, %dma_start3A_2304, %dma_start3A_2305] : memref<16x16x128xf32, #tpu.memory_space<vmem>> -> memref<1x16x128xf32, #tpu.memory_space<vmem>>
        %dma_start3A_2307 = tpu.memref_squeeze %dma_start3A_2306 : memref<1x16x128xf32, #tpu.memory_space<vmem>> -> memref<16x128xf32, #tpu.memory_space<vmem>>
        %dma_start3A_2308 = arith.constant 0 : i32
        %dma_start3A_2309 = tpu.memref_slice %arg3[%dma_start3A_2308, %multiple_of3A_2296] : memref<16x1000000xf32, #tpu.memory_space<hbm>> -> memref<16x128xf32, #tpu.memory_space<hbm>>
        tpu.enqueue_dma source(%dma_start3A_2309 : memref<16x128xf32, #tpu.memory_space<hbm>>) target(%dma_start3A_2307 : memref<16x128xf32, #tpu.memory_space<vmem>>) target_semaphore(%arg14 : memref<!tpu.dma_semaphore, #tpu.memory_space<semaphore_mem>>)
        %dma_start3A_2310 = arith.constant 13 : i32
        %dma_start3A_2311 = arith.constant 0 : i32
        %dma_start3A_2312 = arith.constant 0 : i32
        %dma_start3A_2313 = tpu.memref_slice %arg10[%dma_start3A_2310, %dma_start3A_2311, %dma_start3A_2312] : memref<16x16x128xf32, #tpu.memory_space<vmem>> -> memref<1x16x128xf32, #tpu.memory_space<vmem>>
        %dma_start3A_2314 = tpu.memref_squeeze %dma_start3A_2313 : memref<1x16x128xf32, #tpu.memory_space<vmem>> -> memref<16x128xf32, #tpu.memory_space<vmem>>
        %dma_start3A_2315 = arith.constant 0 : i32
        %dma_start3A_2316 = tpu.memref_slice %arg4[%dma_start3A_2315, %multiple_of3A_2296] : memref<16x1000001xf32, #tpu.memory_space<hbm>> -> memref<16x128xf32, #tpu.memory_space<hbm>>
        %dma_start3A_2317 = arith.constant 0 : i32
        %dma_start3A_2318 = arith.constant 0 : i32
        %dma_start3A_2319 = tpu.memref_slice %arg10[%dma_start3A_2310, %dma_start3A_2317, %dma_start3A_2318] : memref<16x16x128xf32, #tpu.memory_space<vmem>> -> memref<1x16x128xf32, #tpu.memory_space<vmem>>
        %dma_start3A_2320 = tpu.memref_squeeze %dma_start3A_2319 : memref<1x16x128xf32, #tpu.memory_space<vmem>> -> memref<16x128xf32, #tpu.memory_space<vmem>>
        %dma_start3A_2321 = arith.constant 0 : i32
        %dma_start3A_2322 = tpu.memref_slice %arg4[%dma_start3A_2321, %multiple_of3A_2296] : memref<16x1000001xf32, #tpu.memory_space<hbm>> -> memref<16x128xf32, #tpu.memory_space<hbm>>
        tpu.enqueue_dma source(%dma_start3A_2322 : memref<16x128xf32, #tpu.memory_space<hbm>>) target(%dma_start3A_2320 : memref<16x128xf32, #tpu.memory_space<vmem>>) target_semaphore(%arg15 : memref<!tpu.dma_semaphore, #tpu.memory_space<semaphore_mem>>)
      } else {
      }
      tpu.vector_store_idx %arg11[%iota3A, %broadcast_in_dim3A_1952], %gather3A_1983 : memref<16x128xf32, #tpu.memory_space<vmem>>[vector<16xi32>, vector<16xi32>], vector<16xf32>,
      tpu.vector_store_idx %arg12[%iota3A, %broadcast_in_dim3A_1952], %gather3A_1984 : memref<16x128xf32, #tpu.memory_space<vmem>>[vector<16xi32>, vector<16xi32>], vector<16xf32>,
      %slice3A_1990 = vector.extract_strided_slice %gather3A_881 {offsets = [14], sizes = [1], strides = [1]} : vector<16xi32> to vector<1xi32>
      %squeeze3A_1991 = vector.extract %slice3A_1990[0] : i32 from vector<1xi32>
      %jit3A_1992 = arith.constant 128 : i32
      %eq3A_1993 = arith.constant 0 : i32
      %eq3A_1994 = arith.cmpi eq, %jit3A_1992, %eq3A_1993 : i32
      %jit3A_1995 = arith.constant 1 : i32
      %select_n3A_1996 = arith.select %eq3A_1994, %jit3A_1995, %jit3A_1992 : i32
      %rem3A_1997 = arith.remsi %squeeze3A_1991, %select_n3A_1996 : i32
      %ne3A_1998 = arith.constant 0 : i32
      %ne3A_1999 = arith.cmpi ne, %rem3A_1997, %ne3A_1998 : i32
      %lt3A_2000 = arith.constant 0 : i32
      %lt3A_2001 = arith.cmpi slt, %rem3A_1997, %lt3A_2000 : i32
      %lt3A_2002 = arith.constant 0 : i32
      %lt3A_2003 = arith.cmpi slt, %select_n3A_1996, %lt3A_2002 : i32
      %ne3A_2004 = arith.xori %lt3A_2001, %lt3A_2003 : i1
      %and3A_2005 = arith.andi %ne3A_2004, %ne3A_1999 : i1
      %add3A_2006 = arith.addi %rem3A_1997, %select_n3A_1996 : i32
      %select_n3A_2007 = arith.select %and3A_2005, %add3A_2006, %rem3A_1997 : i32
      %broadcast_in_dim3A_2008 = vector.broadcast %select_n3A_2007 : i32 to vector<16xi32>
      %broadcast_in_dim3A_2009 = arith.constant 14 : i32
      %broadcast_in_dim3A_2010 = vector.broadcast %broadcast_in_dim3A_2009 : i32 to vector<16xi32>
      %jit3A_2011 = arith.constant 8 : i32
      %eq3A_2012 = arith.constant 0 : i32
      %eq3A_2013 = arith.cmpi eq, %jit3A_2011, %eq3A_2012 : i32
      %jit3A_2014 = arith.constant 1 : i32
      %select_n3A_2015 = arith.select %eq3A_2013, %jit3A_2014, %jit3A_2011 : i32
      %rem3A_2016 = arith.remsi %scan3A_876, %select_n3A_2015 : i32
      %ne3A_2017 = arith.constant 0 : i32
      %ne3A_2018 = arith.cmpi ne, %rem3A_2016, %ne3A_2017 : i32
      %lt3A_2019 = arith.constant 0 : i32
      %lt3A_2020 = arith.cmpi slt, %rem3A_2016, %lt3A_2019 : i32
      %lt3A_2021 = arith.constant 0 : i32
      %lt3A_2022 = arith.cmpi slt, %select_n3A_2015, %lt3A_2021 : i32
      %ne3A_2023 = arith.xori %lt3A_2020, %lt3A_2022 : i1
      %and3A_2024 = arith.andi %ne3A_2023, %ne3A_2018 : i1
      %add3A_2025 = arith.addi %rem3A_2016, %select_n3A_2015 : i32
      %select_n3A_2026 = arith.select %and3A_2024, %add3A_2025, %rem3A_2016 : i32
      %mul3A_2027 = arith.constant 16 : i32
      %mul3A_2028 = arith.muli %select_n3A_2026, %mul3A_2027 : i32
      %add3A_2029 = arith.constant 14 : i32
      %add3A_2030 = arith.addi %mul3A_2028, %add3A_2029 : i32
      %broadcast_in_dim3A_2031 = vector.broadcast %add3A_2030 : i32 to vector<16xi32>
      %dma_wait3A_2032 = arith.constant 14 : i32
      %dma_wait3A_2033 = arith.constant 0 : i32
      %dma_wait3A_2034 = arith.constant 0 : i32
      %dma_wait3A_2035 = tpu.memref_slice %arg9[%dma_wait3A_2032, %dma_wait3A_2033, %dma_wait3A_2034] : memref<16x16x128xf32, #tpu.memory_space<vmem>> -> memref<1x16x128xf32, #tpu.memory_space<vmem>>
      %dma_wait3A_2036 = tpu.memref_squeeze %dma_wait3A_2035 : memref<1x16x128xf32, #tpu.memory_space<vmem>> -> memref<16x128xf32, #tpu.memory_space<vmem>>
      %dma_wait3A_2037 = arith.constant 0 : i32
      %dma_wait3A_2038 = arith.constant 0 : i32
      %dma_wait3A_2039 = tpu.memref_slice %arg3[%dma_wait3A_2037, %dma_wait3A_2038] : memref<16x1000000xf32, #tpu.memory_space<hbm>> -> memref<16x128xf32, #tpu.memory_space<hbm>>
      %dma_wait3A_2040 = arith.constant 0 : i32
      %dma_wait3A_2041 = arith.constant 0 : i32
      %dma_wait3A_2042 = tpu.memref_slice %arg9[%dma_wait3A_2032, %dma_wait3A_2040, %dma_wait3A_2041] : memref<16x16x128xf32, #tpu.memory_space<vmem>> -> memref<1x16x128xf32, #tpu.memory_space<vmem>>
      %dma_wait3A_2043 = tpu.memref_squeeze %dma_wait3A_2042 : memref<1x16x128xf32, #tpu.memory_space<vmem>> -> memref<16x128xf32, #tpu.memory_space<vmem>>
      %dma_wait3A_2044 = arith.constant 0 : i32
      %dma_wait3A_2045 = arith.constant 0 : i32
      %dma_wait3A_2046 = tpu.memref_slice %arg3[%dma_wait3A_2044, %dma_wait3A_2045] : memref<16x1000000xf32, #tpu.memory_space<hbm>> -> memref<16x128xf32, #tpu.memory_space<hbm>>
      tpu.wait_dma2 semaphore(%arg14 : memref<!tpu.dma_semaphore, #tpu.memory_space<semaphore_mem>>) src(%dma_wait3A_2046 : memref<16x128xf32, #tpu.memory_space<hbm>>) dst(%dma_wait3A_2043 : memref<16x128xf32, #tpu.memory_space<vmem>>)
      %dma_wait3A_2047 = arith.constant 14 : i32
      %dma_wait3A_2048 = arith.constant 0 : i32
      %dma_wait3A_2049 = arith.constant 0 : i32
      %dma_wait3A_2050 = tpu.memref_slice %arg10[%dma_wait3A_2047, %dma_wait3A_2048, %dma_wait3A_2049] : memref<16x16x128xf32, #tpu.memory_space<vmem>> -> memref<1x16x128xf32, #tpu.memory_space<vmem>>
      %dma_wait3A_2051 = tpu.memref_squeeze %dma_wait3A_2050 : memref<1x16x128xf32, #tpu.memory_space<vmem>> -> memref<16x128xf32, #tpu.memory_space<vmem>>
      %dma_wait3A_2052 = arith.constant 0 : i32
      %dma_wait3A_2053 = arith.constant 0 : i32
      %dma_wait3A_2054 = tpu.memref_slice %arg4[%dma_wait3A_2052, %dma_wait3A_2053] : memref<16x1000001xf32, #tpu.memory_space<hbm>> -> memref<16x128xf32, #tpu.memory_space<hbm>>
      %dma_wait3A_2055 = arith.constant 0 : i32
      %dma_wait3A_2056 = arith.constant 0 : i32
      %dma_wait3A_2057 = tpu.memref_slice %arg10[%dma_wait3A_2047, %dma_wait3A_2055, %dma_wait3A_2056] : memref<16x16x128xf32, #tpu.memory_space<vmem>> -> memref<1x16x128xf32, #tpu.memory_space<vmem>>
      %dma_wait3A_2058 = tpu.memref_squeeze %dma_wait3A_2057 : memref<1x16x128xf32, #tpu.memory_space<vmem>> -> memref<16x128xf32, #tpu.memory_space<vmem>>
      %dma_wait3A_2059 = arith.constant 0 : i32
      %dma_wait3A_2060 = arith.constant 0 : i32
      %dma_wait3A_2061 = tpu.memref_slice %arg4[%dma_wait3A_2059, %dma_wait3A_2060] : memref<16x1000001xf32, #tpu.memory_space<hbm>> -> memref<16x128xf32, #tpu.memory_space<hbm>>
      tpu.wait_dma2 semaphore(%arg15 : memref<!tpu.dma_semaphore, #tpu.memory_space<semaphore_mem>>) src(%dma_wait3A_2061 : memref<16x128xf32, #tpu.memory_space<hbm>>) dst(%dma_wait3A_2058 : memref<16x128xf32, #tpu.memory_space<vmem>>)
      %gather3A_2062 = tpu.vector_load_idx %arg9[%broadcast_in_dim3A_2010, %iota3A, %broadcast_in_dim3A_2008] : memref<16x16x128xf32, #tpu.memory_space<vmem>>[vector<16xi32>, vector<16xi32>, vector<16xi32>], vector<16xf32>,
      %gather3A_2063 = tpu.vector_load_idx %arg10[%broadcast_in_dim3A_2010, %iota3A, %broadcast_in_dim3A_2008] : memref<16x16x128xf32, #tpu.memory_space<vmem>>[vector<16xi32>, vector<16xi32>, vector<16xi32>], vector<16xf32>,
      %lt3A_2064 = arith.constant 31 : i32
      %lt3A_2065 = arith.cmpi slt, %scan3A_876, %lt3A_2064 : i32
      %convert_element_type3A_2066 = arith.extui %lt3A_2065 : i1 to i32
      %cond3A_2067 = arith.constant 0 : i32
      %cond3A_2068 = arith.cmpi ne, %convert_element_type3A_2066, %cond3A_2067 : i32
      scf.if %cond3A_2068 {
        %slice3A_2268 = vector.extract_strided_slice %gather3A_889 {offsets = [14], sizes = [1], strides = [1]} : vector<16xi32> to vector<1xi32>
        %squeeze3A_2269 = vector.extract %slice3A_2268[0] : i32 from vector<1xi32>
        %jit3A_2270 = arith.constant 128 : i32
        %div3A_2271 = arith.divsi %squeeze3A_2269, %jit3A_2270 : i32
        %sign3A_2272 = arith.constant 0 : i32
        %sign3A_2273 = arith.cmpi sgt, %squeeze3A_2269, %sign3A_2272 : i32
        %sign3A_2274 = arith.extui %sign3A_2273 : i1 to i32
        %sign3A_2275 = arith.constant 0 : i32
        %sign3A_2276 = arith.cmpi slt, %squeeze3A_2269, %sign3A_2275 : i32
        %sign3A_2277 = arith.extui %sign3A_2276 : i1 to i32
        %sign3A_2278 = arith.subi %sign3A_2274, %sign3A_2277 : i32
        %sign3A_2279 = arith.constant 0 : i32
        %sign3A_2280 = arith.cmpi sgt, %jit3A_2270, %sign3A_2279 : i32
        %sign3A_2281 = arith.extui %sign3A_2280 : i1 to i32
        %sign3A_2282 = arith.constant 0 : i32
        %sign3A_2283 = arith.cmpi slt, %jit3A_2270, %sign3A_2282 : i32
        %sign3A_2284 = arith.extui %sign3A_2283 : i1 to i32
        %sign3A_2285 = arith.subi %sign3A_2281, %sign3A_2284 : i32
        %ne3A_2286 = arith.cmpi ne, %sign3A_2278, %sign3A_2285 : i32
        %rem3A_2287 = arith.remsi %squeeze3A_2269, %jit3A_2270 : i32
        %ne3A_2288 = arith.constant 0 : i32
        %ne3A_2289 = arith.cmpi ne, %rem3A_2287, %ne3A_2288 : i32
        %and3A_2290 = arith.andi %ne3A_2286, %ne3A_2289 : i1
        %sub3A_2291 = arith.constant 1 : i32
        %sub3A_2292 = arith.subi %div3A_2271, %sub3A_2291 : i32
        %select_n3A_2293 = arith.select %and3A_2290, %sub3A_2292, %div3A_2271 : i32
        %mul3A_2294 = arith.constant 128 : i32
        %mul3A_2295 = arith.muli %select_n3A_2293, %mul3A_2294 : i32
        %multiple_of3A_2296 = tpu.assume_multiple %mul3A_2295, 128 : i32
        %dma_start3A_2297 = arith.constant 14 : i32
        %dma_start3A_2298 = arith.constant 0 : i32
        %dma_start3A_2299 = arith.constant 0 : i32
        %dma_start3A_2300 = tpu.memref_slice %arg9[%dma_start3A_2297, %dma_start3A_2298, %dma_start3A_2299] : memref<16x16x128xf32, #tpu.memory_space<vmem>> -> memref<1x16x128xf32, #tpu.memory_space<vmem>>
        %dma_start3A_2301 = tpu.memref_squeeze %dma_start3A_2300 : memref<1x16x128xf32, #tpu.memory_space<vmem>> -> memref<16x128xf32, #tpu.memory_space<vmem>>
        %dma_start3A_2302 = arith.constant 0 : i32
        %dma_start3A_2303 = tpu.memref_slice %arg3[%dma_start3A_2302, %multiple_of3A_2296] : memref<16x1000000xf32, #tpu.memory_space<hbm>> -> memref<16x128xf32, #tpu.memory_space<hbm>>
        %dma_start3A_2304 = arith.constant 0 : i32
        %dma_start3A_2305 = arith.constant 0 : i32
        %dma_start3A_2306 = tpu.memref_slice %arg9[%dma_start3A_2297, %dma_start3A_2304, %dma_start3A_2305] : memref<16x16x128xf32, #tpu.memory_space<vmem>> -> memref<1x16x128xf32, #tpu.memory_space<vmem>>
        %dma_start3A_2307 = tpu.memref_squeeze %dma_start3A_2306 : memref<1x16x128xf32, #tpu.memory_space<vmem>> -> memref<16x128xf32, #tpu.memory_space<vmem>>
        %dma_start3A_2308 = arith.constant 0 : i32
        %dma_start3A_2309 = tpu.memref_slice %arg3[%dma_start3A_2308, %multiple_of3A_2296] : memref<16x1000000xf32, #tpu.memory_space<hbm>> -> memref<16x128xf32, #tpu.memory_space<hbm>>
        tpu.enqueue_dma source(%dma_start3A_2309 : memref<16x128xf32, #tpu.memory_space<hbm>>) target(%dma_start3A_2307 : memref<16x128xf32, #tpu.memory_space<vmem>>) target_semaphore(%arg14 : memref<!tpu.dma_semaphore, #tpu.memory_space<semaphore_mem>>)
        %dma_start3A_2310 = arith.constant 14 : i32
        %dma_start3A_2311 = arith.constant 0 : i32
        %dma_start3A_2312 = arith.constant 0 : i32
        %dma_start3A_2313 = tpu.memref_slice %arg10[%dma_start3A_2310, %dma_start3A_2311, %dma_start3A_2312] : memref<16x16x128xf32, #tpu.memory_space<vmem>> -> memref<1x16x128xf32, #tpu.memory_space<vmem>>
        %dma_start3A_2314 = tpu.memref_squeeze %dma_start3A_2313 : memref<1x16x128xf32, #tpu.memory_space<vmem>> -> memref<16x128xf32, #tpu.memory_space<vmem>>
        %dma_start3A_2315 = arith.constant 0 : i32
        %dma_start3A_2316 = tpu.memref_slice %arg4[%dma_start3A_2315, %multiple_of3A_2296] : memref<16x1000001xf32, #tpu.memory_space<hbm>> -> memref<16x128xf32, #tpu.memory_space<hbm>>
        %dma_start3A_2317 = arith.constant 0 : i32
        %dma_start3A_2318 = arith.constant 0 : i32
        %dma_start3A_2319 = tpu.memref_slice %arg10[%dma_start3A_2310, %dma_start3A_2317, %dma_start3A_2318] : memref<16x16x128xf32, #tpu.memory_space<vmem>> -> memref<1x16x128xf32, #tpu.memory_space<vmem>>
        %dma_start3A_2320 = tpu.memref_squeeze %dma_start3A_2319 : memref<1x16x128xf32, #tpu.memory_space<vmem>> -> memref<16x128xf32, #tpu.memory_space<vmem>>
        %dma_start3A_2321 = arith.constant 0 : i32
        %dma_start3A_2322 = tpu.memref_slice %arg4[%dma_start3A_2321, %multiple_of3A_2296] : memref<16x1000001xf32, #tpu.memory_space<hbm>> -> memref<16x128xf32, #tpu.memory_space<hbm>>
        tpu.enqueue_dma source(%dma_start3A_2322 : memref<16x128xf32, #tpu.memory_space<hbm>>) target(%dma_start3A_2320 : memref<16x128xf32, #tpu.memory_space<vmem>>) target_semaphore(%arg15 : memref<!tpu.dma_semaphore, #tpu.memory_space<semaphore_mem>>)
      } else {
      }
      tpu.vector_store_idx %arg11[%iota3A, %broadcast_in_dim3A_2031], %gather3A_2062 : memref<16x128xf32, #tpu.memory_space<vmem>>[vector<16xi32>, vector<16xi32>], vector<16xf32>,
      tpu.vector_store_idx %arg12[%iota3A, %broadcast_in_dim3A_2031], %gather3A_2063 : memref<16x128xf32, #tpu.memory_space<vmem>>[vector<16xi32>, vector<16xi32>], vector<16xf32>,
      %slice3A_2069 = vector.extract_strided_slice %gather3A_881 {offsets = [15], sizes = [1], strides = [1]} : vector<16xi32> to vector<1xi32>
      %squeeze3A_2070 = vector.extract %slice3A_2069[0] : i32 from vector<1xi32>
      %jit3A_2071 = arith.constant 128 : i32
      %eq3A_2072 = arith.constant 0 : i32
      %eq3A_2073 = arith.cmpi eq, %jit3A_2071, %eq3A_2072 : i32
      %jit3A_2074 = arith.constant 1 : i32
      %select_n3A_2075 = arith.select %eq3A_2073, %jit3A_2074, %jit3A_2071 : i32
      %rem3A_2076 = arith.remsi %squeeze3A_2070, %select_n3A_2075 : i32
      %ne3A_2077 = arith.constant 0 : i32
      %ne3A_2078 = arith.cmpi ne, %rem3A_2076, %ne3A_2077 : i32
      %lt3A_2079 = arith.constant 0 : i32
      %lt3A_2080 = arith.cmpi slt, %rem3A_2076, %lt3A_2079 : i32
      %lt3A_2081 = arith.constant 0 : i32
      %lt3A_2082 = arith.cmpi slt, %select_n3A_2075, %lt3A_2081 : i32
      %ne3A_2083 = arith.xori %lt3A_2080, %lt3A_2082 : i1
      %and3A_2084 = arith.andi %ne3A_2083, %ne3A_2078 : i1
      %add3A_2085 = arith.addi %rem3A_2076, %select_n3A_2075 : i32
      %select_n3A_2086 = arith.select %and3A_2084, %add3A_2085, %rem3A_2076 : i32
      %broadcast_in_dim3A_2087 = vector.broadcast %select_n3A_2086 : i32 to vector<16xi32>
      %broadcast_in_dim3A_2088 = arith.constant 15 : i32
      %broadcast_in_dim3A_2089 = vector.broadcast %broadcast_in_dim3A_2088 : i32 to vector<16xi32>
      %jit3A_2090 = arith.constant 8 : i32
      %eq3A_2091 = arith.constant 0 : i32
      %eq3A_2092 = arith.cmpi eq, %jit3A_2090, %eq3A_2091 : i32
      %jit3A_2093 = arith.constant 1 : i32
      %select_n3A_2094 = arith.select %eq3A_2092, %jit3A_2093, %jit3A_2090 : i32
      %rem3A_2095 = arith.remsi %scan3A_876, %select_n3A_2094 : i32
      %ne3A_2096 = arith.constant 0 : i32
      %ne3A_2097 = arith.cmpi ne, %rem3A_2095, %ne3A_2096 : i32
      %lt3A_2098 = arith.constant 0 : i32
      %lt3A_2099 = arith.cmpi slt, %rem3A_2095, %lt3A_2098 : i32
      %lt3A_2100 = arith.constant 0 : i32
      %lt3A_2101 = arith.cmpi slt, %select_n3A_2094, %lt3A_2100 : i32
      %ne3A_2102 = arith.xori %lt3A_2099, %lt3A_2101 : i1
      %and3A_2103 = arith.andi %ne3A_2102, %ne3A_2097 : i1
      %add3A_2104 = arith.addi %rem3A_2095, %select_n3A_2094 : i32
      %select_n3A_2105 = arith.select %and3A_2103, %add3A_2104, %rem3A_2095 : i32
      %mul3A_2106 = arith.constant 16 : i32
      %mul3A_2107 = arith.muli %select_n3A_2105, %mul3A_2106 : i32
      %add3A_2108 = arith.constant 15 : i32
      %add3A_2109 = arith.addi %mul3A_2107, %add3A_2108 : i32
      %broadcast_in_dim3A_2110 = vector.broadcast %add3A_2109 : i32 to vector<16xi32>
      %dma_wait3A_2111 = arith.constant 15 : i32
      %dma_wait3A_2112 = arith.constant 0 : i32
      %dma_wait3A_2113 = arith.constant 0 : i32
      %dma_wait3A_2114 = tpu.memref_slice %arg9[%dma_wait3A_2111, %dma_wait3A_2112, %dma_wait3A_2113] : memref<16x16x128xf32, #tpu.memory_space<vmem>> -> memref<1x16x128xf32, #tpu.memory_space<vmem>>
      %dma_wait3A_2115 = tpu.memref_squeeze %dma_wait3A_2114 : memref<1x16x128xf32, #tpu.memory_space<vmem>> -> memref<16x128xf32, #tpu.memory_space<vmem>>
      %dma_wait3A_2116 = arith.constant 0 : i32
      %dma_wait3A_2117 = arith.constant 0 : i32
      %dma_wait3A_2118 = tpu.memref_slice %arg3[%dma_wait3A_2116, %dma_wait3A_2117] : memref<16x1000000xf32, #tpu.memory_space<hbm>> -> memref<16x128xf32, #tpu.memory_space<hbm>>
      %dma_wait3A_2119 = arith.constant 0 : i32
      %dma_wait3A_2120 = arith.constant 0 : i32
      %dma_wait3A_2121 = tpu.memref_slice %arg9[%dma_wait3A_2111, %dma_wait3A_2119, %dma_wait3A_2120] : memref<16x16x128xf32, #tpu.memory_space<vmem>> -> memref<1x16x128xf32, #tpu.memory_space<vmem>>
      %dma_wait3A_2122 = tpu.memref_squeeze %dma_wait3A_2121 : memref<1x16x128xf32, #tpu.memory_space<vmem>> -> memref<16x128xf32, #tpu.memory_space<vmem>>
      %dma_wait3A_2123 = arith.constant 0 : i32
      %dma_wait3A_2124 = arith.constant 0 : i32
      %dma_wait3A_2125 = tpu.memref_slice %arg3[%dma_wait3A_2123, %dma_wait3A_2124] : memref<16x1000000xf32, #tpu.memory_space<hbm>> -> memref<16x128xf32, #tpu.memory_space<hbm>>
      tpu.wait_dma2 semaphore(%arg14 : memref<!tpu.dma_semaphore, #tpu.memory_space<semaphore_mem>>) src(%dma_wait3A_2125 : memref<16x128xf32, #tpu.memory_space<hbm>>) dst(%dma_wait3A_2122 : memref<16x128xf32, #tpu.memory_space<vmem>>)
      %dma_wait3A_2126 = arith.constant 15 : i32
      %dma_wait3A_2127 = arith.constant 0 : i32
      %dma_wait3A_2128 = arith.constant 0 : i32
      %dma_wait3A_2129 = tpu.memref_slice %arg10[%dma_wait3A_2126, %dma_wait3A_2127, %dma_wait3A_2128] : memref<16x16x128xf32, #tpu.memory_space<vmem>> -> memref<1x16x128xf32, #tpu.memory_space<vmem>>
      %dma_wait3A_2130 = tpu.memref_squeeze %dma_wait3A_2129 : memref<1x16x128xf32, #tpu.memory_space<vmem>> -> memref<16x128xf32, #tpu.memory_space<vmem>>
      %dma_wait3A_2131 = arith.constant 0 : i32
      %dma_wait3A_2132 = arith.constant 0 : i32
      %dma_wait3A_2133 = tpu.memref_slice %arg4[%dma_wait3A_2131, %dma_wait3A_2132] : memref<16x1000001xf32, #tpu.memory_space<hbm>> -> memref<16x128xf32, #tpu.memory_space<hbm>>
      %dma_wait3A_2134 = arith.constant 0 : i32
      %dma_wait3A_2135 = arith.constant 0 : i32
      %dma_wait3A_2136 = tpu.memref_slice %arg10[%dma_wait3A_2126, %dma_wait3A_2134, %dma_wait3A_2135] : memref<16x16x128xf32, #tpu.memory_space<vmem>> -> memref<1x16x128xf32, #tpu.memory_space<vmem>>
      %dma_wait3A_2137 = tpu.memref_squeeze %dma_wait3A_2136 : memref<1x16x128xf32, #tpu.memory_space<vmem>> -> memref<16x128xf32, #tpu.memory_space<vmem>>
      %dma_wait3A_2138 = arith.constant 0 : i32
      %dma_wait3A_2139 = arith.constant 0 : i32
      %dma_wait3A_2140 = tpu.memref_slice %arg4[%dma_wait3A_2138, %dma_wait3A_2139] : memref<16x1000001xf32, #tpu.memory_space<hbm>> -> memref<16x128xf32, #tpu.memory_space<hbm>>
      tpu.wait_dma2 semaphore(%arg15 : memref<!tpu.dma_semaphore, #tpu.memory_space<semaphore_mem>>) src(%dma_wait3A_2140 : memref<16x128xf32, #tpu.memory_space<hbm>>) dst(%dma_wait3A_2137 : memref<16x128xf32, #tpu.memory_space<vmem>>)
      %gather3A_2141 = tpu.vector_load_idx %arg9[%broadcast_in_dim3A_2089, %iota3A, %broadcast_in_dim3A_2087] : memref<16x16x128xf32, #tpu.memory_space<vmem>>[vector<16xi32>, vector<16xi32>, vector<16xi32>], vector<16xf32>,
      %gather3A_2142 = tpu.vector_load_idx %arg10[%broadcast_in_dim3A_2089, %iota3A, %broadcast_in_dim3A_2087] : memref<16x16x128xf32, #tpu.memory_space<vmem>>[vector<16xi32>, vector<16xi32>, vector<16xi32>], vector<16xf32>,
      %lt3A_2143 = arith.constant 31 : i32
      %lt3A_2144 = arith.cmpi slt, %scan3A_876, %lt3A_2143 : i32
      %convert_element_type3A_2145 = arith.extui %lt3A_2144 : i1 to i32
      %cond3A_2146 = arith.constant 0 : i32
      %cond3A_2147 = arith.cmpi ne, %convert_element_type3A_2145, %cond3A_2146 : i32
      scf.if %cond3A_2147 {
        %slice3A_2268 = vector.extract_strided_slice %gather3A_889 {offsets = [15], sizes = [1], strides = [1]} : vector<16xi32> to vector<1xi32>
        %squeeze3A_2269 = vector.extract %slice3A_2268[0] : i32 from vector<1xi32>
        %jit3A_2270 = arith.constant 128 : i32
        %div3A_2271 = arith.divsi %squeeze3A_2269, %jit3A_2270 : i32
        %sign3A_2272 = arith.constant 0 : i32
        %sign3A_2273 = arith.cmpi sgt, %squeeze3A_2269, %sign3A_2272 : i32
        %sign3A_2274 = arith.extui %sign3A_2273 : i1 to i32
        %sign3A_2275 = arith.constant 0 : i32
        %sign3A_2276 = arith.cmpi slt, %squeeze3A_2269, %sign3A_2275 : i32
        %sign3A_2277 = arith.extui %sign3A_2276 : i1 to i32
        %sign3A_2278 = arith.subi %sign3A_2274, %sign3A_2277 : i32
        %sign3A_2279 = arith.constant 0 : i32
        %sign3A_2280 = arith.cmpi sgt, %jit3A_2270, %sign3A_2279 : i32
        %sign3A_2281 = arith.extui %sign3A_2280 : i1 to i32
        %sign3A_2282 = arith.constant 0 : i32
        %sign3A_2283 = arith.cmpi slt, %jit3A_2270, %sign3A_2282 : i32
        %sign3A_2284 = arith.extui %sign3A_2283 : i1 to i32
        %sign3A_2285 = arith.subi %sign3A_2281, %sign3A_2284 : i32
        %ne3A_2286 = arith.cmpi ne, %sign3A_2278, %sign3A_2285 : i32
        %rem3A_2287 = arith.remsi %squeeze3A_2269, %jit3A_2270 : i32
        %ne3A_2288 = arith.constant 0 : i32
        %ne3A_2289 = arith.cmpi ne, %rem3A_2287, %ne3A_2288 : i32
        %and3A_2290 = arith.andi %ne3A_2286, %ne3A_2289 : i1
        %sub3A_2291 = arith.constant 1 : i32
        %sub3A_2292 = arith.subi %div3A_2271, %sub3A_2291 : i32
        %select_n3A_2293 = arith.select %and3A_2290, %sub3A_2292, %div3A_2271 : i32
        %mul3A_2294 = arith.constant 128 : i32
        %mul3A_2295 = arith.muli %select_n3A_2293, %mul3A_2294 : i32
        %multiple_of3A_2296 = tpu.assume_multiple %mul3A_2295, 128 : i32
        %dma_start3A_2297 = arith.constant 15 : i32
        %dma_start3A_2298 = arith.constant 0 : i32
        %dma_start3A_2299 = arith.constant 0 : i32
        %dma_start3A_2300 = tpu.memref_slice %arg9[%dma_start3A_2297, %dma_start3A_2298, %dma_start3A_2299] : memref<16x16x128xf32, #tpu.memory_space<vmem>> -> memref<1x16x128xf32, #tpu.memory_space<vmem>>
        %dma_start3A_2301 = tpu.memref_squeeze %dma_start3A_2300 : memref<1x16x128xf32, #tpu.memory_space<vmem>> -> memref<16x128xf32, #tpu.memory_space<vmem>>
        %dma_start3A_2302 = arith.constant 0 : i32
        %dma_start3A_2303 = tpu.memref_slice %arg3[%dma_start3A_2302, %multiple_of3A_2296] : memref<16x1000000xf32, #tpu.memory_space<hbm>> -> memref<16x128xf32, #tpu.memory_space<hbm>>
        %dma_start3A_2304 = arith.constant 0 : i32
        %dma_start3A_2305 = arith.constant 0 : i32
        %dma_start3A_2306 = tpu.memref_slice %arg9[%dma_start3A_2297, %dma_start3A_2304, %dma_start3A_2305] : memref<16x16x128xf32, #tpu.memory_space<vmem>> -> memref<1x16x128xf32, #tpu.memory_space<vmem>>
        %dma_start3A_2307 = tpu.memref_squeeze %dma_start3A_2306 : memref<1x16x128xf32, #tpu.memory_space<vmem>> -> memref<16x128xf32, #tpu.memory_space<vmem>>
        %dma_start3A_2308 = arith.constant 0 : i32
        %dma_start3A_2309 = tpu.memref_slice %arg3[%dma_start3A_2308, %multiple_of3A_2296] : memref<16x1000000xf32, #tpu.memory_space<hbm>> -> memref<16x128xf32, #tpu.memory_space<hbm>>
        tpu.enqueue_dma source(%dma_start3A_2309 : memref<16x128xf32, #tpu.memory_space<hbm>>) target(%dma_start3A_2307 : memref<16x128xf32, #tpu.memory_space<vmem>>) target_semaphore(%arg14 : memref<!tpu.dma_semaphore, #tpu.memory_space<semaphore_mem>>)
        %dma_start3A_2310 = arith.constant 15 : i32
        %dma_start3A_2311 = arith.constant 0 : i32
        %dma_start3A_2312 = arith.constant 0 : i32
        %dma_start3A_2313 = tpu.memref_slice %arg10[%dma_start3A_2310, %dma_start3A_2311, %dma_start3A_2312] : memref<16x16x128xf32, #tpu.memory_space<vmem>> -> memref<1x16x128xf32, #tpu.memory_space<vmem>>
        %dma_start3A_2314 = tpu.memref_squeeze %dma_start3A_2313 : memref<1x16x128xf32, #tpu.memory_space<vmem>> -> memref<16x128xf32, #tpu.memory_space<vmem>>
        %dma_start3A_2315 = arith.constant 0 : i32
        %dma_start3A_2316 = tpu.memref_slice %arg4[%dma_start3A_2315, %multiple_of3A_2296] : memref<16x1000001xf32, #tpu.memory_space<hbm>> -> memref<16x128xf32, #tpu.memory_space<hbm>>
        %dma_start3A_2317 = arith.constant 0 : i32
        %dma_start3A_2318 = arith.constant 0 : i32
        %dma_start3A_2319 = tpu.memref_slice %arg10[%dma_start3A_2310, %dma_start3A_2317, %dma_start3A_2318] : memref<16x16x128xf32, #tpu.memory_space<vmem>> -> memref<1x16x128xf32, #tpu.memory_space<vmem>>
        %dma_start3A_2320 = tpu.memref_squeeze %dma_start3A_2319 : memref<1x16x128xf32, #tpu.memory_space<vmem>> -> memref<16x128xf32, #tpu.memory_space<vmem>>
        %dma_start3A_2321 = arith.constant 0 : i32
        %dma_start3A_2322 = tpu.memref_slice %arg4[%dma_start3A_2321, %multiple_of3A_2296] : memref<16x1000001xf32, #tpu.memory_space<hbm>> -> memref<16x128xf32, #tpu.memory_space<hbm>>
        tpu.enqueue_dma source(%dma_start3A_2322 : memref<16x128xf32, #tpu.memory_space<hbm>>) target(%dma_start3A_2320 : memref<16x128xf32, #tpu.memory_space<vmem>>) target_semaphore(%arg15 : memref<!tpu.dma_semaphore, #tpu.memory_space<semaphore_mem>>)
      } else {
      }
      tpu.vector_store_idx %arg11[%iota3A, %broadcast_in_dim3A_2110], %gather3A_2141 : memref<16x128xf32, #tpu.memory_space<vmem>>[vector<16xi32>, vector<16xi32>], vector<16xf32>,
      tpu.vector_store_idx %arg12[%iota3A, %broadcast_in_dim3A_2110], %gather3A_2142 : memref<16x128xf32, #tpu.memory_space<vmem>>[vector<16xi32>, vector<16xi32>], vector<16xf32>,
      %jit3A_2148 = arith.constant 8 : i32
      %eq3A_2149 = arith.constant 0 : i32
      %eq3A_2150 = arith.cmpi eq, %jit3A_2148, %eq3A_2149 : i32
      %jit3A_2151 = arith.constant 1 : i32
      %select_n3A_2152 = arith.select %eq3A_2150, %jit3A_2151, %jit3A_2148 : i32
      %rem3A_2153 = arith.remsi %scan3A_876, %select_n3A_2152 : i32
      %ne3A_2154 = arith.constant 0 : i32
      %ne3A_2155 = arith.cmpi ne, %rem3A_2153, %ne3A_2154 : i32
      %lt3A_2156 = arith.constant 0 : i32
      %lt3A_2157 = arith.cmpi slt, %rem3A_2153, %lt3A_2156 : i32
      %lt3A_2158 = arith.constant 0 : i32
      %lt3A_2159 = arith.cmpi slt, %select_n3A_2152, %lt3A_2158 : i32
      %ne3A_2160 = arith.xori %lt3A_2157, %lt3A_2159 : i1
      %and3A_2161 = arith.andi %ne3A_2160, %ne3A_2155 : i1
      %add3A_2162 = arith.addi %rem3A_2153, %select_n3A_2152 : i32
      %select_n3A_2163 = arith.select %and3A_2161, %add3A_2162, %rem3A_2153 : i32
      %mul3A_2164 = arith.constant 16 : i32
      %mul3A_2165 = arith.muli %select_n3A_2163, %mul3A_2164 : i32
      %get3A = arith.constant 0 : i32
      %get3A_2166 = arith.index_cast %get3A : i32 to index
      %get3A_2167 = arith.index_cast %mul3A_2165 : i32 to index
      %get3A_2168 = tpu.vector_load %arg12[%get3A_2166, %get3A_2167] {strides = array<i32>} : memref<16x128xf32, #tpu.memory_space<vmem>>, vector<16xf32>,
      %get3A_2169 = arith.constant 1 : i32
      %get3A_2170 = arith.index_cast %get3A_2169 : i32 to index
      %get3A_2171 = arith.index_cast %mul3A_2165 : i32 to index
      %get3A_2172 = tpu.vector_load %arg12[%get3A_2170, %get3A_2171] {strides = array<i32>} : memref<16x128xf32, #tpu.memory_space<vmem>>, vector<16xf32>,
      %max3A = arith.maximumf %get3A_2168, %get3A_2172 : vector<16xf32>
      %get3A_2173 = arith.constant 2 : i32
      %get3A_2174 = arith.index_cast %get3A_2173 : i32 to index
      %get3A_2175 = arith.index_cast %mul3A_2165 : i32 to index
      %get3A_2176 = tpu.vector_load %arg12[%get3A_2174, %get3A_2175] {strides = array<i32>} : memref<16x128xf32, #tpu.memory_space<vmem>>, vector<16xf32>,
      %max3A_2177 = arith.maximumf %max3A, %get3A_2176 : vector<16xf32>
      %get3A_2178 = arith.constant 3 : i32
      %get3A_2179 = arith.index_cast %get3A_2178 : i32 to index
      %get3A_2180 = arith.index_cast %mul3A_2165 : i32 to index
      %get3A_2181 = tpu.vector_load %arg12[%get3A_2179, %get3A_2180] {strides = array<i32>} : memref<16x128xf32, #tpu.memory_space<vmem>>, vector<16xf32>,
      %max3A_2182 = arith.maximumf %max3A_2177, %get3A_2181 : vector<16xf32>
      %get3A_2183 = arith.constant 4 : i32
      %get3A_2184 = arith.index_cast %get3A_2183 : i32 to index
      %get3A_2185 = arith.index_cast %mul3A_2165 : i32 to index
      %get3A_2186 = tpu.vector_load %arg12[%get3A_2184, %get3A_2185] {strides = array<i32>} : memref<16x128xf32, #tpu.memory_space<vmem>>, vector<16xf32>,
      %max3A_2187 = arith.maximumf %max3A_2182, %get3A_2186 : vector<16xf32>
      %get3A_2188 = arith.constant 5 : i32
      %get3A_2189 = arith.index_cast %get3A_2188 : i32 to index
      %get3A_2190 = arith.index_cast %mul3A_2165 : i32 to index
      %get3A_2191 = tpu.vector_load %arg12[%get3A_2189, %get3A_2190] {strides = array<i32>} : memref<16x128xf32, #tpu.memory_space<vmem>>, vector<16xf32>,
      %max3A_2192 = arith.maximumf %max3A_2187, %get3A_2191 : vector<16xf32>
      %get3A_2193 = arith.constant 6 : i32
      %get3A_2194 = arith.index_cast %get3A_2193 : i32 to index
      %get3A_2195 = arith.index_cast %mul3A_2165 : i32 to index
      %get3A_2196 = tpu.vector_load %arg12[%get3A_2194, %get3A_2195] {strides = array<i32>} : memref<16x128xf32, #tpu.memory_space<vmem>>, vector<16xf32>,
      %max3A_2197 = arith.maximumf %max3A_2192, %get3A_2196 : vector<16xf32>
      %get3A_2198 = arith.constant 7 : i32
      %get3A_2199 = arith.index_cast %get3A_2198 : i32 to index
      %get3A_2200 = arith.index_cast %mul3A_2165 : i32 to index
      %get3A_2201 = tpu.vector_load %arg12[%get3A_2199, %get3A_2200] {strides = array<i32>} : memref<16x128xf32, #tpu.memory_space<vmem>>, vector<16xf32>,
      %max3A_2202 = arith.maximumf %max3A_2197, %get3A_2201 : vector<16xf32>
      %get3A_2203 = arith.constant 8 : i32
      %get3A_2204 = arith.index_cast %get3A_2203 : i32 to index
      %get3A_2205 = arith.index_cast %mul3A_2165 : i32 to index
      %get3A_2206 = tpu.vector_load %arg12[%get3A_2204, %get3A_2205] {strides = array<i32>} : memref<16x128xf32, #tpu.memory_space<vmem>>, vector<16xf32>,
      %max3A_2207 = arith.maximumf %max3A_2202, %get3A_2206 : vector<16xf32>
      %get3A_2208 = arith.constant 9 : i32
      %get3A_2209 = arith.index_cast %get3A_2208 : i32 to index
      %get3A_2210 = arith.index_cast %mul3A_2165 : i32 to index
      %get3A_2211 = tpu.vector_load %arg12[%get3A_2209, %get3A_2210] {strides = array<i32>} : memref<16x128xf32, #tpu.memory_space<vmem>>, vector<16xf32>,
      %max3A_2212 = arith.maximumf %max3A_2207, %get3A_2211 : vector<16xf32>
      %get3A_2213 = arith.constant 10 : i32
      %get3A_2214 = arith.index_cast %get3A_2213 : i32 to index
      %get3A_2215 = arith.index_cast %mul3A_2165 : i32 to index
      %get3A_2216 = tpu.vector_load %arg12[%get3A_2214, %get3A_2215] {strides = array<i32>} : memref<16x128xf32, #tpu.memory_space<vmem>>, vector<16xf32>,
      %max3A_2217 = arith.maximumf %max3A_2212, %get3A_2216 : vector<16xf32>
      %get3A_2218 = arith.constant 11 : i32
      %get3A_2219 = arith.index_cast %get3A_2218 : i32 to index
      %get3A_2220 = arith.index_cast %mul3A_2165 : i32 to index
      %get3A_2221 = tpu.vector_load %arg12[%get3A_2219, %get3A_2220] {strides = array<i32>} : memref<16x128xf32, #tpu.memory_space<vmem>>, vector<16xf32>,
      %max3A_2222 = arith.maximumf %max3A_2217, %get3A_2221 : vector<16xf32>
      %get3A_2223 = arith.constant 12 : i32
      %get3A_2224 = arith.index_cast %get3A_2223 : i32 to index
      %get3A_2225 = arith.index_cast %mul3A_2165 : i32 to index
      %get3A_2226 = tpu.vector_load %arg12[%get3A_2224, %get3A_2225] {strides = array<i32>} : memref<16x128xf32, #tpu.memory_space<vmem>>, vector<16xf32>,
      %max3A_2227 = arith.maximumf %max3A_2222, %get3A_2226 : vector<16xf32>
      %get3A_2228 = arith.constant 13 : i32
      %get3A_2229 = arith.index_cast %get3A_2228 : i32 to index
      %get3A_2230 = arith.index_cast %mul3A_2165 : i32 to index
      %get3A_2231 = tpu.vector_load %arg12[%get3A_2229, %get3A_2230] {strides = array<i32>} : memref<16x128xf32, #tpu.memory_space<vmem>>, vector<16xf32>,
      %max3A_2232 = arith.maximumf %max3A_2227, %get3A_2231 : vector<16xf32>
      %get3A_2233 = arith.constant 14 : i32
      %get3A_2234 = arith.index_cast %get3A_2233 : i32 to index
      %get3A_2235 = arith.index_cast %mul3A_2165 : i32 to index
      %get3A_2236 = tpu.vector_load %arg12[%get3A_2234, %get3A_2235] {strides = array<i32>} : memref<16x128xf32, #tpu.memory_space<vmem>>, vector<16xf32>,
      %max3A_2237 = arith.maximumf %max3A_2232, %get3A_2236 : vector<16xf32>
      %get3A_2238 = arith.constant 15 : i32
      %get3A_2239 = arith.index_cast %get3A_2238 : i32 to index
      %get3A_2240 = arith.index_cast %mul3A_2165 : i32 to index
      %get3A_2241 = tpu.vector_load %arg12[%get3A_2239, %get3A_2240] {strides = array<i32>} : memref<16x128xf32, #tpu.memory_space<vmem>>, vector<16xf32>,
      %max3A_2242 = arith.maximumf %max3A_2237, %get3A_2241 : vector<16xf32>
      %mul3A_2243 = arith.constant 16 : i32
      %mul3A_2244 = arith.muli %scan3A_876, %mul3A_2243 : i32
      %add3A_2245 = vector.broadcast %mul3A_2244 : i32 to vector<16xi32>
      %add3A_2246 = arith.addi %add3A_2245, %iota3A : vector<16xi32>
      tpu.vector_store_idx %arg13[%add3A_2246], %max3A_2242 : memref<512xf32, #tpu.memory_space<vmem>>[vector<16xi32>], vector<16xf32>,
      %jit3A_2247 = arith.constant 8 : i32
      %eq3A_2248 = arith.constant 0 : i32
      %eq3A_2249 = arith.cmpi eq, %jit3A_2247, %eq3A_2248 : i32
      %jit3A_2250 = arith.constant 1 : i32
      %select_n3A_2251 = arith.select %eq3A_2249, %jit3A_2250, %jit3A_2247 : i32
      %rem3A_2252 = arith.remsi %scan3A_876, %select_n3A_2251 : i32
      %ne3A_2253 = arith.constant 0 : i32
      %ne3A_2254 = arith.cmpi ne, %rem3A_2252, %ne3A_2253 : i32
      %lt3A_2255 = arith.constant 0 : i32
      %lt3A_2256 = arith.cmpi slt, %rem3A_2252, %lt3A_2255 : i32
      %lt3A_2257 = arith.constant 0 : i32
      %lt3A_2258 = arith.cmpi slt, %select_n3A_2251, %lt3A_2257 : i32
      %ne3A_2259 = arith.xori %lt3A_2256, %lt3A_2258 : i1
      %and3A_2260 = arith.andi %ne3A_2259, %ne3A_2254 : i1
      %add3A_2261 = arith.addi %rem3A_2252, %select_n3A_2251 : i32
      %select_n3A_2262 = arith.select %and3A_2260, %add3A_2261, %rem3A_2252 : i32
      %eq3A_2263 = arith.constant 7 : i32
      %eq3A_2264 = arith.cmpi eq, %select_n3A_2262, %eq3A_2263 : i32
      %convert_element_type3A_2265 = arith.extui %eq3A_2264 : i1 to i32
      %cond3A_2266 = arith.constant 0 : i32
      %cond3A_2267 = arith.cmpi ne, %convert_element_type3A_2265, %cond3A_2266 : i32
      scf.if %cond3A_2267 {
        %jit3A_2268 = arith.constant 8 : i32
        %div3A_2269 = arith.divsi %scan3A_876, %jit3A_2268 : i32
        %sign3A_2270 = arith.constant 0 : i32
        %sign3A_2271 = arith.cmpi sgt, %scan3A_876, %sign3A_2270 : i32
        %sign3A_2272 = arith.extui %sign3A_2271 : i1 to i32
        %sign3A_2273 = arith.constant 0 : i32
        %sign3A_2274 = arith.cmpi slt, %scan3A_876, %sign3A_2273 : i32
        %sign3A_2275 = arith.extui %sign3A_2274 : i1 to i32
        %sign3A_2276 = arith.subi %sign3A_2272, %sign3A_2275 : i32
        %sign3A_2277 = arith.constant 0 : i32
        %sign3A_2278 = arith.cmpi sgt, %jit3A_2268, %sign3A_2277 : i32
        %sign3A_2279 = arith.extui %sign3A_2278 : i1 to i32
        %sign3A_2280 = arith.constant 0 : i32
        %sign3A_2281 = arith.cmpi slt, %jit3A_2268, %sign3A_2280 : i32
        %sign3A_2282 = arith.extui %sign3A_2281 : i1 to i32
        %sign3A_2283 = arith.subi %sign3A_2279, %sign3A_2282 : i32
        %ne3A_2284 = arith.cmpi ne, %sign3A_2276, %sign3A_2283 : i32
        %rem3A_2285 = arith.remsi %scan3A_876, %jit3A_2268 : i32
        %ne3A_2286 = arith.constant 0 : i32
        %ne3A_2287 = arith.cmpi ne, %rem3A_2285, %ne3A_2286 : i32
        %and3A_2288 = arith.andi %ne3A_2284, %ne3A_2287 : i1
        %sub3A_2289 = arith.constant 1 : i32
        %sub3A_2290 = arith.subi %div3A_2269, %sub3A_2289 : i32
        %select_n3A_2291 = arith.select %and3A_2288, %sub3A_2290, %div3A_2269 : i32
        %mul3A_2292 = arith.constant 128 : i32
        %mul3A_2293 = arith.muli %select_n3A_2291, %mul3A_2292 : i32
        %add3A_2294 = arith.addi %mul3A_2, %mul3A_2293 : i32
        %multiple_of3A_2295 = tpu.assume_multiple %add3A_2294, 128 : i32
        "tpu.region"() ({
          %run_scoped3A = tpu.sem_alloc : memref<!tpu.dma_semaphore, #tpu.memory_space<semaphore_mem>>
          %dma_start3A_2296 = arith.constant 0 : i32
          %dma_start3A_2297 = tpu.memref_slice %arg5[%dma_start3A_2296, %multiple_of3A_2295] : memref<16x16384xf32, #tpu.memory_space<hbm>> -> memref<16x128xf32, #tpu.memory_space<hbm>>
          %dma_start3A_2298 = arith.constant 0 : i32
          %dma_start3A_2299 = tpu.memref_slice %arg5[%dma_start3A_2298, %multiple_of3A_2295] : memref<16x16384xf32, #tpu.memory_space<hbm>> -> memref<16x128xf32, #tpu.memory_space<hbm>>
          tpu.enqueue_dma source(%arg11 : memref<16x128xf32, #tpu.memory_space<vmem>>) target(%dma_start3A_2299 : memref<16x128xf32, #tpu.memory_space<hbm>>) target_semaphore(%run_scoped3A : memref<!tpu.dma_semaphore, #tpu.memory_space<semaphore_mem>>)
          %dma_wait3A_2300 = arith.constant 0 : i32
          %dma_wait3A_2301 = tpu.memref_slice %arg5[%dma_wait3A_2300, %multiple_of3A_2295] : memref<16x16384xf32, #tpu.memory_space<hbm>> -> memref<16x128xf32, #tpu.memory_space<hbm>>
          %dma_wait3A_2302 = arith.constant 0 : i32
          %dma_wait3A_2303 = tpu.memref_slice %arg5[%dma_wait3A_2302, %multiple_of3A_2295] : memref<16x16384xf32, #tpu.memory_space<hbm>> -> memref<16x128xf32, #tpu.memory_space<hbm>>
          tpu.wait_dma2 semaphore(%run_scoped3A : memref<!tpu.dma_semaphore, #tpu.memory_space<semaphore_mem>>) src(%arg11 : memref<16x128xf32, #tpu.memory_space<vmem>>) dst(%dma_wait3A_2303 : memref<16x128xf32, #tpu.memory_space<hbm>>)
          tpu.yield
        }) : () -> ()
        "tpu.region"() ({
          %run_scoped3A = tpu.sem_alloc : memref<!tpu.dma_semaphore, #tpu.memory_space<semaphore_mem>>
          %dma_start3A_2296 = arith.constant 0 : i32
          %dma_start3A_2297 = tpu.memref_slice %arg7[%dma_start3A_2296, %multiple_of3A_2295] : memref<16x16384xf32, #tpu.memory_space<hbm>> -> memref<16x128xf32, #tpu.memory_space<hbm>>
          %dma_start3A_2298 = arith.constant 0 : i32
          %dma_start3A_2299 = tpu.memref_slice %arg7[%dma_start3A_2298, %multiple_of3A_2295] : memref<16x16384xf32, #tpu.memory_space<hbm>> -> memref<16x128xf32, #tpu.memory_space<hbm>>
          tpu.enqueue_dma source(%arg12 : memref<16x128xf32, #tpu.memory_space<vmem>>) target(%dma_start3A_2299 : memref<16x128xf32, #tpu.memory_space<hbm>>) target_semaphore(%run_scoped3A : memref<!tpu.dma_semaphore, #tpu.memory_space<semaphore_mem>>)
          %dma_wait3A_2300 = arith.constant 0 : i32
          %dma_wait3A_2301 = tpu.memref_slice %arg7[%dma_wait3A_2300, %multiple_of3A_2295] : memref<16x16384xf32, #tpu.memory_space<hbm>> -> memref<16x128xf32, #tpu.memory_space<hbm>>
          %dma_wait3A_2302 = arith.constant 0 : i32
          %dma_wait3A_2303 = tpu.memref_slice %arg7[%dma_wait3A_2302, %multiple_of3A_2295] : memref<16x16384xf32, #tpu.memory_space<hbm>> -> memref<16x128xf32, #tpu.memory_space<hbm>>
          tpu.wait_dma2 semaphore(%run_scoped3A : memref<!tpu.dma_semaphore, #tpu.memory_space<semaphore_mem>>) src(%arg12 : memref<16x128xf32, #tpu.memory_space<vmem>>) dst(%dma_wait3A_2303 : memref<16x128xf32, #tpu.memory_space<hbm>>)
          tpu.yield
        }) : () -> ()
      } else {
      }
    }
    %scan3A_875 = arith.constant 32 : i32
    "tpu.region"() ({
      %run_scoped3A = tpu.sem_alloc : memref<!tpu.dma_semaphore, #tpu.memory_space<semaphore_mem>>
      %dma_start3A_876 = tpu.memref_slice %arg6[%mul3A_2] : memref<16384xf32, #tpu.memory_space<hbm>> -> memref<512xf32, #tpu.memory_space<hbm>>
      %dma_start3A_877 = tpu.memref_slice %arg6[%mul3A_2] : memref<16384xf32, #tpu.memory_space<hbm>> -> memref<512xf32, #tpu.memory_space<hbm>>
      tpu.enqueue_dma source(%arg13 : memref<512xf32, #tpu.memory_space<vmem>>) target(%dma_start3A_877 : memref<512xf32, #tpu.memory_space<hbm>>) target_semaphore(%run_scoped3A : memref<!tpu.dma_semaphore, #tpu.memory_space<semaphore_mem>>)
      %dma_wait3A = tpu.memref_slice %arg6[%mul3A_2] : memref<16384xf32, #tpu.memory_space<hbm>> -> memref<512xf32, #tpu.memory_space<hbm>>
      %dma_wait3A_878 = tpu.memref_slice %arg6[%mul3A_2] : memref<16384xf32, #tpu.memory_space<hbm>> -> memref<512xf32, #tpu.memory_space<hbm>>
      tpu.wait_dma2 semaphore(%run_scoped3A : memref<!tpu.dma_semaphore, #tpu.memory_space<semaphore_mem>>) src(%arg13 : memref<512xf32, #tpu.memory_space<vmem>>) dst(%dma_wait3A_878 : memref<512xf32, #tpu.memory_space<hbm>>)
      tpu.yield
    }) : () -> ()
    return
  }
}

</mosaic_0001>

<sc_bundles>
// kernel: _run.3.cloned.1.call-start
scs
__scs_entry_jumppad:
0x0: {  	(pc) =	sbr.rel $0x88, $3  }
0x1: {  	(tag) =	ssettag $0x0;
	lr =	simm.s32 $0x1  }
0x2: {  	[smem:$0x3F9E] =	sst lr;
	_ =	strace $0xD0000000  }
0x3: {  	_ = 	snop  }
0x4: {  	_ = 	snop  }
0x5: {  	_ = 	snop  }
0x6: {  	_ = 	snop  }
0x7: {  	_ = 	snop  }
__scs_overlays_trampoline_lowered:
0x8: {  	[smem:$0x3FAD] =	sst s0  }
0x9: {  	[smem:$0x3FAE] =	sst s1  }
0xa: {  	[smem:$0x3FAF] =	sst s2  }
0xb: {  	[smem:$0x3FB0] =	sst s3  }
0xc: {  	[smem:$0x3FB1] =	sst s4  }
0xd: {  	[smem:$0x3FB2] =	sst s5  }
0xe: {  	[smem:$0x3FB3] =	sst s6  }
0xf: {  	[smem:$0x3FB4] =	sst s7  }
0x10: {  	[smem:$0x3FB5] =	sst s8  }
0x11: {  	[smem:$0x3FB6] =	sst s9;
	s0 =	simm.s32 @!p0 $0x0  }
0x12: {  	s1 =	sld [smem:$0x3F9C];
	s0 =	simm.s32 @p0 $0x1  }
0x13: {  	[smem:$0x3FB7] =	sst s0;
	s0 =	simm.s32 @!p1 $0x0  }
0x14: {  	s2 =	sld [smem:$0x3F9B];
	s0 =	simm.s32 @p1 $0x1  }
0x15: {  	[smem:$0x3FB8] =	sst s0;
	s0 =	simm.s32 @!p2 $0x0  }
0x16: {  	s3 =	sld [smem:$0x3FDB];
	s0 =	simm.s32 @p2 $0x1  }
0x17: {  	s4 =	simm.s32 $0x1BF5;
	[smem:$0x3FBA] =	sst s0  }
0x18: {  	s0 =	sld [smem:$0x3F9D];
	_ =	swait.ge [sflag:s4], $0x0  }
0x19: {  	s7 =	sld [smem:$0x3F9E]  }
0x1a: {  	s8 =	sadd.s32 $0xFFFFE003, lr  }
0x1b: {  	s9 =	sadd.s32 $0xFFFFFEF7, lr;
	s5 =	simm.s32 $0xFFFFFFFF;
	p2 =	slt.u32 s8, $0xFFFFF086  }
0x1c: {  	p1 =	slt.u32 s9, $0xF7A;
	s5 =	simm.s32 @!p2 $0x0  }
0x1d: {  	s5 =	simm.s32 @p1 $0x1;
	p0 =	seq.s32 s7, s2  }
0x1e: {  	s7 =	smul.u32 @!p0 $0xF7A, s2;
	p2 =	seq.s32 @!p0 s5, $0x0  }
0x1f: {  	s9 =	smul.u32 $0xF7A, s1;
	s8 =	simm.s32 @!p0 $0x1BF5;
	p2 =	por !p2, p0  }
0x20: {  	[sflag:s8] =	ssyncset.s32 @!p0 $0xFFFFF086;
	s6 =	sadd.s32 @!p0 s3, s7;
	s7 =	simm.s32 @!p0 $0x108  }
0x21: {  	s3 =	sadd.s32 s3, s9;
	s6 =	sadd.s32 @!p0 $0x88, s6;
	s7 =	simm.s32 @p2 $0x1082  }
0x22: {  	[simem:s7], [sflag:s8] =	dma.local @!p0 [hbm:s6], $0xF7A  }
0x23: {  	s9 =	sor.u32 $0xD0000000, s2;
	s6 =	simm.s32 $0x108;
	_ =	swait.ge @!p0 [sflag:s8], $0x0  }
0x24: {  	s3 =	sadd.s32 $0x88, s3;
	s6 =	simm.s32 @!p1 $0x1082;
	[sflag:s4] =	ssyncset.s32 $0xFFFFF086  }
0x25: {  	[simem:s6], [sflag:s4] =	dma.local [hbm:s3], $0xF7A  }
0x26: {  	[smem:$0x3F9E] =	sst s1;
	(tag) =	ssettag s2;
	_ =	strace s9  }
0x27: {  	s1 =	sld [smem:$0x3FAE]  }
0x28: {  	s2 =	sld [smem:$0x3FAF]  }
0x29: {  	s4 =	sld [smem:$0x3FB1]  }
0x2a: {  	p0 =	seq.s32 s5, $0x0;
	s5 =	sld [smem:$0x3FB2]  }
0x2b: {  	s6 =	sld [smem:$0x3FB3]  }
0x2c: {  	s7 =	sld [smem:$0x3FB4]  }
0x2d: {  	s3 =	simm.s32 $0x108;
	s8 =	sld [smem:$0x3FB5]  }
0x2e: {  	s3 =	simm.s32 @!p0 $0x1082;
	s9 =	sld [smem:$0x3FB6]  }
0x2f: {  	lr =	sadd.s32 s0, s3;
	s0 =	sld [smem:$0x3FAD]  }
0x30: {  	s3 =	sld [smem:$0x3FB0]  }
0x31: {  	[smem:$0x3FB9] =	sst s10  }
0x32: {  	s10 =	sld [smem:$0x3FB7];
	_ =	sdelay $0x3  }
0x33: {  	p0 =	seq.s32 s10, $0x1;
	s10 =	sld [smem:$0x3FB9];
	_ =	sdelay $0x3  }
0x34: {  	[smem:$0x3FB9] =	sst s10  }
0x35: {  	s10 =	sld [smem:$0x3FB8];
	_ =	sdelay $0x3  }
0x36: {  	p1 =	seq.s32 s10, $0x1;
	s10 =	sld [smem:$0x3FB9];
	_ =	sdelay $0x3  }
0x37: {  	[smem:$0x3FB9] =	sst s10  }
0x38: {  	s10 =	sld [smem:$0x3FBA]  }
0x39: {  	_ = 	snop;
	(pc) =	sbr.ind lr, $3  }
0x3a: {  	_ = 	snop  }
0x3b: {  	_ = 	snop  }
0x3c: {  	p2 =	seq.s32 s10, $0x1;
	s10 =	sld [smem:$0x3FB9]  }
0x3d: {  	_ =	shalt  }
0x3e: {  	_ =	shalt  }
0x3f: {  	_ =	shalt  }
0x40: {  	_ =	shalt  }
0x41: {  	_ =	shalt  }
0x42: {  	_ =	shalt  }
0x43: {  	_ =	shalt  }
0x44: {  	_ =	shalt  }
0x45: {  	_ =	shalt  }
0x46: {  	_ =	shalt  }
0x47: {  	_ =	shalt  }
0x48: {  	_ =	shalt  }
0x49: {  	_ =	shalt  }
0x4a: {  	_ =	shalt  }
0x4b: {  	_ =	shalt  }
0x4c: {  	_ =	shalt  }
0x4d: {  	_ =	shalt  }
0x4e: {  	_ =	shalt  }
0x4f: {  	_ =	shalt  }
0x50: {  	_ =	shalt  }
0x51: {  	_ =	shalt  }
0x52: {  	_ =	shalt  }
0x53: {  	_ =	shalt  }
0x54: {  	_ =	shalt  }
0x55: {  	_ =	shalt  }
0x56: {  	_ =	shalt  }
0x57: {  	_ =	shalt  }
0x58: {  	_ =	shalt  }
0x59: {  	_ =	shalt  }
0x5a: {  	_ =	shalt  }
0x5b: {  	_ =	shalt  }
0x5c: {  	_ =	shalt  }
0x5d: {  	_ =	shalt  }
0x5e: {  	_ =	shalt  }
0x5f: {  	_ =	shalt  }
0x60: {  	_ =	shalt  }
0x61: {  	_ =	shalt  }
0x62: {  	_ =	shalt  }
0x63: {  	_ =	shalt  }
0x64: {  	_ =	shalt  }
0x65: {  	_ =	shalt  }
0x66: {  	_ =	shalt  }
0x67: {  	_ =	shalt  }
0x68: {  	_ =	shalt  }
0x69: {  	_ =	shalt  }
0x6a: {  	_ =	shalt  }
0x6b: {  	_ =	shalt  }
0x6c: {  	_ =	shalt  }
0x6d: {  	_ =	shalt  }
0x6e: {  	_ =	shalt  }
0x6f: {  	_ =	shalt  }
0x70: {  	_ =	shalt  }
0x71: {  	_ =	shalt  }
0x72: {  	_ =	shalt  }
0x73: {  	_ =	shalt  }
0x74: {  	_ =	shalt  }
0x75: {  	_ =	shalt  }
0x76: {  	_ =	shalt  }
0x77: {  	_ =	shalt  }
0x78: {  	_ =	shalt  }
0x79: {  	_ =	shalt  }
0x7a: {  	_ =	shalt  }
0x7b: {  	_ =	shalt  }
0x7c: {  	_ =	shalt  }
0x7d: {  	_ =	shalt  }
0x7e: {  	_ =	shalt  }
0x7f: {  	_ =	shalt  }
0x80: {  	_ =	shalt  }
0x81: {  	_ =	shalt  }
0x82: {  	_ =	shalt  }
0x83: {  	_ =	shalt  }
0x84: {  	_ =	shalt  }
0x85: {  	_ =	shalt  }
0x86: {  	_ =	shalt  }
0x87: {  	_ =	shalt  }
.Lfunc_end0:
.L_simem_size_0:
called_computation_lowered:
.L_overlay_start_0:
0x88: {  	s2 =	sld [smem:$0x3FD9]  }
0x89: {  	s3 =	sld [smem:$0x3FFE];
	_ =	sdelay $0x1  }
0x8a: {  	s1 =	srdreg.scid  }
0x8b: {  	s0 =	sand.u32 $0x1, s1  }
0x8c: {  	s15 =	sshll.u32 s0, $0xA;
	s2 =	sadd.s32 s3, s2  }
0x8d: {  	s2 =	sadd.s32 s2, s15  }
0x8e: {  	[smem:$0x3FC5] =	sst s2  }
0x8f: {  	_ = 	snop  }
0x90: {  	s2 =	sld [smem:$0x3FD0]  }
0x91: {  	s16 =	sld [smem:$0x3FC9]  }
0x92: {  	s4 =	sld [smem:$0x3FC8]  }
0x93: {  	s6 =	simm.s32 $0xA;
	s7 =	simm.s32 $0x10;
	s5 =	sld [smem:$0x3FC7]  }
0x94: {  	[smem:s7], [sflag:s6] =	dma.local [hbm:s2], $0x1  }
0x95: {  	_ =	swait.eq [sflag:s6], $0x1  }
0x96: {  	s17 =	sld [smem:$0x10];
	[sflag:s6] =	ssyncset.done $0x0  }
0x97: {  	s18 =	sld [smem:$0x11];
	[sflag:s6] =	ssyncadd.s32 $0xFFFFFFFF  }
0x98: {  	s19 =	sld [smem:$0x12];
	(tm) =	ssettm $0x1  }
0x99: {  	s8 =	sld [smem:$0x3FFB];
	_ =	sdelay $0x3  }
0x9a: {  	_ =	strace s8  }
0x9b: {  	s8 =	sld [smem:$0x3FFC];
	_ =	sdelay $0x3  }
0x9c: {  	_ =	strace s8  }
0x9d: {  	s8 =	sld [smem:$0x3FFD];
	_ =	sdelay $0x3  }
0x9e: {  	_ =	strace s8  }
0x9f: {  	_ =	strace $0x8FFFFFFF  }
0xa0: {  	s20 =	sld [smem:$0x3FDB];
	_ =	sdelay $0x1  }
0xa1: {  	s9 =	simm.s32 $_scs_section_size  }
0xa2: {  	s10 =	simm.s32 $_size__tile_overlayer_lowered;
	s11 =	simm.s32 $_tile_overlayer_lowered  }
0xa3: {  	s23 =	simm.s32 $0x1BFF;
	s22 =	sshll.u32 s11, $0x1;
	s8 =	sadd.s32 s9, s20  }
0xa4: {  	s12 =	simm.s32 $0x0;
	s21 =	sshll.u32 s10, $0x1;
	s10 =	sadd.s32 s22, s8  }
0xa5: {  	[timem:s12], [sflag:s23] =	dma.local [hbm:s10], s21  }
0xa6: {  	_ =	swait.ge [sflag:s23], s21  }
0xa7: {  	s9 =	ssub.s32 $0x0, s21;
	[sflag:s23] =	ssyncset.done $0x0  }
0xa8: {  	[sflag:s23] =	ssyncadd.s32 s9;
	_ =	sdelay $0x1  }
0xa9: {  	s24 =	simm.s32 $0x1B8B  }
0xaa: {  	_ =	swait.ge [sflag:s24], $0x1  }
0xab: {  	[sflag:s24] =	ssyncset.done $0x0  }
0xac: {  	s25 =	simm.s32 $0x1B8E;
	[sflag:s24] =	ssyncadd.s32 $0xFFFFFFFF  }
0xad: {  	s26 =	simm.s32 $execute0_lowered;
	[smem:$0x3FD2] =	sst s25  }
0xae: {  	s9 =	sshll.u32 s26, $0x1;
	_ =	strace $0x80000046;
	[dreg:$0x1] =	wrdreg $0xFFFFFFFF  }
0xaf: {  	s28 =	simm.s32 $_size_execute0_lowered;
	s8 =	sadd.s32 s8, s9;
	[dreg:$0x0] =	wrdreg $0x0  }
0xb0: {  	s9 =	sshll.u32 s28, $0x1;
	[dreg:$0x2] =	wrdreg s8  }
0xb1: {  	[dreg:$0x3] =	wrdreg s9  }
0xb2: {  	[dreg:$0x4] =	wrdreg $0xC0  }
0xb3: {  	_ =	task [dreg:s12], $0x5FFFF  }
0xb4: {  	[dreg:$0x1] =	wrdreg $0xFFFFFFFF  }
0xb5: {  	[dreg:$0x0] =	wrdreg $0x60  }
0xb6: {  	[dreg:$0x2] =	wrdreg s16  }
0xb7: {  	[dreg:$0x3] =	wrdreg s4  }
0xb8: {  	[dreg:$0x4] =	wrdreg s5  }
0xb9: {  	[dreg:$0x5] =	wrdreg s17  }
0xba: {  	[dreg:$0x6] =	wrdreg s18  }
0xbb: {  	[dreg:$0x7] =	wrdreg s19  }
0xbc: {  	[dreg:$0x8] =	wrdreg $0x9  }
0xbd: {  	_ =	task.clear_ibuf [dreg:s12], $0x9FFFF;
	_ =	strace $0x90000046  }
0xbe: {  	s29 =	simm.s32 $0x9;
	_ =	strace $0x80000048  }
0xbf: {  	_ =	swait.ge [sflag:s29], $0x1  }
0xc0: {  	[sflag:s29] =	ssyncadd.s32 $0xFFFFFFFF  }
0xc1: {  	_ =	strace $0x90000048  }
0xc2: {  	_ =	sfence  }
0xc3: {  	s30 =	sld [smem:$0x0];
	_ =	sdelay $0x2  }
0xc4: {  	s31 =	sshll.u32 s1, $0xD;
	s1 =	sshrl.u32 s1, $0x2  }
0xc5: {  	s3 =	sand.u32 $0x4000, s31;
	s1 =	sadd.s32 s1, s30  }
0xc6: {  	s0 =	sor.u32 s3, s0;
	s1 =	sshll.u32 s1, $0x11  }
0xc7: {  	s0 =	sor.u32 s1, s0  }
0xc8: {  	s0 =	sadd.s32 $0x8F2B, s0  }
0xc9: {  	[sflag:s0] =	ssyncadd.remote.s32 $0x1  }
0xca: {  	_ =	sfence.sel $0xFFFF  }
0xcb: {  	[dreg:$0x0] =	wrdreg $0xFFFFFFFF;
	(pc) =	sbr.abs _section_cstart, $3  }
0xcc: {  	[dreg:$0x1] =	wrdreg $0xFFFFFFFF  }
0xcd: {  	_ =	task.clear_ibuf [dreg:s12], $0x2FFFF;
	_ =	strace $0x9FFFFFFF  }
0xce: {  	(tm) =	ssettm $0x7FFFFFFF  }
0xcf: {  	_ =	shalt  }
tec
execute0_lowered:
.L_overlay_start_1:
0x0: {  	(tag) =	ssettag $0x1  }
0x1: {  	s2 =	rddreg [dreg:$0x0]  }
0x2: {  	s0 =	rddreg [dreg:$0x1]  }
0x3: {  	s1 =	rddreg [dreg:$0x2]  }
0x4: {  	s3 =	rddreg [dreg:$0x3]  }
0x5: {  	s24 =	rddreg [dreg:$0x4]  }
0x6: {  	s4 =	rddreg [dreg:$0x5]  }
0x7: {  	s25 =	srdreg.scid;
	s6 =	stileid.u32;
	s9 =	simm.s32 $0x3  }
0x8: {  	s10 =	simm.s32 $0x1;
	s11 =	simm.s32 $0x400;
	s12 =	simm.s32 $0x7A1400  }
0x9: {  	s13 =	simm.s32 $0x200;
	s14 =	simm.s32 $0x8200;
	s23 =	simm.s32 $0x7200  }
0xa: {  	v0 =	vlaneseq.u32;
	s28 =	simm.s32 $0x2;
	s29 =	simm.s32 $0x10200;
	[dreg:$0x7] =	wrdreg s3  }
0xb: {  	s30 =	simm.s32 $0x10A00;
	s31 =	simm.s32 $0x11200;
	[dreg:$0x8] =	wrdreg s4;
	v1 =	vmul.u32 $0x80, v0  }
0xc: {  	s5 =	sand.u32 $0x1, s25;
	s4 =	simm.s32 $0x0;
	s6 =	sshll.u32 s6, $0xA  }
0xd: {  	s25 =	simm.s32 $0x7A00;
	s7 =	sshll.u32 s5, $0x9;
	s8 =	ssub.s32 $0x2, s5;
	v2 =	vor.u32 $0x800, v1;
	v3 =	vor.u32 $0x1000, v1;
	v4 =	vor.u32 $0x1800, v1  }
0xe: {  	[smem:$0x7FF] =	sst s4;
	s5 =	sor.u32 s7, s6;
	s26 =	sshrl.u32 s8, $0x1;
	v5 =	vor.u32 $0x2000, v1;
	v6 =	vor.u32 $0x2800, v1;
	v7 =	vor.u32 $0x3000, v1  }
0xf: {  	_ =	strace $0x80000047;
	v8 =	vor.u32 $0x3800, v1;
	v9 =	vor.u32 $0x4000, v1;
	v10 =	vor.u32 $0x4800, v1;
	s7 =	sshrl.u32 s5, $0x3;
	s8 =	ssub.s32 s8, s26  }
0x10: {  	v11 =	vor.u32 $0x5000, v1;
	v12 =	vor.u32 $0x5800, v1;
	v13 =	vor.u32 $0x6000, v1;
	s26 =	simm.s32 $0xFA00;
	s6 =	sadd.s32 s2, s7;
	s7 =	sadd.s32 s24, s7  }
0x11: {  	v14 =	vor.u32 $0x6800, v1;
	v15 =	vor.u32 $0x7000, v1;
	v16 =	vor.u32 $0x7800, v1;
	s8 =	smax.u32 s8, $0x1;
	s24 =	simm.s32 $0xF200;
	s2 =	simm.s32 $0x0  }
.LBB2_1:
0x12: {  	[tilespmem:s4], [sflag:$0x3] =	stream.linear.gather [hbm4b:s6+s4], $0x200, $0x38;
	[tilespmem:$0x11400] =	vst v63  }
0x13: {  	_ =	swait.ge [sflag:s9], $0x200  }
0x14: {  	[sflag:s9] =	ssyncset.done $0x0  }
0x15: {  	[sflag:s9] =	ssyncadd.s32 $0xFFFFFE00  }
0x16: {  	v17 =	vld.idx.msk [tilespmem:v0+s4+$0x0], $0xffff;
	_ =	sdelay $0x4  }
0x17: {  	(v2sf) =	vpush v17, $0x0;
	_ =	sdelay $0x6  }
0x18: {  	(v2sf) =	vpush v17, $0x1;
	_ =	sdelay $0x7  }
0x19: {  	s3 =	spop (v2sf)  }
0x1a: {  	(v2sf) =	vpush v17, $0x2;
	s15 =	sand.u32 $0x7F, s3  }
0x1b: {  	s17 =	sshra.s32 s3, $0x1F;
	p1 =	slt.s32 s3, $0x1;
	p0 =	sne.s32 s15, $0x0  }
0x1c: {  	s15 =	sshrl.u32 s17, $0x19;
	p0 =	por !p1, !p0  }
0x1d: {  	s3 =	sadd.s32 s15, s3;
	s15 =	simm.s32 $0x1;
	p0 =	por !p0, !p0  }
0x1e: {  	s3 =	sshrl.u32 s3, $0x7;
	s15 =	simm.s32 @!p0 $0x0  }
0x1f: {  	s3 =	ssub.s32 s3, s15  }
0x20: {  	s19 =	spop (v2sf);
	s3 =	sshll.u32 s3, $0x7  }
0x21: {  	s20 =	sand.u32 $0x7F, s19;
	s21 =	sshra.s32 s19, $0x1F;
	s3 =	sand.u32 $0x1FFFFF80, s3  }
0x22: {  	p2 =	slt.s32 s19, $0x1;
	p1 =	sne.s32 s20, $0x0;
	s18 =	sadd.s32 s0, s3  }
0x23: {  	(v2sf) =	vpush v17, $0x3;
	[tilespmem:s13], [sflag:$0x1] =	stream.strided.gather [hbm4b:s18+s11], $0x800, s12, s11, $0x38;
	[tilespmem:$0x11400] =	vst v63  }
0x24: {  	p0 =	por !p2, !p1;
	s15 =	sshrl.u32 s21, $0x19;
	s3 =	sadd.s32 s1, s3  }
0x25: {  	[tilespmem:s14], [sflag:$0x2] =	stream.strided.gather [hbm4b:s3+s11], $0x800, s12, s11, $0x38;
	[tilespmem:$0x11400] =	vst v63  }
0x26: {  	p0 =	por !p0, !p0;
	s3 =	sadd.s32 s15, s19;
	s15 =	simm.s32 $0x1  }
0x27: {  	s3 =	sshrl.u32 s3, $0x7;
	s15 =	simm.s32 @!p0 $0x0  }
0x28: {  	s16 =	simm.s32 $0xA00;
	s3 =	ssub.s32 s3, s15  }
0x29: {  	s17 =	simm.s32 $0x8A00;
	s3 =	sshll.u32 s3, $0x7;
	s18 =	spop (v2sf)  }
0x2a: {  	s3 =	sand.u32 $0x1FFFFF80, s3;
	s19 =	sand.u32 $0x7F, s18;
	s20 =	sshra.s32 s18, $0x1F  }
0x2b: {  	p4 =	slt.s32 s18, $0x1;
	s22 =	sadd.s32 s0, s3;
	p3 =	sne.s32 s19, $0x0  }
0x2c: {  	(v2sf) =	vpush v17, $0x4;
	[tilespmem:s16], [sflag:$0x1] =	stream.strided.gather [hbm4b:s22+s11], $0x800, s12, s11, $0x38;
	[tilespmem:$0x11400] =	vst v63  }
0x2d: {  	s3 =	sadd.s32 s1, s3;
	s15 =	sshrl.u32 s20, $0x19;
	p0 =	por !p4, !p3  }
0x2e: {  	[tilespmem:s17], [sflag:$0x2] =	stream.strided.gather [hbm4b:s3+s11], $0x800, s12, s11, $0x38;
	[tilespmem:$0x11400] =	vst v63  }
0x2f: {  	p0 =	por !p0, !p0;
	s3 =	sadd.s32 s15, s18;
	s15 =	simm.s32 $0x1  }
0x30: {  	s3 =	sshrl.u32 s3, $0x7;
	s15 =	simm.s32 @!p0 $0x0  }
0x31: {  	s22 =	simm.s32 $0x1200;
	s3 =	ssub.s32 s3, s15  }
0x32: {  	s17 =	simm.s32 $0x9200;
	s18 =	spop (v2sf);
	s3 =	sshll.u32 s3, $0x7  }
0x33: {  	s19 =	sand.u32 $0x7F, s18;
	s20 =	sshra.s32 s18, $0x1F;
	s3 =	sand.u32 $0x1FFFFF80, s3  }
0x34: {  	p6 =	slt.s32 s18, $0x1;
	p5 =	sne.s32 s19, $0x0;
	s21 =	sadd.s32 s0, s3  }
0x35: {  	(v2sf) =	vpush v17, $0x5;
	[tilespmem:s22], [sflag:$0x1] =	stream.strided.gather [hbm4b:s21+s11], $0x800, s12, s11, $0x38;
	[tilespmem:$0x11400] =	vst v63  }
0x36: {  	s15 =	sshrl.u32 s20, $0x19;
	p0 =	por !p6, !p5;
	s3 =	sadd.s32 s1, s3  }
0x37: {  	[tilespmem:s17], [sflag:$0x2] =	stream.strided.gather [hbm4b:s3+s11], $0x800, s12, s11, $0x38;
	[tilespmem:$0x11400] =	vst v63  }
0x38: {  	p0 =	por !p0, !p0;
	s3 =	sadd.s32 s15, s18;
	s15 =	simm.s32 $0x1  }
0x39: {  	s3 =	sshrl.u32 s3, $0x7;
	s15 =	simm.s32 @!p0 $0x0  }
0x3a: {  	s22 =	simm.s32 $0x1A00;
	s3 =	ssub.s32 s3, s15  }
0x3b: {  	s17 =	simm.s32 $0x9A00;
	s18 =	spop (v2sf);
	s3 =	sshll.u32 s3, $0x7  }
0x3c: {  	s19 =	sand.u32 $0x7F, s18;
	s20 =	sshra.s32 s18, $0x1F;
	s3 =	sand.u32 $0x1FFFFF80, s3  }
0x3d: {  	p2 =	slt.s32 s18, $0x1;
	p1 =	sne.s32 s19, $0x0;
	s21 =	sadd.s32 s0, s3  }
0x3e: {  	(v2sf) =	vpush v17, $0x6;
	[tilespmem:s22], [sflag:$0x1] =	stream.strided.gather [hbm4b:s21+s11], $0x800, s12, s11, $0x38;
	[tilespmem:$0x11400] =	vst v63  }
0x3f: {  	s15 =	sshrl.u32 s20, $0x19;
	s3 =	sadd.s32 s1, s3;
	p0 =	por !p2, !p1  }
0x40: {  	[tilespmem:s17], [sflag:$0x2] =	stream.strided.gather [hbm4b:s3+s11], $0x800, s12, s11, $0x38;
	[tilespmem:$0x11400] =	vst v63  }
0x41: {  	p0 =	por !p0, !p0;
	s3 =	sadd.s32 s15, s18;
	s15 =	simm.s32 $0x1  }
0x42: {  	s3 =	sshrl.u32 s3, $0x7;
	s15 =	simm.s32 @!p0 $0x0  }
0x43: {  	s22 =	simm.s32 $0x2200;
	s3 =	ssub.s32 s3, s15  }
0x44: {  	s17 =	simm.s32 $0xA200;
	s18 =	spop (v2sf);
	s3 =	sshll.u32 s3, $0x7  }
0x45: {  	s19 =	sand.u32 $0x7F, s18;
	s20 =	sshra.s32 s18, $0x1F;
	s3 =	sand.u32 $0x1FFFFF80, s3  }
0x46: {  	p4 =	slt.s32 s18, $0x1;
	p3 =	sne.s32 s19, $0x0;
	s21 =	sadd.s32 s0, s3  }
0x47: {  	(v2sf) =	vpush v17, $0x7;
	[tilespmem:s22], [sflag:$0x1] =	stream.strided.gather [hbm4b:s21+s11], $0x800, s12, s11, $0x38;
	[tilespmem:$0x11400] =	vst v63  }
0x48: {  	s15 =	sshrl.u32 s20, $0x19;
	p0 =	por !p4, !p3;
	s3 =	sadd.s32 s1, s3  }
0x49: {  	[tilespmem:s17], [sflag:$0x2] =	stream.strided.gather [hbm4b:s3+s11], $0x800, s12, s11, $0x38;
	[tilespmem:$0x11400] =	vst v63  }
0x4a: {  	p0 =	por !p0, !p0;
	s3 =	sadd.s32 s15, s18;
	s15 =	simm.s32 $0x1  }
0x4b: {  	s3 =	sshrl.u32 s3, $0x7;
	s15 =	simm.s32 @!p0 $0x0  }
0x4c: {  	s22 =	simm.s32 $0x2A00;
	s3 =	ssub.s32 s3, s15  }
0x4d: {  	s17 =	simm.s32 $0xAA00;
	s18 =	spop (v2sf);
	s3 =	sshll.u32 s3, $0x7  }
0x4e: {  	s19 =	sand.u32 $0x7F, s18;
	s20 =	sshra.s32 s18, $0x1F;
	s3 =	sand.u32 $0x1FFFFF80, s3  }
0x4f: {  	p6 =	slt.s32 s18, $0x1;
	p5 =	sne.s32 s19, $0x0;
	s21 =	sadd.s32 s0, s3  }
0x50: {  	(v2sf) =	vpush v17, $0x8;
	[tilespmem:s22], [sflag:$0x1] =	stream.strided.gather [hbm4b:s21+s11], $0x800, s12, s11, $0x38;
	[tilespmem:$0x11400] =	vst v63  }
0x51: {  	s15 =	sshrl.u32 s20, $0x19;
	p0 =	por !p6, !p5;
	s3 =	sadd.s32 s1, s3  }
0x52: {  	[tilespmem:s17], [sflag:$0x2] =	stream.strided.gather [hbm4b:s3+s11], $0x800, s12, s11, $0x38;
	[tilespmem:$0x11400] =	vst v63  }
0x53: {  	p0 =	por !p0, !p0;
	s3 =	sadd.s32 s15, s18;
	s15 =	simm.s32 $0x1  }
0x54: {  	s3 =	sshrl.u32 s3, $0x7;
	s15 =	simm.s32 @!p0 $0x0  }
0x55: {  	s22 =	simm.s32 $0x3200;
	s3 =	ssub.s32 s3, s15  }
0x56: {  	s17 =	simm.s32 $0xB200;
	s18 =	spop (v2sf);
	s3 =	sshll.u32 s3, $0x7  }
0x57: {  	s19 =	sand.u32 $0x7F, s18;
	s20 =	sshra.s32 s18, $0x1F;
	s3 =	sand.u32 $0x1FFFFF80, s3  }
0x58: {  	p2 =	slt.s32 s18, $0x1;
	p1 =	sne.s32 s19, $0x0;
	s21 =	sadd.s32 s0, s3  }
0x59: {  	(v2sf) =	vpush v17, $0x9;
	[tilespmem:s22], [sflag:$0x1] =	stream.strided.gather [hbm4b:s21+s11], $0x800, s12, s11, $0x38;
	[tilespmem:$0x11400] =	vst v63  }
0x5a: {  	s15 =	sshrl.u32 s20, $0x19;
	p0 =	por !p2, !p1;
	s3 =	sadd.s32 s1, s3  }
0x5b: {  	[tilespmem:s17], [sflag:$0x2] =	stream.strided.gather [hbm4b:s3+s11], $0x800, s12, s11, $0x38;
	[tilespmem:$0x11400] =	vst v63  }
0x5c: {  	p0 =	por !p0, !p0;
	s3 =	sadd.s32 s15, s18;
	s15 =	simm.s32 $0x1  }
0x5d: {  	s3 =	sshrl.u32 s3, $0x7;
	s15 =	simm.s32 @!p0 $0x0  }
0x5e: {  	s22 =	simm.s32 $0x3A00;
	s3 =	ssub.s32 s3, s15  }
0x5f: {  	s17 =	simm.s32 $0xBA00;
	s18 =	spop (v2sf);
	s3 =	sshll.u32 s3, $0x7  }
0x60: {  	s19 =	sand.u32 $0x7F, s18;
	s20 =	sshra.s32 s18, $0x1F;
	s3 =	sand.u32 $0x1FFFFF80, s3  }
0x61: {  	p4 =	slt.s32 s18, $0x1;
	p3 =	sne.s32 s19, $0x0;
	s21 =	sadd.s32 s0, s3  }
0x62: {  	(v2sf) =	vpush v17, $0xA;
	[tilespmem:s22], [sflag:$0x1] =	stream.strided.gather [hbm4b:s21+s11], $0x800, s12, s11, $0x38;
	[tilespmem:$0x11400] =	vst v63  }
0x63: {  	s15 =	sshrl.u32 s20, $0x19;
	p0 =	por !p4, !p3;
	s3 =	sadd.s32 s1, s3  }
0x64: {  	[tilespmem:s17], [sflag:$0x2] =	stream.strided.gather [hbm4b:s3+s11], $0x800, s12, s11, $0x38;
	[tilespmem:$0x11400] =	vst v63  }
0x65: {  	p0 =	por !p0, !p0;
	s3 =	sadd.s32 s15, s18;
	s15 =	simm.s32 $0x1  }
0x66: {  	s3 =	sshrl.u32 s3, $0x7;
	s15 =	simm.s32 @!p0 $0x0  }
0x67: {  	s22 =	simm.s32 $0x4200;
	s3 =	ssub.s32 s3, s15  }
0x68: {  	s17 =	simm.s32 $0xC200;
	s18 =	spop (v2sf);
	s3 =	sshll.u32 s3, $0x7  }
0x69: {  	s19 =	sand.u32 $0x7F, s18;
	s20 =	sshra.s32 s18, $0x1F;
	s3 =	sand.u32 $0x1FFFFF80, s3  }
0x6a: {  	p6 =	slt.s32 s18, $0x1;
	p5 =	sne.s32 s19, $0x0;
	s21 =	sadd.s32 s0, s3  }
0x6b: {  	(v2sf) =	vpush v17, $0xB;
	[tilespmem:s22], [sflag:$0x1] =	stream.strided.gather [hbm4b:s21+s11], $0x800, s12, s11, $0x38;
	[tilespmem:$0x11400] =	vst v63  }
0x6c: {  	s15 =	sshrl.u32 s20, $0x19;
	p0 =	por !p6, !p5;
	s3 =	sadd.s32 s1, s3  }
0x6d: {  	[tilespmem:s17], [sflag:$0x2] =	stream.strided.gather [hbm4b:s3+s11], $0x800, s12, s11, $0x38;
	[tilespmem:$0x11400] =	vst v63  }
0x6e: {  	p0 =	por !p0, !p0;
	s3 =	sadd.s32 s15, s18;
	s15 =	simm.s32 $0x1  }
0x6f: {  	s3 =	sshrl.u32 s3, $0x7;
	s15 =	simm.s32 @!p0 $0x0  }
0x70: {  	s22 =	simm.s32 $0x4A00;
	s3 =	ssub.s32 s3, s15  }
0x71: {  	s17 =	simm.s32 $0xCA00;
	s18 =	spop (v2sf);
	s3 =	sshll.u32 s3, $0x7  }
0x72: {  	s19 =	sand.u32 $0x7F, s18;
	s20 =	sshra.s32 s18, $0x1F;
	s3 =	sand.u32 $0x1FFFFF80, s3  }
0x73: {  	p2 =	slt.s32 s18, $0x1;
	p1 =	sne.s32 s19, $0x0;
	s21 =	sadd.s32 s0, s3  }
0x74: {  	(v2sf) =	vpush v17, $0xC;
	[tilespmem:s22], [sflag:$0x1] =	stream.strided.gather [hbm4b:s21+s11], $0x800, s12, s11, $0x38;
	[tilespmem:$0x11400] =	vst v63  }
0x75: {  	s15 =	sshrl.u32 s20, $0x19;
	p0 =	por !p2, !p1;
	s3 =	sadd.s32 s1, s3  }
0x76: {  	[tilespmem:s17], [sflag:$0x2] =	stream.strided.gather [hbm4b:s3+s11], $0x800, s12, s11, $0x38;
	[tilespmem:$0x11400] =	vst v63  }
0x77: {  	p0 =	por !p0, !p0;
	s3 =	sadd.s32 s15, s18;
	s15 =	simm.s32 $0x1  }
0x78: {  	s3 =	sshrl.u32 s3, $0x7;
	s15 =	simm.s32 @!p0 $0x0  }
0x79: {  	s22 =	simm.s32 $0x5200;
	s3 =	ssub.s32 s3, s15  }
0x7a: {  	s17 =	simm.s32 $0xD200;
	s18 =	spop (v2sf);
	s3 =	sshll.u32 s3, $0x7  }
0x7b: {  	s19 =	sand.u32 $0x7F, s18;
	s20 =	sshra.s32 s18, $0x1F;
	s3 =	sand.u32 $0x1FFFFF80, s3  }
0x7c: {  	p4 =	slt.s32 s18, $0x1;
	p3 =	sne.s32 s19, $0x0;
	s21 =	sadd.s32 s0, s3  }
0x7d: {  	(v2sf) =	vpush v17, $0xD;
	[tilespmem:s22], [sflag:$0x1] =	stream.strided.gather [hbm4b:s21+s11], $0x800, s12, s11, $0x38;
	[tilespmem:$0x11400] =	vst v63  }
0x7e: {  	s15 =	sshrl.u32 s20, $0x19;
	p0 =	por !p4, !p3;
	s3 =	sadd.s32 s1, s3  }
0x7f: {  	[tilespmem:s17], [sflag:$0x2] =	stream.strided.gather [hbm4b:s3+s11], $0x800, s12, s11, $0x38;
	[tilespmem:$0x11400] =	vst v63  }
0x80: {  	p0 =	por !p0, !p0;
	s3 =	sadd.s32 s15, s18;
	s15 =	simm.s32 $0x1  }
0x81: {  	s3 =	sshrl.u32 s3, $0x7;
	s15 =	simm.s32 @!p0 $0x0  }
0x82: {  	s16 =	simm.s32 $0xDA00;
	s3 =	ssub.s32 s3, s15  }
0x83: {  	s22 =	simm.s32 $0x5A00;
	s17 =	spop (v2sf);
	s3 =	sshll.u32 s3, $0x7  }
0x84: {  	s18 =	sand.u32 $0x7F, s17;
	s19 =	sshra.s32 s17, $0x1F;
	s3 =	sand.u32 $0x1FFFFF80, s3  }
0x85: {  	p6 =	slt.s32 s17, $0x1;
	p5 =	sne.s32 s18, $0x0;
	s21 =	sadd.s32 s0, s3  }
0x86: {  	[tilespmem:s22], [sflag:$0x1] =	stream.strided.gather [hbm4b:s21+s11], $0x800, s12, s11, $0x38;
	[tilespmem:$0x11400] =	vst v63  }
0x87: {  	(v2sf) =	vpush v17, $0xE;
	s15 =	sshrl.u32 s19, $0x19;
	p0 =	por !p6, !p5;
	s3 =	sadd.s32 s1, s3  }
0x88: {  	[tilespmem:s16], [sflag:$0x2] =	stream.strided.gather [hbm4b:s3+s11], $0x800, s12, s11, $0x38;
	[tilespmem:$0x11400] =	vst v63  }
0x89: {  	p0 =	por !p0, !p0;
	s3 =	sadd.s32 s15, s17;
	s15 =	simm.s32 $0x1  }
0x8a: {  	s3 =	sshrl.u32 s3, $0x7;
	s15 =	simm.s32 @!p0 $0x0  }
0x8b: {  	s21 =	simm.s32 $0x6200;
	s3 =	ssub.s32 s3, s15  }
0x8c: {  	s22 =	simm.s32 $0xE200;
	s16 =	spop (v2sf);
	s3 =	sshll.u32 s3, $0x7  }
0x8d: {  	s17 =	sand.u32 $0x7F, s16;
	s18 =	sshra.s32 s16, $0x1F;
	s3 =	sand.u32 $0x1FFFFF80, s3  }
0x8e: {  	p2 =	slt.s32 s16, $0x1;
	p1 =	sne.s32 s17, $0x0;
	s20 =	sadd.s32 s0, s3  }
0x8f: {  	[tilespmem:s21], [sflag:$0x1] =	stream.strided.gather [hbm4b:s20+s11], $0x800, s12, s11, $0x38;
	[tilespmem:$0x11400] =	vst v63  }
0x90: {  	(v2sf) =	vpush v17, $0xF;
	s15 =	sshrl.u32 s18, $0x19;
	p0 =	por !p2, !p1;
	s3 =	sadd.s32 s1, s3  }
0x91: {  	[tilespmem:s22], [sflag:$0x2] =	stream.strided.gather [hbm4b:s3+s11], $0x800, s12, s11, $0x38;
	[tilespmem:$0x11400] =	vst v63  }
0x92: {  	p0 =	por !p0, !p0;
	s3 =	sadd.s32 s15, s16;
	s15 =	simm.s32 $0x1  }
0x93: {  	s3 =	sshrl.u32 s3, $0x7;
	s15 =	simm.s32 @!p0 $0x0  }
0x94: {  	s3 =	ssub.s32 s3, s15  }
0x95: {  	s20 =	simm.s32 $0x6A00;
	s3 =	sshll.u32 s3, $0x7  }
0x96: {  	s21 =	spop (v2sf);
	s22 =	simm.s32 $0xEA00;
	s3 =	sand.u32 $0x1FFFFF80, s3  }
0x97: {  	s16 =	sand.u32 $0x7F, s21;
	s17 =	sshra.s32 s21, $0x1F;
	s19 =	sadd.s32 s0, s3  }
0x98: {  	[tilespmem:s20], [sflag:$0x1] =	stream.strided.gather [hbm4b:s19+s11], $0x800, s12, s11, $0x38;
	[tilespmem:$0x11400] =	vst v63  }
0x99: {  	p4 =	slt.s32 s21, $0x1;
	p3 =	sne.s32 s16, $0x0;
	s3 =	sadd.s32 s1, s3  }
0x9a: {  	[tilespmem:s22], [sflag:$0x2] =	stream.strided.gather [hbm4b:s3+s11], $0x800, s12, s11, $0x38;
	[tilespmem:$0x11400] =	vst v63  }
0x9b: {  	p0 =	por !p4, !p3;
	s3 =	sshrl.u32 s17, $0x19  }
0x9c: {  	s15 =	simm.s32 $0x1;
	p0 =	por !p0, !p0;
	s3 =	sadd.s32 s3, s21  }
0x9d: {  	s15 =	simm.s32 @!p0 $0x0;
	s3 =	sshrl.u32 s3, $0x7  }
0x9e: {  	s3 =	ssub.s32 s3, s15  }
0x9f: {  	s19 =	spop (v2sf);
	s3 =	sshll.u32 s3, $0x7  }
0xa0: {  	s20 =	sand.u32 $0x7F, s19;
	p6 =	slt.s32 s19, $0x1;
	s3 =	sand.u32 $0x1FFFFF80, s3  }
0xa1: {  	p5 =	sne.s32 s20, $0x0;
	s21 =	sshra.s32 s19, $0x1F;
	s18 =	sadd.s32 s0, s3  }
0xa2: {  	[tilespmem:s23], [sflag:$0x1] =	stream.strided.gather [hbm4b:s18+s11], $0x800, s12, s11, $0x38;
	[tilespmem:$0x11400] =	vst v63  }
0xa3: {  	p0 =	por !p6, !p5;
	s15 =	sshrl.u32 s21, $0x19;
	s3 =	sadd.s32 s1, s3  }
0xa4: {  	[tilespmem:s24], [sflag:$0x2] =	stream.strided.gather [hbm4b:s3+s11], $0x800, s12, s11, $0x38;
	[tilespmem:$0x11400] =	vst v63  }
0xa5: {  	p0 =	por !p0, !p0;
	s3 =	sadd.s32 s15, s19;
	s15 =	simm.s32 $0x1  }
0xa6: {  	s3 =	sshrl.u32 s3, $0x7;
	s15 =	simm.s32 @!p0 $0x0  }
0xa7: {  	s3 =	ssub.s32 s3, s15  }
0xa8: {  	s3 =	sshll.u32 s3, $0x7  }
0xa9: {  	s3 =	sand.u32 $0x1FFFFF80, s3  }
0xaa: {  	s22 =	sadd.s32 s0, s3  }
0xab: {  	[tilespmem:s25], [sflag:$0x1] =	stream.strided.gather [hbm4b:s22+s11], $0x800, s12, s11, $0x38;
	[tilespmem:$0x11400] =	vst v63  }
0xac: {  	s3 =	sadd.s32 s1, s3  }
0xad: {  	[tilespmem:s26], [sflag:$0x2] =	stream.strided.gather [hbm4b:s3+s11], $0x800, s12, s11, $0x38;
	[tilespmem:$0x11400] =	vst v63  }
0xae: {  	s15 =	simm.s32 $0x0;
	s3 =	simm.s32 $0x1  }
.LBB2_2:
0xaf: {  	v17 =	vor.u32 s15, v0;
	_ =	sdelay $0x4  }
0xb0: {  	v19 =	vld.idx.msk [tilespmem:v17+s4+$0x0], $0xffff;
	_ =	sdelay $0x4  }
0xb1: {  	(v2sf) =	vpush v19, $0x0;
	_ =	sdelay $0x7  }
0xb2: {  	s16 =	smin.u32 s3, $0x1F  }
0xb3: {  	s16 =	sshll.u32 s16, $0x4  }
0xb4: {  	v18 =	vor.u32 s16, v0;
	_ =	sdelay $0x4  }
0xb5: {  	v18 =	vld.idx.msk [tilespmem:v18+s4+$0x0], $0xffff;
	s21 =	spop (v2sf)  }
0xb6: {  	_ =	swait.ge [sflag:s10], $0x800  }
0xb7: {  	[sflag:s10] =	ssyncset.done $0x0  }
0xb8: {  	[sflag:s10] =	ssyncadd.s32 $0xFFFFF800  }
0xb9: {  	p0 =	seq.s32 s15, $0x1F0;
	_ =	swait.ge [sflag:s28], $0x800  }
0xba: {  	(v2sf) =	vpush @!p0 v18, $0x0;
	_ =	sdelay $0xe  }
0xbb: {  	s17 =	spop @!p0 (v2sf);
	(v2sf) =	vpush v19, $0x1  }
0xbc: {  	s18 =	sand.u32 @!p0 $0x7F, s17  }
0xbd: {  	p1 =	slt.s32 @!p0 s17, $0x1;
	p2 =	sne.s32 @!p0 s18, $0x0  }
0xbe: {  	s16 =	sand.u32 $0x7F, s21;
	s18 =	sshra.s32 @!p0 s17, $0x1F;
	p1 =	por @!p0 !p1, !p2  }
0xbf: {  	s22 =	sadd.s32 $0xFFFFFFFF, s3;
	v20 =	vor.u32 s16, v1;
	s18 =	sshrl.u32 @!p0 s18, $0x19;
	p1 =	por @!p0 !p1, !p1  }
0xc0: {  	s16 =	sadd.s32 @!p0 s18, s17;
	s17 =	simm.s32 @!p0 $0x1;
	p1 =	por !p1, p0  }
0xc1: {  	s19 =	sshrl.u32 @!p0 s16, $0x7;
	s16 =	sand.u32 $0x7, s22;
	s17 =	simm.s32 @p1 $0x0  }
0xc2: {  	[sflag:s28] =	ssyncset.done $0x0;
	s18 =	ssub.s32 @!p0 s19, s17;
	s17 =	sshll.u32 s16, $0x4  }
0xc3: {  	[sflag:s28] =	ssyncadd.s32 $0xFFFFF800;
	s18 =	sshll.u32 @!p0 s18, $0x7;
	v21 =	vmov s17  }
0xc4: {  	v22 =	vld.idx.msk [tilespmem:v20+s13+$0x0], $0xffff;
	s22 =	simm.s32 @!p0 $0x200;
	s20 =	sand.u32 @!p0 $0x1FFFFF80, s18;
	v21 =	vor.u32 v1, v21  }
0xc5: {  	v20 =	vld.idx.msk [tilespmem:v20+s14+$0x0], $0xffff;
	s19 =	simm.s32 @!p0 $0x7A1400;
	s18 =	simm.s32 @!p0 $0x400;
	s21 =	sadd.s32 @!p0 s0, s20  }
0xc6: {  	[tilespmem:s22], [sflag:$0x1] =	stream.strided.gather @!p0 [hbm4b:s21+s18], $0x800, s19, s18, $0x38;
	[tilespmem:$0x11400] =	vst v63  }
0xc7: {  	s20 =	sadd.s32 @!p0 s1, s20;
	s21 =	simm.s32 @!p0 $0x8200  }
0xc8: {  	[tilespmem:s21], [sflag:$0x2] =	stream.strided.gather @!p0 [hbm4b:s20+s18], $0x800, s19, s18, $0x38;
	[tilespmem:$0x11400] =	vst v63  }
0xc9: {  	[tilespmem:v21+s29+$0x0] =	vst.idx.msk $0xffff, v22  }
0xca: {  	[tilespmem:v21+s30+$0x0] =	vst.idx.msk $0xffff, v20;
	s20 =	spop (v2sf)  }
0xcb: {  	_ =	swait.ge [sflag:s10], $0x800  }
0xcc: {  	[sflag:s10] =	ssyncset.done $0x0  }
0xcd: {  	[sflag:s10] =	ssyncadd.s32 $0xFFFFF800  }
0xce: {  	_ =	swait.ge [sflag:s28], $0x800  }
0xcf: {  	(v2sf) =	vpush @!p0 v18, $0x1;
	_ =	sdelay $0xe  }
0xd0: {  	s21 =	spop @!p0 (v2sf);
	(v2sf) =	vpush v19, $0x2  }
0xd1: {  	s22 =	sand.u32 @!p0 $0x7F, s21  }
0xd2: {  	p1 =	slt.s32 @!p0 s21, $0x1;
	p2 =	sne.s32 @!p0 s22, $0x0  }
0xd3: {  	s20 =	sand.u32 $0x7F, s20;
	s22 =	sshra.s32 @!p0 s21, $0x1F;
	p1 =	por @!p0 !p1, !p2  }
0xd4: {  	v52 =	vor.u32 s20, v2;
	s20 =	sshrl.u32 @!p0 s22, $0x19;
	p1 =	por @!p0 !p1, !p1  }
0xd5: {  	s20 =	sadd.s32 @!p0 s20, s21;
	s21 =	simm.s32 @!p0 $0x1;
	p1 =	por !p1, p0  }
0xd6: {  	s20 =	sshrl.u32 @!p0 s20, $0x7;
	s21 =	simm.s32 @p1 $0x0  }
0xd7: {  	[sflag:s28] =	ssyncset.done $0x0;
	s22 =	sor.u32 $0x1, s17;
	s20 =	ssub.s32 @!p0 s20, s21  }
0xd8: {  	[sflag:s28] =	ssyncadd.s32 $0xFFFFF800;
	v53 =	vmov s22;
	s20 =	sshll.u32 @!p0 s20, $0x7  }
0xd9: {  	v54 =	vld.idx.msk [tilespmem:v52+s13+$0x0], $0xffff;
	v21 =	vor.u32 v1, v53;
	s20 =	sand.u32 @!p0 $0x1FFFFF80, s20  }
0xda: {  	v20 =	vld.idx.msk [tilespmem:v52+s14+$0x0], $0xffff;
	s22 =	simm.s32 @!p0 $0xA00;
	s21 =	sadd.s32 @!p0 s0, s20  }
0xdb: {  	[tilespmem:s22], [sflag:$0x1] =	stream.strided.gather @!p0 [hbm4b:s21+s18], $0x800, s19, s18, $0x38;
	[tilespmem:$0x11400] =	vst v63  }
0xdc: {  	s20 =	sadd.s32 @!p0 s1, s20;
	s21 =	simm.s32 @!p0 $0x8A00  }
0xdd: {  	[tilespmem:s21], [sflag:$0x2] =	stream.strided.gather @!p0 [hbm4b:s20+s18], $0x800, s19, s18, $0x38;
	[tilespmem:$0x11400] =	vst v63  }
0xde: {  	[tilespmem:v21+s29+$0x0] =	vst.idx.msk $0xffff, v54  }
0xdf: {  	[tilespmem:v21+s30+$0x0] =	vst.idx.msk $0xffff, v20;
	s20 =	spop (v2sf)  }
0xe0: {  	_ =	swait.ge [sflag:s10], $0x800  }
0xe1: {  	[sflag:s10] =	ssyncset.done $0x0  }
0xe2: {  	[sflag:s10] =	ssyncadd.s32 $0xFFFFF800  }
0xe3: {  	_ =	swait.ge [sflag:s28], $0x800  }
0xe4: {  	(v2sf) =	vpush @!p0 v18, $0x2;
	_ =	sdelay $0xe  }
0xe5: {  	s21 =	spop @!p0 (v2sf);
	(v2sf) =	vpush v19, $0x3  }
0xe6: {  	s22 =	sand.u32 @!p0 $0x7F, s21  }
0xe7: {  	p1 =	slt.s32 @!p0 s21, $0x1;
	p2 =	sne.s32 @!p0 s22, $0x0  }
0xe8: {  	s20 =	sand.u32 $0x7F, s20;
	s22 =	sshra.s32 @!p0 s21, $0x1F;
	p1 =	por @!p0 !p1, !p2  }
0xe9: {  	v55 =	vor.u32 s20, v3;
	s20 =	sshrl.u32 @!p0 s22, $0x19;
	p1 =	por @!p0 !p1, !p1  }
0xea: {  	s20 =	sadd.s32 @!p0 s20, s21;
	s21 =	simm.s32 @!p0 $0x1;
	p1 =	por !p1, p0  }
0xeb: {  	s20 =	sshrl.u32 @!p0 s20, $0x7;
	s21 =	simm.s32 @p1 $0x0  }
0xec: {  	[sflag:s28] =	ssyncset.done $0x0;
	s22 =	sor.u32 $0x2, s17;
	s20 =	ssub.s32 @!p0 s20, s21  }
0xed: {  	[sflag:s28] =	ssyncadd.s32 $0xFFFFF800;
	v56 =	vmov s22;
	s20 =	sshll.u32 @!p0 s20, $0x7  }
0xee: {  	v57 =	vld.idx.msk [tilespmem:v55+s13+$0x0], $0xffff;
	v21 =	vor.u32 v1, v56;
	s20 =	sand.u32 @!p0 $0x1FFFFF80, s20  }
0xef: {  	v20 =	vld.idx.msk [tilespmem:v55+s14+$0x0], $0xffff;
	s22 =	simm.s32 @!p0 $0x1200;
	s21 =	sadd.s32 @!p0 s0, s20  }
0xf0: {  	[tilespmem:s22], [sflag:$0x1] =	stream.strided.gather @!p0 [hbm4b:s21+s18], $0x800, s19, s18, $0x38;
	[tilespmem:$0x11400] =	vst v63  }
0xf1: {  	s20 =	sadd.s32 @!p0 s1, s20;
	s21 =	simm.s32 @!p0 $0x9200  }
0xf2: {  	[tilespmem:s21], [sflag:$0x2] =	stream.strided.gather @!p0 [hbm4b:s20+s18], $0x800, s19, s18, $0x38;
	[tilespmem:$0x11400] =	vst v63  }
0xf3: {  	[tilespmem:v21+s29+$0x0] =	vst.idx.msk $0xffff, v57  }
0xf4: {  	[tilespmem:v21+s30+$0x0] =	vst.idx.msk $0xffff, v20;
	s20 =	spop (v2sf)  }
0xf5: {  	_ =	swait.ge [sflag:s10], $0x800  }
0xf6: {  	[sflag:s10] =	ssyncset.done $0x0  }
0xf7: {  	[sflag:s10] =	ssyncadd.s32 $0xFFFFF800  }
0xf8: {  	_ =	swait.ge [sflag:s28], $0x800  }
0xf9: {  	(v2sf) =	vpush @!p0 v18, $0x3;
	_ =	sdelay $0xe  }
0xfa: {  	s21 =	spop @!p0 (v2sf);
	(v2sf) =	vpush v19, $0x4  }
0xfb: {  	s22 =	sand.u32 @!p0 $0x7F, s21  }
0xfc: {  	p1 =	slt.s32 @!p0 s21, $0x1;
	p2 =	sne.s32 @!p0 s22, $0x0  }
0xfd: {  	s20 =	sand.u32 $0x7F, s20;
	s22 =	sshra.s32 @!p0 s21, $0x1F;
	p1 =	por @!p0 !p1, !p2  }
0xfe: {  	v58 =	vor.u32 s20, v4;
	s20 =	sshrl.u32 @!p0 s22, $0x19;
	p1 =	por @!p0 !p1, !p1  }
0xff: {  	s20 =	sadd.s32 @!p0 s20, s21;
	s21 =	simm.s32 @!p0 $0x1;
	p1 =	por !p1, p0  }
0x100: {  	s20 =	sshrl.u32 @!p0 s20, $0x7;
	s21 =	simm.s32 @p1 $0x0  }
0x101: {  	[sflag:s28] =	ssyncset.done $0x0;
	s22 =	sor.u32 $0x3, s17;
	s20 =	ssub.s32 @!p0 s20, s21  }
0x102: {  	[sflag:s28] =	ssyncadd.s32 $0xFFFFF800;
	v59 =	vmov s22;
	s20 =	sshll.u32 @!p0 s20, $0x7  }
0x103: {  	v60 =	vld.idx.msk [tilespmem:v58+s13+$0x0], $0xffff;
	v21 =	vor.u32 v1, v59;
	s20 =	sand.u32 @!p0 $0x1FFFFF80, s20  }
0x104: {  	v20 =	vld.idx.msk [tilespmem:v58+s14+$0x0], $0xffff;
	s22 =	simm.s32 @!p0 $0x1A00;
	s21 =	sadd.s32 @!p0 s0, s20  }
0x105: {  	[tilespmem:s22], [sflag:$0x1] =	stream.strided.gather @!p0 [hbm4b:s21+s18], $0x800, s19, s18, $0x38;
	[tilespmem:$0x11400] =	vst v63  }
0x106: {  	s20 =	sadd.s32 @!p0 s1, s20;
	s21 =	simm.s32 @!p0 $0x9A00  }
0x107: {  	[tilespmem:s21], [sflag:$0x2] =	stream.strided.gather @!p0 [hbm4b:s20+s18], $0x800, s19, s18, $0x38;
	[tilespmem:$0x11400] =	vst v63  }
0x108: {  	[tilespmem:v21+s29+$0x0] =	vst.idx.msk $0xffff, v60  }
0x109: {  	[tilespmem:v21+s30+$0x0] =	vst.idx.msk $0xffff, v20;
	s20 =	spop (v2sf)  }
0x10a: {  	_ =	swait.ge [sflag:s10], $0x800  }
0x10b: {  	[sflag:s10] =	ssyncset.done $0x0  }
0x10c: {  	[sflag:s10] =	ssyncadd.s32 $0xFFFFF800  }
0x10d: {  	_ =	swait.ge [sflag:s28], $0x800  }
0x10e: {  	(v2sf) =	vpush @!p0 v18, $0x4;
	_ =	sdelay $0xe  }
0x10f: {  	s21 =	spop @!p0 (v2sf);
	(v2sf) =	vpush v19, $0x5  }
0x110: {  	s22 =	sand.u32 @!p0 $0x7F, s21  }
0x111: {  	p1 =	slt.s32 @!p0 s21, $0x1;
	p2 =	sne.s32 @!p0 s22, $0x0  }
0x112: {  	s20 =	sand.u32 $0x7F, s20;
	s22 =	sshra.s32 @!p0 s21, $0x1F;
	p1 =	por @!p0 !p1, !p2  }
0x113: {  	v61 =	vor.u32 s20, v5;
	s20 =	sshrl.u32 @!p0 s22, $0x19;
	p1 =	por @!p0 !p1, !p1  }
0x114: {  	s20 =	sadd.s32 @!p0 s20, s21;
	s21 =	simm.s32 @!p0 $0x1;
	p1 =	por !p1, p0  }
0x115: {  	s20 =	sshrl.u32 @!p0 s20, $0x7;
	s21 =	simm.s32 @p1 $0x0  }
0x116: {  	[sflag:s28] =	ssyncset.done $0x0;
	s22 =	sor.u32 $0x4, s17;
	s20 =	ssub.s32 @!p0 s20, s21  }
0x117: {  	[sflag:s28] =	ssyncadd.s32 $0xFFFFF800;
	v62 =	vmov s22;
	s20 =	sshll.u32 @!p0 s20, $0x7  }
0x118: {  	v63 =	vld.idx.msk [tilespmem:v61+s13+$0x0], $0xffff;
	v21 =	vor.u32 v1, v62;
	s20 =	sand.u32 @!p0 $0x1FFFFF80, s20  }
0x119: {  	v20 =	vld.idx.msk [tilespmem:v61+s14+$0x0], $0xffff;
	s22 =	simm.s32 @!p0 $0x2200;
	s21 =	sadd.s32 @!p0 s0, s20  }
0x11a: {  	[tilespmem:s22], [sflag:$0x1] =	stream.strided.gather @!p0 [hbm4b:s21+s18], $0x800, s19, s18, $0x38;
	[tilespmem:$0x11400] =	vst v63  }
0x11b: {  	s20 =	sadd.s32 @!p0 s1, s20;
	s21 =	simm.s32 @!p0 $0xA200  }
0x11c: {  	[tilespmem:s21], [sflag:$0x2] =	stream.strided.gather @!p0 [hbm4b:s20+s18], $0x800, s19, s18, $0x38;
	[tilespmem:$0x11400] =	vst v63  }
0x11d: {  	[tilespmem:v21+s29+$0x0] =	vst.idx.msk $0xffff, v63  }
0x11e: {  	[tilespmem:v21+s30+$0x0] =	vst.idx.msk $0xffff, v20;
	s20 =	spop (v2sf)  }
0x11f: {  	_ =	swait.ge [sflag:s10], $0x800  }
0x120: {  	[sflag:s10] =	ssyncset.done $0x0  }
0x121: {  	[sflag:s10] =	ssyncadd.s32 $0xFFFFF800  }
0x122: {  	_ =	swait.ge [sflag:s28], $0x800  }
0x123: {  	(v2sf) =	vpush @!p0 v18, $0x5;
	_ =	sdelay $0xe  }
0x124: {  	s21 =	spop @!p0 (v2sf);
	(v2sf) =	vpush v19, $0x6  }
0x125: {  	s22 =	sand.u32 @!p0 $0x7F, s21  }
0x126: {  	p1 =	slt.s32 @!p0 s21, $0x1;
	p2 =	sne.s32 @!p0 s22, $0x0  }
0x127: {  	s20 =	sand.u32 $0x7F, s20;
	s22 =	sshra.s32 @!p0 s21, $0x1F;
	p1 =	por @!p0 !p1, !p2  }
0x128: {  	v24 =	vor.u32 s20, v6;
	s20 =	sshrl.u32 @!p0 s22, $0x19;
	p1 =	por @!p0 !p1, !p1  }
0x129: {  	s20 =	sadd.s32 @!p0 s20, s21;
	s21 =	simm.s32 @!p0 $0x1;
	p1 =	por !p1, p0  }
0x12a: {  	s20 =	sshrl.u32 @!p0 s20, $0x7;
	s21 =	simm.s32 @p1 $0x0  }
0x12b: {  	[sflag:s28] =	ssyncset.done $0x0;
	s22 =	sor.u32 $0x5, s17;
	s20 =	ssub.s32 @!p0 s20, s21  }
0x12c: {  	[sflag:s28] =	ssyncadd.s32 $0xFFFFF800;
	v25 =	vmov s22;
	s20 =	sshll.u32 @!p0 s20, $0x7  }
0x12d: {  	v26 =	vld.idx.msk [tilespmem:v24+s13+$0x0], $0xffff;
	v21 =	vor.u32 v1, v25;
	s20 =	sand.u32 @!p0 $0x1FFFFF80, s20  }
0x12e: {  	v20 =	vld.idx.msk [tilespmem:v24+s14+$0x0], $0xffff;
	s22 =	simm.s32 @!p0 $0x2A00;
	s21 =	sadd.s32 @!p0 s0, s20  }
0x12f: {  	[tilespmem:s22], [sflag:$0x1] =	stream.strided.gather @!p0 [hbm4b:s21+s18], $0x800, s19, s18, $0x38;
	[tilespmem:$0x11400] =	vst v63  }
0x130: {  	s20 =	sadd.s32 @!p0 s1, s20;
	s21 =	simm.s32 @!p0 $0xAA00  }
0x131: {  	[tilespmem:s21], [sflag:$0x2] =	stream.strided.gather @!p0 [hbm4b:s20+s18], $0x800, s19, s18, $0x38;
	[tilespmem:$0x11400] =	vst v63  }
0x132: {  	[tilespmem:v21+s29+$0x0] =	vst.idx.msk $0xffff, v26  }
0x133: {  	[tilespmem:v21+s30+$0x0] =	vst.idx.msk $0xffff, v20;
	s20 =	spop (v2sf)  }
0x134: {  	_ =	swait.ge [sflag:s10], $0x800  }
0x135: {  	[sflag:s10] =	ssyncset.done $0x0  }
0x136: {  	[sflag:s10] =	ssyncadd.s32 $0xFFFFF800  }
0x137: {  	_ =	swait.ge [sflag:s28], $0x800  }
0x138: {  	(v2sf) =	vpush @!p0 v18, $0x6;
	_ =	sdelay $0xe  }
0x139: {  	s21 =	spop @!p0 (v2sf);
	(v2sf) =	vpush v19, $0x7  }
0x13a: {  	s22 =	sand.u32 @!p0 $0x7F, s21  }
0x13b: {  	p1 =	slt.s32 @!p0 s21, $0x1;
	p2 =	sne.s32 @!p0 s22, $0x0  }
0x13c: {  	s20 =	sand.u32 $0x7F, s20;
	s22 =	sshra.s32 @!p0 s21, $0x1F;
	p1 =	por @!p0 !p1, !p2  }
0x13d: {  	v27 =	vor.u32 s20, v7;
	s20 =	sshrl.u32 @!p0 s22, $0x19;
	p1 =	por @!p0 !p1, !p1  }
0x13e: {  	s20 =	sadd.s32 @!p0 s20, s21;
	s21 =	simm.s32 @!p0 $0x1;
	p1 =	por !p1, p0  }
0x13f: {  	s20 =	sshrl.u32 @!p0 s20, $0x7;
	s21 =	simm.s32 @p1 $0x0  }
0x140: {  	[sflag:s28] =	ssyncset.done $0x0;
	s22 =	sor.u32 $0x6, s17;
	s20 =	ssub.s32 @!p0 s20, s21  }
0x141: {  	[sflag:s28] =	ssyncadd.s32 $0xFFFFF800;
	v28 =	vmov s22;
	s20 =	sshll.u32 @!p0 s20, $0x7  }
0x142: {  	v29 =	vld.idx.msk [tilespmem:v27+s13+$0x0], $0xffff;
	v21 =	vor.u32 v1, v28;
	s20 =	sand.u32 @!p0 $0x1FFFFF80, s20  }
0x143: {  	v20 =	vld.idx.msk [tilespmem:v27+s14+$0x0], $0xffff;
	s22 =	simm.s32 @!p0 $0x3200;
	s21 =	sadd.s32 @!p0 s0, s20  }
0x144: {  	[tilespmem:s22], [sflag:$0x1] =	stream.strided.gather @!p0 [hbm4b:s21+s18], $0x800, s19, s18, $0x38;
	[tilespmem:$0x11400] =	vst v63  }
0x145: {  	s20 =	sadd.s32 @!p0 s1, s20;
	s21 =	simm.s32 @!p0 $0xB200  }
0x146: {  	[tilespmem:s21], [sflag:$0x2] =	stream.strided.gather @!p0 [hbm4b:s20+s18], $0x800, s19, s18, $0x38;
	[tilespmem:$0x11400] =	vst v63  }
0x147: {  	[tilespmem:v21+s29+$0x0] =	vst.idx.msk $0xffff, v29  }
0x148: {  	[tilespmem:v21+s30+$0x0] =	vst.idx.msk $0xffff, v20;
	s20 =	spop (v2sf)  }
0x149: {  	_ =	swait.ge [sflag:s10], $0x800  }
0x14a: {  	[sflag:s10] =	ssyncset.done $0x0  }
0x14b: {  	[sflag:s10] =	ssyncadd.s32 $0xFFFFF800  }
0x14c: {  	_ =	swait.ge [sflag:s28], $0x800  }
0x14d: {  	(v2sf) =	vpush @!p0 v18, $0x7;
	_ =	sdelay $0xe  }
0x14e: {  	s21 =	spop @!p0 (v2sf);
	(v2sf) =	vpush v19, $0x8  }
0x14f: {  	s22 =	sand.u32 @!p0 $0x7F, s21  }
0x150: {  	p1 =	slt.s32 @!p0 s21, $0x1;
	p2 =	sne.s32 @!p0 s22, $0x0  }
0x151: {  	s20 =	sand.u32 $0x7F, s20;
	s22 =	sshra.s32 @!p0 s21, $0x1F;
	p1 =	por @!p0 !p1, !p2  }
0x152: {  	v30 =	vor.u32 s20, v8;
	s20 =	sshrl.u32 @!p0 s22, $0x19;
	p1 =	por @!p0 !p1, !p1  }
0x153: {  	s20 =	sadd.s32 @!p0 s20, s21;
	s21 =	simm.s32 @!p0 $0x1;
	p1 =	por !p1, p0  }
0x154: {  	s20 =	sshrl.u32 @!p0 s20, $0x7;
	s21 =	simm.s32 @p1 $0x0  }
0x155: {  	[sflag:s28] =	ssyncset.done $0x0;
	s22 =	sor.u32 $0x7, s17;
	s20 =	ssub.s32 @!p0 s20, s21  }
0x156: {  	[sflag:s28] =	ssyncadd.s32 $0xFFFFF800;
	v31 =	vmov s22;
	s20 =	sshll.u32 @!p0 s20, $0x7  }
0x157: {  	v32 =	vld.idx.msk [tilespmem:v30+s13+$0x0], $0xffff;
	v21 =	vor.u32 v1, v31;
	s20 =	sand.u32 @!p0 $0x1FFFFF80, s20  }
0x158: {  	v20 =	vld.idx.msk [tilespmem:v30+s14+$0x0], $0xffff;
	s22 =	simm.s32 @!p0 $0x3A00;
	s21 =	sadd.s32 @!p0 s0, s20  }
0x159: {  	[tilespmem:s22], [sflag:$0x1] =	stream.strided.gather @!p0 [hbm4b:s21+s18], $0x800, s19, s18, $0x38;
	[tilespmem:$0x11400] =	vst v63  }
0x15a: {  	s20 =	sadd.s32 @!p0 s1, s20;
	s21 =	simm.s32 @!p0 $0xBA00  }
0x15b: {  	[tilespmem:s21], [sflag:$0x2] =	stream.strided.gather @!p0 [hbm4b:s20+s18], $0x800, s19, s18, $0x38;
	[tilespmem:$0x11400] =	vst v63  }
0x15c: {  	[tilespmem:v21+s29+$0x0] =	vst.idx.msk $0xffff, v32  }
0x15d: {  	[tilespmem:v21+s30+$0x0] =	vst.idx.msk $0xffff, v20;
	s20 =	spop (v2sf)  }
0x15e: {  	_ =	swait.ge [sflag:s10], $0x800  }
0x15f: {  	[sflag:s10] =	ssyncset.done $0x0  }
0x160: {  	[sflag:s10] =	ssyncadd.s32 $0xFFFFF800  }
0x161: {  	_ =	swait.ge [sflag:s28], $0x800  }
0x162: {  	(v2sf) =	vpush @!p0 v18, $0x8;
	_ =	sdelay $0xe  }
0x163: {  	s21 =	spop @!p0 (v2sf);
	(v2sf) =	vpush v19, $0x9  }
0x164: {  	s22 =	sand.u32 @!p0 $0x7F, s21  }
0x165: {  	p1 =	slt.s32 @!p0 s21, $0x1;
	p2 =	sne.s32 @!p0 s22, $0x0  }
0x166: {  	s20 =	sand.u32 $0x7F, s20;
	s22 =	sshra.s32 @!p0 s21, $0x1F;
	p1 =	por @!p0 !p1, !p2  }
0x167: {  	v33 =	vor.u32 s20, v9;
	s20 =	sshrl.u32 @!p0 s22, $0x19;
	p1 =	por @!p0 !p1, !p1  }
0x168: {  	s20 =	sadd.s32 @!p0 s20, s21;
	s21 =	simm.s32 @!p0 $0x1;
	p1 =	por !p1, p0  }
0x169: {  	s20 =	sshrl.u32 @!p0 s20, $0x7;
	s21 =	simm.s32 @p1 $0x0  }
0x16a: {  	[sflag:s28] =	ssyncset.done $0x0;
	s22 =	sor.u32 $0x8, s17;
	s20 =	ssub.s32 @!p0 s20, s21  }
0x16b: {  	[sflag:s28] =	ssyncadd.s32 $0xFFFFF800;
	v34 =	vmov s22;
	s20 =	sshll.u32 @!p0 s20, $0x7  }
0x16c: {  	v35 =	vld.idx.msk [tilespmem:v33+s13+$0x0], $0xffff;
	v21 =	vor.u32 v1, v34;
	s20 =	sand.u32 @!p0 $0x1FFFFF80, s20  }
0x16d: {  	v20 =	vld.idx.msk [tilespmem:v33+s14+$0x0], $0xffff;
	s22 =	simm.s32 @!p0 $0x4200;
	s21 =	sadd.s32 @!p0 s0, s20  }
0x16e: {  	[tilespmem:s22], [sflag:$0x1] =	stream.strided.gather @!p0 [hbm4b:s21+s18], $0x800, s19, s18, $0x38;
	[tilespmem:$0x11400] =	vst v63  }
0x16f: {  	s20 =	sadd.s32 @!p0 s1, s20;
	s21 =	simm.s32 @!p0 $0xC200  }
0x170: {  	[tilespmem:s21], [sflag:$0x2] =	stream.strided.gather @!p0 [hbm4b:s20+s18], $0x800, s19, s18, $0x38;
	[tilespmem:$0x11400] =	vst v63  }
0x171: {  	[tilespmem:v21+s29+$0x0] =	vst.idx.msk $0xffff, v35  }
0x172: {  	[tilespmem:v21+s30+$0x0] =	vst.idx.msk $0xffff, v20;
	s20 =	spop (v2sf)  }
0x173: {  	_ =	swait.ge [sflag:s10], $0x800  }
0x174: {  	[sflag:s10] =	ssyncset.done $0x0  }
0x175: {  	[sflag:s10] =	ssyncadd.s32 $0xFFFFF800  }
0x176: {  	_ =	swait.ge [sflag:s28], $0x800  }
0x177: {  	(v2sf) =	vpush @!p0 v18, $0x9;
	_ =	sdelay $0xe  }
0x178: {  	s21 =	spop @!p0 (v2sf);
	(v2sf) =	vpush v19, $0xA  }
0x179: {  	s22 =	sand.u32 @!p0 $0x7F, s21  }
0x17a: {  	p1 =	slt.s32 @!p0 s21, $0x1;
	p2 =	sne.s32 @!p0 s22, $0x0  }
0x17b: {  	s20 =	sand.u32 $0x7F, s20;
	s22 =	sshra.s32 @!p0 s21, $0x1F;
	p1 =	por @!p0 !p1, !p2  }
0x17c: {  	v36 =	vor.u32 s20, v10;
	s20 =	sshrl.u32 @!p0 s22, $0x19;
	p1 =	por @!p0 !p1, !p1  }
0x17d: {  	s20 =	sadd.s32 @!p0 s20, s21;
	s21 =	simm.s32 @!p0 $0x1;
	p1 =	por !p1, p0  }
0x17e: {  	s20 =	sshrl.u32 @!p0 s20, $0x7;
	s21 =	simm.s32 @p1 $0x0  }
0x17f: {  	[sflag:s28] =	ssyncset.done $0x0;
	s22 =	sor.u32 $0x9, s17;
	s20 =	ssub.s32 @!p0 s20, s21  }
0x180: {  	[sflag:s28] =	ssyncadd.s32 $0xFFFFF800;
	v37 =	vmov s22;
	s20 =	sshll.u32 @!p0 s20, $0x7  }
0x181: {  	v38 =	vld.idx.msk [tilespmem:v36+s13+$0x0], $0xffff;
	v21 =	vor.u32 v1, v37;
	s20 =	sand.u32 @!p0 $0x1FFFFF80, s20  }
0x182: {  	v20 =	vld.idx.msk [tilespmem:v36+s14+$0x0], $0xffff;
	s22 =	simm.s32 @!p0 $0x4A00;
	s21 =	sadd.s32 @!p0 s0, s20  }
0x183: {  	[tilespmem:s22], [sflag:$0x1] =	stream.strided.gather @!p0 [hbm4b:s21+s18], $0x800, s19, s18, $0x38;
	[tilespmem:$0x11400] =	vst v63  }
0x184: {  	s20 =	sadd.s32 @!p0 s1, s20;
	s21 =	simm.s32 @!p0 $0xCA00  }
0x185: {  	[tilespmem:s21], [sflag:$0x2] =	stream.strided.gather @!p0 [hbm4b:s20+s18], $0x800, s19, s18, $0x38;
	[tilespmem:$0x11400] =	vst v63  }
0x186: {  	[tilespmem:v21+s29+$0x0] =	vst.idx.msk $0xffff, v38  }
0x187: {  	[tilespmem:v21+s30+$0x0] =	vst.idx.msk $0xffff, v20;
	s20 =	spop (v2sf)  }
0x188: {  	_ =	swait.ge [sflag:s10], $0x800  }
0x189: {  	[sflag:s10] =	ssyncset.done $0x0  }
0x18a: {  	[sflag:s10] =	ssyncadd.s32 $0xFFFFF800  }
0x18b: {  	_ =	swait.ge [sflag:s28], $0x800  }
0x18c: {  	(v2sf) =	vpush @!p0 v18, $0xA;
	_ =	sdelay $0xe  }
0x18d: {  	s21 =	spop @!p0 (v2sf);
	(v2sf) =	vpush v19, $0xB  }
0x18e: {  	s22 =	sand.u32 @!p0 $0x7F, s21  }
0x18f: {  	p1 =	slt.s32 @!p0 s21, $0x1;
	p2 =	sne.s32 @!p0 s22, $0x0  }
0x190: {  	s20 =	sand.u32 $0x7F, s20;
	s22 =	sshra.s32 @!p0 s21, $0x1F;
	p1 =	por @!p0 !p1, !p2  }
0x191: {  	v39 =	vor.u32 s20, v11;
	s20 =	sshrl.u32 @!p0 s22, $0x19;
	p1 =	por @!p0 !p1, !p1  }
0x192: {  	s20 =	sadd.s32 @!p0 s20, s21;
	s21 =	simm.s32 @!p0 $0x1;
	p1 =	por !p1, p0  }
0x193: {  	s20 =	sshrl.u32 @!p0 s20, $0x7;
	s21 =	simm.s32 @p1 $0x0  }
0x194: {  	[sflag:s28] =	ssyncset.done $0x0;
	s22 =	sor.u32 $0xA, s17;
	s20 =	ssub.s32 @!p0 s20, s21  }
0x195: {  	[sflag:s28] =	ssyncadd.s32 $0xFFFFF800;
	v40 =	vmov s22;
	s20 =	sshll.u32 @!p0 s20, $0x7  }
0x196: {  	v41 =	vld.idx.msk [tilespmem:v39+s13+$0x0], $0xffff;
	v21 =	vor.u32 v1, v40;
	s20 =	sand.u32 @!p0 $0x1FFFFF80, s20  }
0x197: {  	v20 =	vld.idx.msk [tilespmem:v39+s14+$0x0], $0xffff;
	s22 =	simm.s32 @!p0 $0x5200;
	s21 =	sadd.s32 @!p0 s0, s20  }
0x198: {  	[tilespmem:s22], [sflag:$0x1] =	stream.strided.gather @!p0 [hbm4b:s21+s18], $0x800, s19, s18, $0x38;
	[tilespmem:$0x11400] =	vst v63  }
0x199: {  	s20 =	sadd.s32 @!p0 s1, s20;
	s21 =	simm.s32 @!p0 $0xD200  }
0x19a: {  	[tilespmem:s21], [sflag:$0x2] =	stream.strided.gather @!p0 [hbm4b:s20+s18], $0x800, s19, s18, $0x38;
	[tilespmem:$0x11400] =	vst v63  }
0x19b: {  	[tilespmem:v21+s29+$0x0] =	vst.idx.msk $0xffff, v41  }
0x19c: {  	[tilespmem:v21+s30+$0x0] =	vst.idx.msk $0xffff, v20;
	s20 =	spop (v2sf)  }
0x19d: {  	_ =	swait.ge [sflag:s10], $0x800  }
0x19e: {  	[sflag:s10] =	ssyncset.done $0x0  }
0x19f: {  	[sflag:s10] =	ssyncadd.s32 $0xFFFFF800  }
0x1a0: {  	_ =	swait.ge [sflag:s28], $0x800  }
0x1a1: {  	(v2sf) =	vpush @!p0 v18, $0xB;
	_ =	sdelay $0xe  }
0x1a2: {  	s21 =	spop @!p0 (v2sf);
	(v2sf) =	vpush v19, $0xC  }
0x1a3: {  	s22 =	sand.u32 @!p0 $0x7F, s21  }
0x1a4: {  	p1 =	slt.s32 @!p0 s21, $0x1;
	p2 =	sne.s32 @!p0 s22, $0x0  }
0x1a5: {  	s20 =	sand.u32 $0x7F, s20;
	s22 =	sshra.s32 @!p0 s21, $0x1F;
	p1 =	por @!p0 !p1, !p2  }
0x1a6: {  	v42 =	vor.u32 s20, v12;
	s20 =	sshrl.u32 @!p0 s22, $0x19;
	p1 =	por @!p0 !p1, !p1  }
0x1a7: {  	s20 =	sadd.s32 @!p0 s20, s21;
	s21 =	simm.s32 @!p0 $0x1;
	p1 =	por !p1, p0  }
0x1a8: {  	s20 =	sshrl.u32 @!p0 s20, $0x7;
	s21 =	simm.s32 @p1 $0x0  }
0x1a9: {  	[sflag:s28] =	ssyncset.done $0x0;
	s22 =	sor.u32 $0xB, s17;
	s20 =	ssub.s32 @!p0 s20, s21  }
0x1aa: {  	[sflag:s28] =	ssyncadd.s32 $0xFFFFF800;
	v43 =	vmov s22;
	s20 =	sshll.u32 @!p0 s20, $0x7  }
0x1ab: {  	v44 =	vld.idx.msk [tilespmem:v42+s13+$0x0], $0xffff;
	v21 =	vor.u32 v1, v43;
	s20 =	sand.u32 @!p0 $0x1FFFFF80, s20  }
0x1ac: {  	v20 =	vld.idx.msk [tilespmem:v42+s14+$0x0], $0xffff;
	s22 =	simm.s32 @!p0 $0x5A00;
	s21 =	sadd.s32 @!p0 s0, s20  }
0x1ad: {  	[tilespmem:s22], [sflag:$0x1] =	stream.strided.gather @!p0 [hbm4b:s21+s18], $0x800, s19, s18, $0x38;
	[tilespmem:$0x11400] =	vst v63  }
0x1ae: {  	s20 =	sadd.s32 @!p0 s1, s20;
	s21 =	simm.s32 @!p0 $0xDA00  }
0x1af: {  	[tilespmem:s21], [sflag:$0x2] =	stream.strided.gather @!p0 [hbm4b:s20+s18], $0x800, s19, s18, $0x38;
	[tilespmem:$0x11400] =	vst v63  }
0x1b0: {  	[tilespmem:v21+s29+$0x0] =	vst.idx.msk $0xffff, v44  }
0x1b1: {  	[tilespmem:v21+s30+$0x0] =	vst.idx.msk $0xffff, v20;
	s20 =	spop (v2sf)  }
0x1b2: {  	_ =	swait.ge [sflag:s10], $0x800  }
0x1b3: {  	[sflag:s10] =	ssyncset.done $0x0  }
0x1b4: {  	[sflag:s10] =	ssyncadd.s32 $0xFFFFF800  }
0x1b5: {  	_ =	swait.ge [sflag:s28], $0x800  }
0x1b6: {  	(v2sf) =	vpush @!p0 v18, $0xC;
	_ =	sdelay $0xe  }
0x1b7: {  	s21 =	spop @!p0 (v2sf);
	(v2sf) =	vpush v19, $0xD  }
0x1b8: {  	s22 =	sand.u32 @!p0 $0x7F, s21  }
0x1b9: {  	p1 =	slt.s32 @!p0 s21, $0x1;
	p2 =	sne.s32 @!p0 s22, $0x0  }
0x1ba: {  	s20 =	sand.u32 $0x7F, s20;
	s22 =	sshra.s32 @!p0 s21, $0x1F;
	p1 =	por @!p0 !p1, !p2  }
0x1bb: {  	v45 =	vor.u32 s20, v13;
	s20 =	sshrl.u32 @!p0 s22, $0x19;
	p1 =	por @!p0 !p1, !p1  }
0x1bc: {  	s20 =	sadd.s32 @!p0 s20, s21;
	s21 =	simm.s32 @!p0 $0x1;
	p1 =	por !p1, p0  }
0x1bd: {  	s20 =	sshrl.u32 @!p0 s20, $0x7;
	s21 =	simm.s32 @p1 $0x0  }
0x1be: {  	[sflag:s28] =	ssyncset.done $0x0;
	s22 =	sor.u32 $0xC, s17;
	s20 =	ssub.s32 @!p0 s20, s21  }
0x1bf: {  	[sflag:s28] =	ssyncadd.s32 $0xFFFFF800;
	v46 =	vmov s22;
	s20 =	sshll.u32 @!p0 s20, $0x7  }
0x1c0: {  	v47 =	vld.idx.msk [tilespmem:v45+s13+$0x0], $0xffff;
	v21 =	vor.u32 v1, v46;
	s20 =	sand.u32 @!p0 $0x1FFFFF80, s20  }
0x1c1: {  	v20 =	vld.idx.msk [tilespmem:v45+s14+$0x0], $0xffff;
	s22 =	simm.s32 @!p0 $0x6200;
	s21 =	sadd.s32 @!p0 s0, s20  }
0x1c2: {  	[tilespmem:s22], [sflag:$0x1] =	stream.strided.gather @!p0 [hbm4b:s21+s18], $0x800, s19, s18, $0x38;
	[tilespmem:$0x11400] =	vst v63  }
0x1c3: {  	s20 =	sadd.s32 @!p0 s1, s20;
	s21 =	simm.s32 @!p0 $0xE200  }
0x1c4: {  	[tilespmem:s21], [sflag:$0x2] =	stream.strided.gather @!p0 [hbm4b:s20+s18], $0x800, s19, s18, $0x38;
	[tilespmem:$0x11400] =	vst v63  }
0x1c5: {  	[tilespmem:v21+s29+$0x0] =	vst.idx.msk $0xffff, v47  }
0x1c6: {  	[tilespmem:v21+s30+$0x0] =	vst.idx.msk $0xffff, v20;
	s20 =	spop (v2sf)  }
0x1c7: {  	_ =	swait.ge [sflag:s10], $0x800  }
0x1c8: {  	[sflag:s10] =	ssyncset.done $0x0  }
0x1c9: {  	[sflag:s10] =	ssyncadd.s32 $0xFFFFF800  }
0x1ca: {  	_ =	swait.ge [sflag:s28], $0x800  }
0x1cb: {  	(v2sf) =	vpush @!p0 v18, $0xD;
	_ =	sdelay $0xe  }
0x1cc: {  	s21 =	spop @!p0 (v2sf);
	(v2sf) =	vpush v19, $0xE  }
0x1cd: {  	s22 =	sand.u32 @!p0 $0x7F, s21  }
0x1ce: {  	p1 =	slt.s32 @!p0 s21, $0x1;
	p2 =	sne.s32 @!p0 s22, $0x0  }
0x1cf: {  	s20 =	sand.u32 $0x7F, s20;
	s22 =	sshra.s32 @!p0 s21, $0x1F;
	p1 =	por @!p0 !p1, !p2  }
0x1d0: {  	v48 =	vor.u32 s20, v14;
	s20 =	sshrl.u32 @!p0 s22, $0x19;
	p1 =	por @!p0 !p1, !p1  }
0x1d1: {  	s20 =	sadd.s32 @!p0 s20, s21;
	s21 =	simm.s32 @!p0 $0x1;
	p1 =	por !p1, p0  }
0x1d2: {  	s20 =	sshrl.u32 @!p0 s20, $0x7;
	s21 =	simm.s32 @p1 $0x0  }
0x1d3: {  	[sflag:s28] =	ssyncset.done $0x0;
	s22 =	sor.u32 $0xD, s17;
	s20 =	ssub.s32 @!p0 s20, s21  }
0x1d4: {  	[sflag:s28] =	ssyncadd.s32 $0xFFFFF800;
	v49 =	vmov s22;
	s20 =	sshll.u32 @!p0 s20, $0x7  }
0x1d5: {  	v50 =	vld.idx.msk [tilespmem:v48+s13+$0x0], $0xffff;
	v21 =	vor.u32 v1, v49;
	s20 =	sand.u32 @!p0 $0x1FFFFF80, s20  }
0x1d6: {  	v20 =	vld.idx.msk [tilespmem:v48+s14+$0x0], $0xffff;
	s22 =	simm.s32 @!p0 $0x6A00;
	s21 =	sadd.s32 @!p0 s0, s20  }
0x1d7: {  	[tilespmem:s22], [sflag:$0x1] =	stream.strided.gather @!p0 [hbm4b:s21+s18], $0x800, s19, s18, $0x38;
	[tilespmem:$0x11400] =	vst v63  }
0x1d8: {  	s20 =	sadd.s32 @!p0 s1, s20;
	s21 =	simm.s32 @!p0 $0xEA00  }
0x1d9: {  	[tilespmem:s21], [sflag:$0x2] =	stream.strided.gather @!p0 [hbm4b:s20+s18], $0x800, s19, s18, $0x38;
	[tilespmem:$0x11400] =	vst v63  }
0x1da: {  	[tilespmem:v21+s29+$0x0] =	vst.idx.msk $0xffff, v50  }
0x1db: {  	[tilespmem:v21+s30+$0x0] =	vst.idx.msk $0xffff, v20;
	s20 =	spop (v2sf)  }
0x1dc: {  	_ =	swait.ge [sflag:s10], $0x800  }
0x1dd: {  	[sflag:s10] =	ssyncset.done $0x0  }
0x1de: {  	[sflag:s10] =	ssyncadd.s32 $0xFFFFF800  }
0x1df: {  	_ =	swait.ge [sflag:s28], $0x800  }
0x1e0: {  	(v2sf) =	vpush @!p0 v18, $0xE;
	_ =	sdelay $0xe  }
0x1e1: {  	s21 =	spop @!p0 (v2sf);
	(v2sf) =	vpush v19, $0xF  }
0x1e2: {  	s22 =	sand.u32 @!p0 $0x7F, s21  }
0x1e3: {  	p1 =	slt.s32 @!p0 s21, $0x1;
	p2 =	sne.s32 @!p0 s22, $0x0  }
0x1e4: {  	s20 =	sand.u32 $0x7F, s20;
	s22 =	sshra.s32 @!p0 s21, $0x1F;
	p1 =	por @!p0 !p1, !p2  }
0x1e5: {  	v19 =	vor.u32 s20, v15;
	s20 =	sshrl.u32 @!p0 s22, $0x19;
	p1 =	por @!p0 !p1, !p1  }
0x1e6: {  	s20 =	sadd.s32 @!p0 s20, s21;
	s21 =	simm.s32 @!p0 $0x1;
	p1 =	por !p1, p0  }
0x1e7: {  	s20 =	sshrl.u32 @!p0 s20, $0x7;
	s21 =	simm.s32 @p1 $0x0  }
0x1e8: {  	[sflag:s28] =	ssyncset.done $0x0;
	s22 =	sor.u32 $0xE, s17;
	s20 =	ssub.s32 @!p0 s20, s21  }
0x1e9: {  	[sflag:s28] =	ssyncadd.s32 $0xFFFFF800;
	v51 =	vmov s22;
	s20 =	sshll.u32 @!p0 s20, $0x7  }
0x1ea: {  	v52 =	vld.idx.msk [tilespmem:v19+s13+$0x0], $0xffff;
	v20 =	vor.u32 v1, v51;
	s20 =	sand.u32 @!p0 $0x1FFFFF80, s20  }
0x1eb: {  	s22 =	simm.s32 @!p0 $0x7200;
	v19 =	vld.idx.msk [tilespmem:v19+s14+$0x0], $0xffff;
	s21 =	sadd.s32 @!p0 s0, s20  }
0x1ec: {  	[tilespmem:s22], [sflag:$0x1] =	stream.strided.gather @!p0 [hbm4b:s21+s18], $0x800, s19, s18, $0x38;
	[tilespmem:$0x11400] =	vst v63  }
0x1ed: {  	s20 =	sadd.s32 @!p0 s1, s20;
	s21 =	simm.s32 @!p0 $0xF200  }
0x1ee: {  	[tilespmem:s21], [sflag:$0x2] =	stream.strided.gather @!p0 [hbm4b:s20+s18], $0x800, s19, s18, $0x38;
	[tilespmem:$0x11400] =	vst v63  }
0x1ef: {  	[tilespmem:v20+s29+$0x0] =	vst.idx.msk $0xffff, v52  }
0x1f0: {  	[tilespmem:v20+s30+$0x0] =	vst.idx.msk $0xffff, v19;
	s20 =	spop (v2sf)  }
0x1f1: {  	_ =	swait.ge [sflag:s10], $0x800  }
0x1f2: {  	[sflag:s10] =	ssyncset.done $0x0  }
0x1f3: {  	[sflag:s10] =	ssyncadd.s32 $0xFFFFF800  }
0x1f4: {  	_ =	swait.ge [sflag:s28], $0x800  }
0x1f5: {  	(v2sf) =	vpush @!p0 v18, $0xF;
	_ =	sdelay $0xe  }
0x1f6: {  	s21 =	spop @!p0 (v2sf)  }
0x1f7: {  	s22 =	sand.u32 @!p0 $0x7F, s21  }
0x1f8: {  	p1 =	slt.s32 @!p0 s21, $0x1;
	p2 =	sne.s32 @!p0 s22, $0x0  }
0x1f9: {  	s20 =	sand.u32 $0x7F, s20;
	s22 =	sshra.s32 @!p0 s21, $0x1F;
	p1 =	por @!p0 !p1, !p2  }
0x1fa: {  	v18 =	vor.u32 s20, v16;
	s20 =	sshrl.u32 @!p0 s22, $0x19;
	p1 =	por @!p0 !p1, !p1  }
0x1fb: {  	s22 =	simm.s32 @!p0 $0x1;
	s20 =	sadd.s32 @!p0 s20, s21;
	p1 =	por !p1, p0  }
0x1fc: {  	s20 =	sshrl.u32 @!p0 s20, $0x7;
	s22 =	simm.s32 @p1 $0x0  }
0x1fd: {  	[sflag:s28] =	ssyncset.done $0x0;
	s21 =	sor.u32 $0xF, s17;
	s20 =	ssub.s32 @!p0 s20, s22  }
0x1fe: {  	[sflag:s28] =	ssyncadd.s32 $0xFFFFF800;
	v19 =	vmov s21;
	s20 =	sshll.u32 @!p0 s20, $0x7  }
0x1ff: {  	v53 =	vld.idx.msk [tilespmem:v18+s13+$0x0], $0xffff;
	v19 =	vor.u32 v1, v19;
	s20 =	sand.u32 @!p0 $0x1FFFFF80, s20  }
0x200: {  	v18 =	vld.idx.msk [tilespmem:v18+s14+$0x0], $0xffff;
	s22 =	simm.s32 @!p0 $0x7A00;
	s21 =	sadd.s32 @!p0 s0, s20  }
0x201: {  	[tilespmem:s22], [sflag:$0x1] =	stream.strided.gather @!p0 [hbm4b:s21+s18], $0x800, s19, s18, $0x38;
	[tilespmem:$0x11400] =	vst v63  }
0x202: {  	s20 =	sadd.s32 @!p0 s1, s20;
	s21 =	simm.s32 @!p0 $0xFA00  }
0x203: {  	[tilespmem:s21], [sflag:$0x2] =	stream.strided.gather @!p0 [hbm4b:s20+s18], $0x800, s19, s18, $0x38;
	[tilespmem:$0x11400] =	vst v63  }
0x204: {  	[tilespmem:v19+s29+$0x0] =	vst.idx.msk $0xffff, v53  }
0x205: {  	[tilespmem:v19+s30+$0x0] =	vst.idx.msk $0xffff, v18  }
0x206: {  	v18 =	vld [tilespmem:s17+$0x10A00]  }
0x207: {  	v19 =	vld [tilespmem:s17+$0x10A80]  }
0x208: {  	v20 =	vld [tilespmem:s17+$0x10B00]  }
0x209: {  	v54 =	vld [tilespmem:s17+$0x10B80]  }
0x20a: {  	v55 =	vld [tilespmem:s17+$0x10C00]  }
0x20b: {  	v23 =	vld [tilespmem:s17+$0x10C80]  }
0x20c: {  	v18 =	vmax.f32 v18, v19;
	v19 =	vld [tilespmem:s17+$0x10D00]  }
0x20d: {  	v56 =	vld [tilespmem:s17+$0x10D80];
	v18 =	vmax.f32 v18, v20  }
0x20e: {  	v57 =	vld [tilespmem:s17+$0x10E00];
	v18 =	vmax.f32 v18, v54  }
0x20f: {  	v58 =	vld [tilespmem:s17+$0x10E80];
	v18 =	vmax.f32 v18, v55  }
0x210: {  	v59 =	vld [tilespmem:s17+$0x10F00];
	v18 =	vmax.f32 v18, v23  }
0x211: {  	v18 =	vmax.f32 v18, v19;
	v19 =	vld [tilespmem:s17+$0x10F80]  }
0x212: {  	v60 =	vld [tilespmem:s17+$0x11000];
	v18 =	vmax.f32 v18, v56  }
0x213: {  	v61 =	vld [tilespmem:s17+$0x11080];
	v18 =	vmax.f32 v18, v57  }
0x214: {  	v62 =	vld [tilespmem:s17+$0x11100];
	v18 =	vmax.f32 v18, v58  }
0x215: {  	v63 =	vld [tilespmem:s17+$0x11180];
	v18 =	vmax.f32 v18, v59  }
0x216: {  	v18 =	vmax.f32 v18, v19  }
0x217: {  	v18 =	vmax.f32 v18, v60  }
0x218: {  	p0 =	sne.s32 s16, $0x7;
	v18 =	vmax.f32 v18, v61  }
0x219: {  	s17 =	sand.u32 @!p0 $0x180, s15;
	v18 =	vmax.f32 v18, v62  }
0x21a: {  	s16 =	rddreg [dreg:$0x7];
	s18 =	simm.s32 @!p0 $0x400;
	s17 =	sor.u32 @!p0 s5, s17;
	v18 =	vmax.f32 v18, v63  }
0x21b: {  	s19 =	simm.s32 @!p0 $0x20000;
	s20 =	simm.s32 @!p0 $0x10200;
	s16 =	sadd.s32 @!p0 s16, s17;
	[tilespmem:v17+s31+$0x0] =	vst.idx.msk $0xffff, v18  }
0x21c: {  	[hbm4b:s16+s18] =	stream.strided.scatter @!p0 [tilespmem:s20], [sflag:$0x4], $0x800, s19, s18, $0x38;
	[tilespmem:$0x11400] =	vst v63  }
0x21d: {  	s16 =	simm.s32 @!p0 $0x4  }
0x21e: {  	s15 =	sadd.s32 $0x10, s15;
	_ =	swait.ge @!p0 [sflag:s16], $0x800  }
0x21f: {  	p1 =	sne.s32 s15, $0x200;
	s20 =	rddreg [dreg:$0x8];
	[sflag:s16] =	ssyncset.done @!p0 $0x0  }
0x220: {  	[sflag:s16] =	ssyncadd.s32 @!p0 $0xFFFFF800;
	s16 =	sadd.s32 @!p0 s20, s17;
	s17 =	simm.s32 @!p0 $0x10A00  }
0x221: {  	[hbm4b:s16+s18] =	stream.strided.scatter @!p0 [tilespmem:s17], [sflag:$0x3], $0x800, s19, s18, $0x38;
	[tilespmem:$0x11400] =	vst v63  }
.Ltmp0:
0x222: {  	_ = 	snop;
	(pc) =	sbr.rel @p1 .LBB2_2-.Ltmp0, $4  }
0x223: {  	s16 =	simm.s32 @!p0 $0x3  }
0x224: {  	_ =	swait.ge @!p0 [sflag:s16], $0x800  }
0x225: {  	[sflag:s16] =	ssyncset.done @!p0 $0x0  }
0x226: {  	s3 =	sadd.s32 $0x1, s3;
	[sflag:s16] =	ssyncadd.s32 @!p0 $0xFFFFF800  }
0x227: {  	s2 =	sadd.s32 $0x1, s2  }
0x228: {  	p0 =	sne.s32 s2, s8  }
.Ltmp1:
0x229: {  	_ = 	snop;
	(pc) =	sbr.rel @p0 .LBB2_1-.Ltmp1, $4  }
0x22a: {  	[hbm4b:s7+s4] =	stream.linear.scatter [tilespmem:s31], [sflag:$0x3], $0x200, $0x38;
	[tilespmem:$0x11400] =	vst v63  }
0x22b: {  	_ =	swait.ge [sflag:s9], $0x200  }
0x22c: {  	[sflag:s9] =	ssyncset.done $0x0  }
0x22d: {  	[sflag:s9] =	ssyncadd.s32 $0xFFFFFE00  }
0x22e: {  	_ =	sfence.sel $0x180000  }
0x22f: {  	[bflag:$0x0] =	sbarrier.arrive $0xFFFF  }
0x230: {  	_ =	strace $0x90000047  }
0x231: {  	s0 =	stileid.u32;
	[bflag:$0x2] =	sbarrier.arrive $0xFFFF  }
0x232: {  	p0 =	sne.s32 s0, $0x0;
	s0 =	rddreg [dreg:$0x6]  }
0x233: {  	s0 =	sadd.s32 @!p0 $0x100000, s0  }
0x234: {  	[sflag:s0] =	ssyncadd.tile.s32 @!p0 $0x1;
	_ =	shalt  }
.Lfunc_end2:
_tile_overlayer_lowered:
.L_overlay_start_2:
0x235: {  	(tag) =	ssettag $0x2  }
0x236: {  	s0 =	rddreg [dreg:$0x0];
	s2 =	stileid.u32  }
0x237: {  	s1 =	rddreg [dreg:$0x1];
	p0 =	sne.s32 s2, $0x0  }
0x238: {  	s3 =	rddreg [dreg:$0x2];
	[bflag:$0x3] =	sbarrier.arrive $0xFFFF;
	s2 =	simm.s32 @!p0 $0x1C03  }
0x239: {  	[timem:s3], [sflag:s2] =	dma.local @!p0 [hbm:s0], s1  }
0x23a: {  	s0 =	simm.s32 @!p0 $0x3  }
0x23b: {  	_ =	swait.ge @!p0 [sflag:s0], s1  }
0x23c: {  	s1 =	ssub.s32 @!p0 $0x0, s1;
	[sflag:s0] =	ssyncset.done @!p0 $0x0  }
0x23d: {  	[sflag:s0] =	ssyncadd.s32 @!p0 s1  }
0x23e: {  	[bflag:$0x3] =	sbarrier.arrive $0xFFFF  }
0x23f: {  	_ =	shalt  }

</sc_bundles>
